<compile_context>
chip_gen: v7x
topology: tpu7x:2x2x1
jax: 0.10.2.dev20260603
libtpu: 0.0.44.dev20260713+nightly
codegen_flags: <defaults>
</compile_context>

<pallas_src>
import jax
import jax.numpy as jnp
from jax import lax
from jax.experimental import pallas as pl
from jax.experimental.pallas import tpu as pltpu
from jax.experimental.pallas import tpu_sc as plsc

N = 10000
E = 160000
R = 2
EMB = 128
HID = 64
NB = 2
IN_DIM = 3

NPAD = 10240
BLK = 1024
NBLK = NPAD // BLK
NCK = 176
MAXEP = NCK * BLK
NCORE = 2
NSUB = 16
NW = NCORE * NSUB
EPW = MAXEP // NW
C = 128
NCHUNK = EPW // C
GRID = NPAD // BLK

_f32 = jnp.float32



def _make_edge_tanh():
    mesh = plsc.VectorSubcoreMesh(core_axis_name="c", subcore_axis_name="s")
    scratch = [
        pltpu.VMEM((EPW,), jnp.int32),
        pltpu.VMEM((4 * C, EMB), _f32),
        pltpu.SemaphoreType.DMA,
        pltpu.SemaphoreType.DMA,
        pltpu.SemaphoreType.DMA,
        pltpu.SemaphoreType.DMA,
    ]

    def body(src_ref, a_hbm, t_out, isrc, gbuf, s0, s1, s2, s3):
        cid = lax.axis_index("c")
        sid = lax.axis_index("s")
        wid = cid * NSUB + sid
        base0 = wid * EPW
        pltpu.sync_copy(src_ref.at[pl.ds(base0, EPW)], isrc)
        sems = (s0, s1, s2, s3)

        @pl.loop(0, NCHUNK, step=4)
        def grp_body(c0):
            handles = []
            for k in range(4):
                idxs = isrc.at[pl.ds((c0 + k) * C, C)]
                handles.append(pltpu.async_copy(
                    a_hbm.at[idxs], gbuf.at[pl.ds(k * C, C)], sems[k]))
            for h in handles:
                h.wait()
            pltpu.sync_copy(gbuf, t_out.at[pl.ds(base0 + c0 * C, 4 * C)])

    return pl.kernel(body, out_type=jax.ShapeDtypeStruct((MAXEP, EMB), _f32),
                     mesh=mesh, scratch_types=scratch)



def _segsum_body(blk_ref, dst_ref, t_ref, b_ref, agg_ref, deg_ref):
    i = pl.program_id(0)
    blk = blk_ref[i]
    prev = blk_ref[jnp.maximum(i - 1, 0)]
    first = jnp.logical_or(i == 0, blk != prev)
    nodeval = blk * BLK + lax.broadcasted_iota(jnp.int32, (BLK, 1), 0)
    d = dst_ref[0, 0, :].reshape(1, BLK)
    p = nodeval == d
    pt = (d.reshape(BLK, 1) == nodeval.reshape(1, BLK)).astype(_f32)
    bg = jnp.dot(pt, b_ref[...], preferred_element_type=_f32)
    tv = jnp.tanh(t_ref[...] + bg)
    pb = p.astype(jnp.bfloat16)
    contrib = jnp.dot(pb, tv.astype(jnp.bfloat16), preferred_element_type=_f32)
    degc = jnp.sum(p.astype(_f32), axis=1, keepdims=True)
    degc8 = jnp.concatenate([degc, jnp.zeros((BLK, 7), _f32)], axis=1)

    @pl.when(first)
    def _():
        agg_ref[...] = jnp.zeros_like(agg_ref)
        deg_ref[...] = jnp.zeros_like(deg_ref)

    agg_ref[...] += contrib
    deg_ref[...] += degc8


def _segsum_call(blkid, dstid3, t, bmat):
    return pl.pallas_call(
        _segsum_body,
        grid_spec=pltpu.PrefetchScalarGridSpec(
            num_scalar_prefetch=1,
            grid=(NCK,),
            in_specs=[pl.BlockSpec((1, 1, BLK), lambda i, b: (i, 0, 0)),
                      pl.BlockSpec((BLK, EMB), lambda i, b: (i, 0)),
                      pl.BlockSpec((BLK, EMB), lambda i, b: (b[i], 0))],
            out_specs=[pl.BlockSpec((BLK, EMB), lambda i, b: (b[i], 0)),
                       pl.BlockSpec((BLK, 8), lambda i, b: (b[i], 0))],
        ),
        out_shape=[jax.ShapeDtypeStruct((NPAD, EMB), _f32),
                   jax.ShapeDtypeStruct((NPAD, 8), _f32)],
    )(blkid, dstid3, t, bmat)



def _dot(a, b):
    return jnp.dot(a, b, preferred_element_type=_f32)


def _row_spec(width):
    return pl.BlockSpec((BLK, width), lambda i: (i, 0))


def _full_spec(shape):
    nd = len(shape)
    return pl.BlockSpec(shape, lambda i: (0,) * nd)


def _embed(x_ref, ew_ref, eb_ref):
    pre = (x_ref[:, 0:1] * ew_ref[0:1, :] + x_ref[:, 1:2] * ew_ref[1:2, :]
           + eb_ref[0:1, :])
    return jnp.tanh(pre)


def _tables(h, ca_ref, cbw_ref, cbb_ref, a_ref, b_ref):
    a_ref[...] = _dot(h, ca_ref[...])
    b_ref[...] = _dot(h, cbw_ref[...]) + cbb_ref[0:1, :]


def _update(h, s_ref, d_ref, w2_ref, b2_ref, u1a_ref, u1b_ref, ub1_ref,
            u2_ref, ub2_ref):
    agg = _dot(s_ref[...], w2_ref[...]) + d_ref[:, 0:1] * b2_ref[0:1, :]
    u = jnp.tanh(_dot(h, u1a_ref[...]) + _dot(agg, u1b_ref[...])
                 + ub1_ref[0:1, :])
    return h + _dot(u, u2_ref[...]) + ub2_ref[0:1, :]


def _dense_first_body(x_ref, ew_ref, eb_ref, ca_ref, cbw_ref, cbb_ref,
                      h_ref, a_ref, b_ref):
    h = _embed(x_ref, ew_ref, eb_ref)
    h_ref[...] = h
    _tables(h, ca_ref, cbw_ref, cbb_ref, a_ref, b_ref)


def _dense_mid_body(h_ref, s_ref, d_ref, w2_ref, b2_ref, u1a_ref, u1b_ref,
                    ub1_ref, u2_ref, ub2_ref, ca_ref, cbw_ref, cbb_ref,
                    hn_ref, a_ref, b_ref):
    hn = _update(h_ref[...], s_ref, d_ref, w2_ref, b2_ref, u1a_ref, u1b_ref,
                 ub1_ref, u2_ref, ub2_ref)
    hn_ref[...] = hn
    _tables(hn, ca_ref, cbw_ref, cbb_ref, a_ref, b_ref)


def _dense_end_body(h_ref, s_ref, d_ref, w2_ref, b2_ref, u1a_ref, u1b_ref,
                    ub1_ref, u2_ref, ub2_ref, o1_ref, ob1_ref, o2_ref,
                    ob2_ref, xo_ref, lp_ref, xon_ref, lpn_ref):
    hn = _update(h_ref[...], s_ref, d_ref, w2_ref, b2_ref, u1a_ref, u1b_ref,
                 ub1_ref, u2_ref, ub2_ref)
    o = _dot(jnp.tanh(_dot(hn, o1_ref[...]) + ob1_ref[0:1, :]), o2_ref[...]) \
        + ob2_ref[0:1, :]
    s8 = o[:, 0:8]
    t8 = o[:, 128:136]
    xon_ref[...] = xo_ref[...] * jnp.exp(s8) + t8
    lpn_ref[...] = lp_ref[...] - jnp.sum(s8, axis=1, keepdims=True)


def _dense_first_call(xh, m):
    return pl.pallas_call(
        _dense_first_body,
        grid=(GRID,),
        in_specs=[_row_spec(8), _full_spec((8, 256)), _full_spec((8, 256)),
                  _full_spec((256, EMB)), _full_spec((256, EMB)),
                  _full_spec((8, EMB))],
        out_specs=[_row_spec(256), _row_spec(EMB), _row_spec(EMB)],
        out_shape=[jax.ShapeDtypeStruct((NPAD, 256), _f32),
                   jax.ShapeDtypeStruct((NPAD, EMB), _f32),
                   jax.ShapeDtypeStruct((NPAD, EMB), _f32)],
    )(xh, m['EW'], m['EB'], m['CA0'], m['CB0'], m['cb0'])


_SD_SPECS = [_row_spec(EMB), _row_spec(8)]
_MLP_SPECS = [_full_spec((EMB, 256)), _full_spec((8, 256)),
              _full_spec((256, EMB)), _full_spec((256, EMB)),
              _full_spec((8, EMB)), _full_spec((EMB, 256)),
              _full_spec((8, 256))]


def _dense_mid_call(h, s, d, m, k):
    return pl.pallas_call(
        _dense_mid_body,
        grid=(GRID,),
        in_specs=[_row_spec(256)] + _SD_SPECS + _MLP_SPECS
                 + [_full_spec((256, EMB)), _full_spec((256, EMB)),
                    _full_spec((8, EMB))],
        out_specs=[_row_spec(256), _row_spec(EMB), _row_spec(EMB)],
        out_shape=[jax.ShapeDtypeStruct((NPAD, 256), _f32),
                   jax.ShapeDtypeStruct((NPAD, EMB), _f32),
                   jax.ShapeDtypeStruct((NPAD, EMB), _f32)],
    )(h, s, d, m[f'W2{k}'], m[f'b2{k}'], m[f'U1a{k}'], m[f'U1b{k}'],
      m[f'ub1{k}'], m[f'U2{k}'], m[f'ub2{k}'], m[f'CA{k + 1}'],
      m[f'CB{k + 1}'], m[f'cb{k + 1}'])


def _dense_end_call(h, s, d, m, k, xo, lp):
    return pl.pallas_call(
        _dense_end_body,
        grid=(GRID,),
        in_specs=[_row_spec(256)] + _SD_SPECS + _MLP_SPECS
                 + [_full_spec((256, EMB)), _full_spec((8, EMB)),
                    _full_spec((EMB, 256)), _full_spec((8, 256)),
                    _row_spec(8), _row_spec(8)],
        out_specs=[_row_spec(8), _row_spec(8)],
        out_shape=[jax.ShapeDtypeStruct((NPAD, 8), _f32),
                   jax.ShapeDtypeStruct((NPAD, 8), _f32)],
    )(h, s, d, m[f'W2{k}'], m[f'b2{k}'], m[f'U1a{k}'], m[f'U1b{k}'],
      m[f'ub1{k}'], m[f'U2{k}'], m[f'ub2{k}'], m['O1'], m['ob1'], m['O2'],
      m['ob2'], xo, lp)



def _bd(a, b):
    ra, ca = a.shape
    rb, cb = b.shape
    top = jnp.concatenate([a, jnp.zeros((ra, cb), _f32)], axis=1)
    bot = jnp.concatenate([jnp.zeros((rb, ca), _f32), b], axis=1)
    return jnp.concatenate([top, bot], axis=0)


def _row8(v, width):
    return jnp.concatenate([v[None, :], jnp.zeros((7, width), _f32)], axis=0)


def _stage_mats(ps, pt, din, dout):
    m = {}
    ew = jnp.concatenate([ps['embed_W'], pt['embed_W']], axis=1)
    m['EW'] = jnp.concatenate([ew, jnp.zeros((8 - din, 256), _f32)], axis=0)
    m['EB'] = _row8(jnp.concatenate([ps['embed_b'], pt['embed_b']]), 256)
    for k in range(NB):
        bs, bt = ps['blocks'][k], pt['blocks'][k]
        m[f'CA{k}'] = _bd(bs['msg_W1'][:EMB], bt['msg_W1'][:EMB])
        m[f'CB{k}'] = _bd(bs['msg_W1'][EMB:], bt['msg_W1'][EMB:])
        m[f'cb{k}'] = _row8(
            jnp.concatenate([bs['msg_b1'], bt['msg_b1']]), EMB)
        m[f'W2{k}'] = _bd(bs['msg_W2'], bt['msg_W2'])
        m[f'b2{k}'] = _row8(
            jnp.concatenate([bs['msg_b2'], bt['msg_b2']]), 256)
        m[f'U1a{k}'] = _bd(bs['upd_W1'][:EMB], bt['upd_W1'][:EMB])
        m[f'U1b{k}'] = _bd(bs['upd_W1'][EMB:], bt['upd_W1'][EMB:])
        m[f'ub1{k}'] = _row8(
            jnp.concatenate([bs['upd_b1'], bt['upd_b1']]), EMB)
        m[f'U2{k}'] = _bd(bs['upd_W2'], bt['upd_W2'])
        m[f'ub2{k}'] = _row8(
            jnp.concatenate([bs['upd_b2'], bt['upd_b2']]), 256)
    m['O1'] = _bd(ps['out_W1'], pt['out_W1'])
    m['ob1'] = _row8(jnp.concatenate([ps['out_b1'], pt['out_b1']]), EMB)
    o2 = jnp.zeros((EMB, 256), _f32)
    o2 = o2.at[0:HID, 0:dout].set(ps['out_W2'])
    o2 = o2.at[HID:EMB, 128:128 + dout].set(pt['out_W2'])
    m['O2'] = o2
    ob2 = jnp.zeros((256,), _f32)
    ob2 = ob2.at[0:dout].set(ps['out_b2'])
    ob2 = ob2.at[128:128 + dout].set(pt['out_b2'])
    m['ob2'] = _row8(ob2, 256)
    return m


def _pad_cols(a, width):
    out = jnp.zeros((NPAD, width), _f32)
    return out.at[:a.shape[0], :a.shape[1]].set(a)



def _bucket_edges(context):
    src0 = context[0].astype(jnp.int32)
    dst0 = context[1].astype(jnp.int32)
    ordi = jnp.argsort(dst0)
    src_s = src0[ordi]
    dst_s = dst0[ordi]
    bounds = jnp.searchsorted(
        dst_s, jnp.arange(0, NPAD + 1, BLK, dtype=jnp.int32)).astype(jnp.int32)
    cnt = bounds[1:] - bounds[:-1]
    kb = jnp.maximum((cnt + (BLK - 1)) // BLK, 1)
    cend = jnp.cumsum(kb).astype(jnp.int32)
    cstart = cend - kb
    blk_e = dst_s // BLK
    local = jnp.arange(E, dtype=jnp.int32) - bounds[blk_e]
    pos = cstart[blk_e] * BLK + local
    src_pad = jnp.zeros((MAXEP,), jnp.int32).at[pos].set(src_s)
    dstid = jnp.full((MAXEP,), -1, jnp.int32).at[pos].set(dst_s)
    blkid = jnp.minimum(
        jnp.searchsorted(cend, jnp.arange(NCK, dtype=jnp.int32), side='right'),
        NBLK - 1).astype(jnp.int32)
    return src_pad, dstid.reshape(NCK, 1, BLK), blkid



def kernel(x, context, logpx, params):
    x1 = _pad_cols(x[:, :1], 8)
    x2 = _pad_cols(x[:, 1:], 8)
    lp = _pad_cols(logpx, 8)
    src_pad, dstid3, blkid = _bucket_edges(context)
    edge_tanh = _make_edge_tanh()

    stages = []
    for i in range(R):
        stages.append((params['s0'][i], params['t0'][i], 1, 2))
        stages.append((params['s1'][i], params['t1'][i], 2, 1))

    for si, (ps, pt, din, dout) in enumerate(stages):
        m = _stage_mats(ps, pt, din, dout)
        xin, xo = (x1, x2) if din == 1 else (x2, x1)
        h, a, b = _dense_first_call(xin, m)
        t = edge_tanh(src_pad, a)
        s, deg = _segsum_call(blkid, dstid3, t, b)
        h, a, b = _dense_mid_call(h, s, deg, m, 0)
        t = edge_tanh(src_pad, a)
        s, deg = _segsum_call(blkid, dstid3, t, b)
        xo_new, lp = _dense_end_call(h, s, deg, m, NB - 1, xo, lp)
        if din == 1:
            x2 = xo_new
        else:
            x1 = xo_new

    z = jnp.concatenate([x1[:N, 0:1], x2[:N, 0:2]], axis=1)
    return (z, lp[:N, 0:1])

# --- scband reference (transcript-rebuilt; emitter-appended) ---
"""Pipeline reference for scband-grev-net-223338299457 (READ-ONLY COPY).

The authoritative reference and input builder live on the scoring server;
editing this copy changes nothing except your own understanding.
"""

import jax, jax.numpy as jnp
import numpy as np

N = 10000
E = 160000
R = 2
EMB = 128
HID = 64
NB = 2
IN_DIM = 3


def _lin(key, fi, fo, std=0.05):
    k1, k2 = jax.random.split(key)
    W = jax.random.normal(k1, (fi, fo), dtype=jnp.float32) * std
    b = jax.random.normal(k2, (fo,), dtype=jnp.float32) * std
    return W, b


def _gnf_params(key, in_dim, out_dim):
    ks = jax.random.split(key, 10)
    p = {}
    p['embed_W'], p['embed_b'] = _lin(ks[0], in_dim, EMB)
    blocks = []
    for k in range(NB):
        b = {}
        b['msg_W1'], b['msg_b1'] = _lin(ks[1 + 4 * k], 2 * EMB, HID)
        b['msg_W2'], b['msg_b2'] = _lin(ks[2 + 4 * k], HID, EMB)
        b['upd_W1'], b['upd_b1'] = _lin(ks[3 + 4 * k], 2 * EMB, HID)
        b['upd_W2'], b['upd_b2'] = _lin(ks[4 + 4 * k], HID, EMB)
        blocks.append(b)
    p['blocks'] = blocks
    p['out_W1'], p['out_b1'] = _lin(ks[9], EMB, HID)
    # last layer of out node_mlp is zero-initialized in the torch code (weight_init_zeros)
    p['out_W2'] = jnp.zeros((HID, out_dim), dtype=jnp.float32)
    p['out_b2'] = jnp.zeros((out_dim,), dtype=jnp.float32)
    return p


def _gnf_mp(p, x, edge_index):
    # GNF_MP: embed -> NB rounds of edge message passing (gather/scatter-add) -> out node MLP
    h = jnp.tanh(x @ p['embed_W'] + p['embed_b'])
    src = edge_index[0]
    dst = edge_index[1]
    for k in range(NB):
        b = p['blocks'][k]
        m_in = jnp.concatenate([h[src], h[dst]], axis=-1)
        m = jnp.tanh(m_in @ b['msg_W1'] + b['msg_b1']) @ b['msg_W2'] + b['msg_b2']
        agg = jax.ops.segment_sum(m, dst, num_segments=N)
        u_in = jnp.concatenate([h, agg], axis=-1)
        h = h + (jnp.tanh(u_in @ b['upd_W1'] + b['upd_b1']) @ b['upd_W2'] + b['upd_b2'])
    return jnp.tanh(h @ p['out_W1'] + p['out_b1']) @ p['out_W2'] + p['out_b2']


def setup_inputs(seed: int = 0):
    key = jax.random.key(seed)
    kx, ke = jax.random.split(key)
    x = jax.random.normal(kx, (N, IN_DIM), dtype=jnp.float32)
    context = jax.random.randint(ke, (2, E), 0, N)
    logpx = jnp.zeros((N, 1), dtype=jnp.float32)
    base = jax.random.key(42)
    names = ['s0', 't0', 's1', 't1']
    dims = [(1, 2), (1, 2), (2, 1), (2, 1)]
    params = {}
    for idx in range(4):
        di, do = dims[idx]
        params[names[idx]] = [_gnf_params(jax.random.fold_in(base, idx * 100 + i), di, do) for i in range(R)]
    return {'x': x, 'context': context, 'logpx': logpx, 'params': params}


def reference(x, context, logpx, params):
    # GRevNet.forward_train (batch_norm disabled, weight_sharing False)
    x1 = x[:, :IN_DIM // 2]
    x2 = x[:, IN_DIM // 2:]
    for i in range(R):
        s = _gnf_mp(params['s0'][i], x1, context)
        t = _gnf_mp(params['t0'][i], x1, context)
        logpx = logpx + (-jnp.sum(s, axis=-1, keepdims=True))
        x2 = x2 * jnp.exp(s) + t
        s = _gnf_mp(params['s1'][i], x2, context)
        t = _gnf_mp(params['t1'][i], x2, context)
        logpx = logpx + (-jnp.sum(s, axis=-1, keepdims=True))
        x1 = x1 * jnp.exp(s) + t
    z = jnp.concatenate([x1, x2], axis=-1)
    return (z, logpx)

if __name__ == "__main__":
    import jax
    _d = setup_inputs()
    print(jax.jit(kernel)(*tuple(_d.values())))

</pallas_src>

<mosaic_0001>
#map = affine_map<(d0, d1) -> (0)>
#map1 = affine_map<(d0, d1) -> (0, 0)>
module attributes {stable_mosaic.version = 14 : i64} {
  func.func @body(%arg0: i32, %arg1: i32, %arg2: memref<180224xi32, #tpu.memory_space<hbm>>, %arg3: memref<10240x128xf32, #tpu.memory_space<hbm>>, %arg4: memref<180224x128xf32, #tpu.memory_space<hbm>>, %arg5: memref<5632xi32, #tpu.memory_space<vmem>>, %arg6: memref<512x128xf32, #tpu.memory_space<vmem>>, %arg7: memref<!tpu.dma_semaphore, #tpu.memory_space<semaphore_mem>>, %arg8: memref<!tpu.dma_semaphore, #tpu.memory_space<semaphore_mem>>, %arg9: memref<!tpu.dma_semaphore, #tpu.memory_space<semaphore_mem>>, %arg10: memref<!tpu.dma_semaphore, #tpu.memory_space<semaphore_mem>>) attributes {dimension_semantics = [#tpu.dimension_semantics<core_parallel>, #tpu.dimension_semantics<subcore_parallel>], iteration_bounds = array<i64: 2, 16>, scalar_prefetch = 0 : i64, scratch_operands = 6 : i64, tpu.core_type = #tpu.core_type<sc_vector_subcore>, window_params = [{transform_indices = #map}, {transform_indices = #map1}, {transform_indices = #map1}]} {
    %mul3A = arith.constant 16 : i32
    %mul3A_0 = arith.muli %arg0, %mul3A : i32
    %add3A = arith.addi %mul3A_0, %arg1 : i32
    %mul3A_1 = arith.constant 5632 : i32
    %mul3A_2 = arith.muli %add3A, %mul3A_1 : i32
    "tpu.region"() ({
      %run_scoped3A = tpu.sem_alloc : memref<!tpu.dma_semaphore, #tpu.memory_space<semaphore_mem>>
      %dma_start3A = tpu.memref_slice %arg2[%mul3A_2] : memref<180224xi32, #tpu.memory_space<hbm>> -> memref<5632xi32, #tpu.memory_space<hbm>>
      %dma_start3A_7 = tpu.memref_slice %arg2[%mul3A_2] : memref<180224xi32, #tpu.memory_space<hbm>> -> memref<5632xi32, #tpu.memory_space<hbm>>
      tpu.enqueue_dma source(%dma_start3A_7 : memref<5632xi32, #tpu.memory_space<hbm>>) target(%arg5 : memref<5632xi32, #tpu.memory_space<vmem>>) target_semaphore(%run_scoped3A : memref<!tpu.dma_semaphore, #tpu.memory_space<semaphore_mem>>)
      %dma_wait3A = tpu.memref_slice %arg2[%mul3A_2] : memref<180224xi32, #tpu.memory_space<hbm>> -> memref<5632xi32, #tpu.memory_space<hbm>>
      %dma_wait3A_8 = tpu.memref_slice %arg2[%mul3A_2] : memref<180224xi32, #tpu.memory_space<hbm>> -> memref<5632xi32, #tpu.memory_space<hbm>>
      tpu.wait_dma2 semaphore(%run_scoped3A : memref<!tpu.dma_semaphore, #tpu.memory_space<semaphore_mem>>) src(%dma_wait3A_8 : memref<5632xi32, #tpu.memory_space<hbm>>) dst(%arg5 : memref<5632xi32, #tpu.memory_space<vmem>>)
      tpu.yield
    }) : () -> ()
    %scan3A = arith.constant 0 : i32
    %scan3A_3 = arith.constant 11 : i32
    %scan3A_4 = arith.addi %scan3A, %scan3A_3 : i32
    %scan3A_5 = arith.constant 1 : i32
    scf.for %scan3A_7 = %scan3A to %scan3A_4 step %scan3A_5  : i32 {
      %mul3A_8 = arith.constant 4 : i32
      %mul3A_9 = arith.muli %scan3A_7, %mul3A_8 : i32
      %add3A_10 = arith.constant 0 : i32
      %add3A_11 = arith.addi %add3A_10, %mul3A_9 : i32
      %add3A_12 = arith.constant 0 : i32
      %add3A_13 = arith.addi %add3A_11, %add3A_12 : i32
      %mul3A_14 = arith.constant 128 : i32
      %mul3A_15 = arith.muli %add3A_13, %mul3A_14 : i32
      %dma_start3A = arith.constant 0 : i32
      %dma_start3A_16 = arith.constant 0 : i32
      %dma_start3A_17 = tpu.memref_slice %arg6[%dma_start3A, %dma_start3A_16] : memref<512x128xf32, #tpu.memory_space<vmem>> -> memref<128x128xf32, #tpu.memory_space<vmem>>
      %dma_start3A_18 = tpu.memref_slice %arg5[%mul3A_15] : memref<5632xi32, #tpu.memory_space<vmem>> -> memref<128xi32, #tpu.memory_space<vmem>>
      %dma_start3A_19 = arith.constant 0 : i32
      %dma_start3A_20 = arith.constant 0 : i32
      %dma_start3A_21 = tpu.memref_slice %arg3[%dma_start3A_19, %dma_start3A_20] : memref<10240x128xf32, #tpu.memory_space<hbm>> -> memref<10240x128xf32, #tpu.memory_space<hbm>>
      tpu.enqueue_indirect_dma source(%dma_start3A_21 : memref<10240x128xf32, #tpu.memory_space<hbm>>) target(%dma_start3A_17 : memref<128x128xf32, #tpu.memory_space<vmem>>) offsets(%dma_start3A_18 : memref<128xi32, #tpu.memory_space<vmem>>) semaphore(%arg7 : memref<!tpu.dma_semaphore, #tpu.memory_space<semaphore_mem>>)
      %add3A_22 = arith.constant 1 : i32
      %add3A_23 = arith.addi %add3A_11, %add3A_22 : i32
      %mul3A_24 = arith.constant 128 : i32
      %mul3A_25 = arith.muli %add3A_23, %mul3A_24 : i32
      %dma_start3A_26 = arith.constant 128 : i32
      %dma_start3A_27 = arith.constant 0 : i32
      %dma_start3A_28 = tpu.memref_slice %arg6[%dma_start3A_26, %dma_start3A_27] : memref<512x128xf32, #tpu.memory_space<vmem>> -> memref<128x128xf32, #tpu.memory_space<vmem>>
      %dma_start3A_29 = tpu.memref_slice %arg5[%mul3A_25] : memref<5632xi32, #tpu.memory_space<vmem>> -> memref<128xi32, #tpu.memory_space<vmem>>
      %dma_start3A_30 = arith.constant 0 : i32
      %dma_start3A_31 = arith.constant 0 : i32
      %dma_start3A_32 = tpu.memref_slice %arg3[%dma_start3A_30, %dma_start3A_31] : memref<10240x128xf32, #tpu.memory_space<hbm>> -> memref<10240x128xf32, #tpu.memory_space<hbm>>
      tpu.enqueue_indirect_dma source(%dma_start3A_32 : memref<10240x128xf32, #tpu.memory_space<hbm>>) target(%dma_start3A_28 : memref<128x128xf32, #tpu.memory_space<vmem>>) offsets(%dma_start3A_29 : memref<128xi32, #tpu.memory_space<vmem>>) semaphore(%arg8 : memref<!tpu.dma_semaphore, #tpu.memory_space<semaphore_mem>>)
      %add3A_33 = arith.constant 2 : i32
      %add3A_34 = arith.addi %add3A_11, %add3A_33 : i32
      %mul3A_35 = arith.constant 128 : i32
      %mul3A_36 = arith.muli %add3A_34, %mul3A_35 : i32
      %dma_start3A_37 = arith.constant 256 : i32
      %dma_start3A_38 = arith.constant 0 : i32
      %dma_start3A_39 = tpu.memref_slice %arg6[%dma_start3A_37, %dma_start3A_38] : memref<512x128xf32, #tpu.memory_space<vmem>> -> memref<128x128xf32, #tpu.memory_space<vmem>>
      %dma_start3A_40 = tpu.memref_slice %arg5[%mul3A_36] : memref<5632xi32, #tpu.memory_space<vmem>> -> memref<128xi32, #tpu.memory_space<vmem>>
      %dma_start3A_41 = arith.constant 0 : i32
      %dma_start3A_42 = arith.constant 0 : i32
      %dma_start3A_43 = tpu.memref_slice %arg3[%dma_start3A_41, %dma_start3A_42] : memref<10240x128xf32, #tpu.memory_space<hbm>> -> memref<10240x128xf32, #tpu.memory_space<hbm>>
      tpu.enqueue_indirect_dma source(%dma_start3A_43 : memref<10240x128xf32, #tpu.memory_space<hbm>>) target(%dma_start3A_39 : memref<128x128xf32, #tpu.memory_space<vmem>>) offsets(%dma_start3A_40 : memref<128xi32, #tpu.memory_space<vmem>>) semaphore(%arg9 : memref<!tpu.dma_semaphore, #tpu.memory_space<semaphore_mem>>)
      %add3A_44 = arith.constant 3 : i32
      %add3A_45 = arith.addi %add3A_11, %add3A_44 : i32
      %mul3A_46 = arith.constant 128 : i32
      %mul3A_47 = arith.muli %add3A_45, %mul3A_46 : i32
      %dma_start3A_48 = arith.constant 384 : i32
      %dma_start3A_49 = arith.constant 0 : i32
      %dma_start3A_50 = tpu.memref_slice %arg6[%dma_start3A_48, %dma_start3A_49] : memref<512x128xf32, #tpu.memory_space<vmem>> -> memref<128x128xf32, #tpu.memory_space<vmem>>
      %dma_start3A_51 = tpu.memref_slice %arg5[%mul3A_47] : memref<5632xi32, #tpu.memory_space<vmem>> -> memref<128xi32, #tpu.memory_space<vmem>>
      %dma_start3A_52 = arith.constant 0 : i32
      %dma_start3A_53 = arith.constant 0 : i32
      %dma_start3A_54 = tpu.memref_slice %arg3[%dma_start3A_52, %dma_start3A_53] : memref<10240x128xf32, #tpu.memory_space<hbm>> -> memref<10240x128xf32, #tpu.memory_space<hbm>>
      tpu.enqueue_indirect_dma source(%dma_start3A_54 : memref<10240x128xf32, #tpu.memory_space<hbm>>) target(%dma_start3A_50 : memref<128x128xf32, #tpu.memory_space<vmem>>) offsets(%dma_start3A_51 : memref<128xi32, #tpu.memory_space<vmem>>) semaphore(%arg10 : memref<!tpu.dma_semaphore, #tpu.memory_space<semaphore_mem>>)
      %dma_wait3A = arith.constant 0 : i32
      %dma_wait3A_55 = arith.constant 0 : i32
      %dma_wait3A_56 = tpu.memref_slice %arg6[%dma_wait3A, %dma_wait3A_55] : memref<512x128xf32, #tpu.memory_space<vmem>> -> memref<128x128xf32, #tpu.memory_space<vmem>>
      %dma_wait3A_57 = tpu.memref_slice %arg5[%mul3A_15] : memref<5632xi32, #tpu.memory_space<vmem>> -> memref<128xi32, #tpu.memory_space<vmem>>
      %dma_wait3A_58 = arith.constant 0 : i32
      %dma_wait3A_59 = arith.constant 0 : i32
      %dma_wait3A_60 = tpu.memref_slice %arg3[%dma_wait3A_58, %dma_wait3A_59] : memref<10240x128xf32, #tpu.memory_space<hbm>> -> memref<10240x128xf32, #tpu.memory_space<hbm>>
      tpu.wait_indirect_dma semaphore(%arg7 : memref<!tpu.dma_semaphore, #tpu.memory_space<semaphore_mem>>) src(%dma_wait3A_60 : memref<10240x128xf32, #tpu.memory_space<hbm>>) dst(%dma_wait3A_56 : memref<128x128xf32, #tpu.memory_space<vmem>>)
      %dma_wait3A_61 = arith.constant 128 : i32
      %dma_wait3A_62 = arith.constant 0 : i32
      %dma_wait3A_63 = tpu.memref_slice %arg6[%dma_wait3A_61, %dma_wait3A_62] : memref<512x128xf32, #tpu.memory_space<vmem>> -> memref<128x128xf32, #tpu.memory_space<vmem>>
      %dma_wait3A_64 = tpu.memref_slice %arg5[%mul3A_25] : memref<5632xi32, #tpu.memory_space<vmem>> -> memref<128xi32, #tpu.memory_space<vmem>>
      %dma_wait3A_65 = arith.constant 0 : i32
      %dma_wait3A_66 = arith.constant 0 : i32
      %dma_wait3A_67 = tpu.memref_slice %arg3[%dma_wait3A_65, %dma_wait3A_66] : memref<10240x128xf32, #tpu.memory_space<hbm>> -> memref<10240x128xf32, #tpu.memory_space<hbm>>
      tpu.wait_indirect_dma semaphore(%arg8 : memref<!tpu.dma_semaphore, #tpu.memory_space<semaphore_mem>>) src(%dma_wait3A_67 : memref<10240x128xf32, #tpu.memory_space<hbm>>) dst(%dma_wait3A_63 : memref<128x128xf32, #tpu.memory_space<vmem>>)
      %dma_wait3A_68 = arith.constant 256 : i32
      %dma_wait3A_69 = arith.constant 0 : i32
      %dma_wait3A_70 = tpu.memref_slice %arg6[%dma_wait3A_68, %dma_wait3A_69] : memref<512x128xf32, #tpu.memory_space<vmem>> -> memref<128x128xf32, #tpu.memory_space<vmem>>
      %dma_wait3A_71 = tpu.memref_slice %arg5[%mul3A_36] : memref<5632xi32, #tpu.memory_space<vmem>> -> memref<128xi32, #tpu.memory_space<vmem>>
      %dma_wait3A_72 = arith.constant 0 : i32
      %dma_wait3A_73 = arith.constant 0 : i32
      %dma_wait3A_74 = tpu.memref_slice %arg3[%dma_wait3A_72, %dma_wait3A_73] : memref<10240x128xf32, #tpu.memory_space<hbm>> -> memref<10240x128xf32, #tpu.memory_space<hbm>>
      tpu.wait_indirect_dma semaphore(%arg9 : memref<!tpu.dma_semaphore, #tpu.memory_space<semaphore_mem>>) src(%dma_wait3A_74 : memref<10240x128xf32, #tpu.memory_space<hbm>>) dst(%dma_wait3A_70 : memref<128x128xf32, #tpu.memory_space<vmem>>)
      %dma_wait3A_75 = arith.constant 384 : i32
      %dma_wait3A_76 = arith.constant 0 : i32
      %dma_wait3A_77 = tpu.memref_slice %arg6[%dma_wait3A_75, %dma_wait3A_76] : memref<512x128xf32, #tpu.memory_space<vmem>> -> memref<128x128xf32, #tpu.memory_space<vmem>>
      %dma_wait3A_78 = tpu.memref_slice %arg5[%mul3A_47] : memref<5632xi32, #tpu.memory_space<vmem>> -> memref<128xi32, #tpu.memory_space<vmem>>
      %dma_wait3A_79 = arith.constant 0 : i32
      %dma_wait3A_80 = arith.constant 0 : i32
      %dma_wait3A_81 = tpu.memref_slice %arg3[%dma_wait3A_79, %dma_wait3A_80] : memref<10240x128xf32, #tpu.memory_space<hbm>> -> memref<10240x128xf32, #tpu.memory_space<hbm>>
      tpu.wait_indirect_dma semaphore(%arg10 : memref<!tpu.dma_semaphore, #tpu.memory_space<semaphore_mem>>) src(%dma_wait3A_81 : memref<10240x128xf32, #tpu.memory_space<hbm>>) dst(%dma_wait3A_77 : memref<128x128xf32, #tpu.memory_space<vmem>>)
      %mul3A_82 = arith.constant 128 : i32
      %mul3A_83 = arith.muli %add3A_11, %mul3A_82 : i32
      %add3A_84 = arith.addi %mul3A_2, %mul3A_83 : i32
      "tpu.region"() ({
        %run_scoped3A = tpu.sem_alloc : memref<!tpu.dma_semaphore, #tpu.memory_space<semaphore_mem>>
        %dma_start3A_85 = arith.constant 0 : i32
        %dma_start3A_86 = tpu.memref_slice %arg4[%add3A_84, %dma_start3A_85] : memref<180224x128xf32, #tpu.memory_space<hbm>> -> memref<512x128xf32, #tpu.memory_space<hbm>>
        %dma_start3A_87 = arith.constant 0 : i32
        %dma_start3A_88 = tpu.memref_slice %arg4[%add3A_84, %dma_start3A_87] : memref<180224x128xf32, #tpu.memory_space<hbm>> -> memref<512x128xf32, #tpu.memory_space<hbm>>
        tpu.enqueue_dma source(%arg6 : memref<512x128xf32, #tpu.memory_space<vmem>>) target(%dma_start3A_88 : memref<512x128xf32, #tpu.memory_space<hbm>>) target_semaphore(%run_scoped3A : memref<!tpu.dma_semaphore, #tpu.memory_space<semaphore_mem>>)
        %dma_wait3A_89 = arith.constant 0 : i32
        %dma_wait3A_90 = tpu.memref_slice %arg4[%add3A_84, %dma_wait3A_89] : memref<180224x128xf32, #tpu.memory_space<hbm>> -> memref<512x128xf32, #tpu.memory_space<hbm>>
        %dma_wait3A_91 = arith.constant 0 : i32
        %dma_wait3A_92 = tpu.memref_slice %arg4[%add3A_84, %dma_wait3A_91] : memref<180224x128xf32, #tpu.memory_space<hbm>> -> memref<512x128xf32, #tpu.memory_space<hbm>>
        tpu.wait_dma2 semaphore(%run_scoped3A : memref<!tpu.dma_semaphore, #tpu.memory_space<semaphore_mem>>) src(%arg6 : memref<512x128xf32, #tpu.memory_space<vmem>>) dst(%dma_wait3A_92 : memref<512x128xf32, #tpu.memory_space<hbm>>)
        tpu.yield
      }) : () -> ()
    }
    %scan3A_6 = arith.constant 11 : i32
    return
  }
}

#map = affine_map<(d0, d1) -> (0)>
#map1 = affine_map<(d0, d1) -> (0, 0)>
module attributes {stable_mosaic.version = 14 : i64} {
  func.func @body(%arg0: i32, %arg1: i32, %arg2: memref<180224xi32, #tpu.memory_space<hbm>>, %arg3: memref<10240x128xf32, #tpu.memory_space<hbm>>, %arg4: memref<180224x128xf32, #tpu.memory_space<hbm>>, %arg5: memref<5632xi32, #tpu.memory_space<vmem>>, %arg6: memref<512x128xf32, #tpu.memory_space<vmem>>, %arg7: memref<!tpu.dma_semaphore, #tpu.memory_space<semaphore_mem>>, %arg8: memref<!tpu.dma_semaphore, #tpu.memory_space<semaphore_mem>>, %arg9: memref<!tpu.dma_semaphore, #tpu.memory_space<semaphore_mem>>, %arg10: memref<!tpu.dma_semaphore, #tpu.memory_space<semaphore_mem>>) attributes {dimension_semantics = [#tpu.dimension_semantics<core_parallel>, #tpu.dimension_semantics<subcore_parallel>], iteration_bounds = array<i64: 2, 16>, scalar_prefetch = 0 : i64, scratch_operands = 6 : i64, tpu.core_type = #tpu.core_type<sc_vector_subcore>, window_params = [{transform_indices = #map}, {transform_indices = #map1}, {transform_indices = #map1}]} {
    %mul3A = arith.constant 16 : i32
    %mul3A_0 = arith.muli %arg0, %mul3A : i32
    %add3A = arith.addi %mul3A_0, %arg1 : i32
    %mul3A_1 = arith.constant 5632 : i32
    %mul3A_2 = arith.muli %add3A, %mul3A_1 : i32
    "tpu.region"() ({
      %run_scoped3A = tpu.sem_alloc : memref<!tpu.dma_semaphore, #tpu.memory_space<semaphore_mem>>
      %dma_start3A = tpu.memref_slice %arg2[%mul3A_2] : memref<180224xi32, #tpu.memory_space<hbm>> -> memref<5632xi32, #tpu.memory_space<hbm>>
      %dma_start3A_7 = tpu.memref_slice %arg2[%mul3A_2] : memref<180224xi32, #tpu.memory_space<hbm>> -> memref<5632xi32, #tpu.memory_space<hbm>>
      tpu.enqueue_dma source(%dma_start3A_7 : memref<5632xi32, #tpu.memory_space<hbm>>) target(%arg5 : memref<5632xi32, #tpu.memory_space<vmem>>) target_semaphore(%run_scoped3A : memref<!tpu.dma_semaphore, #tpu.memory_space<semaphore_mem>>)
      %dma_wait3A = tpu.memref_slice %arg2[%mul3A_2] : memref<180224xi32, #tpu.memory_space<hbm>> -> memref<5632xi32, #tpu.memory_space<hbm>>
      %dma_wait3A_8 = tpu.memref_slice %arg2[%mul3A_2] : memref<180224xi32, #tpu.memory_space<hbm>> -> memref<5632xi32, #tpu.memory_space<hbm>>
      tpu.wait_dma2 semaphore(%run_scoped3A : memref<!tpu.dma_semaphore, #tpu.memory_space<semaphore_mem>>) src(%dma_wait3A_8 : memref<5632xi32, #tpu.memory_space<hbm>>) dst(%arg5 : memref<5632xi32, #tpu.memory_space<vmem>>)
      tpu.yield
    }) : () -> ()
    %scan3A = arith.constant 0 : i32
    %scan3A_3 = arith.constant 11 : i32
    %scan3A_4 = arith.addi %scan3A, %scan3A_3 : i32
    %scan3A_5 = arith.constant 1 : i32
    scf.for %scan3A_7 = %scan3A to %scan3A_4 step %scan3A_5  : i32 {
      %mul3A_8 = arith.constant 4 : i32
      %mul3A_9 = arith.muli %scan3A_7, %mul3A_8 : i32
      %add3A_10 = arith.constant 0 : i32
      %add3A_11 = arith.addi %add3A_10, %mul3A_9 : i32
      %add3A_12 = arith.constant 0 : i32
      %add3A_13 = arith.addi %add3A_11, %add3A_12 : i32
      %mul3A_14 = arith.constant 128 : i32
      %mul3A_15 = arith.muli %add3A_13, %mul3A_14 : i32
      %dma_start3A = arith.constant 0 : i32
      %dma_start3A_16 = arith.constant 0 : i32
      %dma_start3A_17 = tpu.memref_slice %arg6[%dma_start3A, %dma_start3A_16] : memref<512x128xf32, #tpu.memory_space<vmem>> -> memref<128x128xf32, #tpu.memory_space<vmem>>
      %dma_start3A_18 = tpu.memref_slice %arg5[%mul3A_15] : memref<5632xi32, #tpu.memory_space<vmem>> -> memref<128xi32, #tpu.memory_space<vmem>>
      %dma_start3A_19 = arith.constant 0 : i32
      %dma_start3A_20 = arith.constant 0 : i32
      %dma_start3A_21 = tpu.memref_slice %arg3[%dma_start3A_19, %dma_start3A_20] : memref<10240x128xf32, #tpu.memory_space<hbm>> -> memref<10240x128xf32, #tpu.memory_space<hbm>>
      tpu.enqueue_indirect_dma source(%dma_start3A_21 : memref<10240x128xf32, #tpu.memory_space<hbm>>) target(%dma_start3A_17 : memref<128x128xf32, #tpu.memory_space<vmem>>) offsets(%dma_start3A_18 : memref<128xi32, #tpu.memory_space<vmem>>) semaphore(%arg7 : memref<!tpu.dma_semaphore, #tpu.memory_space<semaphore_mem>>)
      %add3A_22 = arith.constant 1 : i32
      %add3A_23 = arith.addi %add3A_11, %add3A_22 : i32
      %mul3A_24 = arith.constant 128 : i32
      %mul3A_25 = arith.muli %add3A_23, %mul3A_24 : i32
      %dma_start3A_26 = arith.constant 128 : i32
      %dma_start3A_27 = arith.constant 0 : i32
      %dma_start3A_28 = tpu.memref_slice %arg6[%dma_start3A_26, %dma_start3A_27] : memref<512x128xf32, #tpu.memory_space<vmem>> -> memref<128x128xf32, #tpu.memory_space<vmem>>
      %dma_start3A_29 = tpu.memref_slice %arg5[%mul3A_25] : memref<5632xi32, #tpu.memory_space<vmem>> -> memref<128xi32, #tpu.memory_space<vmem>>
      %dma_start3A_30 = arith.constant 0 : i32
      %dma_start3A_31 = arith.constant 0 : i32
      %dma_start3A_32 = tpu.memref_slice %arg3[%dma_start3A_30, %dma_start3A_31] : memref<10240x128xf32, #tpu.memory_space<hbm>> -> memref<10240x128xf32, #tpu.memory_space<hbm>>
      tpu.enqueue_indirect_dma source(%dma_start3A_32 : memref<10240x128xf32, #tpu.memory_space<hbm>>) target(%dma_start3A_28 : memref<128x128xf32, #tpu.memory_space<vmem>>) offsets(%dma_start3A_29 : memref<128xi32, #tpu.memory_space<vmem>>) semaphore(%arg8 : memref<!tpu.dma_semaphore, #tpu.memory_space<semaphore_mem>>)
      %add3A_33 = arith.constant 2 : i32
      %add3A_34 = arith.addi %add3A_11, %add3A_33 : i32
      %mul3A_35 = arith.constant 128 : i32
      %mul3A_36 = arith.muli %add3A_34, %mul3A_35 : i32
      %dma_start3A_37 = arith.constant 256 : i32
      %dma_start3A_38 = arith.constant 0 : i32
      %dma_start3A_39 = tpu.memref_slice %arg6[%dma_start3A_37, %dma_start3A_38] : memref<512x128xf32, #tpu.memory_space<vmem>> -> memref<128x128xf32, #tpu.memory_space<vmem>>
      %dma_start3A_40 = tpu.memref_slice %arg5[%mul3A_36] : memref<5632xi32, #tpu.memory_space<vmem>> -> memref<128xi32, #tpu.memory_space<vmem>>
      %dma_start3A_41 = arith.constant 0 : i32
      %dma_start3A_42 = arith.constant 0 : i32
      %dma_start3A_43 = tpu.memref_slice %arg3[%dma_start3A_41, %dma_start3A_42] : memref<10240x128xf32, #tpu.memory_space<hbm>> -> memref<10240x128xf32, #tpu.memory_space<hbm>>
      tpu.enqueue_indirect_dma source(%dma_start3A_43 : memref<10240x128xf32, #tpu.memory_space<hbm>>) target(%dma_start3A_39 : memref<128x128xf32, #tpu.memory_space<vmem>>) offsets(%dma_start3A_40 : memref<128xi32, #tpu.memory_space<vmem>>) semaphore(%arg9 : memref<!tpu.dma_semaphore, #tpu.memory_space<semaphore_mem>>)
      %add3A_44 = arith.constant 3 : i32
      %add3A_45 = arith.addi %add3A_11, %add3A_44 : i32
      %mul3A_46 = arith.constant 128 : i32
      %mul3A_47 = arith.muli %add3A_45, %mul3A_46 : i32
      %dma_start3A_48 = arith.constant 384 : i32
      %dma_start3A_49 = arith.constant 0 : i32
      %dma_start3A_50 = tpu.memref_slice %arg6[%dma_start3A_48, %dma_start3A_49] : memref<512x128xf32, #tpu.memory_space<vmem>> -> memref<128x128xf32, #tpu.memory_space<vmem>>
      %dma_start3A_51 = tpu.memref_slice %arg5[%mul3A_47] : memref<5632xi32, #tpu.memory_space<vmem>> -> memref<128xi32, #tpu.memory_space<vmem>>
      %dma_start3A_52 = arith.constant 0 : i32
      %dma_start3A_53 = arith.constant 0 : i32
      %dma_start3A_54 = tpu.memref_slice %arg3[%dma_start3A_52, %dma_start3A_53] : memref<10240x128xf32, #tpu.memory_space<hbm>> -> memref<10240x128xf32, #tpu.memory_space<hbm>>
      tpu.enqueue_indirect_dma source(%dma_start3A_54 : memref<10240x128xf32, #tpu.memory_space<hbm>>) target(%dma_start3A_50 : memref<128x128xf32, #tpu.memory_space<vmem>>) offsets(%dma_start3A_51 : memref<128xi32, #tpu.memory_space<vmem>>) semaphore(%arg10 : memref<!tpu.dma_semaphore, #tpu.memory_space<semaphore_mem>>)
      %dma_wait3A = arith.constant 0 : i32
      %dma_wait3A_55 = arith.constant 0 : i32
      %dma_wait3A_56 = tpu.memref_slice %arg6[%dma_wait3A, %dma_wait3A_55] : memref<512x128xf32, #tpu.memory_space<vmem>> -> memref<128x128xf32, #tpu.memory_space<vmem>>
      %dma_wait3A_57 = tpu.memref_slice %arg5[%mul3A_15] : memref<5632xi32, #tpu.memory_space<vmem>> -> memref<128xi32, #tpu.memory_space<vmem>>
      %dma_wait3A_58 = arith.constant 0 : i32
      %dma_wait3A_59 = arith.constant 0 : i32
      %dma_wait3A_60 = tpu.memref_slice %arg3[%dma_wait3A_58, %dma_wait3A_59] : memref<10240x128xf32, #tpu.memory_space<hbm>> -> memref<10240x128xf32, #tpu.memory_space<hbm>>
      tpu.wait_indirect_dma semaphore(%arg7 : memref<!tpu.dma_semaphore, #tpu.memory_space<semaphore_mem>>) src(%dma_wait3A_60 : memref<10240x128xf32, #tpu.memory_space<hbm>>) dst(%dma_wait3A_56 : memref<128x128xf32, #tpu.memory_space<vmem>>)
      %dma_wait3A_61 = arith.constant 128 : i32
      %dma_wait3A_62 = arith.constant 0 : i32
      %dma_wait3A_63 = tpu.memref_slice %arg6[%dma_wait3A_61, %dma_wait3A_62] : memref<512x128xf32, #tpu.memory_space<vmem>> -> memref<128x128xf32, #tpu.memory_space<vmem>>
      %dma_wait3A_64 = tpu.memref_slice %arg5[%mul3A_25] : memref<5632xi32, #tpu.memory_space<vmem>> -> memref<128xi32, #tpu.memory_space<vmem>>
      %dma_wait3A_65 = arith.constant 0 : i32
      %dma_wait3A_66 = arith.constant 0 : i32
      %dma_wait3A_67 = tpu.memref_slice %arg3[%dma_wait3A_65, %dma_wait3A_66] : memref<10240x128xf32, #tpu.memory_space<hbm>> -> memref<10240x128xf32, #tpu.memory_space<hbm>>
      tpu.wait_indirect_dma semaphore(%arg8 : memref<!tpu.dma_semaphore, #tpu.memory_space<semaphore_mem>>) src(%dma_wait3A_67 : memref<10240x128xf32, #tpu.memory_space<hbm>>) dst(%dma_wait3A_63 : memref<128x128xf32, #tpu.memory_space<vmem>>)
      %dma_wait3A_68 = arith.constant 256 : i32
      %dma_wait3A_69 = arith.constant 0 : i32
      %dma_wait3A_70 = tpu.memref_slice %arg6[%dma_wait3A_68, %dma_wait3A_69] : memref<512x128xf32, #tpu.memory_space<vmem>> -> memref<128x128xf32, #tpu.memory_space<vmem>>
      %dma_wait3A_71 = tpu.memref_slice %arg5[%mul3A_36] : memref<5632xi32, #tpu.memory_space<vmem>> -> memref<128xi32, #tpu.memory_space<vmem>>
      %dma_wait3A_72 = arith.constant 0 : i32
      %dma_wait3A_73 = arith.constant 0 : i32
      %dma_wait3A_74 = tpu.memref_slice %arg3[%dma_wait3A_72, %dma_wait3A_73] : memref<10240x128xf32, #tpu.memory_space<hbm>> -> memref<10240x128xf32, #tpu.memory_space<hbm>>
      tpu.wait_indirect_dma semaphore(%arg9 : memref<!tpu.dma_semaphore, #tpu.memory_space<semaphore_mem>>) src(%dma_wait3A_74 : memref<10240x128xf32, #tpu.memory_space<hbm>>) dst(%dma_wait3A_70 : memref<128x128xf32, #tpu.memory_space<vmem>>)
      %dma_wait3A_75 = arith.constant 384 : i32
      %dma_wait3A_76 = arith.constant 0 : i32
      %dma_wait3A_77 = tpu.memref_slice %arg6[%dma_wait3A_75, %dma_wait3A_76] : memref<512x128xf32, #tpu.memory_space<vmem>> -> memref<128x128xf32, #tpu.memory_space<vmem>>
      %dma_wait3A_78 = tpu.memref_slice %arg5[%mul3A_47] : memref<5632xi32, #tpu.memory_space<vmem>> -> memref<128xi32, #tpu.memory_space<vmem>>
      %dma_wait3A_79 = arith.constant 0 : i32
      %dma_wait3A_80 = arith.constant 0 : i32
      %dma_wait3A_81 = tpu.memref_slice %arg3[%dma_wait3A_79, %dma_wait3A_80] : memref<10240x128xf32, #tpu.memory_space<hbm>> -> memref<10240x128xf32, #tpu.memory_space<hbm>>
      tpu.wait_indirect_dma semaphore(%arg10 : memref<!tpu.dma_semaphore, #tpu.memory_space<semaphore_mem>>) src(%dma_wait3A_81 : memref<10240x128xf32, #tpu.memory_space<hbm>>) dst(%dma_wait3A_77 : memref<128x128xf32, #tpu.memory_space<vmem>>)
      %mul3A_82 = arith.constant 128 : i32
      %mul3A_83 = arith.muli %add3A_11, %mul3A_82 : i32
      %add3A_84 = arith.addi %mul3A_2, %mul3A_83 : i32
      "tpu.region"() ({
        %run_scoped3A = tpu.sem_alloc : memref<!tpu.dma_semaphore, #tpu.memory_space<semaphore_mem>>
        %dma_start3A_85 = arith.constant 0 : i32
        %dma_start3A_86 = tpu.memref_slice %arg4[%add3A_84, %dma_start3A_85] : memref<180224x128xf32, #tpu.memory_space<hbm>> -> memref<512x128xf32, #tpu.memory_space<hbm>>
        %dma_start3A_87 = arith.constant 0 : i32
        %dma_start3A_88 = tpu.memref_slice %arg4[%add3A_84, %dma_start3A_87] : memref<180224x128xf32, #tpu.memory_space<hbm>> -> memref<512x128xf32, #tpu.memory_space<hbm>>
        tpu.enqueue_dma source(%arg6 : memref<512x128xf32, #tpu.memory_space<vmem>>) target(%dma_start3A_88 : memref<512x128xf32, #tpu.memory_space<hbm>>) target_semaphore(%run_scoped3A : memref<!tpu.dma_semaphore, #tpu.memory_space<semaphore_mem>>)
        %dma_wait3A_89 = arith.constant 0 : i32
        %dma_wait3A_90 = tpu.memref_slice %arg4[%add3A_84, %dma_wait3A_89] : memref<180224x128xf32, #tpu.memory_space<hbm>> -> memref<512x128xf32, #tpu.memory_space<hbm>>
        %dma_wait3A_91 = arith.constant 0 : i32
        %dma_wait3A_92 = tpu.memref_slice %arg4[%add3A_84, %dma_wait3A_91] : memref<180224x128xf32, #tpu.memory_space<hbm>> -> memref<512x128xf32, #tpu.memory_space<hbm>>
        tpu.wait_dma2 semaphore(%run_scoped3A : memref<!tpu.dma_semaphore, #tpu.memory_space<semaphore_mem>>) src(%arg6 : memref<512x128xf32, #tpu.memory_space<vmem>>) dst(%dma_wait3A_92 : memref<512x128xf32, #tpu.memory_space<hbm>>)
        tpu.yield
      }) : () -> ()
    }
    %scan3A_6 = arith.constant 11 : i32
    return
  }
}

#map = affine_map<(d0, d1) -> (0)>
#map1 = affine_map<(d0, d1) -> (0, 0)>
module attributes {stable_mosaic.version = 14 : i64} {
  func.func @body(%arg0: i32, %arg1: i32, %arg2: memref<180224xi32, #tpu.memory_space<hbm>>, %arg3: memref<10240x128xf32, #tpu.memory_space<hbm>>, %arg4: memref<180224x128xf32, #tpu.memory_space<hbm>>, %arg5: memref<5632xi32, #tpu.memory_space<vmem>>, %arg6: memref<512x128xf32, #tpu.memory_space<vmem>>, %arg7: memref<!tpu.dma_semaphore, #tpu.memory_space<semaphore_mem>>, %arg8: memref<!tpu.dma_semaphore, #tpu.memory_space<semaphore_mem>>, %arg9: memref<!tpu.dma_semaphore, #tpu.memory_space<semaphore_mem>>, %arg10: memref<!tpu.dma_semaphore, #tpu.memory_space<semaphore_mem>>) attributes {dimension_semantics = [#tpu.dimension_semantics<core_parallel>, #tpu.dimension_semantics<subcore_parallel>], iteration_bounds = array<i64: 2, 16>, scalar_prefetch = 0 : i64, scratch_operands = 6 : i64, tpu.core_type = #tpu.core_type<sc_vector_subcore>, window_params = [{transform_indices = #map}, {transform_indices = #map1}, {transform_indices = #map1}]} {
    %mul3A = arith.constant 16 : i32
    %mul3A_0 = arith.muli %arg0, %mul3A : i32
    %add3A = arith.addi %mul3A_0, %arg1 : i32
    %mul3A_1 = arith.constant 5632 : i32
    %mul3A_2 = arith.muli %add3A, %mul3A_1 : i32
    "tpu.region"() ({
      %run_scoped3A = tpu.sem_alloc : memref<!tpu.dma_semaphore, #tpu.memory_space<semaphore_mem>>
      %dma_start3A = tpu.memref_slice %arg2[%mul3A_2] : memref<180224xi32, #tpu.memory_space<hbm>> -> memref<5632xi32, #tpu.memory_space<hbm>>
      %dma_start3A_7 = tpu.memref_slice %arg2[%mul3A_2] : memref<180224xi32, #tpu.memory_space<hbm>> -> memref<5632xi32, #tpu.memory_space<hbm>>
      tpu.enqueue_dma source(%dma_start3A_7 : memref<5632xi32, #tpu.memory_space<hbm>>) target(%arg5 : memref<5632xi32, #tpu.memory_space<vmem>>) target_semaphore(%run_scoped3A : memref<!tpu.dma_semaphore, #tpu.memory_space<semaphore_mem>>)
      %dma_wait3A = tpu.memref_slice %arg2[%mul3A_2] : memref<180224xi32, #tpu.memory_space<hbm>> -> memref<5632xi32, #tpu.memory_space<hbm>>
      %dma_wait3A_8 = tpu.memref_slice %arg2[%mul3A_2] : memref<180224xi32, #tpu.memory_space<hbm>> -> memref<5632xi32, #tpu.memory_space<hbm>>
      tpu.wait_dma2 semaphore(%run_scoped3A : memref<!tpu.dma_semaphore, #tpu.memory_space<semaphore_mem>>) src(%dma_wait3A_8 : memref<5632xi32, #tpu.memory_space<hbm>>) dst(%arg5 : memref<5632xi32, #tpu.memory_space<vmem>>)
      tpu.yield
    }) : () -> ()
    %scan3A = arith.constant 0 : i32
    %scan3A_3 = arith.constant 11 : i32
    %scan3A_4 = arith.addi %scan3A, %scan3A_3 : i32
    %scan3A_5 = arith.constant 1 : i32
    scf.for %scan3A_7 = %scan3A to %scan3A_4 step %scan3A_5  : i32 {
      %mul3A_8 = arith.constant 4 : i32
      %mul3A_9 = arith.muli %scan3A_7, %mul3A_8 : i32
      %add3A_10 = arith.constant 0 : i32
      %add3A_11 = arith.addi %add3A_10, %mul3A_9 : i32
      %add3A_12 = arith.constant 0 : i32
      %add3A_13 = arith.addi %add3A_11, %add3A_12 : i32
      %mul3A_14 = arith.constant 128 : i32
      %mul3A_15 = arith.muli %add3A_13, %mul3A_14 : i32
      %dma_start3A = arith.constant 0 : i32
      %dma_start3A_16 = arith.constant 0 : i32
      %dma_start3A_17 = tpu.memref_slice %arg6[%dma_start3A, %dma_start3A_16] : memref<512x128xf32, #tpu.memory_space<vmem>> -> memref<128x128xf32, #tpu.memory_space<vmem>>
      %dma_start3A_18 = tpu.memref_slice %arg5[%mul3A_15] : memref<5632xi32, #tpu.memory_space<vmem>> -> memref<128xi32, #tpu.memory_space<vmem>>
      %dma_start3A_19 = arith.constant 0 : i32
      %dma_start3A_20 = arith.constant 0 : i32
      %dma_start3A_21 = tpu.memref_slice %arg3[%dma_start3A_19, %dma_start3A_20] : memref<10240x128xf32, #tpu.memory_space<hbm>> -> memref<10240x128xf32, #tpu.memory_space<hbm>>
      tpu.enqueue_indirect_dma source(%dma_start3A_21 : memref<10240x128xf32, #tpu.memory_space<hbm>>) target(%dma_start3A_17 : memref<128x128xf32, #tpu.memory_space<vmem>>) offsets(%dma_start3A_18 : memref<128xi32, #tpu.memory_space<vmem>>) semaphore(%arg7 : memref<!tpu.dma_semaphore, #tpu.memory_space<semaphore_mem>>)
      %add3A_22 = arith.constant 1 : i32
      %add3A_23 = arith.addi %add3A_11, %add3A_22 : i32
      %mul3A_24 = arith.constant 128 : i32
      %mul3A_25 = arith.muli %add3A_23, %mul3A_24 : i32
      %dma_start3A_26 = arith.constant 128 : i32
      %dma_start3A_27 = arith.constant 0 : i32
      %dma_start3A_28 = tpu.memref_slice %arg6[%dma_start3A_26, %dma_start3A_27] : memref<512x128xf32, #tpu.memory_space<vmem>> -> memref<128x128xf32, #tpu.memory_space<vmem>>
      %dma_start3A_29 = tpu.memref_slice %arg5[%mul3A_25] : memref<5632xi32, #tpu.memory_space<vmem>> -> memref<128xi32, #tpu.memory_space<vmem>>
      %dma_start3A_30 = arith.constant 0 : i32
      %dma_start3A_31 = arith.constant 0 : i32
      %dma_start3A_32 = tpu.memref_slice %arg3[%dma_start3A_30, %dma_start3A_31] : memref<10240x128xf32, #tpu.memory_space<hbm>> -> memref<10240x128xf32, #tpu.memory_space<hbm>>
      tpu.enqueue_indirect_dma source(%dma_start3A_32 : memref<10240x128xf32, #tpu.memory_space<hbm>>) target(%dma_start3A_28 : memref<128x128xf32, #tpu.memory_space<vmem>>) offsets(%dma_start3A_29 : memref<128xi32, #tpu.memory_space<vmem>>) semaphore(%arg8 : memref<!tpu.dma_semaphore, #tpu.memory_space<semaphore_mem>>)
      %add3A_33 = arith.constant 2 : i32
      %add3A_34 = arith.addi %add3A_11, %add3A_33 : i32
      %mul3A_35 = arith.constant 128 : i32
      %mul3A_36 = arith.muli %add3A_34, %mul3A_35 : i32
      %dma_start3A_37 = arith.constant 256 : i32
      %dma_start3A_38 = arith.constant 0 : i32
      %dma_start3A_39 = tpu.memref_slice %arg6[%dma_start3A_37, %dma_start3A_38] : memref<512x128xf32, #tpu.memory_space<vmem>> -> memref<128x128xf32, #tpu.memory_space<vmem>>
      %dma_start3A_40 = tpu.memref_slice %arg5[%mul3A_36] : memref<5632xi32, #tpu.memory_space<vmem>> -> memref<128xi32, #tpu.memory_space<vmem>>
      %dma_start3A_41 = arith.constant 0 : i32
      %dma_start3A_42 = arith.constant 0 : i32
      %dma_start3A_43 = tpu.memref_slice %arg3[%dma_start3A_41, %dma_start3A_42] : memref<10240x128xf32, #tpu.memory_space<hbm>> -> memref<10240x128xf32, #tpu.memory_space<hbm>>
      tpu.enqueue_indirect_dma source(%dma_start3A_43 : memref<10240x128xf32, #tpu.memory_space<hbm>>) target(%dma_start3A_39 : memref<128x128xf32, #tpu.memory_space<vmem>>) offsets(%dma_start3A_40 : memref<128xi32, #tpu.memory_space<vmem>>) semaphore(%arg9 : memref<!tpu.dma_semaphore, #tpu.memory_space<semaphore_mem>>)
      %add3A_44 = arith.constant 3 : i32
      %add3A_45 = arith.addi %add3A_11, %add3A_44 : i32
      %mul3A_46 = arith.constant 128 : i32
      %mul3A_47 = arith.muli %add3A_45, %mul3A_46 : i32
      %dma_start3A_48 = arith.constant 384 : i32
      %dma_start3A_49 = arith.constant 0 : i32
      %dma_start3A_50 = tpu.memref_slice %arg6[%dma_start3A_48, %dma_start3A_49] : memref<512x128xf32, #tpu.memory_space<vmem>> -> memref<128x128xf32, #tpu.memory_space<vmem>>
      %dma_start3A_51 = tpu.memref_slice %arg5[%mul3A_47] : memref<5632xi32, #tpu.memory_space<vmem>> -> memref<128xi32, #tpu.memory_space<vmem>>
      %dma_start3A_52 = arith.constant 0 : i32
      %dma_start3A_53 = arith.constant 0 : i32
      %dma_start3A_54 = tpu.memref_slice %arg3[%dma_start3A_52, %dma_start3A_53] : memref<10240x128xf32, #tpu.memory_space<hbm>> -> memref<10240x128xf32, #tpu.memory_space<hbm>>
      tpu.enqueue_indirect_dma source(%dma_start3A_54 : memref<10240x128xf32, #tpu.memory_space<hbm>>) target(%dma_start3A_50 : memref<128x128xf32, #tpu.memory_space<vmem>>) offsets(%dma_start3A_51 : memref<128xi32, #tpu.memory_space<vmem>>) semaphore(%arg10 : memref<!tpu.dma_semaphore, #tpu.memory_space<semaphore_mem>>)
      %dma_wait3A = arith.constant 0 : i32
      %dma_wait3A_55 = arith.constant 0 : i32
      %dma_wait3A_56 = tpu.memref_slice %arg6[%dma_wait3A, %dma_wait3A_55] : memref<512x128xf32, #tpu.memory_space<vmem>> -> memref<128x128xf32, #tpu.memory_space<vmem>>
      %dma_wait3A_57 = tpu.memref_slice %arg5[%mul3A_15] : memref<5632xi32, #tpu.memory_space<vmem>> -> memref<128xi32, #tpu.memory_space<vmem>>
      %dma_wait3A_58 = arith.constant 0 : i32
      %dma_wait3A_59 = arith.constant 0 : i32
      %dma_wait3A_60 = tpu.memref_slice %arg3[%dma_wait3A_58, %dma_wait3A_59] : memref<10240x128xf32, #tpu.memory_space<hbm>> -> memref<10240x128xf32, #tpu.memory_space<hbm>>
      tpu.wait_indirect_dma semaphore(%arg7 : memref<!tpu.dma_semaphore, #tpu.memory_space<semaphore_mem>>) src(%dma_wait3A_60 : memref<10240x128xf32, #tpu.memory_space<hbm>>) dst(%dma_wait3A_56 : memref<128x128xf32, #tpu.memory_space<vmem>>)
      %dma_wait3A_61 = arith.constant 128 : i32
      %dma_wait3A_62 = arith.constant 0 : i32
      %dma_wait3A_63 = tpu.memref_slice %arg6[%dma_wait3A_61, %dma_wait3A_62] : memref<512x128xf32, #tpu.memory_space<vmem>> -> memref<128x128xf32, #tpu.memory_space<vmem>>
      %dma_wait3A_64 = tpu.memref_slice %arg5[%mul3A_25] : memref<5632xi32, #tpu.memory_space<vmem>> -> memref<128xi32, #tpu.memory_space<vmem>>
      %dma_wait3A_65 = arith.constant 0 : i32
      %dma_wait3A_66 = arith.constant 0 : i32
      %dma_wait3A_67 = tpu.memref_slice %arg3[%dma_wait3A_65, %dma_wait3A_66] : memref<10240x128xf32, #tpu.memory_space<hbm>> -> memref<10240x128xf32, #tpu.memory_space<hbm>>
      tpu.wait_indirect_dma semaphore(%arg8 : memref<!tpu.dma_semaphore, #tpu.memory_space<semaphore_mem>>) src(%dma_wait3A_67 : memref<10240x128xf32, #tpu.memory_space<hbm>>) dst(%dma_wait3A_63 : memref<128x128xf32, #tpu.memory_space<vmem>>)
      %dma_wait3A_68 = arith.constant 256 : i32
      %dma_wait3A_69 = arith.constant 0 : i32
      %dma_wait3A_70 = tpu.memref_slice %arg6[%dma_wait3A_68, %dma_wait3A_69] : memref<512x128xf32, #tpu.memory_space<vmem>> -> memref<128x128xf32, #tpu.memory_space<vmem>>
      %dma_wait3A_71 = tpu.memref_slice %arg5[%mul3A_36] : memref<5632xi32, #tpu.memory_space<vmem>> -> memref<128xi32, #tpu.memory_space<vmem>>
      %dma_wait3A_72 = arith.constant 0 : i32
      %dma_wait3A_73 = arith.constant 0 : i32
      %dma_wait3A_74 = tpu.memref_slice %arg3[%dma_wait3A_72, %dma_wait3A_73] : memref<10240x128xf32, #tpu.memory_space<hbm>> -> memref<10240x128xf32, #tpu.memory_space<hbm>>
      tpu.wait_indirect_dma semaphore(%arg9 : memref<!tpu.dma_semaphore, #tpu.memory_space<semaphore_mem>>) src(%dma_wait3A_74 : memref<10240x128xf32, #tpu.memory_space<hbm>>) dst(%dma_wait3A_70 : memref<128x128xf32, #tpu.memory_space<vmem>>)
      %dma_wait3A_75 = arith.constant 384 : i32
      %dma_wait3A_76 = arith.constant 0 : i32
      %dma_wait3A_77 = tpu.memref_slice %arg6[%dma_wait3A_75, %dma_wait3A_76] : memref<512x128xf32, #tpu.memory_space<vmem>> -> memref<128x128xf32, #tpu.memory_space<vmem>>
      %dma_wait3A_78 = tpu.memref_slice %arg5[%mul3A_47] : memref<5632xi32, #tpu.memory_space<vmem>> -> memref<128xi32, #tpu.memory_space<vmem>>
      %dma_wait3A_79 = arith.constant 0 : i32
      %dma_wait3A_80 = arith.constant 0 : i32
      %dma_wait3A_81 = tpu.memref_slice %arg3[%dma_wait3A_79, %dma_wait3A_80] : memref<10240x128xf32, #tpu.memory_space<hbm>> -> memref<10240x128xf32, #tpu.memory_space<hbm>>
      tpu.wait_indirect_dma semaphore(%arg10 : memref<!tpu.dma_semaphore, #tpu.memory_space<semaphore_mem>>) src(%dma_wait3A_81 : memref<10240x128xf32, #tpu.memory_space<hbm>>) dst(%dma_wait3A_77 : memref<128x128xf32, #tpu.memory_space<vmem>>)
      %mul3A_82 = arith.constant 128 : i32
      %mul3A_83 = arith.muli %add3A_11, %mul3A_82 : i32
      %add3A_84 = arith.addi %mul3A_2, %mul3A_83 : i32
      "tpu.region"() ({
        %run_scoped3A = tpu.sem_alloc : memref<!tpu.dma_semaphore, #tpu.memory_space<semaphore_mem>>
        %dma_start3A_85 = arith.constant 0 : i32
        %dma_start3A_86 = tpu.memref_slice %arg4[%add3A_84, %dma_start3A_85] : memref<180224x128xf32, #tpu.memory_space<hbm>> -> memref<512x128xf32, #tpu.memory_space<hbm>>
        %dma_start3A_87 = arith.constant 0 : i32
        %dma_start3A_88 = tpu.memref_slice %arg4[%add3A_84, %dma_start3A_87] : memref<180224x128xf32, #tpu.memory_space<hbm>> -> memref<512x128xf32, #tpu.memory_space<hbm>>
        tpu.enqueue_dma source(%arg6 : memref<512x128xf32, #tpu.memory_space<vmem>>) target(%dma_start3A_88 : memref<512x128xf32, #tpu.memory_space<hbm>>) target_semaphore(%run_scoped3A : memref<!tpu.dma_semaphore, #tpu.memory_space<semaphore_mem>>)
        %dma_wait3A_89 = arith.constant 0 : i32
        %dma_wait3A_90 = tpu.memref_slice %arg4[%add3A_84, %dma_wait3A_89] : memref<180224x128xf32, #tpu.memory_space<hbm>> -> memref<512x128xf32, #tpu.memory_space<hbm>>
        %dma_wait3A_91 = arith.constant 0 : i32
        %dma_wait3A_92 = tpu.memref_slice %arg4[%add3A_84, %dma_wait3A_91] : memref<180224x128xf32, #tpu.memory_space<hbm>> -> memref<512x128xf32, #tpu.memory_space<hbm>>
        tpu.wait_dma2 semaphore(%run_scoped3A : memref<!tpu.dma_semaphore, #tpu.memory_space<semaphore_mem>>) src(%arg6 : memref<512x128xf32, #tpu.memory_space<vmem>>) dst(%dma_wait3A_92 : memref<512x128xf32, #tpu.memory_space<hbm>>)
        tpu.yield
      }) : () -> ()
    }
    %scan3A_6 = arith.constant 11 : i32
    return
  }
}

#map = affine_map<(d0, d1) -> (0)>
#map1 = affine_map<(d0, d1) -> (0, 0)>
module attributes {stable_mosaic.version = 14 : i64} {
  func.func @body(%arg0: i32, %arg1: i32, %arg2: memref<180224xi32, #tpu.memory_space<hbm>>, %arg3: memref<10240x128xf32, #tpu.memory_space<hbm>>, %arg4: memref<180224x128xf32, #tpu.memory_space<hbm>>, %arg5: memref<5632xi32, #tpu.memory_space<vmem>>, %arg6: memref<512x128xf32, #tpu.memory_space<vmem>>, %arg7: memref<!tpu.dma_semaphore, #tpu.memory_space<semaphore_mem>>, %arg8: memref<!tpu.dma_semaphore, #tpu.memory_space<semaphore_mem>>, %arg9: memref<!tpu.dma_semaphore, #tpu.memory_space<semaphore_mem>>, %arg10: memref<!tpu.dma_semaphore, #tpu.memory_space<semaphore_mem>>) attributes {dimension_semantics = [#tpu.dimension_semantics<core_parallel>, #tpu.dimension_semantics<subcore_parallel>], iteration_bounds = array<i64: 2, 16>, scalar_prefetch = 0 : i64, scratch_operands = 6 : i64, tpu.core_type = #tpu.core_type<sc_vector_subcore>, window_params = [{transform_indices = #map}, {transform_indices = #map1}, {transform_indices = #map1}]} {
    %mul3A = arith.constant 16 : i32
    %mul3A_0 = arith.muli %arg0, %mul3A : i32
    %add3A = arith.addi %mul3A_0, %arg1 : i32
    %mul3A_1 = arith.constant 5632 : i32
    %mul3A_2 = arith.muli %add3A, %mul3A_1 : i32
    "tpu.region"() ({
      %run_scoped3A = tpu.sem_alloc : memref<!tpu.dma_semaphore, #tpu.memory_space<semaphore_mem>>
      %dma_start3A = tpu.memref_slice %arg2[%mul3A_2] : memref<180224xi32, #tpu.memory_space<hbm>> -> memref<5632xi32, #tpu.memory_space<hbm>>
      %dma_start3A_7 = tpu.memref_slice %arg2[%mul3A_2] : memref<180224xi32, #tpu.memory_space<hbm>> -> memref<5632xi32, #tpu.memory_space<hbm>>
      tpu.enqueue_dma source(%dma_start3A_7 : memref<5632xi32, #tpu.memory_space<hbm>>) target(%arg5 : memref<5632xi32, #tpu.memory_space<vmem>>) target_semaphore(%run_scoped3A : memref<!tpu.dma_semaphore, #tpu.memory_space<semaphore_mem>>)
      %dma_wait3A = tpu.memref_slice %arg2[%mul3A_2] : memref<180224xi32, #tpu.memory_space<hbm>> -> memref<5632xi32, #tpu.memory_space<hbm>>
      %dma_wait3A_8 = tpu.memref_slice %arg2[%mul3A_2] : memref<180224xi32, #tpu.memory_space<hbm>> -> memref<5632xi32, #tpu.memory_space<hbm>>
      tpu.wait_dma2 semaphore(%run_scoped3A : memref<!tpu.dma_semaphore, #tpu.memory_space<semaphore_mem>>) src(%dma_wait3A_8 : memref<5632xi32, #tpu.memory_space<hbm>>) dst(%arg5 : memref<5632xi32, #tpu.memory_space<vmem>>)
      tpu.yield
    }) : () -> ()
    %scan3A = arith.constant 0 : i32
    %scan3A_3 = arith.constant 11 : i32
    %scan3A_4 = arith.addi %scan3A, %scan3A_3 : i32
    %scan3A_5 = arith.constant 1 : i32
    scf.for %scan3A_7 = %scan3A to %scan3A_4 step %scan3A_5  : i32 {
      %mul3A_8 = arith.constant 4 : i32
      %mul3A_9 = arith.muli %scan3A_7, %mul3A_8 : i32
      %add3A_10 = arith.constant 0 : i32
      %add3A_11 = arith.addi %add3A_10, %mul3A_9 : i32
      %add3A_12 = arith.constant 0 : i32
      %add3A_13 = arith.addi %add3A_11, %add3A_12 : i32
      %mul3A_14 = arith.constant 128 : i32
      %mul3A_15 = arith.muli %add3A_13, %mul3A_14 : i32
      %dma_start3A = arith.constant 0 : i32
      %dma_start3A_16 = arith.constant 0 : i32
      %dma_start3A_17 = tpu.memref_slice %arg6[%dma_start3A, %dma_start3A_16] : memref<512x128xf32, #tpu.memory_space<vmem>> -> memref<128x128xf32, #tpu.memory_space<vmem>>
      %dma_start3A_18 = tpu.memref_slice %arg5[%mul3A_15] : memref<5632xi32, #tpu.memory_space<vmem>> -> memref<128xi32, #tpu.memory_space<vmem>>
      %dma_start3A_19 = arith.constant 0 : i32
      %dma_start3A_20 = arith.constant 0 : i32
      %dma_start3A_21 = tpu.memref_slice %arg3[%dma_start3A_19, %dma_start3A_20] : memref<10240x128xf32, #tpu.memory_space<hbm>> -> memref<10240x128xf32, #tpu.memory_space<hbm>>
      tpu.enqueue_indirect_dma source(%dma_start3A_21 : memref<10240x128xf32, #tpu.memory_space<hbm>>) target(%dma_start3A_17 : memref<128x128xf32, #tpu.memory_space<vmem>>) offsets(%dma_start3A_18 : memref<128xi32, #tpu.memory_space<vmem>>) semaphore(%arg7 : memref<!tpu.dma_semaphore, #tpu.memory_space<semaphore_mem>>)
      %add3A_22 = arith.constant 1 : i32
      %add3A_23 = arith.addi %add3A_11, %add3A_22 : i32
      %mul3A_24 = arith.constant 128 : i32
      %mul3A_25 = arith.muli %add3A_23, %mul3A_24 : i32
      %dma_start3A_26 = arith.constant 128 : i32
      %dma_start3A_27 = arith.constant 0 : i32
      %dma_start3A_28 = tpu.memref_slice %arg6[%dma_start3A_26, %dma_start3A_27] : memref<512x128xf32, #tpu.memory_space<vmem>> -> memref<128x128xf32, #tpu.memory_space<vmem>>
      %dma_start3A_29 = tpu.memref_slice %arg5[%mul3A_25] : memref<5632xi32, #tpu.memory_space<vmem>> -> memref<128xi32, #tpu.memory_space<vmem>>
      %dma_start3A_30 = arith.constant 0 : i32
      %dma_start3A_31 = arith.constant 0 : i32
      %dma_start3A_32 = tpu.memref_slice %arg3[%dma_start3A_30, %dma_start3A_31] : memref<10240x128xf32, #tpu.memory_space<hbm>> -> memref<10240x128xf32, #tpu.memory_space<hbm>>
      tpu.enqueue_indirect_dma source(%dma_start3A_32 : memref<10240x128xf32, #tpu.memory_space<hbm>>) target(%dma_start3A_28 : memref<128x128xf32, #tpu.memory_space<vmem>>) offsets(%dma_start3A_29 : memref<128xi32, #tpu.memory_space<vmem>>) semaphore(%arg8 : memref<!tpu.dma_semaphore, #tpu.memory_space<semaphore_mem>>)
      %add3A_33 = arith.constant 2 : i32
      %add3A_34 = arith.addi %add3A_11, %add3A_33 : i32
      %mul3A_35 = arith.constant 128 : i32
      %mul3A_36 = arith.muli %add3A_34, %mul3A_35 : i32
      %dma_start3A_37 = arith.constant 256 : i32
      %dma_start3A_38 = arith.constant 0 : i32
      %dma_start3A_39 = tpu.memref_slice %arg6[%dma_start3A_37, %dma_start3A_38] : memref<512x128xf32, #tpu.memory_space<vmem>> -> memref<128x128xf32, #tpu.memory_space<vmem>>
      %dma_start3A_40 = tpu.memref_slice %arg5[%mul3A_36] : memref<5632xi32, #tpu.memory_space<vmem>> -> memref<128xi32, #tpu.memory_space<vmem>>
      %dma_start3A_41 = arith.constant 0 : i32
      %dma_start3A_42 = arith.constant 0 : i32
      %dma_start3A_43 = tpu.memref_slice %arg3[%dma_start3A_41, %dma_start3A_42] : memref<10240x128xf32, #tpu.memory_space<hbm>> -> memref<10240x128xf32, #tpu.memory_space<hbm>>
      tpu.enqueue_indirect_dma source(%dma_start3A_43 : memref<10240x128xf32, #tpu.memory_space<hbm>>) target(%dma_start3A_39 : memref<128x128xf32, #tpu.memory_space<vmem>>) offsets(%dma_start3A_40 : memref<128xi32, #tpu.memory_space<vmem>>) semaphore(%arg9 : memref<!tpu.dma_semaphore, #tpu.memory_space<semaphore_mem>>)
      %add3A_44 = arith.constant 3 : i32
      %add3A_45 = arith.addi %add3A_11, %add3A_44 : i32
      %mul3A_46 = arith.constant 128 : i32
      %mul3A_47 = arith.muli %add3A_45, %mul3A_46 : i32
      %dma_start3A_48 = arith.constant 384 : i32
      %dma_start3A_49 = arith.constant 0 : i32
      %dma_start3A_50 = tpu.memref_slice %arg6[%dma_start3A_48, %dma_start3A_49] : memref<512x128xf32, #tpu.memory_space<vmem>> -> memref<128x128xf32, #tpu.memory_space<vmem>>
      %dma_start3A_51 = tpu.memref_slice %arg5[%mul3A_47] : memref<5632xi32, #tpu.memory_space<vmem>> -> memref<128xi32, #tpu.memory_space<vmem>>
      %dma_start3A_52 = arith.constant 0 : i32
      %dma_start3A_53 = arith.constant 0 : i32
      %dma_start3A_54 = tpu.memref_slice %arg3[%dma_start3A_52, %dma_start3A_53] : memref<10240x128xf32, #tpu.memory_space<hbm>> -> memref<10240x128xf32, #tpu.memory_space<hbm>>
      tpu.enqueue_indirect_dma source(%dma_start3A_54 : memref<10240x128xf32, #tpu.memory_space<hbm>>) target(%dma_start3A_50 : memref<128x128xf32, #tpu.memory_space<vmem>>) offsets(%dma_start3A_51 : memref<128xi32, #tpu.memory_space<vmem>>) semaphore(%arg10 : memref<!tpu.dma_semaphore, #tpu.memory_space<semaphore_mem>>)
      %dma_wait3A = arith.constant 0 : i32
      %dma_wait3A_55 = arith.constant 0 : i32
      %dma_wait3A_56 = tpu.memref_slice %arg6[%dma_wait3A, %dma_wait3A_55] : memref<512x128xf32, #tpu.memory_space<vmem>> -> memref<128x128xf32, #tpu.memory_space<vmem>>
      %dma_wait3A_57 = tpu.memref_slice %arg5[%mul3A_15] : memref<5632xi32, #tpu.memory_space<vmem>> -> memref<128xi32, #tpu.memory_space<vmem>>
      %dma_wait3A_58 = arith.constant 0 : i32
      %dma_wait3A_59 = arith.constant 0 : i32
      %dma_wait3A_60 = tpu.memref_slice %arg3[%dma_wait3A_58, %dma_wait3A_59] : memref<10240x128xf32, #tpu.memory_space<hbm>> -> memref<10240x128xf32, #tpu.memory_space<hbm>>
      tpu.wait_indirect_dma semaphore(%arg7 : memref<!tpu.dma_semaphore, #tpu.memory_space<semaphore_mem>>) src(%dma_wait3A_60 : memref<10240x128xf32, #tpu.memory_space<hbm>>) dst(%dma_wait3A_56 : memref<128x128xf32, #tpu.memory_space<vmem>>)
      %dma_wait3A_61 = arith.constant 128 : i32
      %dma_wait3A_62 = arith.constant 0 : i32
      %dma_wait3A_63 = tpu.memref_slice %arg6[%dma_wait3A_61, %dma_wait3A_62] : memref<512x128xf32, #tpu.memory_space<vmem>> -> memref<128x128xf32, #tpu.memory_space<vmem>>
      %dma_wait3A_64 = tpu.memref_slice %arg5[%mul3A_25] : memref<5632xi32, #tpu.memory_space<vmem>> -> memref<128xi32, #tpu.memory_space<vmem>>
      %dma_wait3A_65 = arith.constant 0 : i32
      %dma_wait3A_66 = arith.constant 0 : i32
      %dma_wait3A_67 = tpu.memref_slice %arg3[%dma_wait3A_65, %dma_wait3A_66] : memref<10240x128xf32, #tpu.memory_space<hbm>> -> memref<10240x128xf32, #tpu.memory_space<hbm>>
      tpu.wait_indirect_dma semaphore(%arg8 : memref<!tpu.dma_semaphore, #tpu.memory_space<semaphore_mem>>) src(%dma_wait3A_67 : memref<10240x128xf32, #tpu.memory_space<hbm>>) dst(%dma_wait3A_63 : memref<128x128xf32, #tpu.memory_space<vmem>>)
      %dma_wait3A_68 = arith.constant 256 : i32
      %dma_wait3A_69 = arith.constant 0 : i32
      %dma_wait3A_70 = tpu.memref_slice %arg6[%dma_wait3A_68, %dma_wait3A_69] : memref<512x128xf32, #tpu.memory_space<vmem>> -> memref<128x128xf32, #tpu.memory_space<vmem>>
      %dma_wait3A_71 = tpu.memref_slice %arg5[%mul3A_36] : memref<5632xi32, #tpu.memory_space<vmem>> -> memref<128xi32, #tpu.memory_space<vmem>>
      %dma_wait3A_72 = arith.constant 0 : i32
      %dma_wait3A_73 = arith.constant 0 : i32
      %dma_wait3A_74 = tpu.memref_slice %arg3[%dma_wait3A_72, %dma_wait3A_73] : memref<10240x128xf32, #tpu.memory_space<hbm>> -> memref<10240x128xf32, #tpu.memory_space<hbm>>
      tpu.wait_indirect_dma semaphore(%arg9 : memref<!tpu.dma_semaphore, #tpu.memory_space<semaphore_mem>>) src(%dma_wait3A_74 : memref<10240x128xf32, #tpu.memory_space<hbm>>) dst(%dma_wait3A_70 : memref<128x128xf32, #tpu.memory_space<vmem>>)
      %dma_wait3A_75 = arith.constant 384 : i32
      %dma_wait3A_76 = arith.constant 0 : i32
      %dma_wait3A_77 = tpu.memref_slice %arg6[%dma_wait3A_75, %dma_wait3A_76] : memref<512x128xf32, #tpu.memory_space<vmem>> -> memref<128x128xf32, #tpu.memory_space<vmem>>
      %dma_wait3A_78 = tpu.memref_slice %arg5[%mul3A_47] : memref<5632xi32, #tpu.memory_space<vmem>> -> memref<128xi32, #tpu.memory_space<vmem>>
      %dma_wait3A_79 = arith.constant 0 : i32
      %dma_wait3A_80 = arith.constant 0 : i32
      %dma_wait3A_81 = tpu.memref_slice %arg3[%dma_wait3A_79, %dma_wait3A_80] : memref<10240x128xf32, #tpu.memory_space<hbm>> -> memref<10240x128xf32, #tpu.memory_space<hbm>>
      tpu.wait_indirect_dma semaphore(%arg10 : memref<!tpu.dma_semaphore, #tpu.memory_space<semaphore_mem>>) src(%dma_wait3A_81 : memref<10240x128xf32, #tpu.memory_space<hbm>>) dst(%dma_wait3A_77 : memref<128x128xf32, #tpu.memory_space<vmem>>)
      %mul3A_82 = arith.constant 128 : i32
      %mul3A_83 = arith.muli %add3A_11, %mul3A_82 : i32
      %add3A_84 = arith.addi %mul3A_2, %mul3A_83 : i32
      "tpu.region"() ({
        %run_scoped3A = tpu.sem_alloc : memref<!tpu.dma_semaphore, #tpu.memory_space<semaphore_mem>>
        %dma_start3A_85 = arith.constant 0 : i32
        %dma_start3A_86 = tpu.memref_slice %arg4[%add3A_84, %dma_start3A_85] : memref<180224x128xf32, #tpu.memory_space<hbm>> -> memref<512x128xf32, #tpu.memory_space<hbm>>
        %dma_start3A_87 = arith.constant 0 : i32
        %dma_start3A_88 = tpu.memref_slice %arg4[%add3A_84, %dma_start3A_87] : memref<180224x128xf32, #tpu.memory_space<hbm>> -> memref<512x128xf32, #tpu.memory_space<hbm>>
        tpu.enqueue_dma source(%arg6 : memref<512x128xf32, #tpu.memory_space<vmem>>) target(%dma_start3A_88 : memref<512x128xf32, #tpu.memory_space<hbm>>) target_semaphore(%run_scoped3A : memref<!tpu.dma_semaphore, #tpu.memory_space<semaphore_mem>>)
        %dma_wait3A_89 = arith.constant 0 : i32
        %dma_wait3A_90 = tpu.memref_slice %arg4[%add3A_84, %dma_wait3A_89] : memref<180224x128xf32, #tpu.memory_space<hbm>> -> memref<512x128xf32, #tpu.memory_space<hbm>>
        %dma_wait3A_91 = arith.constant 0 : i32
        %dma_wait3A_92 = tpu.memref_slice %arg4[%add3A_84, %dma_wait3A_91] : memref<180224x128xf32, #tpu.memory_space<hbm>> -> memref<512x128xf32, #tpu.memory_space<hbm>>
        tpu.wait_dma2 semaphore(%run_scoped3A : memref<!tpu.dma_semaphore, #tpu.memory_space<semaphore_mem>>) src(%arg6 : memref<512x128xf32, #tpu.memory_space<vmem>>) dst(%dma_wait3A_92 : memref<512x128xf32, #tpu.memory_space<hbm>>)
        tpu.yield
      }) : () -> ()
    }
    %scan3A_6 = arith.constant 11 : i32
    return
  }
}

#map = affine_map<(d0, d1) -> (0)>
#map1 = affine_map<(d0, d1) -> (0, 0)>
module attributes {stable_mosaic.version = 14 : i64} {
  func.func @body(%arg0: i32, %arg1: i32, %arg2: memref<180224xi32, #tpu.memory_space<hbm>>, %arg3: memref<10240x128xf32, #tpu.memory_space<hbm>>, %arg4: memref<180224x128xf32, #tpu.memory_space<hbm>>, %arg5: memref<5632xi32, #tpu.memory_space<vmem>>, %arg6: memref<512x128xf32, #tpu.memory_space<vmem>>, %arg7: memref<!tpu.dma_semaphore, #tpu.memory_space<semaphore_mem>>, %arg8: memref<!tpu.dma_semaphore, #tpu.memory_space<semaphore_mem>>, %arg9: memref<!tpu.dma_semaphore, #tpu.memory_space<semaphore_mem>>, %arg10: memref<!tpu.dma_semaphore, #tpu.memory_space<semaphore_mem>>) attributes {dimension_semantics = [#tpu.dimension_semantics<core_parallel>, #tpu.dimension_semantics<subcore_parallel>], iteration_bounds = array<i64: 2, 16>, scalar_prefetch = 0 : i64, scratch_operands = 6 : i64, tpu.core_type = #tpu.core_type<sc_vector_subcore>, window_params = [{transform_indices = #map}, {transform_indices = #map1}, {transform_indices = #map1}]} {
    %mul3A = arith.constant 16 : i32
    %mul3A_0 = arith.muli %arg0, %mul3A : i32
    %add3A = arith.addi %mul3A_0, %arg1 : i32
    %mul3A_1 = arith.constant 5632 : i32
    %mul3A_2 = arith.muli %add3A, %mul3A_1 : i32
    "tpu.region"() ({
      %run_scoped3A = tpu.sem_alloc : memref<!tpu.dma_semaphore, #tpu.memory_space<semaphore_mem>>
      %dma_start3A = tpu.memref_slice %arg2[%mul3A_2] : memref<180224xi32, #tpu.memory_space<hbm>> -> memref<5632xi32, #tpu.memory_space<hbm>>
      %dma_start3A_7 = tpu.memref_slice %arg2[%mul3A_2] : memref<180224xi32, #tpu.memory_space<hbm>> -> memref<5632xi32, #tpu.memory_space<hbm>>
      tpu.enqueue_dma source(%dma_start3A_7 : memref<5632xi32, #tpu.memory_space<hbm>>) target(%arg5 : memref<5632xi32, #tpu.memory_space<vmem>>) target_semaphore(%run_scoped3A : memref<!tpu.dma_semaphore, #tpu.memory_space<semaphore_mem>>)
      %dma_wait3A = tpu.memref_slice %arg2[%mul3A_2] : memref<180224xi32, #tpu.memory_space<hbm>> -> memref<5632xi32, #tpu.memory_space<hbm>>
      %dma_wait3A_8 = tpu.memref_slice %arg2[%mul3A_2] : memref<180224xi32, #tpu.memory_space<hbm>> -> memref<5632xi32, #tpu.memory_space<hbm>>
      tpu.wait_dma2 semaphore(%run_scoped3A : memref<!tpu.dma_semaphore, #tpu.memory_space<semaphore_mem>>) src(%dma_wait3A_8 : memref<5632xi32, #tpu.memory_space<hbm>>) dst(%arg5 : memref<5632xi32, #tpu.memory_space<vmem>>)
      tpu.yield
    }) : () -> ()
    %scan3A = arith.constant 0 : i32
    %scan3A_3 = arith.constant 11 : i32
    %scan3A_4 = arith.addi %scan3A, %scan3A_3 : i32
    %scan3A_5 = arith.constant 1 : i32
    scf.for %scan3A_7 = %scan3A to %scan3A_4 step %scan3A_5  : i32 {
      %mul3A_8 = arith.constant 4 : i32
      %mul3A_9 = arith.muli %scan3A_7, %mul3A_8 : i32
      %add3A_10 = arith.constant 0 : i32
      %add3A_11 = arith.addi %add3A_10, %mul3A_9 : i32
      %add3A_12 = arith.constant 0 : i32
      %add3A_13 = arith.addi %add3A_11, %add3A_12 : i32
      %mul3A_14 = arith.constant 128 : i32
      %mul3A_15 = arith.muli %add3A_13, %mul3A_14 : i32
      %dma_start3A = arith.constant 0 : i32
      %dma_start3A_16 = arith.constant 0 : i32
      %dma_start3A_17 = tpu.memref_slice %arg6[%dma_start3A, %dma_start3A_16] : memref<512x128xf32, #tpu.memory_space<vmem>> -> memref<128x128xf32, #tpu.memory_space<vmem>>
      %dma_start3A_18 = tpu.memref_slice %arg5[%mul3A_15] : memref<5632xi32, #tpu.memory_space<vmem>> -> memref<128xi32, #tpu.memory_space<vmem>>
      %dma_start3A_19 = arith.constant 0 : i32
      %dma_start3A_20 = arith.constant 0 : i32
      %dma_start3A_21 = tpu.memref_slice %arg3[%dma_start3A_19, %dma_start3A_20] : memref<10240x128xf32, #tpu.memory_space<hbm>> -> memref<10240x128xf32, #tpu.memory_space<hbm>>
      tpu.enqueue_indirect_dma source(%dma_start3A_21 : memref<10240x128xf32, #tpu.memory_space<hbm>>) target(%dma_start3A_17 : memref<128x128xf32, #tpu.memory_space<vmem>>) offsets(%dma_start3A_18 : memref<128xi32, #tpu.memory_space<vmem>>) semaphore(%arg7 : memref<!tpu.dma_semaphore, #tpu.memory_space<semaphore_mem>>)
      %add3A_22 = arith.constant 1 : i32
      %add3A_23 = arith.addi %add3A_11, %add3A_22 : i32
      %mul3A_24 = arith.constant 128 : i32
      %mul3A_25 = arith.muli %add3A_23, %mul3A_24 : i32
      %dma_start3A_26 = arith.constant 128 : i32
      %dma_start3A_27 = arith.constant 0 : i32
      %dma_start3A_28 = tpu.memref_slice %arg6[%dma_start3A_26, %dma_start3A_27] : memref<512x128xf32, #tpu.memory_space<vmem>> -> memref<128x128xf32, #tpu.memory_space<vmem>>
      %dma_start3A_29 = tpu.memref_slice %arg5[%mul3A_25] : memref<5632xi32, #tpu.memory_space<vmem>> -> memref<128xi32, #tpu.memory_space<vmem>>
      %dma_start3A_30 = arith.constant 0 : i32
      %dma_start3A_31 = arith.constant 0 : i32
      %dma_start3A_32 = tpu.memref_slice %arg3[%dma_start3A_30, %dma_start3A_31] : memref<10240x128xf32, #tpu.memory_space<hbm>> -> memref<10240x128xf32, #tpu.memory_space<hbm>>
      tpu.enqueue_indirect_dma source(%dma_start3A_32 : memref<10240x128xf32, #tpu.memory_space<hbm>>) target(%dma_start3A_28 : memref<128x128xf32, #tpu.memory_space<vmem>>) offsets(%dma_start3A_29 : memref<128xi32, #tpu.memory_space<vmem>>) semaphore(%arg8 : memref<!tpu.dma_semaphore, #tpu.memory_space<semaphore_mem>>)
      %add3A_33 = arith.constant 2 : i32
      %add3A_34 = arith.addi %add3A_11, %add3A_33 : i32
      %mul3A_35 = arith.constant 128 : i32
      %mul3A_36 = arith.muli %add3A_34, %mul3A_35 : i32
      %dma_start3A_37 = arith.constant 256 : i32
      %dma_start3A_38 = arith.constant 0 : i32
      %dma_start3A_39 = tpu.memref_slice %arg6[%dma_start3A_37, %dma_start3A_38] : memref<512x128xf32, #tpu.memory_space<vmem>> -> memref<128x128xf32, #tpu.memory_space<vmem>>
      %dma_start3A_40 = tpu.memref_slice %arg5[%mul3A_36] : memref<5632xi32, #tpu.memory_space<vmem>> -> memref<128xi32, #tpu.memory_space<vmem>>
      %dma_start3A_41 = arith.constant 0 : i32
      %dma_start3A_42 = arith.constant 0 : i32
      %dma_start3A_43 = tpu.memref_slice %arg3[%dma_start3A_41, %dma_start3A_42] : memref<10240x128xf32, #tpu.memory_space<hbm>> -> memref<10240x128xf32, #tpu.memory_space<hbm>>
      tpu.enqueue_indirect_dma source(%dma_start3A_43 : memref<10240x128xf32, #tpu.memory_space<hbm>>) target(%dma_start3A_39 : memref<128x128xf32, #tpu.memory_space<vmem>>) offsets(%dma_start3A_40 : memref<128xi32, #tpu.memory_space<vmem>>) semaphore(%arg9 : memref<!tpu.dma_semaphore, #tpu.memory_space<semaphore_mem>>)
      %add3A_44 = arith.constant 3 : i32
      %add3A_45 = arith.addi %add3A_11, %add3A_44 : i32
      %mul3A_46 = arith.constant 128 : i32
      %mul3A_47 = arith.muli %add3A_45, %mul3A_46 : i32
      %dma_start3A_48 = arith.constant 384 : i32
      %dma_start3A_49 = arith.constant 0 : i32
      %dma_start3A_50 = tpu.memref_slice %arg6[%dma_start3A_48, %dma_start3A_49] : memref<512x128xf32, #tpu.memory_space<vmem>> -> memref<128x128xf32, #tpu.memory_space<vmem>>
      %dma_start3A_51 = tpu.memref_slice %arg5[%mul3A_47] : memref<5632xi32, #tpu.memory_space<vmem>> -> memref<128xi32, #tpu.memory_space<vmem>>
      %dma_start3A_52 = arith.constant 0 : i32
      %dma_start3A_53 = arith.constant 0 : i32
      %dma_start3A_54 = tpu.memref_slice %arg3[%dma_start3A_52, %dma_start3A_53] : memref<10240x128xf32, #tpu.memory_space<hbm>> -> memref<10240x128xf32, #tpu.memory_space<hbm>>
      tpu.enqueue_indirect_dma source(%dma_start3A_54 : memref<10240x128xf32, #tpu.memory_space<hbm>>) target(%dma_start3A_50 : memref<128x128xf32, #tpu.memory_space<vmem>>) offsets(%dma_start3A_51 : memref<128xi32, #tpu.memory_space<vmem>>) semaphore(%arg10 : memref<!tpu.dma_semaphore, #tpu.memory_space<semaphore_mem>>)
      %dma_wait3A = arith.constant 0 : i32
      %dma_wait3A_55 = arith.constant 0 : i32
      %dma_wait3A_56 = tpu.memref_slice %arg6[%dma_wait3A, %dma_wait3A_55] : memref<512x128xf32, #tpu.memory_space<vmem>> -> memref<128x128xf32, #tpu.memory_space<vmem>>
      %dma_wait3A_57 = tpu.memref_slice %arg5[%mul3A_15] : memref<5632xi32, #tpu.memory_space<vmem>> -> memref<128xi32, #tpu.memory_space<vmem>>
      %dma_wait3A_58 = arith.constant 0 : i32
      %dma_wait3A_59 = arith.constant 0 : i32
      %dma_wait3A_60 = tpu.memref_slice %arg3[%dma_wait3A_58, %dma_wait3A_59] : memref<10240x128xf32, #tpu.memory_space<hbm>> -> memref<10240x128xf32, #tpu.memory_space<hbm>>
      tpu.wait_indirect_dma semaphore(%arg7 : memref<!tpu.dma_semaphore, #tpu.memory_space<semaphore_mem>>) src(%dma_wait3A_60 : memref<10240x128xf32, #tpu.memory_space<hbm>>) dst(%dma_wait3A_56 : memref<128x128xf32, #tpu.memory_space<vmem>>)
      %dma_wait3A_61 = arith.constant 128 : i32
      %dma_wait3A_62 = arith.constant 0 : i32
      %dma_wait3A_63 = tpu.memref_slice %arg6[%dma_wait3A_61, %dma_wait3A_62] : memref<512x128xf32, #tpu.memory_space<vmem>> -> memref<128x128xf32, #tpu.memory_space<vmem>>
      %dma_wait3A_64 = tpu.memref_slice %arg5[%mul3A_25] : memref<5632xi32, #tpu.memory_space<vmem>> -> memref<128xi32, #tpu.memory_space<vmem>>
      %dma_wait3A_65 = arith.constant 0 : i32
      %dma_wait3A_66 = arith.constant 0 : i32
      %dma_wait3A_67 = tpu.memref_slice %arg3[%dma_wait3A_65, %dma_wait3A_66] : memref<10240x128xf32, #tpu.memory_space<hbm>> -> memref<10240x128xf32, #tpu.memory_space<hbm>>
      tpu.wait_indirect_dma semaphore(%arg8 : memref<!tpu.dma_semaphore, #tpu.memory_space<semaphore_mem>>) src(%dma_wait3A_67 : memref<10240x128xf32, #tpu.memory_space<hbm>>) dst(%dma_wait3A_63 : memref<128x128xf32, #tpu.memory_space<vmem>>)
      %dma_wait3A_68 = arith.constant 256 : i32
      %dma_wait3A_69 = arith.constant 0 : i32
      %dma_wait3A_70 = tpu.memref_slice %arg6[%dma_wait3A_68, %dma_wait3A_69] : memref<512x128xf32, #tpu.memory_space<vmem>> -> memref<128x128xf32, #tpu.memory_space<vmem>>
      %dma_wait3A_71 = tpu.memref_slice %arg5[%mul3A_36] : memref<5632xi32, #tpu.memory_space<vmem>> -> memref<128xi32, #tpu.memory_space<vmem>>
      %dma_wait3A_72 = arith.constant 0 : i32
      %dma_wait3A_73 = arith.constant 0 : i32
      %dma_wait3A_74 = tpu.memref_slice %arg3[%dma_wait3A_72, %dma_wait3A_73] : memref<10240x128xf32, #tpu.memory_space<hbm>> -> memref<10240x128xf32, #tpu.memory_space<hbm>>
      tpu.wait_indirect_dma semaphore(%arg9 : memref<!tpu.dma_semaphore, #tpu.memory_space<semaphore_mem>>) src(%dma_wait3A_74 : memref<10240x128xf32, #tpu.memory_space<hbm>>) dst(%dma_wait3A_70 : memref<128x128xf32, #tpu.memory_space<vmem>>)
      %dma_wait3A_75 = arith.constant 384 : i32
      %dma_wait3A_76 = arith.constant 0 : i32
      %dma_wait3A_77 = tpu.memref_slice %arg6[%dma_wait3A_75, %dma_wait3A_76] : memref<512x128xf32, #tpu.memory_space<vmem>> -> memref<128x128xf32, #tpu.memory_space<vmem>>
      %dma_wait3A_78 = tpu.memref_slice %arg5[%mul3A_47] : memref<5632xi32, #tpu.memory_space<vmem>> -> memref<128xi32, #tpu.memory_space<vmem>>
      %dma_wait3A_79 = arith.constant 0 : i32
      %dma_wait3A_80 = arith.constant 0 : i32
      %dma_wait3A_81 = tpu.memref_slice %arg3[%dma_wait3A_79, %dma_wait3A_80] : memref<10240x128xf32, #tpu.memory_space<hbm>> -> memref<10240x128xf32, #tpu.memory_space<hbm>>
      tpu.wait_indirect_dma semaphore(%arg10 : memref<!tpu.dma_semaphore, #tpu.memory_space<semaphore_mem>>) src(%dma_wait3A_81 : memref<10240x128xf32, #tpu.memory_space<hbm>>) dst(%dma_wait3A_77 : memref<128x128xf32, #tpu.memory_space<vmem>>)
      %mul3A_82 = arith.constant 128 : i32
      %mul3A_83 = arith.muli %add3A_11, %mul3A_82 : i32
      %add3A_84 = arith.addi %mul3A_2, %mul3A_83 : i32
      "tpu.region"() ({
        %run_scoped3A = tpu.sem_alloc : memref<!tpu.dma_semaphore, #tpu.memory_space<semaphore_mem>>
        %dma_start3A_85 = arith.constant 0 : i32
        %dma_start3A_86 = tpu.memref_slice %arg4[%add3A_84, %dma_start3A_85] : memref<180224x128xf32, #tpu.memory_space<hbm>> -> memref<512x128xf32, #tpu.memory_space<hbm>>
        %dma_start3A_87 = arith.constant 0 : i32
        %dma_start3A_88 = tpu.memref_slice %arg4[%add3A_84, %dma_start3A_87] : memref<180224x128xf32, #tpu.memory_space<hbm>> -> memref<512x128xf32, #tpu.memory_space<hbm>>
        tpu.enqueue_dma source(%arg6 : memref<512x128xf32, #tpu.memory_space<vmem>>) target(%dma_start3A_88 : memref<512x128xf32, #tpu.memory_space<hbm>>) target_semaphore(%run_scoped3A : memref<!tpu.dma_semaphore, #tpu.memory_space<semaphore_mem>>)
        %dma_wait3A_89 = arith.constant 0 : i32
        %dma_wait3A_90 = tpu.memref_slice %arg4[%add3A_84, %dma_wait3A_89] : memref<180224x128xf32, #tpu.memory_space<hbm>> -> memref<512x128xf32, #tpu.memory_space<hbm>>
        %dma_wait3A_91 = arith.constant 0 : i32
        %dma_wait3A_92 = tpu.memref_slice %arg4[%add3A_84, %dma_wait3A_91] : memref<180224x128xf32, #tpu.memory_space<hbm>> -> memref<512x128xf32, #tpu.memory_space<hbm>>
        tpu.wait_dma2 semaphore(%run_scoped3A : memref<!tpu.dma_semaphore, #tpu.memory_space<semaphore_mem>>) src(%arg6 : memref<512x128xf32, #tpu.memory_space<vmem>>) dst(%dma_wait3A_92 : memref<512x128xf32, #tpu.memory_space<hbm>>)
        tpu.yield
      }) : () -> ()
    }
    %scan3A_6 = arith.constant 11 : i32
    return
  }
}

#map = affine_map<(d0, d1) -> (0)>
#map1 = affine_map<(d0, d1) -> (0, 0)>
module attributes {stable_mosaic.version = 14 : i64} {
  func.func @body(%arg0: i32, %arg1: i32, %arg2: memref<180224xi32, #tpu.memory_space<hbm>>, %arg3: memref<10240x128xf32, #tpu.memory_space<hbm>>, %arg4: memref<180224x128xf32, #tpu.memory_space<hbm>>, %arg5: memref<5632xi32, #tpu.memory_space<vmem>>, %arg6: memref<512x128xf32, #tpu.memory_space<vmem>>, %arg7: memref<!tpu.dma_semaphore, #tpu.memory_space<semaphore_mem>>, %arg8: memref<!tpu.dma_semaphore, #tpu.memory_space<semaphore_mem>>, %arg9: memref<!tpu.dma_semaphore, #tpu.memory_space<semaphore_mem>>, %arg10: memref<!tpu.dma_semaphore, #tpu.memory_space<semaphore_mem>>) attributes {dimension_semantics = [#tpu.dimension_semantics<core_parallel>, #tpu.dimension_semantics<subcore_parallel>], iteration_bounds = array<i64: 2, 16>, scalar_prefetch = 0 : i64, scratch_operands = 6 : i64, tpu.core_type = #tpu.core_type<sc_vector_subcore>, window_params = [{transform_indices = #map}, {transform_indices = #map1}, {transform_indices = #map1}]} {
    %mul3A = arith.constant 16 : i32
    %mul3A_0 = arith.muli %arg0, %mul3A : i32
    %add3A = arith.addi %mul3A_0, %arg1 : i32
    %mul3A_1 = arith.constant 5632 : i32
    %mul3A_2 = arith.muli %add3A, %mul3A_1 : i32
    "tpu.region"() ({
      %run_scoped3A = tpu.sem_alloc : memref<!tpu.dma_semaphore, #tpu.memory_space<semaphore_mem>>
      %dma_start3A = tpu.memref_slice %arg2[%mul3A_2] : memref<180224xi32, #tpu.memory_space<hbm>> -> memref<5632xi32, #tpu.memory_space<hbm>>
      %dma_start3A_7 = tpu.memref_slice %arg2[%mul3A_2] : memref<180224xi32, #tpu.memory_space<hbm>> -> memref<5632xi32, #tpu.memory_space<hbm>>
      tpu.enqueue_dma source(%dma_start3A_7 : memref<5632xi32, #tpu.memory_space<hbm>>) target(%arg5 : memref<5632xi32, #tpu.memory_space<vmem>>) target_semaphore(%run_scoped3A : memref<!tpu.dma_semaphore, #tpu.memory_space<semaphore_mem>>)
      %dma_wait3A = tpu.memref_slice %arg2[%mul3A_2] : memref<180224xi32, #tpu.memory_space<hbm>> -> memref<5632xi32, #tpu.memory_space<hbm>>
      %dma_wait3A_8 = tpu.memref_slice %arg2[%mul3A_2] : memref<180224xi32, #tpu.memory_space<hbm>> -> memref<5632xi32, #tpu.memory_space<hbm>>
      tpu.wait_dma2 semaphore(%run_scoped3A : memref<!tpu.dma_semaphore, #tpu.memory_space<semaphore_mem>>) src(%dma_wait3A_8 : memref<5632xi32, #tpu.memory_space<hbm>>) dst(%arg5 : memref<5632xi32, #tpu.memory_space<vmem>>)
      tpu.yield
    }) : () -> ()
    %scan3A = arith.constant 0 : i32
    %scan3A_3 = arith.constant 11 : i32
    %scan3A_4 = arith.addi %scan3A, %scan3A_3 : i32
    %scan3A_5 = arith.constant 1 : i32
    scf.for %scan3A_7 = %scan3A to %scan3A_4 step %scan3A_5  : i32 {
      %mul3A_8 = arith.constant 4 : i32
      %mul3A_9 = arith.muli %scan3A_7, %mul3A_8 : i32
      %add3A_10 = arith.constant 0 : i32
      %add3A_11 = arith.addi %add3A_10, %mul3A_9 : i32
      %add3A_12 = arith.constant 0 : i32
      %add3A_13 = arith.addi %add3A_11, %add3A_12 : i32
      %mul3A_14 = arith.constant 128 : i32
      %mul3A_15 = arith.muli %add3A_13, %mul3A_14 : i32
      %dma_start3A = arith.constant 0 : i32
      %dma_start3A_16 = arith.constant 0 : i32
      %dma_start3A_17 = tpu.memref_slice %arg6[%dma_start3A, %dma_start3A_16] : memref<512x128xf32, #tpu.memory_space<vmem>> -> memref<128x128xf32, #tpu.memory_space<vmem>>
      %dma_start3A_18 = tpu.memref_slice %arg5[%mul3A_15] : memref<5632xi32, #tpu.memory_space<vmem>> -> memref<128xi32, #tpu.memory_space<vmem>>
      %dma_start3A_19 = arith.constant 0 : i32
      %dma_start3A_20 = arith.constant 0 : i32
      %dma_start3A_21 = tpu.memref_slice %arg3[%dma_start3A_19, %dma_start3A_20] : memref<10240x128xf32, #tpu.memory_space<hbm>> -> memref<10240x128xf32, #tpu.memory_space<hbm>>
      tpu.enqueue_indirect_dma source(%dma_start3A_21 : memref<10240x128xf32, #tpu.memory_space<hbm>>) target(%dma_start3A_17 : memref<128x128xf32, #tpu.memory_space<vmem>>) offsets(%dma_start3A_18 : memref<128xi32, #tpu.memory_space<vmem>>) semaphore(%arg7 : memref<!tpu.dma_semaphore, #tpu.memory_space<semaphore_mem>>)
      %add3A_22 = arith.constant 1 : i32
      %add3A_23 = arith.addi %add3A_11, %add3A_22 : i32
      %mul3A_24 = arith.constant 128 : i32
      %mul3A_25 = arith.muli %add3A_23, %mul3A_24 : i32
      %dma_start3A_26 = arith.constant 128 : i32
      %dma_start3A_27 = arith.constant 0 : i32
      %dma_start3A_28 = tpu.memref_slice %arg6[%dma_start3A_26, %dma_start3A_27] : memref<512x128xf32, #tpu.memory_space<vmem>> -> memref<128x128xf32, #tpu.memory_space<vmem>>
      %dma_start3A_29 = tpu.memref_slice %arg5[%mul3A_25] : memref<5632xi32, #tpu.memory_space<vmem>> -> memref<128xi32, #tpu.memory_space<vmem>>
      %dma_start3A_30 = arith.constant 0 : i32
      %dma_start3A_31 = arith.constant 0 : i32
      %dma_start3A_32 = tpu.memref_slice %arg3[%dma_start3A_30, %dma_start3A_31] : memref<10240x128xf32, #tpu.memory_space<hbm>> -> memref<10240x128xf32, #tpu.memory_space<hbm>>
      tpu.enqueue_indirect_dma source(%dma_start3A_32 : memref<10240x128xf32, #tpu.memory_space<hbm>>) target(%dma_start3A_28 : memref<128x128xf32, #tpu.memory_space<vmem>>) offsets(%dma_start3A_29 : memref<128xi32, #tpu.memory_space<vmem>>) semaphore(%arg8 : memref<!tpu.dma_semaphore, #tpu.memory_space<semaphore_mem>>)
      %add3A_33 = arith.constant 2 : i32
      %add3A_34 = arith.addi %add3A_11, %add3A_33 : i32
      %mul3A_35 = arith.constant 128 : i32
      %mul3A_36 = arith.muli %add3A_34, %mul3A_35 : i32
      %dma_start3A_37 = arith.constant 256 : i32
      %dma_start3A_38 = arith.constant 0 : i32
      %dma_start3A_39 = tpu.memref_slice %arg6[%dma_start3A_37, %dma_start3A_38] : memref<512x128xf32, #tpu.memory_space<vmem>> -> memref<128x128xf32, #tpu.memory_space<vmem>>
      %dma_start3A_40 = tpu.memref_slice %arg5[%mul3A_36] : memref<5632xi32, #tpu.memory_space<vmem>> -> memref<128xi32, #tpu.memory_space<vmem>>
      %dma_start3A_41 = arith.constant 0 : i32
      %dma_start3A_42 = arith.constant 0 : i32
      %dma_start3A_43 = tpu.memref_slice %arg3[%dma_start3A_41, %dma_start3A_42] : memref<10240x128xf32, #tpu.memory_space<hbm>> -> memref<10240x128xf32, #tpu.memory_space<hbm>>
      tpu.enqueue_indirect_dma source(%dma_start3A_43 : memref<10240x128xf32, #tpu.memory_space<hbm>>) target(%dma_start3A_39 : memref<128x128xf32, #tpu.memory_space<vmem>>) offsets(%dma_start3A_40 : memref<128xi32, #tpu.memory_space<vmem>>) semaphore(%arg9 : memref<!tpu.dma_semaphore, #tpu.memory_space<semaphore_mem>>)
      %add3A_44 = arith.constant 3 : i32
      %add3A_45 = arith.addi %add3A_11, %add3A_44 : i32
      %mul3A_46 = arith.constant 128 : i32
      %mul3A_47 = arith.muli %add3A_45, %mul3A_46 : i32
      %dma_start3A_48 = arith.constant 384 : i32
      %dma_start3A_49 = arith.constant 0 : i32
      %dma_start3A_50 = tpu.memref_slice %arg6[%dma_start3A_48, %dma_start3A_49] : memref<512x128xf32, #tpu.memory_space<vmem>> -> memref<128x128xf32, #tpu.memory_space<vmem>>
      %dma_start3A_51 = tpu.memref_slice %arg5[%mul3A_47] : memref<5632xi32, #tpu.memory_space<vmem>> -> memref<128xi32, #tpu.memory_space<vmem>>
      %dma_start3A_52 = arith.constant 0 : i32
      %dma_start3A_53 = arith.constant 0 : i32
      %dma_start3A_54 = tpu.memref_slice %arg3[%dma_start3A_52, %dma_start3A_53] : memref<10240x128xf32, #tpu.memory_space<hbm>> -> memref<10240x128xf32, #tpu.memory_space<hbm>>
      tpu.enqueue_indirect_dma source(%dma_start3A_54 : memref<10240x128xf32, #tpu.memory_space<hbm>>) target(%dma_start3A_50 : memref<128x128xf32, #tpu.memory_space<vmem>>) offsets(%dma_start3A_51 : memref<128xi32, #tpu.memory_space<vmem>>) semaphore(%arg10 : memref<!tpu.dma_semaphore, #tpu.memory_space<semaphore_mem>>)
      %dma_wait3A = arith.constant 0 : i32
      %dma_wait3A_55 = arith.constant 0 : i32
      %dma_wait3A_56 = tpu.memref_slice %arg6[%dma_wait3A, %dma_wait3A_55] : memref<512x128xf32, #tpu.memory_space<vmem>> -> memref<128x128xf32, #tpu.memory_space<vmem>>
      %dma_wait3A_57 = tpu.memref_slice %arg5[%mul3A_15] : memref<5632xi32, #tpu.memory_space<vmem>> -> memref<128xi32, #tpu.memory_space<vmem>>
      %dma_wait3A_58 = arith.constant 0 : i32
      %dma_wait3A_59 = arith.constant 0 : i32
      %dma_wait3A_60 = tpu.memref_slice %arg3[%dma_wait3A_58, %dma_wait3A_59] : memref<10240x128xf32, #tpu.memory_space<hbm>> -> memref<10240x128xf32, #tpu.memory_space<hbm>>
      tpu.wait_indirect_dma semaphore(%arg7 : memref<!tpu.dma_semaphore, #tpu.memory_space<semaphore_mem>>) src(%dma_wait3A_60 : memref<10240x128xf32, #tpu.memory_space<hbm>>) dst(%dma_wait3A_56 : memref<128x128xf32, #tpu.memory_space<vmem>>)
      %dma_wait3A_61 = arith.constant 128 : i32
      %dma_wait3A_62 = arith.constant 0 : i32
      %dma_wait3A_63 = tpu.memref_slice %arg6[%dma_wait3A_61, %dma_wait3A_62] : memref<512x128xf32, #tpu.memory_space<vmem>> -> memref<128x128xf32, #tpu.memory_space<vmem>>
      %dma_wait3A_64 = tpu.memref_slice %arg5[%mul3A_25] : memref<5632xi32, #tpu.memory_space<vmem>> -> memref<128xi32, #tpu.memory_space<vmem>>
      %dma_wait3A_65 = arith.constant 0 : i32
      %dma_wait3A_66 = arith.constant 0 : i32
      %dma_wait3A_67 = tpu.memref_slice %arg3[%dma_wait3A_65, %dma_wait3A_66] : memref<10240x128xf32, #tpu.memory_space<hbm>> -> memref<10240x128xf32, #tpu.memory_space<hbm>>
      tpu.wait_indirect_dma semaphore(%arg8 : memref<!tpu.dma_semaphore, #tpu.memory_space<semaphore_mem>>) src(%dma_wait3A_67 : memref<10240x128xf32, #tpu.memory_space<hbm>>) dst(%dma_wait3A_63 : memref<128x128xf32, #tpu.memory_space<vmem>>)
      %dma_wait3A_68 = arith.constant 256 : i32
      %dma_wait3A_69 = arith.constant 0 : i32
      %dma_wait3A_70 = tpu.memref_slice %arg6[%dma_wait3A_68, %dma_wait3A_69] : memref<512x128xf32, #tpu.memory_space<vmem>> -> memref<128x128xf32, #tpu.memory_space<vmem>>
      %dma_wait3A_71 = tpu.memref_slice %arg5[%mul3A_36] : memref<5632xi32, #tpu.memory_space<vmem>> -> memref<128xi32, #tpu.memory_space<vmem>>
      %dma_wait3A_72 = arith.constant 0 : i32
      %dma_wait3A_73 = arith.constant 0 : i32
      %dma_wait3A_74 = tpu.memref_slice %arg3[%dma_wait3A_72, %dma_wait3A_73] : memref<10240x128xf32, #tpu.memory_space<hbm>> -> memref<10240x128xf32, #tpu.memory_space<hbm>>
      tpu.wait_indirect_dma semaphore(%arg9 : memref<!tpu.dma_semaphore, #tpu.memory_space<semaphore_mem>>) src(%dma_wait3A_74 : memref<10240x128xf32, #tpu.memory_space<hbm>>) dst(%dma_wait3A_70 : memref<128x128xf32, #tpu.memory_space<vmem>>)
      %dma_wait3A_75 = arith.constant 384 : i32
      %dma_wait3A_76 = arith.constant 0 : i32
      %dma_wait3A_77 = tpu.memref_slice %arg6[%dma_wait3A_75, %dma_wait3A_76] : memref<512x128xf32, #tpu.memory_space<vmem>> -> memref<128x128xf32, #tpu.memory_space<vmem>>
      %dma_wait3A_78 = tpu.memref_slice %arg5[%mul3A_47] : memref<5632xi32, #tpu.memory_space<vmem>> -> memref<128xi32, #tpu.memory_space<vmem>>
      %dma_wait3A_79 = arith.constant 0 : i32
      %dma_wait3A_80 = arith.constant 0 : i32
      %dma_wait3A_81 = tpu.memref_slice %arg3[%dma_wait3A_79, %dma_wait3A_80] : memref<10240x128xf32, #tpu.memory_space<hbm>> -> memref<10240x128xf32, #tpu.memory_space<hbm>>
      tpu.wait_indirect_dma semaphore(%arg10 : memref<!tpu.dma_semaphore, #tpu.memory_space<semaphore_mem>>) src(%dma_wait3A_81 : memref<10240x128xf32, #tpu.memory_space<hbm>>) dst(%dma_wait3A_77 : memref<128x128xf32, #tpu.memory_space<vmem>>)
      %mul3A_82 = arith.constant 128 : i32
      %mul3A_83 = arith.muli %add3A_11, %mul3A_82 : i32
      %add3A_84 = arith.addi %mul3A_2, %mul3A_83 : i32
      "tpu.region"() ({
        %run_scoped3A = tpu.sem_alloc : memref<!tpu.dma_semaphore, #tpu.memory_space<semaphore_mem>>
        %dma_start3A_85 = arith.constant 0 : i32
        %dma_start3A_86 = tpu.memref_slice %arg4[%add3A_84, %dma_start3A_85] : memref<180224x128xf32, #tpu.memory_space<hbm>> -> memref<512x128xf32, #tpu.memory_space<hbm>>
        %dma_start3A_87 = arith.constant 0 : i32
        %dma_start3A_88 = tpu.memref_slice %arg4[%add3A_84, %dma_start3A_87] : memref<180224x128xf32, #tpu.memory_space<hbm>> -> memref<512x128xf32, #tpu.memory_space<hbm>>
        tpu.enqueue_dma source(%arg6 : memref<512x128xf32, #tpu.memory_space<vmem>>) target(%dma_start3A_88 : memref<512x128xf32, #tpu.memory_space<hbm>>) target_semaphore(%run_scoped3A : memref<!tpu.dma_semaphore, #tpu.memory_space<semaphore_mem>>)
        %dma_wait3A_89 = arith.constant 0 : i32
        %dma_wait3A_90 = tpu.memref_slice %arg4[%add3A_84, %dma_wait3A_89] : memref<180224x128xf32, #tpu.memory_space<hbm>> -> memref<512x128xf32, #tpu.memory_space<hbm>>
        %dma_wait3A_91 = arith.constant 0 : i32
        %dma_wait3A_92 = tpu.memref_slice %arg4[%add3A_84, %dma_wait3A_91] : memref<180224x128xf32, #tpu.memory_space<hbm>> -> memref<512x128xf32, #tpu.memory_space<hbm>>
        tpu.wait_dma2 semaphore(%run_scoped3A : memref<!tpu.dma_semaphore, #tpu.memory_space<semaphore_mem>>) src(%arg6 : memref<512x128xf32, #tpu.memory_space<vmem>>) dst(%dma_wait3A_92 : memref<512x128xf32, #tpu.memory_space<hbm>>)
        tpu.yield
      }) : () -> ()
    }
    %scan3A_6 = arith.constant 11 : i32
    return
  }
}

#map = affine_map<(d0, d1) -> (0)>
#map1 = affine_map<(d0, d1) -> (0, 0)>
module attributes {stable_mosaic.version = 14 : i64} {
  func.func @body(%arg0: i32, %arg1: i32, %arg2: memref<180224xi32, #tpu.memory_space<hbm>>, %arg3: memref<10240x128xf32, #tpu.memory_space<hbm>>, %arg4: memref<180224x128xf32, #tpu.memory_space<hbm>>, %arg5: memref<5632xi32, #tpu.memory_space<vmem>>, %arg6: memref<512x128xf32, #tpu.memory_space<vmem>>, %arg7: memref<!tpu.dma_semaphore, #tpu.memory_space<semaphore_mem>>, %arg8: memref<!tpu.dma_semaphore, #tpu.memory_space<semaphore_mem>>, %arg9: memref<!tpu.dma_semaphore, #tpu.memory_space<semaphore_mem>>, %arg10: memref<!tpu.dma_semaphore, #tpu.memory_space<semaphore_mem>>) attributes {dimension_semantics = [#tpu.dimension_semantics<core_parallel>, #tpu.dimension_semantics<subcore_parallel>], iteration_bounds = array<i64: 2, 16>, scalar_prefetch = 0 : i64, scratch_operands = 6 : i64, tpu.core_type = #tpu.core_type<sc_vector_subcore>, window_params = [{transform_indices = #map}, {transform_indices = #map1}, {transform_indices = #map1}]} {
    %mul3A = arith.constant 16 : i32
    %mul3A_0 = arith.muli %arg0, %mul3A : i32
    %add3A = arith.addi %mul3A_0, %arg1 : i32
    %mul3A_1 = arith.constant 5632 : i32
    %mul3A_2 = arith.muli %add3A, %mul3A_1 : i32
    "tpu.region"() ({
      %run_scoped3A = tpu.sem_alloc : memref<!tpu.dma_semaphore, #tpu.memory_space<semaphore_mem>>
      %dma_start3A = tpu.memref_slice %arg2[%mul3A_2] : memref<180224xi32, #tpu.memory_space<hbm>> -> memref<5632xi32, #tpu.memory_space<hbm>>
      %dma_start3A_7 = tpu.memref_slice %arg2[%mul3A_2] : memref<180224xi32, #tpu.memory_space<hbm>> -> memref<5632xi32, #tpu.memory_space<hbm>>
      tpu.enqueue_dma source(%dma_start3A_7 : memref<5632xi32, #tpu.memory_space<hbm>>) target(%arg5 : memref<5632xi32, #tpu.memory_space<vmem>>) target_semaphore(%run_scoped3A : memref<!tpu.dma_semaphore, #tpu.memory_space<semaphore_mem>>)
      %dma_wait3A = tpu.memref_slice %arg2[%mul3A_2] : memref<180224xi32, #tpu.memory_space<hbm>> -> memref<5632xi32, #tpu.memory_space<hbm>>
      %dma_wait3A_8 = tpu.memref_slice %arg2[%mul3A_2] : memref<180224xi32, #tpu.memory_space<hbm>> -> memref<5632xi32, #tpu.memory_space<hbm>>
      tpu.wait_dma2 semaphore(%run_scoped3A : memref<!tpu.dma_semaphore, #tpu.memory_space<semaphore_mem>>) src(%dma_wait3A_8 : memref<5632xi32, #tpu.memory_space<hbm>>) dst(%arg5 : memref<5632xi32, #tpu.memory_space<vmem>>)
      tpu.yield
    }) : () -> ()
    %scan3A = arith.constant 0 : i32
    %scan3A_3 = arith.constant 11 : i32
    %scan3A_4 = arith.addi %scan3A, %scan3A_3 : i32
    %scan3A_5 = arith.constant 1 : i32
    scf.for %scan3A_7 = %scan3A to %scan3A_4 step %scan3A_5  : i32 {
      %mul3A_8 = arith.constant 4 : i32
      %mul3A_9 = arith.muli %scan3A_7, %mul3A_8 : i32
      %add3A_10 = arith.constant 0 : i32
      %add3A_11 = arith.addi %add3A_10, %mul3A_9 : i32
      %add3A_12 = arith.constant 0 : i32
      %add3A_13 = arith.addi %add3A_11, %add3A_12 : i32
      %mul3A_14 = arith.constant 128 : i32
      %mul3A_15 = arith.muli %add3A_13, %mul3A_14 : i32
      %dma_start3A = arith.constant 0 : i32
      %dma_start3A_16 = arith.constant 0 : i32
      %dma_start3A_17 = tpu.memref_slice %arg6[%dma_start3A, %dma_start3A_16] : memref<512x128xf32, #tpu.memory_space<vmem>> -> memref<128x128xf32, #tpu.memory_space<vmem>>
      %dma_start3A_18 = tpu.memref_slice %arg5[%mul3A_15] : memref<5632xi32, #tpu.memory_space<vmem>> -> memref<128xi32, #tpu.memory_space<vmem>>
      %dma_start3A_19 = arith.constant 0 : i32
      %dma_start3A_20 = arith.constant 0 : i32
      %dma_start3A_21 = tpu.memref_slice %arg3[%dma_start3A_19, %dma_start3A_20] : memref<10240x128xf32, #tpu.memory_space<hbm>> -> memref<10240x128xf32, #tpu.memory_space<hbm>>
      tpu.enqueue_indirect_dma source(%dma_start3A_21 : memref<10240x128xf32, #tpu.memory_space<hbm>>) target(%dma_start3A_17 : memref<128x128xf32, #tpu.memory_space<vmem>>) offsets(%dma_start3A_18 : memref<128xi32, #tpu.memory_space<vmem>>) semaphore(%arg7 : memref<!tpu.dma_semaphore, #tpu.memory_space<semaphore_mem>>)
      %add3A_22 = arith.constant 1 : i32
      %add3A_23 = arith.addi %add3A_11, %add3A_22 : i32
      %mul3A_24 = arith.constant 128 : i32
      %mul3A_25 = arith.muli %add3A_23, %mul3A_24 : i32
      %dma_start3A_26 = arith.constant 128 : i32
      %dma_start3A_27 = arith.constant 0 : i32
      %dma_start3A_28 = tpu.memref_slice %arg6[%dma_start3A_26, %dma_start3A_27] : memref<512x128xf32, #tpu.memory_space<vmem>> -> memref<128x128xf32, #tpu.memory_space<vmem>>
      %dma_start3A_29 = tpu.memref_slice %arg5[%mul3A_25] : memref<5632xi32, #tpu.memory_space<vmem>> -> memref<128xi32, #tpu.memory_space<vmem>>
      %dma_start3A_30 = arith.constant 0 : i32
      %dma_start3A_31 = arith.constant 0 : i32
      %dma_start3A_32 = tpu.memref_slice %arg3[%dma_start3A_30, %dma_start3A_31] : memref<10240x128xf32, #tpu.memory_space<hbm>> -> memref<10240x128xf32, #tpu.memory_space<hbm>>
      tpu.enqueue_indirect_dma source(%dma_start3A_32 : memref<10240x128xf32, #tpu.memory_space<hbm>>) target(%dma_start3A_28 : memref<128x128xf32, #tpu.memory_space<vmem>>) offsets(%dma_start3A_29 : memref<128xi32, #tpu.memory_space<vmem>>) semaphore(%arg8 : memref<!tpu.dma_semaphore, #tpu.memory_space<semaphore_mem>>)
      %add3A_33 = arith.constant 2 : i32
      %add3A_34 = arith.addi %add3A_11, %add3A_33 : i32
      %mul3A_35 = arith.constant 128 : i32
      %mul3A_36 = arith.muli %add3A_34, %mul3A_35 : i32
      %dma_start3A_37 = arith.constant 256 : i32
      %dma_start3A_38 = arith.constant 0 : i32
      %dma_start3A_39 = tpu.memref_slice %arg6[%dma_start3A_37, %dma_start3A_38] : memref<512x128xf32, #tpu.memory_space<vmem>> -> memref<128x128xf32, #tpu.memory_space<vmem>>
      %dma_start3A_40 = tpu.memref_slice %arg5[%mul3A_36] : memref<5632xi32, #tpu.memory_space<vmem>> -> memref<128xi32, #tpu.memory_space<vmem>>
      %dma_start3A_41 = arith.constant 0 : i32
      %dma_start3A_42 = arith.constant 0 : i32
      %dma_start3A_43 = tpu.memref_slice %arg3[%dma_start3A_41, %dma_start3A_42] : memref<10240x128xf32, #tpu.memory_space<hbm>> -> memref<10240x128xf32, #tpu.memory_space<hbm>>
      tpu.enqueue_indirect_dma source(%dma_start3A_43 : memref<10240x128xf32, #tpu.memory_space<hbm>>) target(%dma_start3A_39 : memref<128x128xf32, #tpu.memory_space<vmem>>) offsets(%dma_start3A_40 : memref<128xi32, #tpu.memory_space<vmem>>) semaphore(%arg9 : memref<!tpu.dma_semaphore, #tpu.memory_space<semaphore_mem>>)
      %add3A_44 = arith.constant 3 : i32
      %add3A_45 = arith.addi %add3A_11, %add3A_44 : i32
      %mul3A_46 = arith.constant 128 : i32
      %mul3A_47 = arith.muli %add3A_45, %mul3A_46 : i32
      %dma_start3A_48 = arith.constant 384 : i32
      %dma_start3A_49 = arith.constant 0 : i32
      %dma_start3A_50 = tpu.memref_slice %arg6[%dma_start3A_48, %dma_start3A_49] : memref<512x128xf32, #tpu.memory_space<vmem>> -> memref<128x128xf32, #tpu.memory_space<vmem>>
      %dma_start3A_51 = tpu.memref_slice %arg5[%mul3A_47] : memref<5632xi32, #tpu.memory_space<vmem>> -> memref<128xi32, #tpu.memory_space<vmem>>
      %dma_start3A_52 = arith.constant 0 : i32
      %dma_start3A_53 = arith.constant 0 : i32
      %dma_start3A_54 = tpu.memref_slice %arg3[%dma_start3A_52, %dma_start3A_53] : memref<10240x128xf32, #tpu.memory_space<hbm>> -> memref<10240x128xf32, #tpu.memory_space<hbm>>
      tpu.enqueue_indirect_dma source(%dma_start3A_54 : memref<10240x128xf32, #tpu.memory_space<hbm>>) target(%dma_start3A_50 : memref<128x128xf32, #tpu.memory_space<vmem>>) offsets(%dma_start3A_51 : memref<128xi32, #tpu.memory_space<vmem>>) semaphore(%arg10 : memref<!tpu.dma_semaphore, #tpu.memory_space<semaphore_mem>>)
      %dma_wait3A = arith.constant 0 : i32
      %dma_wait3A_55 = arith.constant 0 : i32
      %dma_wait3A_56 = tpu.memref_slice %arg6[%dma_wait3A, %dma_wait3A_55] : memref<512x128xf32, #tpu.memory_space<vmem>> -> memref<128x128xf32, #tpu.memory_space<vmem>>
      %dma_wait3A_57 = tpu.memref_slice %arg5[%mul3A_15] : memref<5632xi32, #tpu.memory_space<vmem>> -> memref<128xi32, #tpu.memory_space<vmem>>
      %dma_wait3A_58 = arith.constant 0 : i32
      %dma_wait3A_59 = arith.constant 0 : i32
      %dma_wait3A_60 = tpu.memref_slice %arg3[%dma_wait3A_58, %dma_wait3A_59] : memref<10240x128xf32, #tpu.memory_space<hbm>> -> memref<10240x128xf32, #tpu.memory_space<hbm>>
      tpu.wait_indirect_dma semaphore(%arg7 : memref<!tpu.dma_semaphore, #tpu.memory_space<semaphore_mem>>) src(%dma_wait3A_60 : memref<10240x128xf32, #tpu.memory_space<hbm>>) dst(%dma_wait3A_56 : memref<128x128xf32, #tpu.memory_space<vmem>>)
      %dma_wait3A_61 = arith.constant 128 : i32
      %dma_wait3A_62 = arith.constant 0 : i32
      %dma_wait3A_63 = tpu.memref_slice %arg6[%dma_wait3A_61, %dma_wait3A_62] : memref<512x128xf32, #tpu.memory_space<vmem>> -> memref<128x128xf32, #tpu.memory_space<vmem>>
      %dma_wait3A_64 = tpu.memref_slice %arg5[%mul3A_25] : memref<5632xi32, #tpu.memory_space<vmem>> -> memref<128xi32, #tpu.memory_space<vmem>>
      %dma_wait3A_65 = arith.constant 0 : i32
      %dma_wait3A_66 = arith.constant 0 : i32
      %dma_wait3A_67 = tpu.memref_slice %arg3[%dma_wait3A_65, %dma_wait3A_66] : memref<10240x128xf32, #tpu.memory_space<hbm>> -> memref<10240x128xf32, #tpu.memory_space<hbm>>
      tpu.wait_indirect_dma semaphore(%arg8 : memref<!tpu.dma_semaphore, #tpu.memory_space<semaphore_mem>>) src(%dma_wait3A_67 : memref<10240x128xf32, #tpu.memory_space<hbm>>) dst(%dma_wait3A_63 : memref<128x128xf32, #tpu.memory_space<vmem>>)
      %dma_wait3A_68 = arith.constant 256 : i32
      %dma_wait3A_69 = arith.constant 0 : i32
      %dma_wait3A_70 = tpu.memref_slice %arg6[%dma_wait3A_68, %dma_wait3A_69] : memref<512x128xf32, #tpu.memory_space<vmem>> -> memref<128x128xf32, #tpu.memory_space<vmem>>
      %dma_wait3A_71 = tpu.memref_slice %arg5[%mul3A_36] : memref<5632xi32, #tpu.memory_space<vmem>> -> memref<128xi32, #tpu.memory_space<vmem>>
      %dma_wait3A_72 = arith.constant 0 : i32
      %dma_wait3A_73 = arith.constant 0 : i32
      %dma_wait3A_74 = tpu.memref_slice %arg3[%dma_wait3A_72, %dma_wait3A_73] : memref<10240x128xf32, #tpu.memory_space<hbm>> -> memref<10240x128xf32, #tpu.memory_space<hbm>>
      tpu.wait_indirect_dma semaphore(%arg9 : memref<!tpu.dma_semaphore, #tpu.memory_space<semaphore_mem>>) src(%dma_wait3A_74 : memref<10240x128xf32, #tpu.memory_space<hbm>>) dst(%dma_wait3A_70 : memref<128x128xf32, #tpu.memory_space<vmem>>)
      %dma_wait3A_75 = arith.constant 384 : i32
      %dma_wait3A_76 = arith.constant 0 : i32
      %dma_wait3A_77 = tpu.memref_slice %arg6[%dma_wait3A_75, %dma_wait3A_76] : memref<512x128xf32, #tpu.memory_space<vmem>> -> memref<128x128xf32, #tpu.memory_space<vmem>>
      %dma_wait3A_78 = tpu.memref_slice %arg5[%mul3A_47] : memref<5632xi32, #tpu.memory_space<vmem>> -> memref<128xi32, #tpu.memory_space<vmem>>
      %dma_wait3A_79 = arith.constant 0 : i32
      %dma_wait3A_80 = arith.constant 0 : i32
      %dma_wait3A_81 = tpu.memref_slice %arg3[%dma_wait3A_79, %dma_wait3A_80] : memref<10240x128xf32, #tpu.memory_space<hbm>> -> memref<10240x128xf32, #tpu.memory_space<hbm>>
      tpu.wait_indirect_dma semaphore(%arg10 : memref<!tpu.dma_semaphore, #tpu.memory_space<semaphore_mem>>) src(%dma_wait3A_81 : memref<10240x128xf32, #tpu.memory_space<hbm>>) dst(%dma_wait3A_77 : memref<128x128xf32, #tpu.memory_space<vmem>>)
      %mul3A_82 = arith.constant 128 : i32
      %mul3A_83 = arith.muli %add3A_11, %mul3A_82 : i32
      %add3A_84 = arith.addi %mul3A_2, %mul3A_83 : i32
      "tpu.region"() ({
        %run_scoped3A = tpu.sem_alloc : memref<!tpu.dma_semaphore, #tpu.memory_space<semaphore_mem>>
        %dma_start3A_85 = arith.constant 0 : i32
        %dma_start3A_86 = tpu.memref_slice %arg4[%add3A_84, %dma_start3A_85] : memref<180224x128xf32, #tpu.memory_space<hbm>> -> memref<512x128xf32, #tpu.memory_space<hbm>>
        %dma_start3A_87 = arith.constant 0 : i32
        %dma_start3A_88 = tpu.memref_slice %arg4[%add3A_84, %dma_start3A_87] : memref<180224x128xf32, #tpu.memory_space<hbm>> -> memref<512x128xf32, #tpu.memory_space<hbm>>
        tpu.enqueue_dma source(%arg6 : memref<512x128xf32, #tpu.memory_space<vmem>>) target(%dma_start3A_88 : memref<512x128xf32, #tpu.memory_space<hbm>>) target_semaphore(%run_scoped3A : memref<!tpu.dma_semaphore, #tpu.memory_space<semaphore_mem>>)
        %dma_wait3A_89 = arith.constant 0 : i32
        %dma_wait3A_90 = tpu.memref_slice %arg4[%add3A_84, %dma_wait3A_89] : memref<180224x128xf32, #tpu.memory_space<hbm>> -> memref<512x128xf32, #tpu.memory_space<hbm>>
        %dma_wait3A_91 = arith.constant 0 : i32
        %dma_wait3A_92 = tpu.memref_slice %arg4[%add3A_84, %dma_wait3A_91] : memref<180224x128xf32, #tpu.memory_space<hbm>> -> memref<512x128xf32, #tpu.memory_space<hbm>>
        tpu.wait_dma2 semaphore(%run_scoped3A : memref<!tpu.dma_semaphore, #tpu.memory_space<semaphore_mem>>) src(%arg6 : memref<512x128xf32, #tpu.memory_space<vmem>>) dst(%dma_wait3A_92 : memref<512x128xf32, #tpu.memory_space<hbm>>)
        tpu.yield
      }) : () -> ()
    }
    %scan3A_6 = arith.constant 11 : i32
    return
  }
}

#map = affine_map<(d0, d1) -> (0)>
#map1 = affine_map<(d0, d1) -> (0, 0)>
module attributes {stable_mosaic.version = 14 : i64} {
  func.func @body(%arg0: i32, %arg1: i32, %arg2: memref<180224xi32, #tpu.memory_space<hbm>>, %arg3: memref<10240x128xf32, #tpu.memory_space<hbm>>, %arg4: memref<180224x128xf32, #tpu.memory_space<hbm>>, %arg5: memref<5632xi32, #tpu.memory_space<vmem>>, %arg6: memref<512x128xf32, #tpu.memory_space<vmem>>, %arg7: memref<!tpu.dma_semaphore, #tpu.memory_space<semaphore_mem>>, %arg8: memref<!tpu.dma_semaphore, #tpu.memory_space<semaphore_mem>>, %arg9: memref<!tpu.dma_semaphore, #tpu.memory_space<semaphore_mem>>, %arg10: memref<!tpu.dma_semaphore, #tpu.memory_space<semaphore_mem>>) attributes {dimension_semantics = [#tpu.dimension_semantics<core_parallel>, #tpu.dimension_semantics<subcore_parallel>], iteration_bounds = array<i64: 2, 16>, scalar_prefetch = 0 : i64, scratch_operands = 6 : i64, tpu.core_type = #tpu.core_type<sc_vector_subcore>, window_params = [{transform_indices = #map}, {transform_indices = #map1}, {transform_indices = #map1}]} {
    %mul3A = arith.constant 16 : i32
    %mul3A_0 = arith.muli %arg0, %mul3A : i32
    %add3A = arith.addi %mul3A_0, %arg1 : i32
    %mul3A_1 = arith.constant 5632 : i32
    %mul3A_2 = arith.muli %add3A, %mul3A_1 : i32
    "tpu.region"() ({
      %run_scoped3A = tpu.sem_alloc : memref<!tpu.dma_semaphore, #tpu.memory_space<semaphore_mem>>
      %dma_start3A = tpu.memref_slice %arg2[%mul3A_2] : memref<180224xi32, #tpu.memory_space<hbm>> -> memref<5632xi32, #tpu.memory_space<hbm>>
      %dma_start3A_7 = tpu.memref_slice %arg2[%mul3A_2] : memref<180224xi32, #tpu.memory_space<hbm>> -> memref<5632xi32, #tpu.memory_space<hbm>>
      tpu.enqueue_dma source(%dma_start3A_7 : memref<5632xi32, #tpu.memory_space<hbm>>) target(%arg5 : memref<5632xi32, #tpu.memory_space<vmem>>) target_semaphore(%run_scoped3A : memref<!tpu.dma_semaphore, #tpu.memory_space<semaphore_mem>>)
      %dma_wait3A = tpu.memref_slice %arg2[%mul3A_2] : memref<180224xi32, #tpu.memory_space<hbm>> -> memref<5632xi32, #tpu.memory_space<hbm>>
      %dma_wait3A_8 = tpu.memref_slice %arg2[%mul3A_2] : memref<180224xi32, #tpu.memory_space<hbm>> -> memref<5632xi32, #tpu.memory_space<hbm>>
      tpu.wait_dma2 semaphore(%run_scoped3A : memref<!tpu.dma_semaphore, #tpu.memory_space<semaphore_mem>>) src(%dma_wait3A_8 : memref<5632xi32, #tpu.memory_space<hbm>>) dst(%arg5 : memref<5632xi32, #tpu.memory_space<vmem>>)
      tpu.yield
    }) : () -> ()
    %scan3A = arith.constant 0 : i32
    %scan3A_3 = arith.constant 11 : i32
    %scan3A_4 = arith.addi %scan3A, %scan3A_3 : i32
    %scan3A_5 = arith.constant 1 : i32
    scf.for %scan3A_7 = %scan3A to %scan3A_4 step %scan3A_5  : i32 {
      %mul3A_8 = arith.constant 4 : i32
      %mul3A_9 = arith.muli %scan3A_7, %mul3A_8 : i32
      %add3A_10 = arith.constant 0 : i32
      %add3A_11 = arith.addi %add3A_10, %mul3A_9 : i32
      %add3A_12 = arith.constant 0 : i32
      %add3A_13 = arith.addi %add3A_11, %add3A_12 : i32
      %mul3A_14 = arith.constant 128 : i32
      %mul3A_15 = arith.muli %add3A_13, %mul3A_14 : i32
      %dma_start3A = arith.constant 0 : i32
      %dma_start3A_16 = arith.constant 0 : i32
      %dma_start3A_17 = tpu.memref_slice %arg6[%dma_start3A, %dma_start3A_16] : memref<512x128xf32, #tpu.memory_space<vmem>> -> memref<128x128xf32, #tpu.memory_space<vmem>>
      %dma_start3A_18 = tpu.memref_slice %arg5[%mul3A_15] : memref<5632xi32, #tpu.memory_space<vmem>> -> memref<128xi32, #tpu.memory_space<vmem>>
      %dma_start3A_19 = arith.constant 0 : i32
      %dma_start3A_20 = arith.constant 0 : i32
      %dma_start3A_21 = tpu.memref_slice %arg3[%dma_start3A_19, %dma_start3A_20] : memref<10240x128xf32, #tpu.memory_space<hbm>> -> memref<10240x128xf32, #tpu.memory_space<hbm>>
      tpu.enqueue_indirect_dma source(%dma_start3A_21 : memref<10240x128xf32, #tpu.memory_space<hbm>>) target(%dma_start3A_17 : memref<128x128xf32, #tpu.memory_space<vmem>>) offsets(%dma_start3A_18 : memref<128xi32, #tpu.memory_space<vmem>>) semaphore(%arg7 : memref<!tpu.dma_semaphore, #tpu.memory_space<semaphore_mem>>)
      %add3A_22 = arith.constant 1 : i32
      %add3A_23 = arith.addi %add3A_11, %add3A_22 : i32
      %mul3A_24 = arith.constant 128 : i32
      %mul3A_25 = arith.muli %add3A_23, %mul3A_24 : i32
      %dma_start3A_26 = arith.constant 128 : i32
      %dma_start3A_27 = arith.constant 0 : i32
      %dma_start3A_28 = tpu.memref_slice %arg6[%dma_start3A_26, %dma_start3A_27] : memref<512x128xf32, #tpu.memory_space<vmem>> -> memref<128x128xf32, #tpu.memory_space<vmem>>
      %dma_start3A_29 = tpu.memref_slice %arg5[%mul3A_25] : memref<5632xi32, #tpu.memory_space<vmem>> -> memref<128xi32, #tpu.memory_space<vmem>>
      %dma_start3A_30 = arith.constant 0 : i32
      %dma_start3A_31 = arith.constant 0 : i32
      %dma_start3A_32 = tpu.memref_slice %arg3[%dma_start3A_30, %dma_start3A_31] : memref<10240x128xf32, #tpu.memory_space<hbm>> -> memref<10240x128xf32, #tpu.memory_space<hbm>>
      tpu.enqueue_indirect_dma source(%dma_start3A_32 : memref<10240x128xf32, #tpu.memory_space<hbm>>) target(%dma_start3A_28 : memref<128x128xf32, #tpu.memory_space<vmem>>) offsets(%dma_start3A_29 : memref<128xi32, #tpu.memory_space<vmem>>) semaphore(%arg8 : memref<!tpu.dma_semaphore, #tpu.memory_space<semaphore_mem>>)
      %add3A_33 = arith.constant 2 : i32
      %add3A_34 = arith.addi %add3A_11, %add3A_33 : i32
      %mul3A_35 = arith.constant 128 : i32
      %mul3A_36 = arith.muli %add3A_34, %mul3A_35 : i32
      %dma_start3A_37 = arith.constant 256 : i32
      %dma_start3A_38 = arith.constant 0 : i32
      %dma_start3A_39 = tpu.memref_slice %arg6[%dma_start3A_37, %dma_start3A_38] : memref<512x128xf32, #tpu.memory_space<vmem>> -> memref<128x128xf32, #tpu.memory_space<vmem>>
      %dma_start3A_40 = tpu.memref_slice %arg5[%mul3A_36] : memref<5632xi32, #tpu.memory_space<vmem>> -> memref<128xi32, #tpu.memory_space<vmem>>
      %dma_start3A_41 = arith.constant 0 : i32
      %dma_start3A_42 = arith.constant 0 : i32
      %dma_start3A_43 = tpu.memref_slice %arg3[%dma_start3A_41, %dma_start3A_42] : memref<10240x128xf32, #tpu.memory_space<hbm>> -> memref<10240x128xf32, #tpu.memory_space<hbm>>
      tpu.enqueue_indirect_dma source(%dma_start3A_43 : memref<10240x128xf32, #tpu.memory_space<hbm>>) target(%dma_start3A_39 : memref<128x128xf32, #tpu.memory_space<vmem>>) offsets(%dma_start3A_40 : memref<128xi32, #tpu.memory_space<vmem>>) semaphore(%arg9 : memref<!tpu.dma_semaphore, #tpu.memory_space<semaphore_mem>>)
      %add3A_44 = arith.constant 3 : i32
      %add3A_45 = arith.addi %add3A_11, %add3A_44 : i32
      %mul3A_46 = arith.constant 128 : i32
      %mul3A_47 = arith.muli %add3A_45, %mul3A_46 : i32
      %dma_start3A_48 = arith.constant 384 : i32
      %dma_start3A_49 = arith.constant 0 : i32
      %dma_start3A_50 = tpu.memref_slice %arg6[%dma_start3A_48, %dma_start3A_49] : memref<512x128xf32, #tpu.memory_space<vmem>> -> memref<128x128xf32, #tpu.memory_space<vmem>>
      %dma_start3A_51 = tpu.memref_slice %arg5[%mul3A_47] : memref<5632xi32, #tpu.memory_space<vmem>> -> memref<128xi32, #tpu.memory_space<vmem>>
      %dma_start3A_52 = arith.constant 0 : i32
      %dma_start3A_53 = arith.constant 0 : i32
      %dma_start3A_54 = tpu.memref_slice %arg3[%dma_start3A_52, %dma_start3A_53] : memref<10240x128xf32, #tpu.memory_space<hbm>> -> memref<10240x128xf32, #tpu.memory_space<hbm>>
      tpu.enqueue_indirect_dma source(%dma_start3A_54 : memref<10240x128xf32, #tpu.memory_space<hbm>>) target(%dma_start3A_50 : memref<128x128xf32, #tpu.memory_space<vmem>>) offsets(%dma_start3A_51 : memref<128xi32, #tpu.memory_space<vmem>>) semaphore(%arg10 : memref<!tpu.dma_semaphore, #tpu.memory_space<semaphore_mem>>)
      %dma_wait3A = arith.constant 0 : i32
      %dma_wait3A_55 = arith.constant 0 : i32
      %dma_wait3A_56 = tpu.memref_slice %arg6[%dma_wait3A, %dma_wait3A_55] : memref<512x128xf32, #tpu.memory_space<vmem>> -> memref<128x128xf32, #tpu.memory_space<vmem>>
      %dma_wait3A_57 = tpu.memref_slice %arg5[%mul3A_15] : memref<5632xi32, #tpu.memory_space<vmem>> -> memref<128xi32, #tpu.memory_space<vmem>>
      %dma_wait3A_58 = arith.constant 0 : i32
      %dma_wait3A_59 = arith.constant 0 : i32
      %dma_wait3A_60 = tpu.memref_slice %arg3[%dma_wait3A_58, %dma_wait3A_59] : memref<10240x128xf32, #tpu.memory_space<hbm>> -> memref<10240x128xf32, #tpu.memory_space<hbm>>
      tpu.wait_indirect_dma semaphore(%arg7 : memref<!tpu.dma_semaphore, #tpu.memory_space<semaphore_mem>>) src(%dma_wait3A_60 : memref<10240x128xf32, #tpu.memory_space<hbm>>) dst(%dma_wait3A_56 : memref<128x128xf32, #tpu.memory_space<vmem>>)
      %dma_wait3A_61 = arith.constant 128 : i32
      %dma_wait3A_62 = arith.constant 0 : i32
      %dma_wait3A_63 = tpu.memref_slice %arg6[%dma_wait3A_61, %dma_wait3A_62] : memref<512x128xf32, #tpu.memory_space<vmem>> -> memref<128x128xf32, #tpu.memory_space<vmem>>
      %dma_wait3A_64 = tpu.memref_slice %arg5[%mul3A_25] : memref<5632xi32, #tpu.memory_space<vmem>> -> memref<128xi32, #tpu.memory_space<vmem>>
      %dma_wait3A_65 = arith.constant 0 : i32
      %dma_wait3A_66 = arith.constant 0 : i32
      %dma_wait3A_67 = tpu.memref_slice %arg3[%dma_wait3A_65, %dma_wait3A_66] : memref<10240x128xf32, #tpu.memory_space<hbm>> -> memref<10240x128xf32, #tpu.memory_space<hbm>>
      tpu.wait_indirect_dma semaphore(%arg8 : memref<!tpu.dma_semaphore, #tpu.memory_space<semaphore_mem>>) src(%dma_wait3A_67 : memref<10240x128xf32, #tpu.memory_space<hbm>>) dst(%dma_wait3A_63 : memref<128x128xf32, #tpu.memory_space<vmem>>)
      %dma_wait3A_68 = arith.constant 256 : i32
      %dma_wait3A_69 = arith.constant 0 : i32
      %dma_wait3A_70 = tpu.memref_slice %arg6[%dma_wait3A_68, %dma_wait3A_69] : memref<512x128xf32, #tpu.memory_space<vmem>> -> memref<128x128xf32, #tpu.memory_space<vmem>>
      %dma_wait3A_71 = tpu.memref_slice %arg5[%mul3A_36] : memref<5632xi32, #tpu.memory_space<vmem>> -> memref<128xi32, #tpu.memory_space<vmem>>
      %dma_wait3A_72 = arith.constant 0 : i32
      %dma_wait3A_73 = arith.constant 0 : i32
      %dma_wait3A_74 = tpu.memref_slice %arg3[%dma_wait3A_72, %dma_wait3A_73] : memref<10240x128xf32, #tpu.memory_space<hbm>> -> memref<10240x128xf32, #tpu.memory_space<hbm>>
      tpu.wait_indirect_dma semaphore(%arg9 : memref<!tpu.dma_semaphore, #tpu.memory_space<semaphore_mem>>) src(%dma_wait3A_74 : memref<10240x128xf32, #tpu.memory_space<hbm>>) dst(%dma_wait3A_70 : memref<128x128xf32, #tpu.memory_space<vmem>>)
      %dma_wait3A_75 = arith.constant 384 : i32
      %dma_wait3A_76 = arith.constant 0 : i32
      %dma_wait3A_77 = tpu.memref_slice %arg6[%dma_wait3A_75, %dma_wait3A_76] : memref<512x128xf32, #tpu.memory_space<vmem>> -> memref<128x128xf32, #tpu.memory_space<vmem>>
      %dma_wait3A_78 = tpu.memref_slice %arg5[%mul3A_47] : memref<5632xi32, #tpu.memory_space<vmem>> -> memref<128xi32, #tpu.memory_space<vmem>>
      %dma_wait3A_79 = arith.constant 0 : i32
      %dma_wait3A_80 = arith.constant 0 : i32
      %dma_wait3A_81 = tpu.memref_slice %arg3[%dma_wait3A_79, %dma_wait3A_80] : memref<10240x128xf32, #tpu.memory_space<hbm>> -> memref<10240x128xf32, #tpu.memory_space<hbm>>
      tpu.wait_indirect_dma semaphore(%arg10 : memref<!tpu.dma_semaphore, #tpu.memory_space<semaphore_mem>>) src(%dma_wait3A_81 : memref<10240x128xf32, #tpu.memory_space<hbm>>) dst(%dma_wait3A_77 : memref<128x128xf32, #tpu.memory_space<vmem>>)
      %mul3A_82 = arith.constant 128 : i32
      %mul3A_83 = arith.muli %add3A_11, %mul3A_82 : i32
      %add3A_84 = arith.addi %mul3A_2, %mul3A_83 : i32
      "tpu.region"() ({
        %run_scoped3A = tpu.sem_alloc : memref<!tpu.dma_semaphore, #tpu.memory_space<semaphore_mem>>
        %dma_start3A_85 = arith.constant 0 : i32
        %dma_start3A_86 = tpu.memref_slice %arg4[%add3A_84, %dma_start3A_85] : memref<180224x128xf32, #tpu.memory_space<hbm>> -> memref<512x128xf32, #tpu.memory_space<hbm>>
        %dma_start3A_87 = arith.constant 0 : i32
        %dma_start3A_88 = tpu.memref_slice %arg4[%add3A_84, %dma_start3A_87] : memref<180224x128xf32, #tpu.memory_space<hbm>> -> memref<512x128xf32, #tpu.memory_space<hbm>>
        tpu.enqueue_dma source(%arg6 : memref<512x128xf32, #tpu.memory_space<vmem>>) target(%dma_start3A_88 : memref<512x128xf32, #tpu.memory_space<hbm>>) target_semaphore(%run_scoped3A : memref<!tpu.dma_semaphore, #tpu.memory_space<semaphore_mem>>)
        %dma_wait3A_89 = arith.constant 0 : i32
        %dma_wait3A_90 = tpu.memref_slice %arg4[%add3A_84, %dma_wait3A_89] : memref<180224x128xf32, #tpu.memory_space<hbm>> -> memref<512x128xf32, #tpu.memory_space<hbm>>
        %dma_wait3A_91 = arith.constant 0 : i32
        %dma_wait3A_92 = tpu.memref_slice %arg4[%add3A_84, %dma_wait3A_91] : memref<180224x128xf32, #tpu.memory_space<hbm>> -> memref<512x128xf32, #tpu.memory_space<hbm>>
        tpu.wait_dma2 semaphore(%run_scoped3A : memref<!tpu.dma_semaphore, #tpu.memory_space<semaphore_mem>>) src(%arg6 : memref<512x128xf32, #tpu.memory_space<vmem>>) dst(%dma_wait3A_92 : memref<512x128xf32, #tpu.memory_space<hbm>>)
        tpu.yield
      }) : () -> ()
    }
    %scan3A_6 = arith.constant 11 : i32
    return
  }
}

module attributes {stable_mosaic.version = 14 : i64} {
  func.func @_dense_first_body(%arg0: i32, %arg1: memref<1024x8xf32, #tpu.memory_space<vmem>>, %arg2: memref<8x256xf32, #tpu.memory_space<vmem>>, %arg3: memref<8x256xf32, #tpu.memory_space<vmem>>, %arg4: memref<256x128xf32, #tpu.memory_space<vmem>>, %arg5: memref<256x128xf32, #tpu.memory_space<vmem>>, %arg6: memref<8x128xf32, #tpu.memory_space<vmem>>, %arg7: memref<1024x256xf32, #tpu.memory_space<vmem>>, %arg8: memref<1024x128xf32, #tpu.memory_space<vmem>>, %arg9: memref<1024x128xf32, #tpu.memory_space<vmem>>) attributes {dimension_semantics = [#tpu.dimension_semantics<arbitrary>], iteration_bounds = array<i64: 10>, scalar_prefetch = 0 : i64, scratch_operands = 0 : i64, tpu.core_type = #tpu.core_type<tc>, window_params = [{transform_indices = @transform_0, window_bounds = array<i64: 1024, 8>}, {pipeline_mode = #tpu.pipeline_mode<synchronous>, transform_indices = @transform_1, window_bounds = array<i64: 8, 256>}, {pipeline_mode = #tpu.pipeline_mode<synchronous>, transform_indices = @transform_2, window_bounds = array<i64: 8, 256>}, {pipeline_mode = #tpu.pipeline_mode<synchronous>, transform_indices = @transform_3, window_bounds = array<i64: 256, 128>}, {pipeline_mode = #tpu.pipeline_mode<synchronous>, transform_indices = @transform_4, window_bounds = array<i64: 256, 128>}, {pipeline_mode = #tpu.pipeline_mode<synchronous>, transform_indices = @transform_5, window_bounds = array<i64: 8, 128>}, {transform_indices = @transform_6, window_bounds = array<i64: 1024, 256>}, {transform_indices = @transform_7, window_bounds = array<i64: 1024, 128>}, {transform_indices = @transform_8, window_bounds = array<i64: 1024, 128>}]} {
    %get3A = arith.constant 0 : index
    %get3A_0 = arith.constant 0 : index
    %get3A_1 = vector.load %arg1[%get3A, %get3A_0] : memref<1024x8xf32, #tpu.memory_space<vmem>>, vector<1024x1xf32>
    %get3A_2 = arith.constant 0 : index
    %get3A_3 = arith.constant 0 : index
    %get3A_4 = vector.load %arg2[%get3A_2, %get3A_3] : memref<8x256xf32, #tpu.memory_space<vmem>>, vector<1x256xf32>
    %mul3A = vector.broadcast %get3A_1 : vector<1024x1xf32> to vector<1024x256xf32>
    %mul3A_5 = vector.broadcast %get3A_4 : vector<1x256xf32> to vector<1024x256xf32>
    %mul3A_6 = arith.mulf %mul3A, %mul3A_5 : vector<1024x256xf32>
    %get3A_7 = arith.constant 0 : index
    %get3A_8 = arith.constant 1 : index
    %get3A_9 = vector.load %arg1[%get3A_7, %get3A_8] : memref<1024x8xf32, #tpu.memory_space<vmem>>, vector<1024x1xf32>
    %get3A_10 = arith.constant 1 : index
    %get3A_11 = arith.constant 0 : index
    %get3A_12 = vector.load %arg2[%get3A_10, %get3A_11] : memref<8x256xf32, #tpu.memory_space<vmem>>, vector<1x256xf32>
    %mul3A_13 = vector.broadcast %get3A_9 : vector<1024x1xf32> to vector<1024x256xf32>
    %mul3A_14 = vector.broadcast %get3A_12 : vector<1x256xf32> to vector<1024x256xf32>
    %mul3A_15 = arith.mulf %mul3A_13, %mul3A_14 : vector<1024x256xf32>
    %add3A = arith.addf %mul3A_6, %mul3A_15 : vector<1024x256xf32>
    %get3A_16 = arith.constant 0 : index
    %get3A_17 = arith.constant 0 : index
    %get3A_18 = vector.load %arg3[%get3A_16, %get3A_17] : memref<8x256xf32, #tpu.memory_space<vmem>>, vector<1x256xf32>
    %add3A_19 = vector.broadcast %get3A_18 : vector<1x256xf32> to vector<1024x256xf32>
    %add3A_20 = arith.addf %add3A, %add3A_19 : vector<1024x256xf32>
    %tanh3A = math.tanh %add3A_20 : vector<1024x256xf32>
    %swap3A = arith.constant 0 : index
    %swap3A_21 = arith.constant 0 : index
    %swap3A_22 = vector.load %arg7[%swap3A, %swap3A_21] : memref<1024x256xf32, #tpu.memory_space<vmem>>, vector<1024x256xf32>
    tpu.vector_store %arg7[%swap3A, %swap3A_21], %tanh3A {strides = array<i32>} : memref<1024x256xf32, #tpu.memory_space<vmem>>, vector<1024x256xf32>,
    %get3A_23 = arith.constant 0 : index
    %get3A_24 = arith.constant 0 : index
    %get3A_25 = vector.load %arg4[%get3A_23, %get3A_24] : memref<256x128xf32, #tpu.memory_space<vmem>>, vector<256x128xf32>
    %dot_general3A = arith.constant dense<0.000000e+00> : vector<1024x128xf32>
    %dot_general3A_26 = tpu.matmul %tanh3A, %get3A_25, %dot_general3A {dimension_numbers = #tpu.dot_dimension_numbers<[1], [0], [0], [1], [0, 0, 1, 1], [], []>, transpose_lhs_hint = false} : vector<1024x256xf32>, vector<256x128xf32>, vector<1024x128xf32> -> vector<1024x128xf32>
    %swap3A_27 = arith.constant 0 : index
    %swap3A_28 = arith.constant 0 : index
    %swap3A_29 = vector.load %arg8[%swap3A_27, %swap3A_28] : memref<1024x128xf32, #tpu.memory_space<vmem>>, vector<1024x128xf32>
    tpu.vector_store %arg8[%swap3A_27, %swap3A_28], %dot_general3A_26 {strides = array<i32>} : memref<1024x128xf32, #tpu.memory_space<vmem>>, vector<1024x128xf32>,
    %get3A_30 = arith.constant 0 : index
    %get3A_31 = arith.constant 0 : index
    %get3A_32 = vector.load %arg5[%get3A_30, %get3A_31] : memref<256x128xf32, #tpu.memory_space<vmem>>, vector<256x128xf32>
    %dot_general3A_33 = arith.constant dense<0.000000e+00> : vector<1024x128xf32>
    %dot_general3A_34 = tpu.matmul %tanh3A, %get3A_32, %dot_general3A_33 {dimension_numbers = #tpu.dot_dimension_numbers<[1], [0], [0], [1], [0, 0, 1, 1], [], []>, transpose_lhs_hint = false} : vector<1024x256xf32>, vector<256x128xf32>, vector<1024x128xf32> -> vector<1024x128xf32>
    %get3A_35 = arith.constant 0 : index
    %get3A_36 = arith.constant 0 : index
    %get3A_37 = vector.load %arg6[%get3A_35, %get3A_36] : memref<8x128xf32, #tpu.memory_space<vmem>>, vector<1x128xf32>
    %add3A_38 = vector.broadcast %get3A_37 : vector<1x128xf32> to vector<1024x128xf32>
    %add3A_39 = arith.addf %dot_general3A_34, %add3A_38 : vector<1024x128xf32>
    %swap3A_40 = arith.constant 0 : index
    %swap3A_41 = arith.constant 0 : index
    %swap3A_42 = vector.load %arg9[%swap3A_40, %swap3A_41] : memref<1024x128xf32, #tpu.memory_space<vmem>>, vector<1024x128xf32>
    tpu.vector_store %arg9[%swap3A_40, %swap3A_41], %add3A_39 {strides = array<i32>} : memref<1024x128xf32, #tpu.memory_space<vmem>>, vector<1024x128xf32>,
    return
  }
  func.func @transform_0(%arg0: i32) -> (i32, i32) {
    %c0_i32 = arith.constant 0 : i32
    %c0_i32_0 = arith.constant 0 : i32
    return %arg0, %c0_i32 : i32, i32
  }
  func.func @transform_1(%arg0: i32) -> (i32, i32) {
    %c0_i32 = arith.constant 0 : i32
    %c0_i32_0 = arith.constant 0 : i32
    %c0_i32_1 = arith.constant 0 : i32
    return %c0_i32, %c0_i32_0 : i32, i32
  }
  func.func @transform_2(%arg0: i32) -> (i32, i32) {
    %c0_i32 = arith.constant 0 : i32
    %c0_i32_0 = arith.constant 0 : i32
    %c0_i32_1 = arith.constant 0 : i32
    return %c0_i32, %c0_i32_0 : i32, i32
  }
  func.func @transform_3(%arg0: i32) -> (i32, i32) {
    %c0_i32 = arith.constant 0 : i32
    %c0_i32_0 = arith.constant 0 : i32
    %c0_i32_1 = arith.constant 0 : i32
    return %c0_i32, %c0_i32_0 : i32, i32
  }
  func.func @transform_4(%arg0: i32) -> (i32, i32) {
    %c0_i32 = arith.constant 0 : i32
    %c0_i32_0 = arith.constant 0 : i32
    %c0_i32_1 = arith.constant 0 : i32
    return %c0_i32, %c0_i32_0 : i32, i32
  }
  func.func @transform_5(%arg0: i32) -> (i32, i32) {
    %c0_i32 = arith.constant 0 : i32
    %c0_i32_0 = arith.constant 0 : i32
    %c0_i32_1 = arith.constant 0 : i32
    return %c0_i32, %c0_i32_0 : i32, i32
  }
  func.func @transform_6(%arg0: i32) -> (i32, i32) {
    %c0_i32 = arith.constant 0 : i32
    %c0_i32_0 = arith.constant 0 : i32
    return %arg0, %c0_i32 : i32, i32
  }
  func.func @transform_7(%arg0: i32) -> (i32, i32) {
    %c0_i32 = arith.constant 0 : i32
    %c0_i32_0 = arith.constant 0 : i32
    return %arg0, %c0_i32 : i32, i32
  }
  func.func @transform_8(%arg0: i32) -> (i32, i32) {
    %c0_i32 = arith.constant 0 : i32
    %c0_i32_0 = arith.constant 0 : i32
    return %arg0, %c0_i32 : i32, i32
  }
}

module attributes {stable_mosaic.version = 14 : i64} {
  func.func @_segsum_body(%arg0: i32, %arg1: memref<176xi32, #tpu.memory_space<smem>>, %arg2: memref<1x1x1024xi32, #tpu.memory_space<vmem>>, %arg3: memref<1024x128xf32, #tpu.memory_space<vmem>>, %arg4: memref<1024x128xf32, #tpu.memory_space<vmem>>, %arg5: memref<1024x128xf32, #tpu.memory_space<vmem>>, %arg6: memref<1024x8xf32, #tpu.memory_space<vmem>>) attributes {dimension_semantics = [#tpu.dimension_semantics<arbitrary>], iteration_bounds = array<i64: 176>, scalar_prefetch = 1 : i64, scratch_operands = 0 : i64, tpu.core_type = #tpu.core_type<tc>, window_params = [{transform_indices = @transform_0, window_bounds = array<i64: 1, 1, 1024>}, {transform_indices = @transform_1, window_bounds = array<i64: 1024, 128>}, {transform_indices = @transform_2, window_bounds = array<i64: 1024, 128>}, {transform_indices = @transform_3, window_bounds = array<i64: 1024, 128>}, {transform_indices = @transform_4, window_bounds = array<i64: 1024, 8>}]} {
    %get3A = arith.index_cast %arg0 : i32 to index
    %get3A_0 = memref.load %arg1[%get3A] : memref<176xi32, #tpu.memory_space<smem>>
    %sub3A = arith.constant 1 : i32
    %sub3A_1 = arith.subi %arg0, %sub3A : i32
    %max3A = arith.constant 0 : i32
    %max3A_2 = arith.maxsi %sub3A_1, %max3A : i32
    %get3A_3 = arith.index_cast %max3A_2 : i32 to index
    %get3A_4 = memref.load %arg1[%get3A_3] : memref<176xi32, #tpu.memory_space<smem>>
    %eq3A = arith.constant 0 : i32
    %eq3A_5 = arith.cmpi eq, %arg0, %eq3A : i32
    %ne3A = arith.cmpi ne, %get3A_0, %get3A_4 : i32
    %or3A = arith.ori %eq3A_5, %ne3A : i1
    %mul3A = arith.constant 1024 : i32
    %mul3A_6 = arith.muli %get3A_0, %mul3A : i32
    %iota3A = tpu.iota {dimensions = array<i32: 0>} : vector<1024x1xi32>
    %add3A = vector.broadcast %mul3A_6 : i32 to vector<1024x1xi32>
    %add3A_7 = arith.addi %add3A, %iota3A : vector<1024x1xi32>
    %get3A_8 = arith.constant 0 : index
    %get3A_9 = arith.constant 0 : index
    %get3A_10 = arith.constant 0 : index
    %get3A_11 = vector.load %arg2[%get3A_8, %get3A_9, %get3A_10] : memref<1x1x1024xi32, #tpu.memory_space<vmem>>, vector<1x1x1024xi32>
    %get3A_12 = vector.shape_cast %get3A_11 : vector<1x1x1024xi32> to vector<1024xi32>
    %reshape3A = vector.shape_cast %get3A_12 : vector<1024xi32> to vector<1x1024xi32>
    %eq3A_13 = vector.broadcast %add3A_7 : vector<1024x1xi32> to vector<1024x1024xi32>
    %eq3A_14 = vector.broadcast %reshape3A : vector<1x1024xi32> to vector<1024x1024xi32>
    %eq3A_15 = arith.cmpi eq, %eq3A_13, %eq3A_14 : vector<1024x1024xi32>
    %reshape3A_16 = vector.shape_cast %reshape3A : vector<1x1024xi32> to vector<1024x1xi32>
    %reshape3A_17 = vector.shape_cast %add3A_7 : vector<1024x1xi32> to vector<1x1024xi32>
    %eq3A_18 = vector.broadcast %reshape3A_16 : vector<1024x1xi32> to vector<1024x1024xi32>
    %eq3A_19 = vector.broadcast %reshape3A_17 : vector<1x1024xi32> to vector<1024x1024xi32>
    %eq3A_20 = arith.cmpi eq, %eq3A_18, %eq3A_19 : vector<1024x1024xi32>
    %convert_element_type3A = arith.extui %eq3A_20 : vector<1024x1024xi1> to vector<1024x1024xi32>
    %convert_element_type3A_21 = arith.sitofp %convert_element_type3A : vector<1024x1024xi32> to vector<1024x1024xf32>
    %get3A_22 = arith.constant 0 : index
    %get3A_23 = arith.constant 0 : index
    %get3A_24 = vector.load %arg4[%get3A_22, %get3A_23] : memref<1024x128xf32, #tpu.memory_space<vmem>>, vector<1024x128xf32>
    %dot_general3A = arith.constant dense<0.000000e+00> : vector<1024x128xf32>
    %dot_general3A_25 = tpu.matmul %convert_element_type3A_21, %get3A_24, %dot_general3A {dimension_numbers = #tpu.dot_dimension_numbers<[1], [0], [0], [1], [0, 0, 1, 1], [], []>, transpose_lhs_hint = false} : vector<1024x1024xf32>, vector<1024x128xf32>, vector<1024x128xf32> -> vector<1024x128xf32>
    %get3A_26 = arith.constant 0 : index
    %get3A_27 = arith.constant 0 : index
    %get3A_28 = vector.load %arg3[%get3A_26, %get3A_27] : memref<1024x128xf32, #tpu.memory_space<vmem>>, vector<1024x128xf32>
    %add3A_29 = arith.addf %get3A_28, %dot_general3A_25 : vector<1024x128xf32>
    %tanh3A = math.tanh %add3A_29 : vector<1024x128xf32>
    %convert_element_type3A_30 = arith.extui %eq3A_15 : vector<1024x1024xi1> to vector<1024x1024xi32>
    %convert_element_type3A_31 = arith.sitofp %convert_element_type3A_30 : vector<1024x1024xi32> to vector<1024x1024xf32>
    %convert_element_type3A_32 = arith.truncf %convert_element_type3A_31 : vector<1024x1024xf32> to vector<1024x1024xbf16>
    %convert_element_type3A_33 = arith.truncf %tanh3A : vector<1024x128xf32> to vector<1024x128xbf16>
    %dot_general3A_34 = arith.constant dense<0.000000e+00> : vector<1024x128xf32>
    %dot_general3A_35 = tpu.matmul %convert_element_type3A_32, %convert_element_type3A_33, %dot_general3A_34 {dimension_numbers = #tpu.dot_dimension_numbers<[1], [0], [0], [1], [0, 0, 1, 1], [], []>, transpose_lhs_hint = false} : vector<1024x1024xbf16>, vector<1024x128xbf16>, vector<1024x128xf32> -> vector<1024x128xf32>
    %convert_element_type3A_36 = arith.extui %eq3A_15 : vector<1024x1024xi1> to vector<1024x1024xi32>
    %convert_element_type3A_37 = arith.sitofp %convert_element_type3A_36 : vector<1024x1024xi32> to vector<1024x1024xf32>
    %reduce_sum3A = arith.constant dense<0.000000e+00> : vector<1024xf32>
    %reduce_sum3A_38 = vector.multi_reduction <add>, %convert_element_type3A_37, %reduce_sum3A [1] : vector<1024x1024xf32> to vector<1024xf32>
    %broadcast_in_dim3A = vector.shape_cast %reduce_sum3A_38 : vector<1024xf32> to vector<1024x1xf32>
    %broadcast_in_dim3A_39 = arith.constant 0.000000e+00 : f32
    %broadcast_in_dim3A_40 = vector.broadcast %broadcast_in_dim3A_39 : f32 to vector<1024x7xf32>
    %concatenate3A = tpu.concatenate %broadcast_in_dim3A, %broadcast_in_dim3A_40 in 1 : vector<1024x1xf32>, vector<1024x7xf32> -> vector<1024x8xf32>
    %convert_element_type3A_41 = arith.extui %or3A : i1 to i32
    %cond3A = arith.constant 0 : i32
    %cond3A_42 = arith.cmpi ne, %convert_element_type3A_41, %cond3A : i32
    scf.if %cond3A_42 {
      %broadcast_in_dim3A_56 = arith.constant 0.000000e+00 : f32
      %broadcast_in_dim3A_57 = vector.broadcast %broadcast_in_dim3A_56 : f32 to vector<1024x128xf32>
      %swap3A_58 = arith.constant 0 : index
      %swap3A_59 = arith.constant 0 : index
      %swap3A_60 = vector.load %arg5[%swap3A_58, %swap3A_59] : memref<1024x128xf32, #tpu.memory_space<vmem>>, vector<1024x128xf32>
      tpu.vector_store %arg5[%swap3A_58, %swap3A_59], %broadcast_in_dim3A_57 {strides = array<i32>} : memref<1024x128xf32, #tpu.memory_space<vmem>>, vector<1024x128xf32>,
      %broadcast_in_dim3A_61 = arith.constant 0.000000e+00 : f32
      %broadcast_in_dim3A_62 = vector.broadcast %broadcast_in_dim3A_61 : f32 to vector<1024x8xf32>
      %swap3A_63 = arith.constant 0 : index
      %swap3A_64 = arith.constant 0 : index
      %swap3A_65 = vector.load %arg6[%swap3A_63, %swap3A_64] : memref<1024x8xf32, #tpu.memory_space<vmem>>, vector<1024x8xf32>
      tpu.vector_store %arg6[%swap3A_63, %swap3A_64], %broadcast_in_dim3A_62 {strides = array<i32>} : memref<1024x8xf32, #tpu.memory_space<vmem>>, vector<1024x8xf32>,
    } else {
    }
    %get3A_43 = arith.constant 0 : index
    %get3A_44 = arith.constant 0 : index
    %get3A_45 = vector.load %arg5[%get3A_43, %get3A_44] : memref<1024x128xf32, #tpu.memory_space<vmem>>, vector<1024x128xf32>
    %add3A_46 = arith.addf %get3A_45, %dot_general3A_35 : vector<1024x128xf32>
    %swap3A = arith.constant 0 : index
    %swap3A_47 = arith.constant 0 : index
    %swap3A_48 = vector.load %arg5[%swap3A, %swap3A_47] : memref<1024x128xf32, #tpu.memory_space<vmem>>, vector<1024x128xf32>
    tpu.vector_store %arg5[%swap3A, %swap3A_47], %add3A_46 {strides = array<i32>} : memref<1024x128xf32, #tpu.memory_space<vmem>>, vector<1024x128xf32>,
    %get3A_49 = arith.constant 0 : index
    %get3A_50 = arith.constant 0 : index
    %get3A_51 = vector.load %arg6[%get3A_49, %get3A_50] : memref<1024x8xf32, #tpu.memory_space<vmem>>, vector<1024x8xf32>
    %add3A_52 = arith.addf %get3A_51, %concatenate3A : vector<1024x8xf32>
    %swap3A_53 = arith.constant 0 : index
    %swap3A_54 = arith.constant 0 : index
    %swap3A_55 = vector.load %arg6[%swap3A_53, %swap3A_54] : memref<1024x8xf32, #tpu.memory_space<vmem>>, vector<1024x8xf32>
    tpu.vector_store %arg6[%swap3A_53, %swap3A_54], %add3A_52 {strides = array<i32>} : memref<1024x8xf32, #tpu.memory_space<vmem>>, vector<1024x8xf32>,
    return
  }
  func.func @transform_0(%arg0: i32, %arg1: memref<176xi32, #tpu.memory_space<smem>>) -> (i32, i32, i32) {
    %c0_i32 = arith.constant 0 : i32
    %c0_i32_0 = arith.constant 0 : i32
    %c0_i32_1 = arith.constant 0 : i32
    return %arg0, %c0_i32, %c0_i32_0 : i32, i32, i32
  }
  func.func @transform_1(%arg0: i32, %arg1: memref<176xi32, #tpu.memory_space<smem>>) -> (i32, i32) {
    %c0_i32 = arith.constant 0 : i32
    %c0_i32_0 = arith.constant 0 : i32
    return %arg0, %c0_i32 : i32, i32
  }
  func.func @transform_2(%arg0: i32, %arg1: memref<176xi32, #tpu.memory_space<smem>>) -> (i32, i32) {
    %get3A = arith.index_cast %arg0 : i32 to index
    %get3A_0 = memref.load %arg1[%get3A] : memref<176xi32, #tpu.memory_space<smem>>
    %c0_i32 = arith.constant 0 : i32
    %c0_i32_1 = arith.constant 0 : i32
    return %get3A_0, %c0_i32 : i32, i32
  }
  func.func @transform_3(%arg0: i32, %arg1: memref<176xi32, #tpu.memory_space<smem>>) -> (i32, i32) {
    %get3A = arith.index_cast %arg0 : i32 to index
    %get3A_0 = memref.load %arg1[%get3A] : memref<176xi32, #tpu.memory_space<smem>>
    %c0_i32 = arith.constant 0 : i32
    %c0_i32_1 = arith.constant 0 : i32
    return %get3A_0, %c0_i32 : i32, i32
  }
  func.func @transform_4(%arg0: i32, %arg1: memref<176xi32, #tpu.memory_space<smem>>) -> (i32, i32) {
    %get3A = arith.index_cast %arg0 : i32 to index
    %get3A_0 = memref.load %arg1[%get3A] : memref<176xi32, #tpu.memory_space<smem>>
    %c0_i32 = arith.constant 0 : i32
    %c0_i32_1 = arith.constant 0 : i32
    return %get3A_0, %c0_i32 : i32, i32
  }
}

module attributes {stable_mosaic.version = 14 : i64} {
  func.func @_dense_mid_body(%arg0: i32, %arg1: memref<1024x256xf32, #tpu.memory_space<vmem>>, %arg2: memref<1024x128xf32, #tpu.memory_space<vmem>>, %arg3: memref<1024x8xf32, #tpu.memory_space<vmem>>, %arg4: memref<128x256xf32, #tpu.memory_space<vmem>>, %arg5: memref<8x256xf32, #tpu.memory_space<vmem>>, %arg6: memref<256x128xf32, #tpu.memory_space<vmem>>, %arg7: memref<256x128xf32, #tpu.memory_space<vmem>>, %arg8: memref<8x128xf32, #tpu.memory_space<vmem>>, %arg9: memref<128x256xf32, #tpu.memory_space<vmem>>, %arg10: memref<8x256xf32, #tpu.memory_space<vmem>>, %arg11: memref<256x128xf32, #tpu.memory_space<vmem>>, %arg12: memref<256x128xf32, #tpu.memory_space<vmem>>, %arg13: memref<8x128xf32, #tpu.memory_space<vmem>>, %arg14: memref<1024x256xf32, #tpu.memory_space<vmem>>, %arg15: memref<1024x128xf32, #tpu.memory_space<vmem>>, %arg16: memref<1024x128xf32, #tpu.memory_space<vmem>>) attributes {dimension_semantics = [#tpu.dimension_semantics<arbitrary>], iteration_bounds = array<i64: 10>, scalar_prefetch = 0 : i64, scratch_operands = 0 : i64, tpu.core_type = #tpu.core_type<tc>, window_params = [{transform_indices = @transform_0, window_bounds = array<i64: 1024, 256>}, {transform_indices = @transform_1, window_bounds = array<i64: 1024, 128>}, {transform_indices = @transform_2, window_bounds = array<i64: 1024, 8>}, {pipeline_mode = #tpu.pipeline_mode<synchronous>, transform_indices = @transform_3, window_bounds = array<i64: 128, 256>}, {pipeline_mode = #tpu.pipeline_mode<synchronous>, transform_indices = @transform_4, window_bounds = array<i64: 8, 256>}, {pipeline_mode = #tpu.pipeline_mode<synchronous>, transform_indices = @transform_5, window_bounds = array<i64: 256, 128>}, {pipeline_mode = #tpu.pipeline_mode<synchronous>, transform_indices = @transform_6, window_bounds = array<i64: 256, 128>}, {pipeline_mode = #tpu.pipeline_mode<synchronous>, transform_indices = @transform_7, window_bounds = array<i64: 8, 128>}, {pipeline_mode = #tpu.pipeline_mode<synchronous>, transform_indices = @transform_8, window_bounds = array<i64: 128, 256>}, {pipeline_mode = #tpu.pipeline_mode<synchronous>, transform_indices = @transform_9, window_bounds = array<i64: 8, 256>}, {pipeline_mode = #tpu.pipeline_mode<synchronous>, transform_indices = @transform_10, window_bounds = array<i64: 256, 128>}, {pipeline_mode = #tpu.pipeline_mode<synchronous>, transform_indices = @transform_11, window_bounds = array<i64: 256, 128>}, {pipeline_mode = #tpu.pipeline_mode<synchronous>, transform_indices = @transform_12, window_bounds = array<i64: 8, 128>}, {transform_indices = @transform_13, window_bounds = array<i64: 1024, 256>}, {transform_indices = @transform_14, window_bounds = array<i64: 1024, 128>}, {transform_indices = @transform_15, window_bounds = array<i64: 1024, 128>}]} {
    %get3A = arith.constant 0 : index
    %get3A_0 = arith.constant 0 : index
    %get3A_1 = vector.load %arg1[%get3A, %get3A_0] : memref<1024x256xf32, #tpu.memory_space<vmem>>, vector<1024x256xf32>
    %get3A_2 = arith.constant 0 : index
    %get3A_3 = arith.constant 0 : index
    %get3A_4 = vector.load %arg2[%get3A_2, %get3A_3] : memref<1024x128xf32, #tpu.memory_space<vmem>>, vector<1024x128xf32>
    %get3A_5 = arith.constant 0 : index
    %get3A_6 = arith.constant 0 : index
    %get3A_7 = vector.load %arg4[%get3A_5, %get3A_6] : memref<128x256xf32, #tpu.memory_space<vmem>>, vector<128x256xf32>
    %dot_general3A = arith.constant dense<0.000000e+00> : vector<1024x256xf32>
    %dot_general3A_8 = tpu.matmul %get3A_4, %get3A_7, %dot_general3A {dimension_numbers = #tpu.dot_dimension_numbers<[1], [0], [0], [1], [0, 0, 1, 1], [], []>, transpose_lhs_hint = false} : vector<1024x128xf32>, vector<128x256xf32>, vector<1024x256xf32> -> vector<1024x256xf32>
    %get3A_9 = arith.constant 0 : index
    %get3A_10 = arith.constant 0 : index
    %get3A_11 = vector.load %arg3[%get3A_9, %get3A_10] : memref<1024x8xf32, #tpu.memory_space<vmem>>, vector<1024x1xf32>
    %get3A_12 = arith.constant 0 : index
    %get3A_13 = arith.constant 0 : index
    %get3A_14 = vector.load %arg5[%get3A_12, %get3A_13] : memref<8x256xf32, #tpu.memory_space<vmem>>, vector<1x256xf32>
    %mul3A = vector.broadcast %get3A_11 : vector<1024x1xf32> to vector<1024x256xf32>
    %mul3A_15 = vector.broadcast %get3A_14 : vector<1x256xf32> to vector<1024x256xf32>
    %mul3A_16 = arith.mulf %mul3A, %mul3A_15 : vector<1024x256xf32>
    %add3A = arith.addf %dot_general3A_8, %mul3A_16 : vector<1024x256xf32>
    %get3A_17 = arith.constant 0 : index
    %get3A_18 = arith.constant 0 : index
    %get3A_19 = vector.load %arg6[%get3A_17, %get3A_18] : memref<256x128xf32, #tpu.memory_space<vmem>>, vector<256x128xf32>
    %dot_general3A_20 = arith.constant dense<0.000000e+00> : vector<1024x128xf32>
    %dot_general3A_21 = tpu.matmul %get3A_1, %get3A_19, %dot_general3A_20 {dimension_numbers = #tpu.dot_dimension_numbers<[1], [0], [0], [1], [0, 0, 1, 1], [], []>, transpose_lhs_hint = false} : vector<1024x256xf32>, vector<256x128xf32>, vector<1024x128xf32> -> vector<1024x128xf32>
    %get3A_22 = arith.constant 0 : index
    %get3A_23 = arith.constant 0 : index
    %get3A_24 = vector.load %arg7[%get3A_22, %get3A_23] : memref<256x128xf32, #tpu.memory_space<vmem>>, vector<256x128xf32>
    %dot_general3A_25 = arith.constant dense<0.000000e+00> : vector<1024x128xf32>
    %dot_general3A_26 = tpu.matmul %add3A, %get3A_24, %dot_general3A_25 {dimension_numbers = #tpu.dot_dimension_numbers<[1], [0], [0], [1], [0, 0, 1, 1], [], []>, transpose_lhs_hint = false} : vector<1024x256xf32>, vector<256x128xf32>, vector<1024x128xf32> -> vector<1024x128xf32>
    %add3A_27 = arith.addf %dot_general3A_21, %dot_general3A_26 : vector<1024x128xf32>
    %get3A_28 = arith.constant 0 : index
    %get3A_29 = arith.constant 0 : index
    %get3A_30 = vector.load %arg8[%get3A_28, %get3A_29] : memref<8x128xf32, #tpu.memory_space<vmem>>, vector<1x128xf32>
    %add3A_31 = vector.broadcast %get3A_30 : vector<1x128xf32> to vector<1024x128xf32>
    %add3A_32 = arith.addf %add3A_27, %add3A_31 : vector<1024x128xf32>
    %tanh3A = math.tanh %add3A_32 : vector<1024x128xf32>
    %get3A_33 = arith.constant 0 : index
    %get3A_34 = arith.constant 0 : index
    %get3A_35 = vector.load %arg9[%get3A_33, %get3A_34] : memref<128x256xf32, #tpu.memory_space<vmem>>, vector<128x256xf32>
    %dot_general3A_36 = arith.constant dense<0.000000e+00> : vector<1024x256xf32>
    %dot_general3A_37 = tpu.matmul %tanh3A, %get3A_35, %dot_general3A_36 {dimension_numbers = #tpu.dot_dimension_numbers<[1], [0], [0], [1], [0, 0, 1, 1], [], []>, transpose_lhs_hint = false} : vector<1024x128xf32>, vector<128x256xf32>, vector<1024x256xf32> -> vector<1024x256xf32>
    %add3A_38 = arith.addf %get3A_1, %dot_general3A_37 : vector<1024x256xf32>
    %get3A_39 = arith.constant 0 : index
    %get3A_40 = arith.constant 0 : index
    %get3A_41 = vector.load %arg10[%get3A_39, %get3A_40] : memref<8x256xf32, #tpu.memory_space<vmem>>, vector<1x256xf32>
    %add3A_42 = vector.broadcast %get3A_41 : vector<1x256xf32> to vector<1024x256xf32>
    %add3A_43 = arith.addf %add3A_38, %add3A_42 : vector<1024x256xf32>
    %swap3A = arith.constant 0 : index
    %swap3A_44 = arith.constant 0 : index
    %swap3A_45 = vector.load %arg14[%swap3A, %swap3A_44] : memref<1024x256xf32, #tpu.memory_space<vmem>>, vector<1024x256xf32>
    tpu.vector_store %arg14[%swap3A, %swap3A_44], %add3A_43 {strides = array<i32>} : memref<1024x256xf32, #tpu.memory_space<vmem>>, vector<1024x256xf32>,
    %get3A_46 = arith.constant 0 : index
    %get3A_47 = arith.constant 0 : index
    %get3A_48 = vector.load %arg11[%get3A_46, %get3A_47] : memref<256x128xf32, #tpu.memory_space<vmem>>, vector<256x128xf32>
    %dot_general3A_49 = arith.constant dense<0.000000e+00> : vector<1024x128xf32>
    %dot_general3A_50 = tpu.matmul %add3A_43, %get3A_48, %dot_general3A_49 {dimension_numbers = #tpu.dot_dimension_numbers<[1], [0], [0], [1], [0, 0, 1, 1], [], []>, transpose_lhs_hint = false} : vector<1024x256xf32>, vector<256x128xf32>, vector<1024x128xf32> -> vector<1024x128xf32>
    %swap3A_51 = arith.constant 0 : index
    %swap3A_52 = arith.constant 0 : index
    %swap3A_53 = vector.load %arg15[%swap3A_51, %swap3A_52] : memref<1024x128xf32, #tpu.memory_space<vmem>>, vector<1024x128xf32>
    tpu.vector_store %arg15[%swap3A_51, %swap3A_52], %dot_general3A_50 {strides = array<i32>} : memref<1024x128xf32, #tpu.memory_space<vmem>>, vector<1024x128xf32>,
    %get3A_54 = arith.constant 0 : index
    %get3A_55 = arith.constant 0 : index
    %get3A_56 = vector.load %arg12[%get3A_54, %get3A_55] : memref<256x128xf32, #tpu.memory_space<vmem>>, vector<256x128xf32>
    %dot_general3A_57 = arith.constant dense<0.000000e+00> : vector<1024x128xf32>
    %dot_general3A_58 = tpu.matmul %add3A_43, %get3A_56, %dot_general3A_57 {dimension_numbers = #tpu.dot_dimension_numbers<[1], [0], [0], [1], [0, 0, 1, 1], [], []>, transpose_lhs_hint = false} : vector<1024x256xf32>, vector<256x128xf32>, vector<1024x128xf32> -> vector<1024x128xf32>
    %get3A_59 = arith.constant 0 : index
    %get3A_60 = arith.constant 0 : index
    %get3A_61 = vector.load %arg13[%get3A_59, %get3A_60] : memref<8x128xf32, #tpu.memory_space<vmem>>, vector<1x128xf32>
    %add3A_62 = vector.broadcast %get3A_61 : vector<1x128xf32> to vector<1024x128xf32>
    %add3A_63 = arith.addf %dot_general3A_58, %add3A_62 : vector<1024x128xf32>
    %swap3A_64 = arith.constant 0 : index
    %swap3A_65 = arith.constant 0 : index
    %swap3A_66 = vector.load %arg16[%swap3A_64, %swap3A_65] : memref<1024x128xf32, #tpu.memory_space<vmem>>, vector<1024x128xf32>
    tpu.vector_store %arg16[%swap3A_64, %swap3A_65], %add3A_63 {strides = array<i32>} : memref<1024x128xf32, #tpu.memory_space<vmem>>, vector<1024x128xf32>,
    return
  }
  func.func @transform_0(%arg0: i32) -> (i32, i32) {
    %c0_i32 = arith.constant 0 : i32
    %c0_i32_0 = arith.constant 0 : i32
    return %arg0, %c0_i32 : i32, i32
  }
  func.func @transform_1(%arg0: i32) -> (i32, i32) {
    %c0_i32 = arith.constant 0 : i32
    %c0_i32_0 = arith.constant 0 : i32
    return %arg0, %c0_i32 : i32, i32
  }
  func.func @transform_2(%arg0: i32) -> (i32, i32) {
    %c0_i32 = arith.constant 0 : i32
    %c0_i32_0 = arith.constant 0 : i32
    return %arg0, %c0_i32 : i32, i32
  }
  func.func @transform_3(%arg0: i32) -> (i32, i32) {
    %c0_i32 = arith.constant 0 : i32
    %c0_i32_0 = arith.constant 0 : i32
    %c0_i32_1 = arith.constant 0 : i32
    return %c0_i32, %c0_i32_0 : i32, i32
  }
  func.func @transform_4(%arg0: i32) -> (i32, i32) {
    %c0_i32 = arith.constant 0 : i32
    %c0_i32_0 = arith.constant 0 : i32
    %c0_i32_1 = arith.constant 0 : i32
    return %c0_i32, %c0_i32_0 : i32, i32
  }
  func.func @transform_5(%arg0: i32) -> (i32, i32) {
    %c0_i32 = arith.constant 0 : i32
    %c0_i32_0 = arith.constant 0 : i32
    %c0_i32_1 = arith.constant 0 : i32
    return %c0_i32, %c0_i32_0 : i32, i32
  }
  func.func @transform_6(%arg0: i32) -> (i32, i32) {
    %c0_i32 = arith.constant 0 : i32
    %c0_i32_0 = arith.constant 0 : i32
    %c0_i32_1 = arith.constant 0 : i32
    return %c0_i32, %c0_i32_0 : i32, i32
  }
  func.func @transform_7(%arg0: i32) -> (i32, i32) {
    %c0_i32 = arith.constant 0 : i32
    %c0_i32_0 = arith.constant 0 : i32
    %c0_i32_1 = arith.constant 0 : i32
    return %c0_i32, %c0_i32_0 : i32, i32
  }
  func.func @transform_8(%arg0: i32) -> (i32, i32) {
    %c0_i32 = arith.constant 0 : i32
    %c0_i32_0 = arith.constant 0 : i32
    %c0_i32_1 = arith.constant 0 : i32
    return %c0_i32, %c0_i32_0 : i32, i32
  }
  func.func @transform_9(%arg0: i32) -> (i32, i32) {
    %c0_i32 = arith.constant 0 : i32
    %c0_i32_0 = arith.constant 0 : i32
    %c0_i32_1 = arith.constant 0 : i32
    return %c0_i32, %c0_i32_0 : i32, i32
  }
  func.func @transform_10(%arg0: i32) -> (i32, i32) {
    %c0_i32 = arith.constant 0 : i32
    %c0_i32_0 = arith.constant 0 : i32
    %c0_i32_1 = arith.constant 0 : i32
    return %c0_i32, %c0_i32_0 : i32, i32
  }
  func.func @transform_11(%arg0: i32) -> (i32, i32) {
    %c0_i32 = arith.constant 0 : i32
    %c0_i32_0 = arith.constant 0 : i32
    %c0_i32_1 = arith.constant 0 : i32
    return %c0_i32, %c0_i32_0 : i32, i32
  }
  func.func @transform_12(%arg0: i32) -> (i32, i32) {
    %c0_i32 = arith.constant 0 : i32
    %c0_i32_0 = arith.constant 0 : i32
    %c0_i32_1 = arith.constant 0 : i32
    return %c0_i32, %c0_i32_0 : i32, i32
  }
  func.func @transform_13(%arg0: i32) -> (i32, i32) {
    %c0_i32 = arith.constant 0 : i32
    %c0_i32_0 = arith.constant 0 : i32
    return %arg0, %c0_i32 : i32, i32
  }
  func.func @transform_14(%arg0: i32) -> (i32, i32) {
    %c0_i32 = arith.constant 0 : i32
    %c0_i32_0 = arith.constant 0 : i32
    return %arg0, %c0_i32 : i32, i32
  }
  func.func @transform_15(%arg0: i32) -> (i32, i32) {
    %c0_i32 = arith.constant 0 : i32
    %c0_i32_0 = arith.constant 0 : i32
    return %arg0, %c0_i32 : i32, i32
  }
}

module attributes {stable_mosaic.version = 14 : i64} {
  func.func @_dense_end_body(%arg0: i32, %arg1: memref<1024x256xf32, #tpu.memory_space<vmem>>, %arg2: memref<1024x128xf32, #tpu.memory_space<vmem>>, %arg3: memref<1024x8xf32, #tpu.memory_space<vmem>>, %arg4: memref<128x256xf32, #tpu.memory_space<vmem>>, %arg5: memref<8x256xf32, #tpu.memory_space<vmem>>, %arg6: memref<256x128xf32, #tpu.memory_space<vmem>>, %arg7: memref<256x128xf32, #tpu.memory_space<vmem>>, %arg8: memref<8x128xf32, #tpu.memory_space<vmem>>, %arg9: memref<128x256xf32, #tpu.memory_space<vmem>>, %arg10: memref<8x256xf32, #tpu.memory_space<vmem>>, %arg11: memref<256x128xf32, #tpu.memory_space<vmem>>, %arg12: memref<8x128xf32, #tpu.memory_space<vmem>>, %arg13: memref<128x256xf32, #tpu.memory_space<vmem>>, %arg14: memref<8x256xf32, #tpu.memory_space<vmem>>, %arg15: memref<1024x8xf32, #tpu.memory_space<vmem>>, %arg16: memref<1024x8xf32, #tpu.memory_space<vmem>>, %arg17: memref<1024x8xf32, #tpu.memory_space<vmem>>, %arg18: memref<1024x8xf32, #tpu.memory_space<vmem>>) attributes {dimension_semantics = [#tpu.dimension_semantics<arbitrary>], iteration_bounds = array<i64: 10>, scalar_prefetch = 0 : i64, scratch_operands = 0 : i64, tpu.core_type = #tpu.core_type<tc>, window_params = [{transform_indices = @transform_0, window_bounds = array<i64: 1024, 256>}, {transform_indices = @transform_1, window_bounds = array<i64: 1024, 128>}, {transform_indices = @transform_2, window_bounds = array<i64: 1024, 8>}, {pipeline_mode = #tpu.pipeline_mode<synchronous>, transform_indices = @transform_3, window_bounds = array<i64: 128, 256>}, {pipeline_mode = #tpu.pipeline_mode<synchronous>, transform_indices = @transform_4, window_bounds = array<i64: 8, 256>}, {pipeline_mode = #tpu.pipeline_mode<synchronous>, transform_indices = @transform_5, window_bounds = array<i64: 256, 128>}, {pipeline_mode = #tpu.pipeline_mode<synchronous>, transform_indices = @transform_6, window_bounds = array<i64: 256, 128>}, {pipeline_mode = #tpu.pipeline_mode<synchronous>, transform_indices = @transform_7, window_bounds = array<i64: 8, 128>}, {pipeline_mode = #tpu.pipeline_mode<synchronous>, transform_indices = @transform_8, window_bounds = array<i64: 128, 256>}, {pipeline_mode = #tpu.pipeline_mode<synchronous>, transform_indices = @transform_9, window_bounds = array<i64: 8, 256>}, {pipeline_mode = #tpu.pipeline_mode<synchronous>, transform_indices = @transform_10, window_bounds = array<i64: 256, 128>}, {pipeline_mode = #tpu.pipeline_mode<synchronous>, transform_indices = @transform_11, window_bounds = array<i64: 8, 128>}, {pipeline_mode = #tpu.pipeline_mode<synchronous>, transform_indices = @transform_12, window_bounds = array<i64: 128, 256>}, {pipeline_mode = #tpu.pipeline_mode<synchronous>, transform_indices = @transform_13, window_bounds = array<i64: 8, 256>}, {transform_indices = @transform_14, window_bounds = array<i64: 1024, 8>}, {transform_indices = @transform_15, window_bounds = array<i64: 1024, 8>}, {transform_indices = @transform_16, window_bounds = array<i64: 1024, 8>}, {transform_indices = @transform_17, window_bounds = array<i64: 1024, 8>}]} {
    %get3A = arith.constant 0 : index
    %get3A_0 = arith.constant 0 : index
    %get3A_1 = vector.load %arg1[%get3A, %get3A_0] : memref<1024x256xf32, #tpu.memory_space<vmem>>, vector<1024x256xf32>
    %get3A_2 = arith.constant 0 : index
    %get3A_3 = arith.constant 0 : index
    %get3A_4 = vector.load %arg2[%get3A_2, %get3A_3] : memref<1024x128xf32, #tpu.memory_space<vmem>>, vector<1024x128xf32>
    %get3A_5 = arith.constant 0 : index
    %get3A_6 = arith.constant 0 : index
    %get3A_7 = vector.load %arg4[%get3A_5, %get3A_6] : memref<128x256xf32, #tpu.memory_space<vmem>>, vector<128x256xf32>
    %dot_general3A = arith.constant dense<0.000000e+00> : vector<1024x256xf32>
    %dot_general3A_8 = tpu.matmul %get3A_4, %get3A_7, %dot_general3A {dimension_numbers = #tpu.dot_dimension_numbers<[1], [0], [0], [1], [0, 0, 1, 1], [], []>, transpose_lhs_hint = false} : vector<1024x128xf32>, vector<128x256xf32>, vector<1024x256xf32> -> vector<1024x256xf32>
    %get3A_9 = arith.constant 0 : index
    %get3A_10 = arith.constant 0 : index
    %get3A_11 = vector.load %arg3[%get3A_9, %get3A_10] : memref<1024x8xf32, #tpu.memory_space<vmem>>, vector<1024x1xf32>
    %get3A_12 = arith.constant 0 : index
    %get3A_13 = arith.constant 0 : index
    %get3A_14 = vector.load %arg5[%get3A_12, %get3A_13] : memref<8x256xf32, #tpu.memory_space<vmem>>, vector<1x256xf32>
    %mul3A = vector.broadcast %get3A_11 : vector<1024x1xf32> to vector<1024x256xf32>
    %mul3A_15 = vector.broadcast %get3A_14 : vector<1x256xf32> to vector<1024x256xf32>
    %mul3A_16 = arith.mulf %mul3A, %mul3A_15 : vector<1024x256xf32>
    %add3A = arith.addf %dot_general3A_8, %mul3A_16 : vector<1024x256xf32>
    %get3A_17 = arith.constant 0 : index
    %get3A_18 = arith.constant 0 : index
    %get3A_19 = vector.load %arg6[%get3A_17, %get3A_18] : memref<256x128xf32, #tpu.memory_space<vmem>>, vector<256x128xf32>
    %dot_general3A_20 = arith.constant dense<0.000000e+00> : vector<1024x128xf32>
    %dot_general3A_21 = tpu.matmul %get3A_1, %get3A_19, %dot_general3A_20 {dimension_numbers = #tpu.dot_dimension_numbers<[1], [0], [0], [1], [0, 0, 1, 1], [], []>, transpose_lhs_hint = false} : vector<1024x256xf32>, vector<256x128xf32>, vector<1024x128xf32> -> vector<1024x128xf32>
    %get3A_22 = arith.constant 0 : index
    %get3A_23 = arith.constant 0 : index
    %get3A_24 = vector.load %arg7[%get3A_22, %get3A_23] : memref<256x128xf32, #tpu.memory_space<vmem>>, vector<256x128xf32>
    %dot_general3A_25 = arith.constant dense<0.000000e+00> : vector<1024x128xf32>
    %dot_general3A_26 = tpu.matmul %add3A, %get3A_24, %dot_general3A_25 {dimension_numbers = #tpu.dot_dimension_numbers<[1], [0], [0], [1], [0, 0, 1, 1], [], []>, transpose_lhs_hint = false} : vector<1024x256xf32>, vector<256x128xf32>, vector<1024x128xf32> -> vector<1024x128xf32>
    %add3A_27 = arith.addf %dot_general3A_21, %dot_general3A_26 : vector<1024x128xf32>
    %get3A_28 = arith.constant 0 : index
    %get3A_29 = arith.constant 0 : index
    %get3A_30 = vector.load %arg8[%get3A_28, %get3A_29] : memref<8x128xf32, #tpu.memory_space<vmem>>, vector<1x128xf32>
    %add3A_31 = vector.broadcast %get3A_30 : vector<1x128xf32> to vector<1024x128xf32>
    %add3A_32 = arith.addf %add3A_27, %add3A_31 : vector<1024x128xf32>
    %tanh3A = math.tanh %add3A_32 : vector<1024x128xf32>
    %get3A_33 = arith.constant 0 : index
    %get3A_34 = arith.constant 0 : index
    %get3A_35 = vector.load %arg9[%get3A_33, %get3A_34] : memref<128x256xf32, #tpu.memory_space<vmem>>, vector<128x256xf32>
    %dot_general3A_36 = arith.constant dense<0.000000e+00> : vector<1024x256xf32>
    %dot_general3A_37 = tpu.matmul %tanh3A, %get3A_35, %dot_general3A_36 {dimension_numbers = #tpu.dot_dimension_numbers<[1], [0], [0], [1], [0, 0, 1, 1], [], []>, transpose_lhs_hint = false} : vector<1024x128xf32>, vector<128x256xf32>, vector<1024x256xf32> -> vector<1024x256xf32>
    %add3A_38 = arith.addf %get3A_1, %dot_general3A_37 : vector<1024x256xf32>
    %get3A_39 = arith.constant 0 : index
    %get3A_40 = arith.constant 0 : index
    %get3A_41 = vector.load %arg10[%get3A_39, %get3A_40] : memref<8x256xf32, #tpu.memory_space<vmem>>, vector<1x256xf32>
    %add3A_42 = vector.broadcast %get3A_41 : vector<1x256xf32> to vector<1024x256xf32>
    %add3A_43 = arith.addf %add3A_38, %add3A_42 : vector<1024x256xf32>
    %get3A_44 = arith.constant 0 : index
    %get3A_45 = arith.constant 0 : index
    %get3A_46 = vector.load %arg11[%get3A_44, %get3A_45] : memref<256x128xf32, #tpu.memory_space<vmem>>, vector<256x128xf32>
    %dot_general3A_47 = arith.constant dense<0.000000e+00> : vector<1024x128xf32>
    %dot_general3A_48 = tpu.matmul %add3A_43, %get3A_46, %dot_general3A_47 {dimension_numbers = #tpu.dot_dimension_numbers<[1], [0], [0], [1], [0, 0, 1, 1], [], []>, transpose_lhs_hint = false} : vector<1024x256xf32>, vector<256x128xf32>, vector<1024x128xf32> -> vector<1024x128xf32>
    %get3A_49 = arith.constant 0 : index
    %get3A_50 = arith.constant 0 : index
    %get3A_51 = vector.load %arg12[%get3A_49, %get3A_50] : memref<8x128xf32, #tpu.memory_space<vmem>>, vector<1x128xf32>
    %add3A_52 = vector.broadcast %get3A_51 : vector<1x128xf32> to vector<1024x128xf32>
    %add3A_53 = arith.addf %dot_general3A_48, %add3A_52 : vector<1024x128xf32>
    %tanh3A_54 = math.tanh %add3A_53 : vector<1024x128xf32>
    %get3A_55 = arith.constant 0 : index
    %get3A_56 = arith.constant 0 : index
    %get3A_57 = vector.load %arg13[%get3A_55, %get3A_56] : memref<128x256xf32, #tpu.memory_space<vmem>>, vector<128x256xf32>
    %dot_general3A_58 = arith.constant dense<0.000000e+00> : vector<1024x256xf32>
    %dot_general3A_59 = tpu.matmul %tanh3A_54, %get3A_57, %dot_general3A_58 {dimension_numbers = #tpu.dot_dimension_numbers<[1], [0], [0], [1], [0, 0, 1, 1], [], []>, transpose_lhs_hint = false} : vector<1024x128xf32>, vector<128x256xf32>, vector<1024x256xf32> -> vector<1024x256xf32>
    %get3A_60 = arith.constant 0 : index
    %get3A_61 = arith.constant 0 : index
    %get3A_62 = vector.load %arg14[%get3A_60, %get3A_61] : memref<8x256xf32, #tpu.memory_space<vmem>>, vector<1x256xf32>
    %add3A_63 = vector.broadcast %get3A_62 : vector<1x256xf32> to vector<1024x256xf32>
    %add3A_64 = arith.addf %dot_general3A_59, %add3A_63 : vector<1024x256xf32>
    %slice3A = vector.extract_strided_slice %add3A_64 {offsets = [0, 0], sizes = [1024, 8], strides = [1, 1]} : vector<1024x256xf32> to vector<1024x8xf32>
    %slice3A_65 = vector.extract_strided_slice %add3A_64 {offsets = [0, 128], sizes = [1024, 8], strides = [1, 1]} : vector<1024x256xf32> to vector<1024x8xf32>
    %get3A_66 = arith.constant 0 : index
    %get3A_67 = arith.constant 0 : index
    %get3A_68 = vector.load %arg15[%get3A_66, %get3A_67] : memref<1024x8xf32, #tpu.memory_space<vmem>>, vector<1024x8xf32>
    %exp3A = math.exp %slice3A : vector<1024x8xf32>
    %mul3A_69 = arith.mulf %get3A_68, %exp3A : vector<1024x8xf32>
    %add3A_70 = arith.addf %mul3A_69, %slice3A_65 : vector<1024x8xf32>
    %swap3A = arith.constant 0 : index
    %swap3A_71 = arith.constant 0 : index
    %swap3A_72 = vector.load %arg17[%swap3A, %swap3A_71] : memref<1024x8xf32, #tpu.memory_space<vmem>>, vector<1024x8xf32>
    tpu.vector_store %arg17[%swap3A, %swap3A_71], %add3A_70 {strides = array<i32>} : memref<1024x8xf32, #tpu.memory_space<vmem>>, vector<1024x8xf32>,
    %get3A_73 = arith.constant 0 : index
    %get3A_74 = arith.constant 0 : index
    %get3A_75 = vector.load %arg16[%get3A_73, %get3A_74] : memref<1024x8xf32, #tpu.memory_space<vmem>>, vector<1024x8xf32>
    %reduce_sum3A = arith.constant dense<0.000000e+00> : vector<1024xf32>
    %reduce_sum3A_76 = vector.multi_reduction <add>, %slice3A, %reduce_sum3A [1] : vector<1024x8xf32> to vector<1024xf32>
    %broadcast_in_dim3A = vector.shape_cast %reduce_sum3A_76 : vector<1024xf32> to vector<1024x1xf32>
    %sub3A = vector.broadcast %broadcast_in_dim3A : vector<1024x1xf32> to vector<1024x8xf32>
    %sub3A_77 = arith.subf %get3A_75, %sub3A : vector<1024x8xf32>
    %swap3A_78 = arith.constant 0 : index
    %swap3A_79 = arith.constant 0 : index
    %swap3A_80 = vector.load %arg18[%swap3A_78, %swap3A_79] : memref<1024x8xf32, #tpu.memory_space<vmem>>, vector<1024x8xf32>
    tpu.vector_store %arg18[%swap3A_78, %swap3A_79], %sub3A_77 {strides = array<i32>} : memref<1024x8xf32, #tpu.memory_space<vmem>>, vector<1024x8xf32>,
    return
  }
  func.func @transform_0(%arg0: i32) -> (i32, i32) {
    %c0_i32 = arith.constant 0 : i32
    %c0_i32_0 = arith.constant 0 : i32
    return %arg0, %c0_i32 : i32, i32
  }
  func.func @transform_1(%arg0: i32) -> (i32, i32) {
    %c0_i32 = arith.constant 0 : i32
    %c0_i32_0 = arith.constant 0 : i32
    return %arg0, %c0_i32 : i32, i32
  }
  func.func @transform_2(%arg0: i32) -> (i32, i32) {
    %c0_i32 = arith.constant 0 : i32
    %c0_i32_0 = arith.constant 0 : i32
    return %arg0, %c0_i32 : i32, i32
  }
  func.func @transform_3(%arg0: i32) -> (i32, i32) {
    %c0_i32 = arith.constant 0 : i32
    %c0_i32_0 = arith.constant 0 : i32
    %c0_i32_1 = arith.constant 0 : i32
    return %c0_i32, %c0_i32_0 : i32, i32
  }
  func.func @transform_4(%arg0: i32) -> (i32, i32) {
    %c0_i32 = arith.constant 0 : i32
    %c0_i32_0 = arith.constant 0 : i32
    %c0_i32_1 = arith.constant 0 : i32
    return %c0_i32, %c0_i32_0 : i32, i32
  }
  func.func @transform_5(%arg0: i32) -> (i32, i32) {
    %c0_i32 = arith.constant 0 : i32
    %c0_i32_0 = arith.constant 0 : i32
    %c0_i32_1 = arith.constant 0 : i32
    return %c0_i32, %c0_i32_0 : i32, i32
  }
  func.func @transform_6(%arg0: i32) -> (i32, i32) {
    %c0_i32 = arith.constant 0 : i32
    %c0_i32_0 = arith.constant 0 : i32
    %c0_i32_1 = arith.constant 0 : i32
    return %c0_i32, %c0_i32_0 : i32, i32
  }
  func.func @transform_7(%arg0: i32) -> (i32, i32) {
    %c0_i32 = arith.constant 0 : i32
    %c0_i32_0 = arith.constant 0 : i32
    %c0_i32_1 = arith.constant 0 : i32
    return %c0_i32, %c0_i32_0 : i32, i32
  }
  func.func @transform_8(%arg0: i32) -> (i32, i32) {
    %c0_i32 = arith.constant 0 : i32
    %c0_i32_0 = arith.constant 0 : i32
    %c0_i32_1 = arith.constant 0 : i32
    return %c0_i32, %c0_i32_0 : i32, i32
  }
  func.func @transform_9(%arg0: i32) -> (i32, i32) {
    %c0_i32 = arith.constant 0 : i32
    %c0_i32_0 = arith.constant 0 : i32
    %c0_i32_1 = arith.constant 0 : i32
    return %c0_i32, %c0_i32_0 : i32, i32
  }
  func.func @transform_10(%arg0: i32) -> (i32, i32) {
    %c0_i32 = arith.constant 0 : i32
    %c0_i32_0 = arith.constant 0 : i32
    %c0_i32_1 = arith.constant 0 : i32
    return %c0_i32, %c0_i32_0 : i32, i32
  }
  func.func @transform_11(%arg0: i32) -> (i32, i32) {
    %c0_i32 = arith.constant 0 : i32
    %c0_i32_0 = arith.constant 0 : i32
    %c0_i32_1 = arith.constant 0 : i32
    return %c0_i32, %c0_i32_0 : i32, i32
  }
  func.func @transform_12(%arg0: i32) -> (i32, i32) {
    %c0_i32 = arith.constant 0 : i32
    %c0_i32_0 = arith.constant 0 : i32
    %c0_i32_1 = arith.constant 0 : i32
    return %c0_i32, %c0_i32_0 : i32, i32
  }
  func.func @transform_13(%arg0: i32) -> (i32, i32) {
    %c0_i32 = arith.constant 0 : i32
    %c0_i32_0 = arith.constant 0 : i32
    %c0_i32_1 = arith.constant 0 : i32
    return %c0_i32, %c0_i32_0 : i32, i32
  }
  func.func @transform_14(%arg0: i32) -> (i32, i32) {
    %c0_i32 = arith.constant 0 : i32
    %c0_i32_0 = arith.constant 0 : i32
    return %arg0, %c0_i32 : i32, i32
  }
  func.func @transform_15(%arg0: i32) -> (i32, i32) {
    %c0_i32 = arith.constant 0 : i32
    %c0_i32_0 = arith.constant 0 : i32
    return %arg0, %c0_i32 : i32, i32
  }
  func.func @transform_16(%arg0: i32) -> (i32, i32) {
    %c0_i32 = arith.constant 0 : i32
    %c0_i32_0 = arith.constant 0 : i32
    return %arg0, %c0_i32 : i32, i32
  }
  func.func @transform_17(%arg0: i32) -> (i32, i32) {
    %c0_i32 = arith.constant 0 : i32
    %c0_i32_0 = arith.constant 0 : i32
    return %arg0, %c0_i32 : i32, i32
  }
}

</mosaic_0001>

<sc_bundles>
// kernel: gather_offload_async_start.1
scs
__scs_entry_jumppad:
0x0: {  	(pc) =	sbr.rel $0x88, $3  }
0x1: {  	(tag) =	ssettag $0x0;
	lr =	simm.s32 $0x1  }
0x2: {  	[smem:$0x3EEE] =	sst lr;
	_ =	strace $0xD0000000  }
0x3: {  	_ = 	snop  }
0x4: {  	_ = 	snop  }
0x5: {  	_ = 	snop  }
0x6: {  	_ = 	snop  }
0x7: {  	_ = 	snop  }
__scs_overlays_trampoline_lowered:
0x8: {  	[smem:$0x3EFD] =	sst s0  }
0x9: {  	[smem:$0x3EFE] =	sst s1  }
0xa: {  	[smem:$0x3EFF] =	sst s2  }
0xb: {  	[smem:$0x3F00] =	sst s3  }
0xc: {  	[smem:$0x3F01] =	sst s4  }
0xd: {  	[smem:$0x3F02] =	sst s5  }
0xe: {  	[smem:$0x3F03] =	sst s6  }
0xf: {  	[smem:$0x3F04] =	sst s7  }
0x10: {  	[smem:$0x3F05] =	sst s8  }
0x11: {  	[smem:$0x3F06] =	sst s9;
	s0 =	simm.s32 @!p0 $0x0  }
0x12: {  	s1 =	sld [smem:$0x3EEC];
	s0 =	simm.s32 @p0 $0x1  }
0x13: {  	[smem:$0x3F07] =	sst s0;
	s0 =	simm.s32 @!p1 $0x0  }
0x14: {  	s2 =	sld [smem:$0x3EEB];
	s0 =	simm.s32 @p1 $0x1  }
0x15: {  	[smem:$0x3F08] =	sst s0;
	s0 =	simm.s32 @!p2 $0x0  }
0x16: {  	s3 =	sld [smem:$0x3FDB];
	s0 =	simm.s32 @p2 $0x1  }
0x17: {  	s4 =	simm.s32 $0x1BF5;
	[smem:$0x3F0A] =	sst s0  }
0x18: {  	s0 =	sld [smem:$0x3EED];
	_ =	swait.ge [sflag:s4], $0x0  }
0x19: {  	s7 =	sld [smem:$0x3EEE]  }
0x1a: {  	s8 =	sadd.s32 $0xFFFFE003, lr  }
0x1b: {  	s9 =	sadd.s32 $0xFFFFFEF7, lr;
	s5 =	simm.s32 $0xFFFFFFFF;
	p2 =	slt.u32 s8, $0xFFFFF086  }
0x1c: {  	p1 =	slt.u32 s9, $0xF7A;
	s5 =	simm.s32 @!p2 $0x0  }
0x1d: {  	s5 =	simm.s32 @p1 $0x1;
	p0 =	seq.s32 s7, s2  }
0x1e: {  	s7 =	smul.u32 @!p0 $0xF7A, s2;
	p2 =	seq.s32 @!p0 s5, $0x0  }
0x1f: {  	s9 =	smul.u32 $0xF7A, s1;
	s8 =	simm.s32 @!p0 $0x1BF5;
	p2 =	por !p2, p0  }
0x20: {  	[sflag:s8] =	ssyncset.s32 @!p0 $0xFFFFF086;
	s6 =	sadd.s32 @!p0 s3, s7;
	s7 =	simm.s32 @!p0 $0x108  }
0x21: {  	s3 =	sadd.s32 s3, s9;
	s6 =	sadd.s32 @!p0 $0x88, s6;
	s7 =	simm.s32 @p2 $0x1082  }
0x22: {  	[simem:s7], [sflag:s8] =	dma.local @!p0 [hbm:s6], $0xF7A  }
0x23: {  	s9 =	sor.u32 $0xD0000000, s2;
	s6 =	simm.s32 $0x108;
	_ =	swait.ge @!p0 [sflag:s8], $0x0  }
0x24: {  	s3 =	sadd.s32 $0x88, s3;
	s6 =	simm.s32 @!p1 $0x1082;
	[sflag:s4] =	ssyncset.s32 $0xFFFFF086  }
0x25: {  	[simem:s6], [sflag:s4] =	dma.local [hbm:s3], $0xF7A  }
0x26: {  	[smem:$0x3EEE] =	sst s1;
	(tag) =	ssettag s2;
	_ =	strace s9  }
0x27: {  	s1 =	sld [smem:$0x3EFE]  }
0x28: {  	s2 =	sld [smem:$0x3EFF]  }
0x29: {  	s4 =	sld [smem:$0x3F01]  }
0x2a: {  	p0 =	seq.s32 s5, $0x0;
	s5 =	sld [smem:$0x3F02]  }
0x2b: {  	s6 =	sld [smem:$0x3F03]  }
0x2c: {  	s7 =	sld [smem:$0x3F04]  }
0x2d: {  	s3 =	simm.s32 $0x108;
	s8 =	sld [smem:$0x3F05]  }
0x2e: {  	s3 =	simm.s32 @!p0 $0x1082;
	s9 =	sld [smem:$0x3F06]  }
0x2f: {  	lr =	sadd.s32 s0, s3;
	s0 =	sld [smem:$0x3EFD]  }
0x30: {  	s3 =	sld [smem:$0x3F00]  }
0x31: {  	[smem:$0x3F09] =	sst s10  }
0x32: {  	s10 =	sld [smem:$0x3F07];
	_ =	sdelay $0x3  }
0x33: {  	p0 =	seq.s32 s10, $0x1;
	s10 =	sld [smem:$0x3F09];
	_ =	sdelay $0x3  }
0x34: {  	[smem:$0x3F09] =	sst s10  }
0x35: {  	s10 =	sld [smem:$0x3F08];
	_ =	sdelay $0x3  }
0x36: {  	p1 =	seq.s32 s10, $0x1;
	s10 =	sld [smem:$0x3F09];
	_ =	sdelay $0x3  }
0x37: {  	[smem:$0x3F09] =	sst s10  }
0x38: {  	s10 =	sld [smem:$0x3F0A]  }
0x39: {  	_ = 	snop;
	(pc) =	sbr.ind lr, $3  }
0x3a: {  	_ = 	snop  }
0x3b: {  	_ = 	snop  }
0x3c: {  	p2 =	seq.s32 s10, $0x1;
	s10 =	sld [smem:$0x3F09]  }
0x3d: {  	_ =	shalt  }
0x3e: {  	_ =	shalt  }
0x3f: {  	_ =	shalt  }
0x40: {  	_ =	shalt  }
0x41: {  	_ =	shalt  }
0x42: {  	_ =	shalt  }
0x43: {  	_ =	shalt  }
0x44: {  	_ =	shalt  }
0x45: {  	_ =	shalt  }
0x46: {  	_ =	shalt  }
0x47: {  	_ =	shalt  }
0x48: {  	_ =	shalt  }
0x49: {  	_ =	shalt  }
0x4a: {  	_ =	shalt  }
0x4b: {  	_ =	shalt  }
0x4c: {  	_ =	shalt  }
0x4d: {  	_ =	shalt  }
0x4e: {  	_ =	shalt  }
0x4f: {  	_ =	shalt  }
0x50: {  	_ =	shalt  }
0x51: {  	_ =	shalt  }
0x52: {  	_ =	shalt  }
0x53: {  	_ =	shalt  }
0x54: {  	_ =	shalt  }
0x55: {  	_ =	shalt  }
0x56: {  	_ =	shalt  }
0x57: {  	_ =	shalt  }
0x58: {  	_ =	shalt  }
0x59: {  	_ =	shalt  }
0x5a: {  	_ =	shalt  }
0x5b: {  	_ =	shalt  }
0x5c: {  	_ =	shalt  }
0x5d: {  	_ =	shalt  }
0x5e: {  	_ =	shalt  }
0x5f: {  	_ =	shalt  }
0x60: {  	_ =	shalt  }
0x61: {  	_ =	shalt  }
0x62: {  	_ =	shalt  }
0x63: {  	_ =	shalt  }
0x64: {  	_ =	shalt  }
0x65: {  	_ =	shalt  }
0x66: {  	_ =	shalt  }
0x67: {  	_ =	shalt  }
0x68: {  	_ =	shalt  }
0x69: {  	_ =	shalt  }
0x6a: {  	_ =	shalt  }
0x6b: {  	_ =	shalt  }
0x6c: {  	_ =	shalt  }
0x6d: {  	_ =	shalt  }
0x6e: {  	_ =	shalt  }
0x6f: {  	_ =	shalt  }
0x70: {  	_ =	shalt  }
0x71: {  	_ =	shalt  }
0x72: {  	_ =	shalt  }
0x73: {  	_ =	shalt  }
0x74: {  	_ =	shalt  }
0x75: {  	_ =	shalt  }
0x76: {  	_ =	shalt  }
0x77: {  	_ =	shalt  }
0x78: {  	_ =	shalt  }
0x79: {  	_ =	shalt  }
0x7a: {  	_ =	shalt  }
0x7b: {  	_ =	shalt  }
0x7c: {  	_ =	shalt  }
0x7d: {  	_ =	shalt  }
0x7e: {  	_ =	shalt  }
0x7f: {  	_ =	shalt  }
0x80: {  	_ =	shalt  }
0x81: {  	_ =	shalt  }
0x82: {  	_ =	shalt  }
0x83: {  	_ =	shalt  }
0x84: {  	_ =	shalt  }
0x85: {  	_ =	shalt  }
0x86: {  	_ =	shalt  }
0x87: {  	_ =	shalt  }
.Lfunc_end0:
.L_simem_size_0:
called_computation.1_lowered:
.L_overlay_start_0:
0x88: {  	s2 =	sld [smem:$0x3FD9]  }
0x89: {  	s3 =	sld [smem:$0x3FFE];
	_ =	sdelay $0x1  }
0x8a: {  	s1 =	srdreg.scid  }
0x8b: {  	s0 =	sand.u32 $0x1, s1  }
0x8c: {  	s16 =	sshll.u32 s0, $0xA;
	s2 =	sadd.s32 s3, s2  }
0x8d: {  	s2 =	sadd.s32 s2, s16  }
0x8e: {  	[smem:$0x3F15] =	sst s2  }
0x8f: {  	_ = 	snop  }
0x90: {  	(tm) =	ssettm $0x1  }
0x91: {  	s17 =	sld [smem:$0x3FFB];
	_ =	sdelay $0x3  }
0x92: {  	_ =	strace s17  }
0x93: {  	s2 =	sld [smem:$0x3FFC];
	_ =	sdelay $0x3  }
0x94: {  	_ =	strace s2  }
0x95: {  	s2 =	sld [smem:$0x3FFD];
	_ =	sdelay $0x3  }
0x96: {  	_ =	strace s2  }
0x97: {  	_ =	strace $0x8FFFFFFF  }
0x98: {  	s18 =	sld [smem:$0x3FDB];
	_ =	sdelay $0x1  }
0x99: {  	s19 =	simm.s32 $_scs_section_size  }
0x9a: {  	s4 =	simm.s32 $_size__tile_overlayer_lowered;
	s5 =	simm.s32 $_tile_overlayer_lowered  }
0x9b: {  	s22 =	simm.s32 $0x1BFF;
	s21 =	sshll.u32 s5, $0x1;
	s2 =	sadd.s32 s19, s18  }
0x9c: {  	s6 =	simm.s32 $0x0;
	s20 =	sshll.u32 s4, $0x1;
	s4 =	sadd.s32 s21, s2  }
0x9d: {  	[timem:s6], [sflag:s22] =	dma.local [hbm:s4], s20  }
0x9e: {  	_ =	swait.ge [sflag:s22], s20  }
0x9f: {  	s3 =	ssub.s32 $0x0, s20;
	[sflag:s22] =	ssyncset.done $0x0  }
0xa0: {  	[sflag:s22] =	ssyncadd.s32 s3;
	_ =	sdelay $0x1  }
0xa1: {  	s23 =	simm.s32 $0x1B8B  }
0xa2: {  	_ =	swait.ge [sflag:s23], $0x1  }
0xa3: {  	[sflag:s23] =	ssyncset.done $0x0  }
0xa4: {  	s25 =	simm.s32 $0x1B8E;
	s24 =	sld [smem:$0x3FFE];
	[sflag:s23] =	ssyncadd.s32 $0xFFFFFFFF  }
0xa5: {  	s26 =	simm.s32 $execute0_lowered;
	[smem:$0x3FD2] =	sst s25  }
0xa6: {  	s4 =	sshll.u32 s26, $0x1;
	_ =	strace $0x80000046;
	[dreg:$0x1] =	wrdreg $0xFFFFFFFF  }
0xa7: {  	s28 =	simm.s32 $_size_execute0_lowered;
	s2 =	sadd.s32 s2, s4;
	[dreg:$0x0] =	wrdreg $0x0  }
0xa8: {  	s4 =	sshll.u32 s28, $0x1;
	[dreg:$0x2] =	wrdreg s2  }
0xa9: {  	[dreg:$0x3] =	wrdreg s4  }
0xaa: {  	[dreg:$0x4] =	wrdreg $0xC0  }
0xab: {  	_ =	task [dreg:s6], $0x5FFFF  }
0xac: {  	[dreg:$0x1] =	wrdreg $0xFFFFFFFF  }
0xad: {  	[dreg:$0x0] =	wrdreg $0x60  }
0xae: {  	[dreg:$0x2] =	wrdreg s24  }
0xaf: {  	[dreg:$0x3] =	wrdreg $0x9  }
0xb0: {  	_ =	task.clear_ibuf [dreg:s6], $0x4FFFF;
	_ =	strace $0x90000046  }
0xb1: {  	s29 =	simm.s32 $0x9;
	_ =	strace $0x80000048  }
0xb2: {  	_ =	swait.ge [sflag:s29], $0x1  }
0xb3: {  	[sflag:s29] =	ssyncadd.s32 $0xFFFFFFFF  }
0xb4: {  	_ =	strace $0x90000048  }
0xb5: {  	_ =	sfence  }
0xb6: {  	s30 =	sld [smem:$0x0];
	_ =	sdelay $0x2  }
0xb7: {  	s31 =	sshll.u32 s1, $0xD;
	s1 =	sshrl.u32 s1, $0x2  }
0xb8: {  	s3 =	sand.u32 $0x4000, s31;
	s1 =	sadd.s32 s1, s30  }
0xb9: {  	s0 =	sor.u32 s3, s0;
	s1 =	sshll.u32 s1, $0x11  }
0xba: {  	s0 =	sor.u32 s1, s0  }
0xbb: {  	s0 =	sadd.s32 $0x8F2B, s0  }
0xbc: {  	[sflag:s0] =	ssyncadd.remote.s32 $0x1  }
0xbd: {  	_ =	sfence.sel $0xFFFF  }
0xbe: {  	[dreg:$0x0] =	wrdreg $0xFFFFFFFF;
	(pc) =	sbr.abs _section_cstart, $3  }
0xbf: {  	[dreg:$0x1] =	wrdreg $0xFFFFFFFF  }
0xc0: {  	_ =	task.clear_ibuf [dreg:s6], $0x2FFFF;
	_ =	strace $0x9FFFFFFF  }
0xc1: {  	(tm) =	ssettm $0x7FFFFFFF  }
tec
execute0_lowered:
.L_overlay_start_1:
0x0: {  	(tag) =	ssettag $0x1  }
0x1: {  	s8 =	rddreg [dreg:$0x0]  }
0x2: {  	s0 =	rddreg [dreg:$0x1];
	_ =	strace $0x80000047;
	s1 =	stileid.u32  }
0x3: {  	s3 =	srdreg.scid;
	s4 =	simm.s32 $0x1;
	s7 =	simm.s32 $0x1  }
0x4: {  	s9 =	simm.s32 $0x1;
	s10 =	simm.s32 $0x3;
	s13 =	simm.s32 $0x0  }
0x5: {  	s12 =	simm.s32 $0x0;
	s5 =	sand.u32 $0x1, s3;
	s6 =	sshll.u32 s1, $0x1  }
0x6: {  	s2 =	sadd.s32 $0x4F400, s8;
	s3 =	sadd.s32 $0x54400, s8;
	s5 =	sor.u32 s6, s5  }
.Ltmp0:
0x7: {  	[sflag:s4] =	ssyncpa.u1 $0x0;
	p0 =	slt.u32 s5, $0x9;
	(pc) =	sbr.rel .LBB2_1-.Ltmp0, $4  }
0x8: {  	s6 =	simm.s32 $0x2;
	s7 =	simm.s32 @!p0 $0x0;
	p0 =	sne.s32 s5, $0x8  }
0x9: {  	[sflag:s6] =	ssyncpa.u1 $0x0;
	s5 =	smul.u32 $0xFA0, s5;
	s9 =	simm.s32 @!p0 $0x0  }
0xa: {  	s8 =	sadd.s32 $0x5A400, s8;
	[sflag:s10] =	ssyncpa.u1 $0x0;
	s7 =	sadd.s32 s9, s7  }
0xb: {  	vm0 =	vmmov $0xffff;
	s10 =	simm.s32 $0x0;
	s11 =	smov.u32 s5;
	s9 =	sadd.s32 $0x1, s7  }
.LBB2_4:
0xc: {  	v2 =	vnsel vm1, $0x0, v2  }
0xd: {  	vm1 =	vgt.s32 v0, $0x0;
	v2 =	vmin.u32 v2, $0x270FF  }
0xe: {  	v0 =	vnsel vm1, $0x0, v0  }
0xf: {  	v0 =	vmin.u32 v0, $0x270FF  }
0x10: {  	[tilespmem:s18], [sflag:$0x1] =	stream.indirect_vreg.gather [hbm4b:s2+s10], $0x1, v1, vm0, $0x4038;
	[tilespmem:$0x3E80] =	vst v63  }
0x11: {  	(ifvalue) =	ssetifvalue $0x7FFFFFFF  }
0x12: {  	[tilespmem:s15], [sflag:$0x1] =	stream.indirect_vreg.gather [hbm4b:s2+s10], $0x1, v2, vm0, $0x4038;
	[tilespmem:$0x3E80] =	vst v63  }
0x13: {  	s29 =	sadd.s32 $0x10, s15;
	(ifvalue) =	ssetifvalue $0x7FFFFFFF  }
0x14: {  	[tilespmem:s29], [sflag:$0x1] =	stream.indirect_vreg.gather [hbm4b:s2+s10], $0x1, v0, vm0, $0x4038;
	[tilespmem:$0x3E80] =	vst v63  }
0x15: {  	_ =	swait.ge [sflag:s4], $0xFA0  }
0x16: {  	s30 =	sshrl.u32 s13, $0x3;
	[sflag:s4] =	ssyncset.done $0x0  }
0x17: {  	s31 =	sand.u32 $0x7, s13;
	s15 =	sadd.s32 s8, s30;
	[sflag:s4] =	ssyncadd.s32 $0xFFFFF060  }
0x18: {  	[hbm4b:s15+s31] =	stream.linear.scatter [tilespmem:s14], [sflag:$0x3], $0xFA0, $0x38;
	[tilespmem:$0x3E80] =	vst v63  }
.LBB2_5:
0x19: {  	s15 =	sadd.s32 $0x1F400, s11  }
0x1a: {  	p1 =	sgt.s32 s15, $0x270FF  }
0x1b: {  	s15 =	smov.u32 @p1 s5;
	p1 =	sne.s32 s12, s9  }
.Ltmp1:
0x1c: {  	p0 =	slt.u32 s12, $0x2;
	(pc) =	sbr.rel @!p1 .LBB2_6-.Ltmp1, $4  }
0x1d: {  	s14 =	simm.s32 @!p0 $0x3  }
0x1e: {  	_ =	swait.ge @!p0 [sflag:s14], $0xFA0  }
0x1f: {  	s16 =	sadd.s32 $0x1, s12;
	s13 =	smov.u32 s11;
	[sflag:s14] =	ssyncset.done @!p0 $0x0  }
0x20: {  	s12 =	smov.u32 s16;
	s11 =	smov.u32 s15;
	[sflag:s14] =	ssyncadd.s32 @!p0 $0xFFFFF060  }
.LBB2_1:
0x21: {  	p0 =	sge.u32 s12, s7  }
0x22: {  	s14 =	sxor.u32 @!p0 $0x1, s12  }
0x23: {  	s14 =	smul.u32 @!p0 $0x3E80, s14  }
0x24: {  	s31 =	sadd.s32 $0xFFFFFFFF, s12;
	s15 =	sshrl.u32 @!p0 s11, $0x3  }
0x25: {  	s16 =	sand.u32 @!p0 $0x7, s11;
	s15 =	sadd.s32 @!p0 s3, s15;
	s14 =	sshra.s32 @!p0 s14, $0x2  }
0x26: {  	[tilespmem:s14], [sflag:$0x2] =	stream.linear.gather @!p0 [hbm4b:s15+s16], $0xFA0, $0x38;
	[tilespmem:$0x3E80] =	vst v63  }
0x27: {  	p0 =	sge.u32 s31, s7  }
.Ltmp2:
0x28: {  	_ = 	snop;
	(pc) =	sbr.rel @p0 .LBB2_5-.Ltmp2, $1  }
0x29: {  	_ =	sdelay $0x3  }
0x2a: {  	s14 =	sand.u32 $0x1, s12  }
0x2b: {  	_ =	swait.ge [sflag:s6], $0xFA0;
	p0 =	seq.s32 s14, $0x1;
	s14 =	simm.s32 $0xFA0  }
0x2c: {  	[sflag:s6] =	ssyncset.done $0x0;
	s14 =	simm.s32 @!p0 $0x0  }
0x2d: {  	[sflag:s6] =	ssyncadd.s32 $0xFFFFF060;
	(ifvalue) =	ssetifvalue $0x7FFFFFFF;
	v0 =	vld.msk [tilespmem:s14+$0x0 ss:$0x1], $0xffff;
	_ =	sdelay $0x4  }
0x2e: {  	s15 =	sadd.s32 $0x10, s14;
	vm1 =	vgt.s32 v0, $0x0  }
0x2f: {  	v2 =	vld.msk [tilespmem:s15+$0x0 ss:$0x1], $0xffff;
	v1 =	vnsel vm1, $0x0, v0  }
0x30: {  	v1 =	vmin.u32 v1, $0x270FF;
	_ =	sdelay $0x2  }
0x31: {  	s17 =	simm.s32 $0x20;
	s14 =	sadd.s32 $0x1F40, s14;
	s16 =	sadd.s32 $0x10, s15  }
0x32: {  	s15 =	sadd.s32 $0x10, s14;
	s18 =	smov.u32 s14;
	v0 =	vld.msk [tilespmem:s16+$0x0 ss:$0x1], $0xffff;
	vm1 =	vgt.s32 v2, $0x0;
	(ifvalue) =	ssetifvalue $0x7FFFFFFF  }
.LBB2_3:
0x33: {  	[tilespmem:s18], [sflag:$0x1] =	stream.indirect_vreg.gather [hbm4b:s2+s10], $0x1, v1, vm0, $0x4038;
	[tilespmem:$0x3E80] =	vst v63  }
0x34: {  	s17 =	sadd.s32 $0x10, s17  }
0x35: {  	v2 =	vnsel vm1, $0x0, v2;
	p0 =	slt.u32 s17, $0xF90  }
.Ltmp3:
0x36: {  	s18 =	smov.u32 s15;
	v1 =	vmin.u32 v2, $0x270FF;
	(pc) =	sbr.rel @p0 .LBB2_3-.Ltmp3, $3  }
0x37: {  	_ =	sdelay $0x1  }
0x38: {  	s16 =	sadd.s32 $0x10, s16  }
0x39: {  	vm1 =	vgt.s32 v0, $0x0;
	s15 =	sadd.s32 $0x10, s15;
	v2 =	vmov v0;
	(ifvalue) =	ssetifvalue $0x7FFFFFFF;
	v0 =	vld.msk [tilespmem:s16+$0x0 ss:$0x1], $0xffff  }
.Ltmp4:
0x3a: {  	_ = 	snop;
	(pc) =	sbr.rel .LBB2_4-.Ltmp4, $1  }
0x3b: {  	_ =	sdelay $0x3  }
.LBB2_6:
0x3c: {  	_ =	sfence.sel $0x180000  }
0x3d: {  	s2 =	simm.s32 $0x2;
	[bflag:$0x0] =	sbarrier.arrive $0xFFFF  }
0x3e: {  	s30 =	simm.s32 $0x3;
	[sflag:s2] =	ssyncpa.u1 $0x1  }
0x3f: {  	s31 =	simm.s32 $0x1;
	[sflag:s30] =	ssyncpa.u1 $0x1  }
0x40: {  	[sflag:s31] =	ssyncpa.u1 $0x1  }
0x41: {  	p0 =	sne.s32 s1, $0x0;
	_ =	strace $0x90000047  }
0x42: {  	s0 =	sadd.s32 @!p0 $0x100000, s0;
	[bflag:$0x2] =	sbarrier.arrive $0xFFFF  }
0x43: {  	[sflag:s0] =	ssyncadd.tile.s32 @!p0 $0x1;
	_ =	shalt  }
.Lfunc_end2:
_tile_overlayer_lowered:
.L_overlay_start_2:
0x44: {  	(tag) =	ssettag $0x2  }
0x45: {  	s0 =	rddreg [dreg:$0x0];
	s2 =	stileid.u32  }
0x46: {  	s1 =	rddreg [dreg:$0x1];
	p0 =	sne.s32 s2, $0x0  }
0x47: {  	s3 =	rddreg [dreg:$0x2];
	[bflag:$0x3] =	sbarrier.arrive $0xFFFF;
	s2 =	simm.s32 @!p0 $0x1C01  }
0x48: {  	[timem:s3], [sflag:s2] =	dma.local @!p0 [hbm:s0], s1  }
0x49: {  	s0 =	simm.s32 @!p0 $0x1  }
0x4a: {  	_ =	swait.ge @!p0 [sflag:s0], s1  }
0x4b: {  	s1 =	ssub.s32 @!p0 $0x0, s1;
	[sflag:s0] =	ssyncset.done @!p0 $0x0  }
0x4c: {  	[sflag:s0] =	ssyncadd.s32 @!p0 s1  }
0x4d: {  	[bflag:$0x3] =	sbarrier.arrive $0xFFFF  }
0x4e: {  	_ =	shalt  }

// kernel: gather_offload_async_start
scs
__scs_entry_jumppad:
0x0: {  	(pc) =	sbr.rel $0x88, $3  }
0x1: {  	(tag) =	ssettag $0x0;
	lr =	simm.s32 $0x1  }
0x2: {  	[smem:$0x3EEE] =	sst lr;
	_ =	strace $0xD0000000  }
0x3: {  	_ = 	snop  }
0x4: {  	_ = 	snop  }
0x5: {  	_ = 	snop  }
0x6: {  	_ = 	snop  }
0x7: {  	_ = 	snop  }
__scs_overlays_trampoline_lowered:
0x8: {  	[smem:$0x3EFD] =	sst s0  }
0x9: {  	[smem:$0x3EFE] =	sst s1  }
0xa: {  	[smem:$0x3EFF] =	sst s2  }
0xb: {  	[smem:$0x3F00] =	sst s3  }
0xc: {  	[smem:$0x3F01] =	sst s4  }
0xd: {  	[smem:$0x3F02] =	sst s5  }
0xe: {  	[smem:$0x3F03] =	sst s6  }
0xf: {  	[smem:$0x3F04] =	sst s7  }
0x10: {  	[smem:$0x3F05] =	sst s8  }
0x11: {  	[smem:$0x3F06] =	sst s9;
	s0 =	simm.s32 @!p0 $0x0  }
0x12: {  	s1 =	sld [smem:$0x3EEC];
	s0 =	simm.s32 @p0 $0x1  }
0x13: {  	[smem:$0x3F07] =	sst s0;
	s0 =	simm.s32 @!p1 $0x0  }
0x14: {  	s2 =	sld [smem:$0x3EEB];
	s0 =	simm.s32 @p1 $0x1  }
0x15: {  	[smem:$0x3F08] =	sst s0;
	s0 =	simm.s32 @!p2 $0x0  }
0x16: {  	s3 =	sld [smem:$0x3FDB];
	s0 =	simm.s32 @p2 $0x1  }
0x17: {  	s4 =	simm.s32 $0x1BF5;
	[smem:$0x3F0A] =	sst s0  }
0x18: {  	s0 =	sld [smem:$0x3EED];
	_ =	swait.ge [sflag:s4], $0x0  }
0x19: {  	s7 =	sld [smem:$0x3EEE]  }
0x1a: {  	s8 =	sadd.s32 $0xFFFFE003, lr  }
0x1b: {  	s9 =	sadd.s32 $0xFFFFFEF7, lr;
	s5 =	simm.s32 $0xFFFFFFFF;
	p2 =	slt.u32 s8, $0xFFFFF086  }
0x1c: {  	p1 =	slt.u32 s9, $0xF7A;
	s5 =	simm.s32 @!p2 $0x0  }
0x1d: {  	s5 =	simm.s32 @p1 $0x1;
	p0 =	seq.s32 s7, s2  }
0x1e: {  	s7 =	smul.u32 @!p0 $0xF7A, s2;
	p2 =	seq.s32 @!p0 s5, $0x0  }
0x1f: {  	s9 =	smul.u32 $0xF7A, s1;
	s8 =	simm.s32 @!p0 $0x1BF5;
	p2 =	por !p2, p0  }
0x20: {  	[sflag:s8] =	ssyncset.s32 @!p0 $0xFFFFF086;
	s6 =	sadd.s32 @!p0 s3, s7;
	s7 =	simm.s32 @!p0 $0x108  }
0x21: {  	s3 =	sadd.s32 s3, s9;
	s6 =	sadd.s32 @!p0 $0x88, s6;
	s7 =	simm.s32 @p2 $0x1082  }
0x22: {  	[simem:s7], [sflag:s8] =	dma.local @!p0 [hbm:s6], $0xF7A  }
0x23: {  	s9 =	sor.u32 $0xD0000000, s2;
	s6 =	simm.s32 $0x108;
	_ =	swait.ge @!p0 [sflag:s8], $0x0  }
0x24: {  	s3 =	sadd.s32 $0x88, s3;
	s6 =	simm.s32 @!p1 $0x1082;
	[sflag:s4] =	ssyncset.s32 $0xFFFFF086  }
0x25: {  	[simem:s6], [sflag:s4] =	dma.local [hbm:s3], $0xF7A  }
0x26: {  	[smem:$0x3EEE] =	sst s1;
	(tag) =	ssettag s2;
	_ =	strace s9  }
0x27: {  	s1 =	sld [smem:$0x3EFE]  }
0x28: {  	s2 =	sld [smem:$0x3EFF]  }
0x29: {  	s4 =	sld [smem:$0x3F01]  }
0x2a: {  	p0 =	seq.s32 s5, $0x0;
	s5 =	sld [smem:$0x3F02]  }
0x2b: {  	s6 =	sld [smem:$0x3F03]  }
0x2c: {  	s7 =	sld [smem:$0x3F04]  }
0x2d: {  	s3 =	simm.s32 $0x108;
	s8 =	sld [smem:$0x3F05]  }
0x2e: {  	s3 =	simm.s32 @!p0 $0x1082;
	s9 =	sld [smem:$0x3F06]  }
0x2f: {  	lr =	sadd.s32 s0, s3;
	s0 =	sld [smem:$0x3EFD]  }
0x30: {  	s3 =	sld [smem:$0x3F00]  }
0x31: {  	[smem:$0x3F09] =	sst s10  }
0x32: {  	s10 =	sld [smem:$0x3F07];
	_ =	sdelay $0x3  }
0x33: {  	p0 =	seq.s32 s10, $0x1;
	s10 =	sld [smem:$0x3F09];
	_ =	sdelay $0x3  }
0x34: {  	[smem:$0x3F09] =	sst s10  }
0x35: {  	s10 =	sld [smem:$0x3F08];
	_ =	sdelay $0x3  }
0x36: {  	p1 =	seq.s32 s10, $0x1;
	s10 =	sld [smem:$0x3F09];
	_ =	sdelay $0x3  }
0x37: {  	[smem:$0x3F09] =	sst s10  }
0x38: {  	s10 =	sld [smem:$0x3F0A]  }
0x39: {  	_ = 	snop;
	(pc) =	sbr.ind lr, $3  }
0x3a: {  	_ = 	snop  }
0x3b: {  	_ = 	snop  }
0x3c: {  	p2 =	seq.s32 s10, $0x1;
	s10 =	sld [smem:$0x3F09]  }
0x3d: {  	_ =	shalt  }
0x3e: {  	_ =	shalt  }
0x3f: {  	_ =	shalt  }
0x40: {  	_ =	shalt  }
0x41: {  	_ =	shalt  }
0x42: {  	_ =	shalt  }
0x43: {  	_ =	shalt  }
0x44: {  	_ =	shalt  }
0x45: {  	_ =	shalt  }
0x46: {  	_ =	shalt  }
0x47: {  	_ =	shalt  }
0x48: {  	_ =	shalt  }
0x49: {  	_ =	shalt  }
0x4a: {  	_ =	shalt  }
0x4b: {  	_ =	shalt  }
0x4c: {  	_ =	shalt  }
0x4d: {  	_ =	shalt  }
0x4e: {  	_ =	shalt  }
0x4f: {  	_ =	shalt  }
0x50: {  	_ =	shalt  }
0x51: {  	_ =	shalt  }
0x52: {  	_ =	shalt  }
0x53: {  	_ =	shalt  }
0x54: {  	_ =	shalt  }
0x55: {  	_ =	shalt  }
0x56: {  	_ =	shalt  }
0x57: {  	_ =	shalt  }
0x58: {  	_ =	shalt  }
0x59: {  	_ =	shalt  }
0x5a: {  	_ =	shalt  }
0x5b: {  	_ =	shalt  }
0x5c: {  	_ =	shalt  }
0x5d: {  	_ =	shalt  }
0x5e: {  	_ =	shalt  }
0x5f: {  	_ =	shalt  }
0x60: {  	_ =	shalt  }
0x61: {  	_ =	shalt  }
0x62: {  	_ =	shalt  }
0x63: {  	_ =	shalt  }
0x64: {  	_ =	shalt  }
0x65: {  	_ =	shalt  }
0x66: {  	_ =	shalt  }
0x67: {  	_ =	shalt  }
0x68: {  	_ =	shalt  }
0x69: {  	_ =	shalt  }
0x6a: {  	_ =	shalt  }
0x6b: {  	_ =	shalt  }
0x6c: {  	_ =	shalt  }
0x6d: {  	_ =	shalt  }
0x6e: {  	_ =	shalt  }
0x6f: {  	_ =	shalt  }
0x70: {  	_ =	shalt  }
0x71: {  	_ =	shalt  }
0x72: {  	_ =	shalt  }
0x73: {  	_ =	shalt  }
0x74: {  	_ =	shalt  }
0x75: {  	_ =	shalt  }
0x76: {  	_ =	shalt  }
0x77: {  	_ =	shalt  }
0x78: {  	_ =	shalt  }
0x79: {  	_ =	shalt  }
0x7a: {  	_ =	shalt  }
0x7b: {  	_ =	shalt  }
0x7c: {  	_ =	shalt  }
0x7d: {  	_ =	shalt  }
0x7e: {  	_ =	shalt  }
0x7f: {  	_ =	shalt  }
0x80: {  	_ =	shalt  }
0x81: {  	_ =	shalt  }
0x82: {  	_ =	shalt  }
0x83: {  	_ =	shalt  }
0x84: {  	_ =	shalt  }
0x85: {  	_ =	shalt  }
0x86: {  	_ =	shalt  }
0x87: {  	_ =	shalt  }
.Lfunc_end0:
.L_simem_size_0:
called_computation_lowered:
.L_overlay_start_0:
0x88: {  	s2 =	sld [smem:$0x3FD9]  }
0x89: {  	s3 =	sld [smem:$0x3FFE];
	_ =	sdelay $0x1  }
0x8a: {  	s1 =	srdreg.scid  }
0x8b: {  	s0 =	sand.u32 $0x1, s1  }
0x8c: {  	s16 =	sshll.u32 s0, $0xA;
	s2 =	sadd.s32 s3, s2  }
0x8d: {  	s2 =	sadd.s32 s2, s16  }
0x8e: {  	[smem:$0x3F15] =	sst s2  }
0x8f: {  	_ = 	snop  }
0x90: {  	(tm) =	ssettm $0x1  }
0x91: {  	s17 =	sld [smem:$0x3FFB];
	_ =	sdelay $0x3  }
0x92: {  	_ =	strace s17  }
0x93: {  	s2 =	sld [smem:$0x3FFC];
	_ =	sdelay $0x3  }
0x94: {  	_ =	strace s2  }
0x95: {  	s2 =	sld [smem:$0x3FFD];
	_ =	sdelay $0x3  }
0x96: {  	_ =	strace s2  }
0x97: {  	_ =	strace $0x8FFFFFFF  }
0x98: {  	s18 =	sld [smem:$0x3FDB];
	_ =	sdelay $0x1  }
0x99: {  	s19 =	simm.s32 $_scs_section_size  }
0x9a: {  	s4 =	simm.s32 $_size__tile_overlayer_lowered;
	s5 =	simm.s32 $_tile_overlayer_lowered  }
0x9b: {  	s22 =	simm.s32 $0x1BFF;
	s21 =	sshll.u32 s5, $0x1;
	s2 =	sadd.s32 s19, s18  }
0x9c: {  	s6 =	simm.s32 $0x0;
	s20 =	sshll.u32 s4, $0x1;
	s4 =	sadd.s32 s21, s2  }
0x9d: {  	[timem:s6], [sflag:s22] =	dma.local [hbm:s4], s20  }
0x9e: {  	_ =	swait.ge [sflag:s22], s20  }
0x9f: {  	s3 =	ssub.s32 $0x0, s20;
	[sflag:s22] =	ssyncset.done $0x0  }
0xa0: {  	[sflag:s22] =	ssyncadd.s32 s3;
	_ =	sdelay $0x1  }
0xa1: {  	s23 =	simm.s32 $0x1B8B  }
0xa2: {  	_ =	swait.ge [sflag:s23], $0x1  }
0xa3: {  	[sflag:s23] =	ssyncset.done $0x0  }
0xa4: {  	s25 =	simm.s32 $0x1B8E;
	s24 =	sld [smem:$0x3FFE];
	[sflag:s23] =	ssyncadd.s32 $0xFFFFFFFF  }
0xa5: {  	s26 =	simm.s32 $execute0_lowered;
	[smem:$0x3FD2] =	sst s25  }
0xa6: {  	s4 =	sshll.u32 s26, $0x1;
	_ =	strace $0x80000049;
	[dreg:$0x1] =	wrdreg $0xFFFFFFFF  }
0xa7: {  	s28 =	simm.s32 $_size_execute0_lowered;
	s2 =	sadd.s32 s2, s4;
	[dreg:$0x0] =	wrdreg $0x0  }
0xa8: {  	s4 =	sshll.u32 s28, $0x1;
	[dreg:$0x2] =	wrdreg s2  }
0xa9: {  	[dreg:$0x3] =	wrdreg s4  }
0xaa: {  	[dreg:$0x4] =	wrdreg $0xC0  }
0xab: {  	_ =	task [dreg:s6], $0x5FFFF  }
0xac: {  	[dreg:$0x1] =	wrdreg $0xFFFFFFFF  }
0xad: {  	[dreg:$0x0] =	wrdreg $0x60  }
0xae: {  	[dreg:$0x2] =	wrdreg s24  }
0xaf: {  	[dreg:$0x3] =	wrdreg $0x9  }
0xb0: {  	_ =	task.clear_ibuf [dreg:s6], $0x4FFFF;
	_ =	strace $0x90000049  }
0xb1: {  	s29 =	simm.s32 $0x9;
	_ =	strace $0x8000004B  }
0xb2: {  	_ =	swait.ge [sflag:s29], $0x1  }
0xb3: {  	[sflag:s29] =	ssyncadd.s32 $0xFFFFFFFF  }
0xb4: {  	_ =	strace $0x9000004B  }
0xb5: {  	_ =	sfence  }
0xb6: {  	s30 =	sld [smem:$0x0];
	_ =	sdelay $0x2  }
0xb7: {  	s31 =	sshll.u32 s1, $0xD;
	s1 =	sshrl.u32 s1, $0x2  }
0xb8: {  	s3 =	sand.u32 $0x4000, s31;
	s1 =	sadd.s32 s1, s30  }
0xb9: {  	s0 =	sor.u32 s3, s0;
	s1 =	sshll.u32 s1, $0x11  }
0xba: {  	s0 =	sor.u32 s1, s0  }
0xbb: {  	s0 =	sadd.s32 $0x8F2B, s0  }
0xbc: {  	[sflag:s0] =	ssyncadd.remote.s32 $0x1  }
0xbd: {  	_ =	sfence.sel $0xFFFF  }
0xbe: {  	[dreg:$0x0] =	wrdreg $0xFFFFFFFF;
	(pc) =	sbr.abs _section_cstart, $3  }
0xbf: {  	[dreg:$0x1] =	wrdreg $0xFFFFFFFF  }
0xc0: {  	_ =	task.clear_ibuf [dreg:s6], $0x2FFFF;
	_ =	strace $0x9FFFFFFF  }
0xc1: {  	(tm) =	ssettm $0x7FFFFFFF  }
tec
execute0_lowered:
.L_overlay_start_1:
0x0: {  	(tag) =	ssettag $0x1  }
0x1: {  	s8 =	rddreg [dreg:$0x0]  }
0x2: {  	s0 =	rddreg [dreg:$0x1];
	_ =	strace $0x8000004A;
	s1 =	stileid.u32  }
0x3: {  	s3 =	srdreg.scid;
	s4 =	simm.s32 $0x1;
	s7 =	simm.s32 $0x1  }
0x4: {  	s9 =	simm.s32 $0x1;
	s10 =	simm.s32 $0x3;
	s13 =	simm.s32 $0x0  }
0x5: {  	s12 =	simm.s32 $0x0;
	s5 =	sand.u32 $0x1, s3;
	s6 =	sshll.u32 s1, $0x1  }
0x6: {  	s2 =	sadd.s32 $0x4A400, s8;
	s3 =	sadd.s32 $0x54400, s8;
	s5 =	sor.u32 s6, s5  }
.Ltmp0:
0x7: {  	[sflag:s4] =	ssyncpa.u1 $0x0;
	p0 =	slt.u32 s5, $0x9;
	(pc) =	sbr.rel .LBB2_1-.Ltmp0, $4  }
0x8: {  	s6 =	simm.s32 $0x2;
	s7 =	simm.s32 @!p0 $0x0;
	p0 =	sne.s32 s5, $0x8  }
0x9: {  	[sflag:s6] =	ssyncpa.u1 $0x0;
	s5 =	smul.u32 $0xFA0, s5;
	s9 =	simm.s32 @!p0 $0x0  }
0xa: {  	s8 =	sadd.s32 $0x4F400, s8;
	[sflag:s10] =	ssyncpa.u1 $0x0;
	s7 =	sadd.s32 s9, s7  }
0xb: {  	vm0 =	vmmov $0xffff;
	s10 =	simm.s32 $0x0;
	s11 =	smov.u32 s5;
	s9 =	sadd.s32 $0x1, s7  }
.LBB2_4:
0xc: {  	v2 =	vnsel vm1, $0x0, v2  }
0xd: {  	vm1 =	vgt.s32 v0, $0x0;
	v2 =	vmin.u32 v2, $0x270FF  }
0xe: {  	v0 =	vnsel vm1, $0x0, v0  }
0xf: {  	v0 =	vmin.u32 v0, $0x270FF  }
0x10: {  	[tilespmem:s18], [sflag:$0x1] =	stream.indirect_vreg.gather [hbm4b:s2+s10], $0x1, v1, vm0, $0x4038;
	[tilespmem:$0x3E80] =	vst v63  }
0x11: {  	(ifvalue) =	ssetifvalue $0x7FFFFFFF  }
0x12: {  	[tilespmem:s15], [sflag:$0x1] =	stream.indirect_vreg.gather [hbm4b:s2+s10], $0x1, v2, vm0, $0x4038;
	[tilespmem:$0x3E80] =	vst v63  }
0x13: {  	s29 =	sadd.s32 $0x10, s15;
	(ifvalue) =	ssetifvalue $0x7FFFFFFF  }
0x14: {  	[tilespmem:s29], [sflag:$0x1] =	stream.indirect_vreg.gather [hbm4b:s2+s10], $0x1, v0, vm0, $0x4038;
	[tilespmem:$0x3E80] =	vst v63  }
0x15: {  	_ =	swait.ge [sflag:s4], $0xFA0  }
0x16: {  	s30 =	sshrl.u32 s13, $0x3;
	[sflag:s4] =	ssyncset.done $0x0  }
0x17: {  	s31 =	sand.u32 $0x7, s13;
	s15 =	sadd.s32 s8, s30;
	[sflag:s4] =	ssyncadd.s32 $0xFFFFF060  }
0x18: {  	[hbm4b:s15+s31] =	stream.linear.scatter [tilespmem:s14], [sflag:$0x3], $0xFA0, $0x38;
	[tilespmem:$0x3E80] =	vst v63  }
.LBB2_5:
0x19: {  	s15 =	sadd.s32 $0x1F400, s11  }
0x1a: {  	p1 =	sgt.s32 s15, $0x270FF  }
0x1b: {  	s15 =	smov.u32 @p1 s5;
	p1 =	sne.s32 s12, s9  }
.Ltmp1:
0x1c: {  	p0 =	slt.u32 s12, $0x2;
	(pc) =	sbr.rel @!p1 .LBB2_6-.Ltmp1, $4  }
0x1d: {  	s14 =	simm.s32 @!p0 $0x3  }
0x1e: {  	_ =	swait.ge @!p0 [sflag:s14], $0xFA0  }
0x1f: {  	s16 =	sadd.s32 $0x1, s12;
	s13 =	smov.u32 s11;
	[sflag:s14] =	ssyncset.done @!p0 $0x0  }
0x20: {  	s12 =	smov.u32 s16;
	s11 =	smov.u32 s15;
	[sflag:s14] =	ssyncadd.s32 @!p0 $0xFFFFF060  }
.LBB2_1:
0x21: {  	p0 =	sge.u32 s12, s7  }
0x22: {  	s14 =	sxor.u32 @!p0 $0x1, s12  }
0x23: {  	s14 =	smul.u32 @!p0 $0x3E80, s14  }
0x24: {  	s31 =	sadd.s32 $0xFFFFFFFF, s12;
	s15 =	sshrl.u32 @!p0 s11, $0x3  }
0x25: {  	s16 =	sand.u32 @!p0 $0x7, s11;
	s15 =	sadd.s32 @!p0 s3, s15;
	s14 =	sshra.s32 @!p0 s14, $0x2  }
0x26: {  	[tilespmem:s14], [sflag:$0x2] =	stream.linear.gather @!p0 [hbm4b:s15+s16], $0xFA0, $0x38;
	[tilespmem:$0x3E80] =	vst v63  }
0x27: {  	p0 =	sge.u32 s31, s7  }
.Ltmp2:
0x28: {  	_ = 	snop;
	(pc) =	sbr.rel @p0 .LBB2_5-.Ltmp2, $1  }
0x29: {  	_ =	sdelay $0x3  }
0x2a: {  	s14 =	sand.u32 $0x1, s12  }
0x2b: {  	_ =	swait.ge [sflag:s6], $0xFA0;
	p0 =	seq.s32 s14, $0x1;
	s14 =	simm.s32 $0xFA0  }
0x2c: {  	[sflag:s6] =	ssyncset.done $0x0;
	s14 =	simm.s32 @!p0 $0x0  }
0x2d: {  	[sflag:s6] =	ssyncadd.s32 $0xFFFFF060;
	(ifvalue) =	ssetifvalue $0x7FFFFFFF;
	v0 =	vld.msk [tilespmem:s14+$0x0 ss:$0x1], $0xffff;
	_ =	sdelay $0x4  }
0x2e: {  	s15 =	sadd.s32 $0x10, s14;
	vm1 =	vgt.s32 v0, $0x0  }
0x2f: {  	v2 =	vld.msk [tilespmem:s15+$0x0 ss:$0x1], $0xffff;
	v1 =	vnsel vm1, $0x0, v0  }
0x30: {  	v1 =	vmin.u32 v1, $0x270FF;
	_ =	sdelay $0x2  }
0x31: {  	s17 =	simm.s32 $0x20;
	s14 =	sadd.s32 $0x1F40, s14;
	s16 =	sadd.s32 $0x10, s15  }
0x32: {  	s15 =	sadd.s32 $0x10, s14;
	s18 =	smov.u32 s14;
	v0 =	vld.msk [tilespmem:s16+$0x0 ss:$0x1], $0xffff;
	vm1 =	vgt.s32 v2, $0x0;
	(ifvalue) =	ssetifvalue $0x7FFFFFFF  }
.LBB2_3:
0x33: {  	[tilespmem:s18], [sflag:$0x1] =	stream.indirect_vreg.gather [hbm4b:s2+s10], $0x1, v1, vm0, $0x4038;
	[tilespmem:$0x3E80] =	vst v63  }
0x34: {  	s17 =	sadd.s32 $0x10, s17  }
0x35: {  	v2 =	vnsel vm1, $0x0, v2;
	p0 =	slt.u32 s17, $0xF90  }
.Ltmp3:
0x36: {  	s18 =	smov.u32 s15;
	v1 =	vmin.u32 v2, $0x270FF;
	(pc) =	sbr.rel @p0 .LBB2_3-.Ltmp3, $3  }
0x37: {  	_ =	sdelay $0x1  }
0x38: {  	s16 =	sadd.s32 $0x10, s16  }
0x39: {  	vm1 =	vgt.s32 v0, $0x0;
	s15 =	sadd.s32 $0x10, s15;
	v2 =	vmov v0;
	(ifvalue) =	ssetifvalue $0x7FFFFFFF;
	v0 =	vld.msk [tilespmem:s16+$0x0 ss:$0x1], $0xffff  }
.Ltmp4:
0x3a: {  	_ = 	snop;
	(pc) =	sbr.rel .LBB2_4-.Ltmp4, $1  }
0x3b: {  	_ =	sdelay $0x3  }
.LBB2_6:
0x3c: {  	_ =	sfence.sel $0x180000  }
0x3d: {  	s2 =	simm.s32 $0x2;
	[bflag:$0x0] =	sbarrier.arrive $0xFFFF  }
0x3e: {  	s30 =	simm.s32 $0x3;
	[sflag:s2] =	ssyncpa.u1 $0x1  }
0x3f: {  	s31 =	simm.s32 $0x1;
	[sflag:s30] =	ssyncpa.u1 $0x1  }
0x40: {  	[sflag:s31] =	ssyncpa.u1 $0x1  }
0x41: {  	p0 =	sne.s32 s1, $0x0;
	_ =	strace $0x9000004A  }
0x42: {  	s0 =	sadd.s32 @!p0 $0x100000, s0;
	[bflag:$0x2] =	sbarrier.arrive $0xFFFF  }
0x43: {  	[sflag:s0] =	ssyncadd.tile.s32 @!p0 $0x1;
	_ =	shalt  }
.Lfunc_end2:
_tile_overlayer_lowered:
.L_overlay_start_2:
0x44: {  	(tag) =	ssettag $0x2  }
0x45: {  	s0 =	rddreg [dreg:$0x0];
	s2 =	stileid.u32  }
0x46: {  	s1 =	rddreg [dreg:$0x1];
	p0 =	sne.s32 s2, $0x0  }
0x47: {  	s3 =	rddreg [dreg:$0x2];
	[bflag:$0x3] =	sbarrier.arrive $0xFFFF;
	s2 =	simm.s32 @!p0 $0x1C01  }
0x48: {  	[timem:s3], [sflag:s2] =	dma.local @!p0 [hbm:s0], s1  }
0x49: {  	s0 =	simm.s32 @!p0 $0x1  }
0x4a: {  	_ =	swait.ge @!p0 [sflag:s0], s1  }
0x4b: {  	s1 =	ssub.s32 @!p0 $0x0, s1;
	[sflag:s0] =	ssyncset.done @!p0 $0x0  }
0x4c: {  	[sflag:s0] =	ssyncadd.s32 @!p0 s1  }
0x4d: {  	[bflag:$0x3] =	sbarrier.arrive $0xFFFF  }
0x4e: {  	_ =	shalt  }

// kernel: kernel.30.cloned.1.call-start
scs
__scs_entry_jumppad:
0x0: {  	(pc) =	sbr.rel $0x88, $3  }
0x1: {  	(tag) =	ssettag $0x0;
	lr =	simm.s32 $0x1  }
0x2: {  	[smem:$0x3EEE] =	sst lr;
	_ =	strace $0xD0000000  }
0x3: {  	_ = 	snop  }
0x4: {  	_ = 	snop  }
0x5: {  	_ = 	snop  }
0x6: {  	_ = 	snop  }
0x7: {  	_ = 	snop  }
__scs_overlays_trampoline_lowered:
0x8: {  	[smem:$0x3EFD] =	sst s0  }
0x9: {  	[smem:$0x3EFE] =	sst s1  }
0xa: {  	[smem:$0x3EFF] =	sst s2  }
0xb: {  	[smem:$0x3F00] =	sst s3  }
0xc: {  	[smem:$0x3F01] =	sst s4  }
0xd: {  	[smem:$0x3F02] =	sst s5  }
0xe: {  	[smem:$0x3F03] =	sst s6  }
0xf: {  	[smem:$0x3F04] =	sst s7  }
0x10: {  	[smem:$0x3F05] =	sst s8  }
0x11: {  	[smem:$0x3F06] =	sst s9;
	s0 =	simm.s32 @!p0 $0x0  }
0x12: {  	s1 =	sld [smem:$0x3EEC];
	s0 =	simm.s32 @p0 $0x1  }
0x13: {  	[smem:$0x3F07] =	sst s0;
	s0 =	simm.s32 @!p1 $0x0  }
0x14: {  	s2 =	sld [smem:$0x3EEB];
	s0 =	simm.s32 @p1 $0x1  }
0x15: {  	[smem:$0x3F08] =	sst s0;
	s0 =	simm.s32 @!p2 $0x0  }
0x16: {  	s3 =	sld [smem:$0x3FDB];
	s0 =	simm.s32 @p2 $0x1  }
0x17: {  	s4 =	simm.s32 $0x1BF5;
	[smem:$0x3F0A] =	sst s0  }
0x18: {  	s0 =	sld [smem:$0x3EED];
	_ =	swait.ge [sflag:s4], $0x0  }
0x19: {  	s7 =	sld [smem:$0x3EEE]  }
0x1a: {  	s8 =	sadd.s32 $0xFFFFE003, lr  }
0x1b: {  	s9 =	sadd.s32 $0xFFFFFEF7, lr;
	s5 =	simm.s32 $0xFFFFFFFF;
	p2 =	slt.u32 s8, $0xFFFFF086  }
0x1c: {  	p1 =	slt.u32 s9, $0xF7A;
	s5 =	simm.s32 @!p2 $0x0  }
0x1d: {  	s5 =	simm.s32 @p1 $0x1;
	p0 =	seq.s32 s7, s2  }
0x1e: {  	s7 =	smul.u32 @!p0 $0xF7A, s2;
	p2 =	seq.s32 @!p0 s5, $0x0  }
0x1f: {  	s9 =	smul.u32 $0xF7A, s1;
	s8 =	simm.s32 @!p0 $0x1BF5;
	p2 =	por !p2, p0  }
0x20: {  	[sflag:s8] =	ssyncset.s32 @!p0 $0xFFFFF086;
	s6 =	sadd.s32 @!p0 s3, s7;
	s7 =	simm.s32 @!p0 $0x108  }
0x21: {  	s3 =	sadd.s32 s3, s9;
	s6 =	sadd.s32 @!p0 $0x88, s6;
	s7 =	simm.s32 @p2 $0x1082  }
0x22: {  	[simem:s7], [sflag:s8] =	dma.local @!p0 [hbm:s6], $0xF7A  }
0x23: {  	s9 =	sor.u32 $0xD0000000, s2;
	s6 =	simm.s32 $0x108;
	_ =	swait.ge @!p0 [sflag:s8], $0x0  }
0x24: {  	s3 =	sadd.s32 $0x88, s3;
	s6 =	simm.s32 @!p1 $0x1082;
	[sflag:s4] =	ssyncset.s32 $0xFFFFF086  }
0x25: {  	[simem:s6], [sflag:s4] =	dma.local [hbm:s3], $0xF7A  }
0x26: {  	[smem:$0x3EEE] =	sst s1;
	(tag) =	ssettag s2;
	_ =	strace s9  }
0x27: {  	s1 =	sld [smem:$0x3EFE]  }
0x28: {  	s2 =	sld [smem:$0x3EFF]  }
0x29: {  	s4 =	sld [smem:$0x3F01]  }
0x2a: {  	p0 =	seq.s32 s5, $0x0;
	s5 =	sld [smem:$0x3F02]  }
0x2b: {  	s6 =	sld [smem:$0x3F03]  }
0x2c: {  	s7 =	sld [smem:$0x3F04]  }
0x2d: {  	s3 =	simm.s32 $0x108;
	s8 =	sld [smem:$0x3F05]  }
0x2e: {  	s3 =	simm.s32 @!p0 $0x1082;
	s9 =	sld [smem:$0x3F06]  }
0x2f: {  	lr =	sadd.s32 s0, s3;
	s0 =	sld [smem:$0x3EFD]  }
0x30: {  	s3 =	sld [smem:$0x3F00]  }
0x31: {  	[smem:$0x3F09] =	sst s10  }
0x32: {  	s10 =	sld [smem:$0x3F07];
	_ =	sdelay $0x3  }
0x33: {  	p0 =	seq.s32 s10, $0x1;
	s10 =	sld [smem:$0x3F09];
	_ =	sdelay $0x3  }
0x34: {  	[smem:$0x3F09] =	sst s10  }
0x35: {  	s10 =	sld [smem:$0x3F08];
	_ =	sdelay $0x3  }
0x36: {  	p1 =	seq.s32 s10, $0x1;
	s10 =	sld [smem:$0x3F09];
	_ =	sdelay $0x3  }
0x37: {  	[smem:$0x3F09] =	sst s10  }
0x38: {  	s10 =	sld [smem:$0x3F0A]  }
0x39: {  	_ = 	snop;
	(pc) =	sbr.ind lr, $3  }
0x3a: {  	_ = 	snop  }
0x3b: {  	_ = 	snop  }
0x3c: {  	p2 =	seq.s32 s10, $0x1;
	s10 =	sld [smem:$0x3F09]  }
0x3d: {  	_ =	shalt  }
0x3e: {  	_ =	shalt  }
0x3f: {  	_ =	shalt  }
0x40: {  	_ =	shalt  }
0x41: {  	_ =	shalt  }
0x42: {  	_ =	shalt  }
0x43: {  	_ =	shalt  }
0x44: {  	_ =	shalt  }
0x45: {  	_ =	shalt  }
0x46: {  	_ =	shalt  }
0x47: {  	_ =	shalt  }
0x48: {  	_ =	shalt  }
0x49: {  	_ =	shalt  }
0x4a: {  	_ =	shalt  }
0x4b: {  	_ =	shalt  }
0x4c: {  	_ =	shalt  }
0x4d: {  	_ =	shalt  }
0x4e: {  	_ =	shalt  }
0x4f: {  	_ =	shalt  }
0x50: {  	_ =	shalt  }
0x51: {  	_ =	shalt  }
0x52: {  	_ =	shalt  }
0x53: {  	_ =	shalt  }
0x54: {  	_ =	shalt  }
0x55: {  	_ =	shalt  }
0x56: {  	_ =	shalt  }
0x57: {  	_ =	shalt  }
0x58: {  	_ =	shalt  }
0x59: {  	_ =	shalt  }
0x5a: {  	_ =	shalt  }
0x5b: {  	_ =	shalt  }
0x5c: {  	_ =	shalt  }
0x5d: {  	_ =	shalt  }
0x5e: {  	_ =	shalt  }
0x5f: {  	_ =	shalt  }
0x60: {  	_ =	shalt  }
0x61: {  	_ =	shalt  }
0x62: {  	_ =	shalt  }
0x63: {  	_ =	shalt  }
0x64: {  	_ =	shalt  }
0x65: {  	_ =	shalt  }
0x66: {  	_ =	shalt  }
0x67: {  	_ =	shalt  }
0x68: {  	_ =	shalt  }
0x69: {  	_ =	shalt  }
0x6a: {  	_ =	shalt  }
0x6b: {  	_ =	shalt  }
0x6c: {  	_ =	shalt  }
0x6d: {  	_ =	shalt  }
0x6e: {  	_ =	shalt  }
0x6f: {  	_ =	shalt  }
0x70: {  	_ =	shalt  }
0x71: {  	_ =	shalt  }
0x72: {  	_ =	shalt  }
0x73: {  	_ =	shalt  }
0x74: {  	_ =	shalt  }
0x75: {  	_ =	shalt  }
0x76: {  	_ =	shalt  }
0x77: {  	_ =	shalt  }
0x78: {  	_ =	shalt  }
0x79: {  	_ =	shalt  }
0x7a: {  	_ =	shalt  }
0x7b: {  	_ =	shalt  }
0x7c: {  	_ =	shalt  }
0x7d: {  	_ =	shalt  }
0x7e: {  	_ =	shalt  }
0x7f: {  	_ =	shalt  }
0x80: {  	_ =	shalt  }
0x81: {  	_ =	shalt  }
0x82: {  	_ =	shalt  }
0x83: {  	_ =	shalt  }
0x84: {  	_ =	shalt  }
0x85: {  	_ =	shalt  }
0x86: {  	_ =	shalt  }
0x87: {  	_ =	shalt  }
.Lfunc_end0:
.L_simem_size_0:
called_computation.2_lowered:
.L_overlay_start_0:
0x88: {  	s2 =	sld [smem:$0x3FD9]  }
0x89: {  	s3 =	sld [smem:$0x3FFE];
	_ =	sdelay $0x1  }
0x8a: {  	s1 =	srdreg.scid  }
0x8b: {  	s0 =	sand.u32 $0x1, s1  }
0x8c: {  	s16 =	sshll.u32 s0, $0xA;
	s2 =	sadd.s32 s3, s2  }
0x8d: {  	s2 =	sadd.s32 s2, s16  }
0x8e: {  	[smem:$0x3F15] =	sst s2  }
0x8f: {  	_ = 	snop  }
0x90: {  	(tm) =	ssettm $0x1  }
0x91: {  	s17 =	sld [smem:$0x3FFB];
	_ =	sdelay $0x3  }
0x92: {  	_ =	strace s17  }
0x93: {  	s2 =	sld [smem:$0x3FFC];
	_ =	sdelay $0x3  }
0x94: {  	_ =	strace s2  }
0x95: {  	s2 =	sld [smem:$0x3FFD];
	_ =	sdelay $0x3  }
0x96: {  	_ =	strace s2  }
0x97: {  	_ =	strace $0x8FFFFFFF  }
0x98: {  	s18 =	sld [smem:$0x3FDB];
	_ =	sdelay $0x1  }
0x99: {  	s19 =	simm.s32 $_scs_section_size  }
0x9a: {  	s4 =	simm.s32 $_size__tile_overlayer_lowered;
	s5 =	simm.s32 $_tile_overlayer_lowered  }
0x9b: {  	s22 =	simm.s32 $0x1BFF;
	s21 =	sshll.u32 s5, $0x1;
	s2 =	sadd.s32 s19, s18  }
0x9c: {  	s6 =	simm.s32 $0x0;
	s20 =	sshll.u32 s4, $0x1;
	s4 =	sadd.s32 s21, s2  }
0x9d: {  	[timem:s6], [sflag:s22] =	dma.local [hbm:s4], s20  }
0x9e: {  	_ =	swait.ge [sflag:s22], s20  }
0x9f: {  	s3 =	ssub.s32 $0x0, s20;
	[sflag:s22] =	ssyncset.done $0x0  }
0xa0: {  	[sflag:s22] =	ssyncadd.s32 s3;
	_ =	sdelay $0x1  }
0xa1: {  	s23 =	simm.s32 $0x1B8B  }
0xa2: {  	_ =	swait.ge [sflag:s23], $0x1  }
0xa3: {  	[sflag:s23] =	ssyncset.done $0x0  }
0xa4: {  	s25 =	simm.s32 $0x1B8E;
	s24 =	sld [smem:$0x3FFE];
	[sflag:s23] =	ssyncadd.s32 $0xFFFFFFFF  }
0xa5: {  	s26 =	simm.s32 $execute0_lowered;
	[smem:$0x3FD2] =	sst s25  }
0xa6: {  	s4 =	sshll.u32 s26, $0x1;
	_ =	strace $0x8000004C;
	[dreg:$0x1] =	wrdreg $0xFFFFFFFF  }
0xa7: {  	s28 =	simm.s32 $_size_execute0_lowered;
	s2 =	sadd.s32 s2, s4;
	[dreg:$0x0] =	wrdreg $0x0  }
0xa8: {  	s4 =	sshll.u32 s28, $0x1;
	[dreg:$0x2] =	wrdreg s2  }
0xa9: {  	[dreg:$0x3] =	wrdreg s4  }
0xaa: {  	[dreg:$0x4] =	wrdreg $0xC0  }
0xab: {  	_ =	task [dreg:s6], $0x5FFFF  }
0xac: {  	[dreg:$0x1] =	wrdreg $0xFFFFFFFF  }
0xad: {  	[dreg:$0x0] =	wrdreg $0x60  }
0xae: {  	[dreg:$0x2] =	wrdreg s24  }
0xaf: {  	[dreg:$0x3] =	wrdreg $0x9  }
0xb0: {  	_ =	task.clear_ibuf [dreg:s6], $0x4FFFF;
	_ =	strace $0x9000004C  }
0xb1: {  	s29 =	simm.s32 $0x9;
	_ =	strace $0x8000004E  }
0xb2: {  	_ =	swait.ge [sflag:s29], $0x1  }
0xb3: {  	[sflag:s29] =	ssyncadd.s32 $0xFFFFFFFF  }
0xb4: {  	_ =	strace $0x9000004E  }
0xb5: {  	_ =	sfence  }
0xb6: {  	s30 =	sld [smem:$0x0];
	_ =	sdelay $0x2  }
0xb7: {  	s31 =	sshll.u32 s1, $0xD;
	s1 =	sshrl.u32 s1, $0x2  }
0xb8: {  	s3 =	sand.u32 $0x4000, s31;
	s1 =	sadd.s32 s1, s30  }
0xb9: {  	s0 =	sor.u32 s3, s0;
	s1 =	sshll.u32 s1, $0x11  }
0xba: {  	s0 =	sor.u32 s1, s0  }
0xbb: {  	s0 =	sadd.s32 $0x8F2B, s0  }
0xbc: {  	[sflag:s0] =	ssyncadd.remote.s32 $0x1  }
0xbd: {  	_ =	sfence.sel $0xFFFF  }
0xbe: {  	[dreg:$0x0] =	wrdreg $0xFFFFFFFF;
	(pc) =	sbr.abs _section_cstart, $3  }
0xbf: {  	[dreg:$0x1] =	wrdreg $0xFFFFFFFF  }
0xc0: {  	_ =	task.clear_ibuf [dreg:s6], $0x2FFFF;
	_ =	strace $0x9FFFFFFF  }
0xc1: {  	(tm) =	ssettm $0x7FFFFFFF  }
tec
execute0_lowered:
.L_overlay_start_1:
0x0: {  	(tag) =	ssettag $0x1  }
0x1: {  	s0 =	srdreg.scid;
	s4 =	rddreg [dreg:$0x0]  }
0x2: {  	s1 =	stileid.u32;
	s2 =	simm.s32 $0x0;
	s10 =	simm.s32 $0x5600  }
0x3: {  	s11 =	simm.s32 $0x9600;
	s12 =	simm.s32 $0xD600;
	s13 =	simm.s32 $0x1  }
0x4: {  	s14 =	simm.s32 $0x2;
	s15 =	simm.s32 $0x3;
	s16 =	simm.s32 $0x4  }
0x5: {  	s17 =	simm.s32 $0x0;
	s3 =	sand.u32 $0x1, s0;
	s0 =	rddreg [dreg:$0x1]  }
0x6: {  	[smem:$0x7FF] =	sst s2;
	s9 =	smul.u32 $0x16000, s1;
	s5 =	sshll.u32 s3, $0x4  }
0x7: {  	s6 =	smul.u32 $0x160000, s3;
	s7 =	ssub.s32 $0x2, s3;
	s5 =	sor.u32 s1, s5  }
0x8: {  	_ =	strace $0x8000004D;
	s8 =	sshrl.u32 s7, $0x1;
	s5 =	smul.u32 $0x1600, s5  }
0x9: {  	s3 =	sadd.s32 $0xD7400, s4;
	s6 =	sadd.s32 s6, s4;
	s7 =	ssub.s32 s7, s8  }
0xa: {  	s8 =	simm.s32 $0x80;
	s6 =	sadd.s32 s9, s6;
	s5 =	sshrl.u32 s5, $0x3  }
0xb: {  	s9 =	simm.s32 $0x1600;
	s6 =	sadd.s32 $0xFF400, s6;
	s5 =	sadd.s32 s5, s4  }
0xc: {  	s4 =	sadd.s32 $0x54400, s5;
	s5 =	smax.u32 s7, $0x1;
	s7 =	simm.s32 $0x5  }
.LBB2_1:
0xd: {  	[tilespmem:s2], [sflag:$0x5] =	stream.linear.gather [hbm4b:s4+s2], $0x1600, $0x38;
	[tilespmem:$0x11600] =	vst v63  }
0xe: {  	_ =	swait.ge [sflag:s7], $0x1600  }
0xf: {  	[sflag:s7] =	ssyncset.done $0x0  }
0x10: {  	s18 =	simm.s32 $0x0;
	[sflag:s7] =	ssyncadd.s32 $0xFFFFEA00  }
0x11: {  	[tilespmem:s9], [sflag:$0x1] =	stream.indirect.gather [hbm4b:s3+s8], $0x80, s18, s8, $0xb8;
	[tilespmem:$0x11600] =	vst v63  }
0x12: {  	s28 =	simm.s32 $0x80  }
0x13: {  	[tilespmem:s10], [sflag:$0x2] =	stream.indirect.gather [hbm4b:s3+s8], $0x80, s28, s8, $0xb8;
	[tilespmem:$0x11600] =	vst v63  }
0x14: {  	s29 =	simm.s32 $0x100  }
0x15: {  	[tilespmem:s11], [sflag:$0x3] =	stream.indirect.gather [hbm4b:s3+s8], $0x80, s29, s8, $0xb8;
	[tilespmem:$0x11600] =	vst v63  }
0x16: {  	s30 =	simm.s32 $0x180  }
0x17: {  	[tilespmem:s12], [sflag:$0x4] =	stream.indirect.gather [hbm4b:s3+s8], $0x80, s30, s8, $0xb8;
	[tilespmem:$0x11600] =	vst v63  }
0x18: {  	_ =	swait.ge [sflag:s13], $0x4000  }
0x19: {  	[sflag:s13] =	ssyncset.done $0x0  }
0x1a: {  	[sflag:s13] =	ssyncadd.s32 $0xFFFFC000  }
0x1b: {  	_ =	swait.ge [sflag:s14], $0x4000  }
0x1c: {  	[sflag:s14] =	ssyncset.done $0x0  }
0x1d: {  	[sflag:s14] =	ssyncadd.s32 $0xFFFFC000  }
0x1e: {  	_ =	swait.ge [sflag:s15], $0x4000  }
0x1f: {  	[sflag:s15] =	ssyncset.done $0x0  }
0x20: {  	[sflag:s15] =	ssyncadd.s32 $0xFFFFC000  }
0x21: {  	_ =	swait.ge [sflag:s16], $0x4000  }
0x22: {  	[sflag:s16] =	ssyncset.done $0x0  }
0x23: {  	s31 =	sadd.s32 $0x0, s6;
	[sflag:s16] =	ssyncadd.s32 $0xFFFFC000  }
0x24: {  	[hbm4b:s31+s2] =	stream.linear.scatter [tilespmem:s9], [sflag:$0x5], $0x10000, $0x38;
	[tilespmem:$0x11600] =	vst v63  }
0x25: {  	s20 =	simm.s32 $0x4000;
	_ =	swait.ge [sflag:s7], $0x10000  }
0x26: {  	s19 =	simm.s32 $0x380;
	s18 =	simm.s32 $0x2000;
	[sflag:s7] =	ssyncset.done $0x0  }
.LBB2_2:
0x27: {  	p0 =	sne.s32 s20, $0x14000;
	s21 =	sadd.s32 $0xFFFFFE80, s19;
	[sflag:s7] =	ssyncadd.s32 $0xFFFF0000  }
0x28: {  	[tilespmem:s9], [sflag:$0x1] =	stream.indirect.gather [hbm4b:s3+s8], $0x80, s21, s8, $0xb8;
	[tilespmem:$0x11600] =	vst v63  }
0x29: {  	s22 =	smov.u32 s20;
	s20 =	sadd.s32 $0x2000, s20;
	s21 =	sadd.s32 $0xFFFFFF00, s19  }
0x2a: {  	[tilespmem:s10], [sflag:$0x2] =	stream.indirect.gather [hbm4b:s3+s8], $0x80, s21, s8, $0xb8;
	[tilespmem:$0x11600] =	vst v63  }
0x2b: {  	s21 =	sadd.s32 $0xFFFFFF80, s19  }
0x2c: {  	[tilespmem:s11], [sflag:$0x3] =	stream.indirect.gather [hbm4b:s3+s8], $0x80, s21, s8, $0xb8;
	[tilespmem:$0x11600] =	vst v63  }
0x2d: {  	_ = 	snop  }
0x2e: {  	[tilespmem:s12], [sflag:$0x4] =	stream.indirect.gather [hbm4b:s3+s8], $0x80, s19, s8, $0xb8;
	[tilespmem:$0x11600] =	vst v63  }
0x2f: {  	_ =	swait.ge [sflag:s13], $0x4000  }
0x30: {  	[sflag:s13] =	ssyncset.done $0x0  }
0x31: {  	[sflag:s13] =	ssyncadd.s32 $0xFFFFC000  }
0x32: {  	_ =	swait.ge [sflag:s14], $0x4000  }
0x33: {  	[sflag:s14] =	ssyncset.done $0x0  }
0x34: {  	[sflag:s14] =	ssyncadd.s32 $0xFFFFC000  }
0x35: {  	_ =	swait.ge [sflag:s15], $0x4000  }
0x36: {  	[sflag:s15] =	ssyncset.done $0x0  }
0x37: {  	[sflag:s15] =	ssyncadd.s32 $0xFFFFC000  }
0x38: {  	_ =	swait.ge [sflag:s16], $0x4000  }
.Ltmp0:
0x39: {  	[sflag:s16] =	ssyncset.done $0x0;
	(pc) =	sbr.rel @p0 .LBB2_2-.Ltmp0, $4  }
0x3a: {  	s21 =	sadd.s32 s18, s6;
	s18 =	smov.u32 s22;
	[sflag:s16] =	ssyncadd.s32 $0xFFFFC000  }
0x3b: {  	[hbm4b:s21+s2] =	stream.linear.scatter [tilespmem:s9], [sflag:$0x5], $0x10000, $0x38;
	[tilespmem:$0x11600] =	vst v63  }
0x3c: {  	_ =	swait.ge [sflag:s7], $0x10000  }
0x3d: {  	s19 =	sadd.s32 $0x200, s19;
	[sflag:s7] =	ssyncset.done $0x0  }
0x3e: {  	s20 =	sadd.s32 $0xFFFFFE80, s19;
	[sflag:s7] =	ssyncadd.s32 $0xFFFF0000  }
0x3f: {  	[tilespmem:s9], [sflag:$0x1] =	stream.indirect.gather [hbm4b:s3+s8], $0x80, s20, s8, $0xb8;
	[tilespmem:$0x11600] =	vst v63  }
0x40: {  	s30 =	sadd.s32 $0xFFFFFF00, s19  }
0x41: {  	[tilespmem:s10], [sflag:$0x2] =	stream.indirect.gather [hbm4b:s3+s8], $0x80, s30, s8, $0xb8;
	[tilespmem:$0x11600] =	vst v63  }
0x42: {  	s31 =	sadd.s32 $0xFFFFFF80, s19  }
0x43: {  	[tilespmem:s11], [sflag:$0x3] =	stream.indirect.gather [hbm4b:s3+s8], $0x80, s31, s8, $0xb8;
	[tilespmem:$0x11600] =	vst v63  }
0x44: {  	_ = 	snop  }
0x45: {  	[tilespmem:s12], [sflag:$0x4] =	stream.indirect.gather [hbm4b:s3+s8], $0x80, s19, s8, $0xb8;
	[tilespmem:$0x11600] =	vst v63  }
0x46: {  	_ =	swait.ge [sflag:s13], $0x4000  }
0x47: {  	[sflag:s13] =	ssyncset.done $0x0  }
0x48: {  	[sflag:s13] =	ssyncadd.s32 $0xFFFFC000  }
0x49: {  	_ =	swait.ge [sflag:s14], $0x4000  }
0x4a: {  	[sflag:s14] =	ssyncset.done $0x0  }
0x4b: {  	[sflag:s14] =	ssyncadd.s32 $0xFFFFC000  }
0x4c: {  	_ =	swait.ge [sflag:s15], $0x4000  }
0x4d: {  	[sflag:s15] =	ssyncset.done $0x0  }
0x4e: {  	[sflag:s15] =	ssyncadd.s32 $0xFFFFC000  }
0x4f: {  	s17 =	sadd.s32 $0x1, s17;
	_ =	swait.ge [sflag:s16], $0x4000  }
0x50: {  	p0 =	sne.s32 s17, s5;
	[sflag:s16] =	ssyncset.done $0x0  }
.Ltmp1:
0x51: {  	s18 =	sadd.s32 s18, s6;
	[sflag:s16] =	ssyncadd.s32 $0xFFFFC000;
	(pc) =	sbr.rel @p0 .LBB2_1-.Ltmp1, $4  }
0x52: {  	[hbm4b:s18+s2] =	stream.linear.scatter [tilespmem:s9], [sflag:$0x5], $0x10000, $0x38;
	[tilespmem:$0x11600] =	vst v63  }
0x53: {  	_ =	swait.ge [sflag:s7], $0x10000  }
0x54: {  	[sflag:s7] =	ssyncset.done $0x0  }
0x55: {  	[sflag:s7] =	ssyncadd.s32 $0xFFFF0000  }
0x56: {  	_ =	sfence.sel $0x180000  }
0x57: {  	[bflag:$0x0] =	sbarrier.arrive $0xFFFF  }
0x58: {  	p0 =	sne.s32 s1, $0x0;
	_ =	strace $0x9000004D  }
0x59: {  	s0 =	sadd.s32 @!p0 $0x100000, s0;
	[bflag:$0x2] =	sbarrier.arrive $0xFFFF  }
0x5a: {  	[sflag:s0] =	ssyncadd.tile.s32 @!p0 $0x1;
	_ =	shalt  }
.Lfunc_end2:
_tile_overlayer_lowered:
.L_overlay_start_2:
0x5b: {  	(tag) =	ssettag $0x2  }
0x5c: {  	s0 =	rddreg [dreg:$0x0];
	s2 =	stileid.u32  }
0x5d: {  	s1 =	rddreg [dreg:$0x1];
	p0 =	sne.s32 s2, $0x0  }
0x5e: {  	s3 =	rddreg [dreg:$0x2];
	[bflag:$0x3] =	sbarrier.arrive $0xFFFF;
	s2 =	simm.s32 @!p0 $0x1C05  }
0x5f: {  	[timem:s3], [sflag:s2] =	dma.local @!p0 [hbm:s0], s1  }
0x60: {  	s0 =	simm.s32 @!p0 $0x5  }
0x61: {  	_ =	swait.ge @!p0 [sflag:s0], s1  }
0x62: {  	s1 =	ssub.s32 @!p0 $0x0, s1;
	[sflag:s0] =	ssyncset.done @!p0 $0x0  }
0x63: {  	[sflag:s0] =	ssyncadd.s32 @!p0 s1  }
0x64: {  	[bflag:$0x3] =	sbarrier.arrive $0xFFFF  }
0x65: {  	_ =	shalt  }

// kernel: kernel.33.cloned.1.call-start
scs
__scs_entry_jumppad:
0x0: {  	(pc) =	sbr.rel $0x88, $3  }
0x1: {  	(tag) =	ssettag $0x0;
	lr =	simm.s32 $0x1  }
0x2: {  	[smem:$0x3EEE] =	sst lr;
	_ =	strace $0xD0000000  }
0x3: {  	_ = 	snop  }
0x4: {  	_ = 	snop  }
0x5: {  	_ = 	snop  }
0x6: {  	_ = 	snop  }
0x7: {  	_ = 	snop  }
__scs_overlays_trampoline_lowered:
0x8: {  	[smem:$0x3EFD] =	sst s0  }
0x9: {  	[smem:$0x3EFE] =	sst s1  }
0xa: {  	[smem:$0x3EFF] =	sst s2  }
0xb: {  	[smem:$0x3F00] =	sst s3  }
0xc: {  	[smem:$0x3F01] =	sst s4  }
0xd: {  	[smem:$0x3F02] =	sst s5  }
0xe: {  	[smem:$0x3F03] =	sst s6  }
0xf: {  	[smem:$0x3F04] =	sst s7  }
0x10: {  	[smem:$0x3F05] =	sst s8  }
0x11: {  	[smem:$0x3F06] =	sst s9;
	s0 =	simm.s32 @!p0 $0x0  }
0x12: {  	s1 =	sld [smem:$0x3EEC];
	s0 =	simm.s32 @p0 $0x1  }
0x13: {  	[smem:$0x3F07] =	sst s0;
	s0 =	simm.s32 @!p1 $0x0  }
0x14: {  	s2 =	sld [smem:$0x3EEB];
	s0 =	simm.s32 @p1 $0x1  }
0x15: {  	[smem:$0x3F08] =	sst s0;
	s0 =	simm.s32 @!p2 $0x0  }
0x16: {  	s3 =	sld [smem:$0x3FDB];
	s0 =	simm.s32 @p2 $0x1  }
0x17: {  	s4 =	simm.s32 $0x1BF5;
	[smem:$0x3F0A] =	sst s0  }
0x18: {  	s0 =	sld [smem:$0x3EED];
	_ =	swait.ge [sflag:s4], $0x0  }
0x19: {  	s7 =	sld [smem:$0x3EEE]  }
0x1a: {  	s8 =	sadd.s32 $0xFFFFE003, lr  }
0x1b: {  	s9 =	sadd.s32 $0xFFFFFEF7, lr;
	s5 =	simm.s32 $0xFFFFFFFF;
	p2 =	slt.u32 s8, $0xFFFFF086  }
0x1c: {  	p1 =	slt.u32 s9, $0xF7A;
	s5 =	simm.s32 @!p2 $0x0  }
0x1d: {  	s5 =	simm.s32 @p1 $0x1;
	p0 =	seq.s32 s7, s2  }
0x1e: {  	s7 =	smul.u32 @!p0 $0xF7A, s2;
	p2 =	seq.s32 @!p0 s5, $0x0  }
0x1f: {  	s9 =	smul.u32 $0xF7A, s1;
	s8 =	simm.s32 @!p0 $0x1BF5;
	p2 =	por !p2, p0  }
0x20: {  	[sflag:s8] =	ssyncset.s32 @!p0 $0xFFFFF086;
	s6 =	sadd.s32 @!p0 s3, s7;
	s7 =	simm.s32 @!p0 $0x108  }
0x21: {  	s3 =	sadd.s32 s3, s9;
	s6 =	sadd.s32 @!p0 $0x88, s6;
	s7 =	simm.s32 @p2 $0x1082  }
0x22: {  	[simem:s7], [sflag:s8] =	dma.local @!p0 [hbm:s6], $0xF7A  }
0x23: {  	s9 =	sor.u32 $0xD0000000, s2;
	s6 =	simm.s32 $0x108;
	_ =	swait.ge @!p0 [sflag:s8], $0x0  }
0x24: {  	s3 =	sadd.s32 $0x88, s3;
	s6 =	simm.s32 @!p1 $0x1082;
	[sflag:s4] =	ssyncset.s32 $0xFFFFF086  }
0x25: {  	[simem:s6], [sflag:s4] =	dma.local [hbm:s3], $0xF7A  }
0x26: {  	[smem:$0x3EEE] =	sst s1;
	(tag) =	ssettag s2;
	_ =	strace s9  }
0x27: {  	s1 =	sld [smem:$0x3EFE]  }
0x28: {  	s2 =	sld [smem:$0x3EFF]  }
0x29: {  	s4 =	sld [smem:$0x3F01]  }
0x2a: {  	p0 =	seq.s32 s5, $0x0;
	s5 =	sld [smem:$0x3F02]  }
0x2b: {  	s6 =	sld [smem:$0x3F03]  }
0x2c: {  	s7 =	sld [smem:$0x3F04]  }
0x2d: {  	s3 =	simm.s32 $0x108;
	s8 =	sld [smem:$0x3F05]  }
0x2e: {  	s3 =	simm.s32 @!p0 $0x1082;
	s9 =	sld [smem:$0x3F06]  }
0x2f: {  	lr =	sadd.s32 s0, s3;
	s0 =	sld [smem:$0x3EFD]  }
0x30: {  	s3 =	sld [smem:$0x3F00]  }
0x31: {  	[smem:$0x3F09] =	sst s10  }
0x32: {  	s10 =	sld [smem:$0x3F07];
	_ =	sdelay $0x3  }
0x33: {  	p0 =	seq.s32 s10, $0x1;
	s10 =	sld [smem:$0x3F09];
	_ =	sdelay $0x3  }
0x34: {  	[smem:$0x3F09] =	sst s10  }
0x35: {  	s10 =	sld [smem:$0x3F08];
	_ =	sdelay $0x3  }
0x36: {  	p1 =	seq.s32 s10, $0x1;
	s10 =	sld [smem:$0x3F09];
	_ =	sdelay $0x3  }
0x37: {  	[smem:$0x3F09] =	sst s10  }
0x38: {  	s10 =	sld [smem:$0x3F0A]  }
0x39: {  	_ = 	snop;
	(pc) =	sbr.ind lr, $3  }
0x3a: {  	_ = 	snop  }
0x3b: {  	_ = 	snop  }
0x3c: {  	p2 =	seq.s32 s10, $0x1;
	s10 =	sld [smem:$0x3F09]  }
0x3d: {  	_ =	shalt  }
0x3e: {  	_ =	shalt  }
0x3f: {  	_ =	shalt  }
0x40: {  	_ =	shalt  }
0x41: {  	_ =	shalt  }
0x42: {  	_ =	shalt  }
0x43: {  	_ =	shalt  }
0x44: {  	_ =	shalt  }
0x45: {  	_ =	shalt  }
0x46: {  	_ =	shalt  }
0x47: {  	_ =	shalt  }
0x48: {  	_ =	shalt  }
0x49: {  	_ =	shalt  }
0x4a: {  	_ =	shalt  }
0x4b: {  	_ =	shalt  }
0x4c: {  	_ =	shalt  }
0x4d: {  	_ =	shalt  }
0x4e: {  	_ =	shalt  }
0x4f: {  	_ =	shalt  }
0x50: {  	_ =	shalt  }
0x51: {  	_ =	shalt  }
0x52: {  	_ =	shalt  }
0x53: {  	_ =	shalt  }
0x54: {  	_ =	shalt  }
0x55: {  	_ =	shalt  }
0x56: {  	_ =	shalt  }
0x57: {  	_ =	shalt  }
0x58: {  	_ =	shalt  }
0x59: {  	_ =	shalt  }
0x5a: {  	_ =	shalt  }
0x5b: {  	_ =	shalt  }
0x5c: {  	_ =	shalt  }
0x5d: {  	_ =	shalt  }
0x5e: {  	_ =	shalt  }
0x5f: {  	_ =	shalt  }
0x60: {  	_ =	shalt  }
0x61: {  	_ =	shalt  }
0x62: {  	_ =	shalt  }
0x63: {  	_ =	shalt  }
0x64: {  	_ =	shalt  }
0x65: {  	_ =	shalt  }
0x66: {  	_ =	shalt  }
0x67: {  	_ =	shalt  }
0x68: {  	_ =	shalt  }
0x69: {  	_ =	shalt  }
0x6a: {  	_ =	shalt  }
0x6b: {  	_ =	shalt  }
0x6c: {  	_ =	shalt  }
0x6d: {  	_ =	shalt  }
0x6e: {  	_ =	shalt  }
0x6f: {  	_ =	shalt  }
0x70: {  	_ =	shalt  }
0x71: {  	_ =	shalt  }
0x72: {  	_ =	shalt  }
0x73: {  	_ =	shalt  }
0x74: {  	_ =	shalt  }
0x75: {  	_ =	shalt  }
0x76: {  	_ =	shalt  }
0x77: {  	_ =	shalt  }
0x78: {  	_ =	shalt  }
0x79: {  	_ =	shalt  }
0x7a: {  	_ =	shalt  }
0x7b: {  	_ =	shalt  }
0x7c: {  	_ =	shalt  }
0x7d: {  	_ =	shalt  }
0x7e: {  	_ =	shalt  }
0x7f: {  	_ =	shalt  }
0x80: {  	_ =	shalt  }
0x81: {  	_ =	shalt  }
0x82: {  	_ =	shalt  }
0x83: {  	_ =	shalt  }
0x84: {  	_ =	shalt  }
0x85: {  	_ =	shalt  }
0x86: {  	_ =	shalt  }
0x87: {  	_ =	shalt  }
.Lfunc_end0:
.L_simem_size_0:
called_computation.3_lowered:
.L_overlay_start_0:
0x88: {  	s2 =	sld [smem:$0x3FD9]  }
0x89: {  	s3 =	sld [smem:$0x3FFE];
	_ =	sdelay $0x1  }
0x8a: {  	s1 =	srdreg.scid  }
0x8b: {  	s0 =	sand.u32 $0x1, s1  }
0x8c: {  	s16 =	sshll.u32 s0, $0xA;
	s2 =	sadd.s32 s3, s2  }
0x8d: {  	s2 =	sadd.s32 s2, s16  }
0x8e: {  	[smem:$0x3F15] =	sst s2  }
0x8f: {  	_ = 	snop  }
0x90: {  	(tm) =	ssettm $0x1  }
0x91: {  	s17 =	sld [smem:$0x3FFB];
	_ =	sdelay $0x3  }
0x92: {  	_ =	strace s17  }
0x93: {  	s2 =	sld [smem:$0x3FFC];
	_ =	sdelay $0x3  }
0x94: {  	_ =	strace s2  }
0x95: {  	s2 =	sld [smem:$0x3FFD];
	_ =	sdelay $0x3  }
0x96: {  	_ =	strace s2  }
0x97: {  	_ =	strace $0x8FFFFFFF  }
0x98: {  	s18 =	sld [smem:$0x3FDB];
	_ =	sdelay $0x1  }
0x99: {  	s19 =	simm.s32 $_scs_section_size  }
0x9a: {  	s4 =	simm.s32 $_size__tile_overlayer_lowered;
	s5 =	simm.s32 $_tile_overlayer_lowered  }
0x9b: {  	s22 =	simm.s32 $0x1BFF;
	s21 =	sshll.u32 s5, $0x1;
	s2 =	sadd.s32 s19, s18  }
0x9c: {  	s6 =	simm.s32 $0x0;
	s20 =	sshll.u32 s4, $0x1;
	s4 =	sadd.s32 s21, s2  }
0x9d: {  	[timem:s6], [sflag:s22] =	dma.local [hbm:s4], s20  }
0x9e: {  	_ =	swait.ge [sflag:s22], s20  }
0x9f: {  	s3 =	ssub.s32 $0x0, s20;
	[sflag:s22] =	ssyncset.done $0x0  }
0xa0: {  	[sflag:s22] =	ssyncadd.s32 s3;
	_ =	sdelay $0x1  }
0xa1: {  	s23 =	simm.s32 $0x1B8B  }
0xa2: {  	_ =	swait.ge [sflag:s23], $0x1  }
0xa3: {  	[sflag:s23] =	ssyncset.done $0x0  }
0xa4: {  	s25 =	simm.s32 $0x1B8E;
	s24 =	sld [smem:$0x3FFE];
	[sflag:s23] =	ssyncadd.s32 $0xFFFFFFFF  }
0xa5: {  	s26 =	simm.s32 $execute0_lowered;
	[smem:$0x3FD2] =	sst s25  }
0xa6: {  	s4 =	sshll.u32 s26, $0x1;
	_ =	strace $0x8000004F;
	[dreg:$0x1] =	wrdreg $0xFFFFFFFF  }
0xa7: {  	s28 =	simm.s32 $_size_execute0_lowered;
	s2 =	sadd.s32 s2, s4;
	[dreg:$0x0] =	wrdreg $0x0  }
0xa8: {  	s4 =	sshll.u32 s28, $0x1;
	[dreg:$0x2] =	wrdreg s2  }
0xa9: {  	[dreg:$0x3] =	wrdreg s4  }
0xaa: {  	[dreg:$0x4] =	wrdreg $0xC0  }
0xab: {  	_ =	task [dreg:s6], $0x5FFFF  }
0xac: {  	[dreg:$0x1] =	wrdreg $0xFFFFFFFF  }
0xad: {  	[dreg:$0x0] =	wrdreg $0x60  }
0xae: {  	[dreg:$0x2] =	wrdreg s24  }
0xaf: {  	[dreg:$0x3] =	wrdreg $0x9  }
0xb0: {  	_ =	task.clear_ibuf [dreg:s6], $0x4FFFF;
	_ =	strace $0x9000004F  }
0xb1: {  	s29 =	simm.s32 $0x9;
	_ =	strace $0x80000051  }
0xb2: {  	_ =	swait.ge [sflag:s29], $0x1  }
0xb3: {  	[sflag:s29] =	ssyncadd.s32 $0xFFFFFFFF  }
0xb4: {  	_ =	strace $0x90000051  }
0xb5: {  	_ =	sfence  }
0xb6: {  	s30 =	sld [smem:$0x0];
	_ =	sdelay $0x2  }
0xb7: {  	s31 =	sshll.u32 s1, $0xD;
	s1 =	sshrl.u32 s1, $0x2  }
0xb8: {  	s3 =	sand.u32 $0x4000, s31;
	s1 =	sadd.s32 s1, s30  }
0xb9: {  	s0 =	sor.u32 s3, s0;
	s1 =	sshll.u32 s1, $0x11  }
0xba: {  	s0 =	sor.u32 s1, s0  }
0xbb: {  	s0 =	sadd.s32 $0x8F2B, s0  }
0xbc: {  	[sflag:s0] =	ssyncadd.remote.s32 $0x1  }
0xbd: {  	_ =	sfence.sel $0xFFFF  }
0xbe: {  	[dreg:$0x0] =	wrdreg $0xFFFFFFFF;
	(pc) =	sbr.abs _section_cstart, $3  }
0xbf: {  	[dreg:$0x1] =	wrdreg $0xFFFFFFFF  }
0xc0: {  	_ =	task.clear_ibuf [dreg:s6], $0x2FFFF;
	_ =	strace $0x9FFFFFFF  }
0xc1: {  	(tm) =	ssettm $0x7FFFFFFF  }
tec
execute0_lowered:
.L_overlay_start_1:
0x0: {  	(tag) =	ssettag $0x1  }
0x1: {  	s0 =	srdreg.scid;
	s4 =	rddreg [dreg:$0x0]  }
0x2: {  	s1 =	stileid.u32;
	s2 =	simm.s32 $0x0;
	s10 =	simm.s32 $0x5600  }
0x3: {  	s11 =	simm.s32 $0x9600;
	s12 =	simm.s32 $0xD600;
	s13 =	simm.s32 $0x1  }
0x4: {  	s14 =	simm.s32 $0x2;
	s15 =	simm.s32 $0x3;
	s16 =	simm.s32 $0x4  }
0x5: {  	s17 =	simm.s32 $0x0;
	s3 =	sand.u32 $0x1, s0;
	s0 =	rddreg [dreg:$0x1]  }
0x6: {  	[smem:$0x7FF] =	sst s2;
	s9 =	smul.u32 $0x16000, s1;
	s5 =	sshll.u32 s3, $0x4  }
0x7: {  	s6 =	smul.u32 $0x160000, s3;
	s7 =	ssub.s32 $0x2, s3;
	s5 =	sor.u32 s1, s5  }
0x8: {  	_ =	strace $0x80000050;
	s8 =	sshrl.u32 s7, $0x1;
	s5 =	smul.u32 $0x1600, s5  }
0x9: {  	s3 =	sadd.s32 $0x59C00, s4;
	s6 =	sadd.s32 s6, s4;
	s7 =	ssub.s32 s7, s8  }
0xa: {  	s8 =	simm.s32 $0x80;
	s6 =	sadd.s32 s9, s6;
	s5 =	sshrl.u32 s5, $0x3  }
0xb: {  	s9 =	simm.s32 $0x1600;
	s6 =	sadd.s32 $0xFF400, s6;
	s5 =	sadd.s32 s5, s4  }
0xc: {  	s4 =	sadd.s32 $0x54400, s5;
	s5 =	smax.u32 s7, $0x1;
	s7 =	simm.s32 $0x5  }
.LBB2_1:
0xd: {  	[tilespmem:s2], [sflag:$0x5] =	stream.linear.gather [hbm4b:s4+s2], $0x1600, $0x38;
	[tilespmem:$0x11600] =	vst v63  }
0xe: {  	_ =	swait.ge [sflag:s7], $0x1600  }
0xf: {  	[sflag:s7] =	ssyncset.done $0x0  }
0x10: {  	s18 =	simm.s32 $0x0;
	[sflag:s7] =	ssyncadd.s32 $0xFFFFEA00  }
0x11: {  	[tilespmem:s9], [sflag:$0x1] =	stream.indirect.gather [hbm4b:s3+s8], $0x80, s18, s8, $0xb8;
	[tilespmem:$0x11600] =	vst v63  }
0x12: {  	s28 =	simm.s32 $0x80  }
0x13: {  	[tilespmem:s10], [sflag:$0x2] =	stream.indirect.gather [hbm4b:s3+s8], $0x80, s28, s8, $0xb8;
	[tilespmem:$0x11600] =	vst v63  }
0x14: {  	s29 =	simm.s32 $0x100  }
0x15: {  	[tilespmem:s11], [sflag:$0x3] =	stream.indirect.gather [hbm4b:s3+s8], $0x80, s29, s8, $0xb8;
	[tilespmem:$0x11600] =	vst v63  }
0x16: {  	s30 =	simm.s32 $0x180  }
0x17: {  	[tilespmem:s12], [sflag:$0x4] =	stream.indirect.gather [hbm4b:s3+s8], $0x80, s30, s8, $0xb8;
	[tilespmem:$0x11600] =	vst v63  }
0x18: {  	_ =	swait.ge [sflag:s13], $0x4000  }
0x19: {  	[sflag:s13] =	ssyncset.done $0x0  }
0x1a: {  	[sflag:s13] =	ssyncadd.s32 $0xFFFFC000  }
0x1b: {  	_ =	swait.ge [sflag:s14], $0x4000  }
0x1c: {  	[sflag:s14] =	ssyncset.done $0x0  }
0x1d: {  	[sflag:s14] =	ssyncadd.s32 $0xFFFFC000  }
0x1e: {  	_ =	swait.ge [sflag:s15], $0x4000  }
0x1f: {  	[sflag:s15] =	ssyncset.done $0x0  }
0x20: {  	[sflag:s15] =	ssyncadd.s32 $0xFFFFC000  }
0x21: {  	_ =	swait.ge [sflag:s16], $0x4000  }
0x22: {  	[sflag:s16] =	ssyncset.done $0x0  }
0x23: {  	s31 =	sadd.s32 $0x0, s6;
	[sflag:s16] =	ssyncadd.s32 $0xFFFFC000  }
0x24: {  	[hbm4b:s31+s2] =	stream.linear.scatter [tilespmem:s9], [sflag:$0x5], $0x10000, $0x38;
	[tilespmem:$0x11600] =	vst v63  }
0x25: {  	s20 =	simm.s32 $0x4000;
	_ =	swait.ge [sflag:s7], $0x10000  }
0x26: {  	s19 =	simm.s32 $0x380;
	s18 =	simm.s32 $0x2000;
	[sflag:s7] =	ssyncset.done $0x0  }
.LBB2_2:
0x27: {  	p0 =	sne.s32 s20, $0x14000;
	s21 =	sadd.s32 $0xFFFFFE80, s19;
	[sflag:s7] =	ssyncadd.s32 $0xFFFF0000  }
0x28: {  	[tilespmem:s9], [sflag:$0x1] =	stream.indirect.gather [hbm4b:s3+s8], $0x80, s21, s8, $0xb8;
	[tilespmem:$0x11600] =	vst v63  }
0x29: {  	s22 =	smov.u32 s20;
	s20 =	sadd.s32 $0x2000, s20;
	s21 =	sadd.s32 $0xFFFFFF00, s19  }
0x2a: {  	[tilespmem:s10], [sflag:$0x2] =	stream.indirect.gather [hbm4b:s3+s8], $0x80, s21, s8, $0xb8;
	[tilespmem:$0x11600] =	vst v63  }
0x2b: {  	s21 =	sadd.s32 $0xFFFFFF80, s19  }
0x2c: {  	[tilespmem:s11], [sflag:$0x3] =	stream.indirect.gather [hbm4b:s3+s8], $0x80, s21, s8, $0xb8;
	[tilespmem:$0x11600] =	vst v63  }
0x2d: {  	_ = 	snop  }
0x2e: {  	[tilespmem:s12], [sflag:$0x4] =	stream.indirect.gather [hbm4b:s3+s8], $0x80, s19, s8, $0xb8;
	[tilespmem:$0x11600] =	vst v63  }
0x2f: {  	_ =	swait.ge [sflag:s13], $0x4000  }
0x30: {  	[sflag:s13] =	ssyncset.done $0x0  }
0x31: {  	[sflag:s13] =	ssyncadd.s32 $0xFFFFC000  }
0x32: {  	_ =	swait.ge [sflag:s14], $0x4000  }
0x33: {  	[sflag:s14] =	ssyncset.done $0x0  }
0x34: {  	[sflag:s14] =	ssyncadd.s32 $0xFFFFC000  }
0x35: {  	_ =	swait.ge [sflag:s15], $0x4000  }
0x36: {  	[sflag:s15] =	ssyncset.done $0x0  }
0x37: {  	[sflag:s15] =	ssyncadd.s32 $0xFFFFC000  }
0x38: {  	_ =	swait.ge [sflag:s16], $0x4000  }
.Ltmp0:
0x39: {  	[sflag:s16] =	ssyncset.done $0x0;
	(pc) =	sbr.rel @p0 .LBB2_2-.Ltmp0, $4  }
0x3a: {  	s21 =	sadd.s32 s18, s6;
	s18 =	smov.u32 s22;
	[sflag:s16] =	ssyncadd.s32 $0xFFFFC000  }
0x3b: {  	[hbm4b:s21+s2] =	stream.linear.scatter [tilespmem:s9], [sflag:$0x5], $0x10000, $0x38;
	[tilespmem:$0x11600] =	vst v63  }
0x3c: {  	_ =	swait.ge [sflag:s7], $0x10000  }
0x3d: {  	s19 =	sadd.s32 $0x200, s19;
	[sflag:s7] =	ssyncset.done $0x0  }
0x3e: {  	s20 =	sadd.s32 $0xFFFFFE80, s19;
	[sflag:s7] =	ssyncadd.s32 $0xFFFF0000  }
0x3f: {  	[tilespmem:s9], [sflag:$0x1] =	stream.indirect.gather [hbm4b:s3+s8], $0x80, s20, s8, $0xb8;
	[tilespmem:$0x11600] =	vst v63  }
0x40: {  	s30 =	sadd.s32 $0xFFFFFF00, s19  }
0x41: {  	[tilespmem:s10], [sflag:$0x2] =	stream.indirect.gather [hbm4b:s3+s8], $0x80, s30, s8, $0xb8;
	[tilespmem:$0x11600] =	vst v63  }
0x42: {  	s31 =	sadd.s32 $0xFFFFFF80, s19  }
0x43: {  	[tilespmem:s11], [sflag:$0x3] =	stream.indirect.gather [hbm4b:s3+s8], $0x80, s31, s8, $0xb8;
	[tilespmem:$0x11600] =	vst v63  }
0x44: {  	_ = 	snop  }
0x45: {  	[tilespmem:s12], [sflag:$0x4] =	stream.indirect.gather [hbm4b:s3+s8], $0x80, s19, s8, $0xb8;
	[tilespmem:$0x11600] =	vst v63  }
0x46: {  	_ =	swait.ge [sflag:s13], $0x4000  }
0x47: {  	[sflag:s13] =	ssyncset.done $0x0  }
0x48: {  	[sflag:s13] =	ssyncadd.s32 $0xFFFFC000  }
0x49: {  	_ =	swait.ge [sflag:s14], $0x4000  }
0x4a: {  	[sflag:s14] =	ssyncset.done $0x0  }
0x4b: {  	[sflag:s14] =	ssyncadd.s32 $0xFFFFC000  }
0x4c: {  	_ =	swait.ge [sflag:s15], $0x4000  }
0x4d: {  	[sflag:s15] =	ssyncset.done $0x0  }
0x4e: {  	[sflag:s15] =	ssyncadd.s32 $0xFFFFC000  }
0x4f: {  	s17 =	sadd.s32 $0x1, s17;
	_ =	swait.ge [sflag:s16], $0x4000  }
0x50: {  	p0 =	sne.s32 s17, s5;
	[sflag:s16] =	ssyncset.done $0x0  }
.Ltmp1:
0x51: {  	s18 =	sadd.s32 s18, s6;
	[sflag:s16] =	ssyncadd.s32 $0xFFFFC000;
	(pc) =	sbr.rel @p0 .LBB2_1-.Ltmp1, $4  }
0x52: {  	[hbm4b:s18+s2] =	stream.linear.scatter [tilespmem:s9], [sflag:$0x5], $0x10000, $0x38;
	[tilespmem:$0x11600] =	vst v63  }
0x53: {  	_ =	swait.ge [sflag:s7], $0x10000  }
0x54: {  	[sflag:s7] =	ssyncset.done $0x0  }
0x55: {  	[sflag:s7] =	ssyncadd.s32 $0xFFFF0000  }
0x56: {  	_ =	sfence.sel $0x180000  }
0x57: {  	[bflag:$0x0] =	sbarrier.arrive $0xFFFF  }
0x58: {  	p0 =	sne.s32 s1, $0x0;
	_ =	strace $0x90000050  }
0x59: {  	s0 =	sadd.s32 @!p0 $0x100000, s0;
	[bflag:$0x2] =	sbarrier.arrive $0xFFFF  }
0x5a: {  	[sflag:s0] =	ssyncadd.tile.s32 @!p0 $0x1;
	_ =	shalt  }
.Lfunc_end2:
_tile_overlayer_lowered:
.L_overlay_start_2:
0x5b: {  	(tag) =	ssettag $0x2  }
0x5c: {  	s0 =	rddreg [dreg:$0x0];
	s2 =	stileid.u32  }
0x5d: {  	s1 =	rddreg [dreg:$0x1];
	p0 =	sne.s32 s2, $0x0  }
0x5e: {  	s3 =	rddreg [dreg:$0x2];
	[bflag:$0x3] =	sbarrier.arrive $0xFFFF;
	s2 =	simm.s32 @!p0 $0x1C05  }
0x5f: {  	[timem:s3], [sflag:s2] =	dma.local @!p0 [hbm:s0], s1  }
0x60: {  	s0 =	simm.s32 @!p0 $0x5  }
0x61: {  	_ =	swait.ge @!p0 [sflag:s0], s1  }
0x62: {  	s1 =	ssub.s32 @!p0 $0x0, s1;
	[sflag:s0] =	ssyncset.done @!p0 $0x0  }
0x63: {  	[sflag:s0] =	ssyncadd.s32 @!p0 s1  }
0x64: {  	[bflag:$0x3] =	sbarrier.arrive $0xFFFF  }
0x65: {  	_ =	shalt  }

// kernel: kernel.36.cloned.1.call-start
scs
__scs_entry_jumppad:
0x0: {  	(pc) =	sbr.rel $0x88, $3  }
0x1: {  	(tag) =	ssettag $0x0;
	lr =	simm.s32 $0x1  }
0x2: {  	[smem:$0x3EEE] =	sst lr;
	_ =	strace $0xD0000000  }
0x3: {  	_ = 	snop  }
0x4: {  	_ = 	snop  }
0x5: {  	_ = 	snop  }
0x6: {  	_ = 	snop  }
0x7: {  	_ = 	snop  }
__scs_overlays_trampoline_lowered:
0x8: {  	[smem:$0x3EFD] =	sst s0  }
0x9: {  	[smem:$0x3EFE] =	sst s1  }
0xa: {  	[smem:$0x3EFF] =	sst s2  }
0xb: {  	[smem:$0x3F00] =	sst s3  }
0xc: {  	[smem:$0x3F01] =	sst s4  }
0xd: {  	[smem:$0x3F02] =	sst s5  }
0xe: {  	[smem:$0x3F03] =	sst s6  }
0xf: {  	[smem:$0x3F04] =	sst s7  }
0x10: {  	[smem:$0x3F05] =	sst s8  }
0x11: {  	[smem:$0x3F06] =	sst s9;
	s0 =	simm.s32 @!p0 $0x0  }
0x12: {  	s1 =	sld [smem:$0x3EEC];
	s0 =	simm.s32 @p0 $0x1  }
0x13: {  	[smem:$0x3F07] =	sst s0;
	s0 =	simm.s32 @!p1 $0x0  }
0x14: {  	s2 =	sld [smem:$0x3EEB];
	s0 =	simm.s32 @p1 $0x1  }
0x15: {  	[smem:$0x3F08] =	sst s0;
	s0 =	simm.s32 @!p2 $0x0  }
0x16: {  	s3 =	sld [smem:$0x3FDB];
	s0 =	simm.s32 @p2 $0x1  }
0x17: {  	s4 =	simm.s32 $0x1BF5;
	[smem:$0x3F0A] =	sst s0  }
0x18: {  	s0 =	sld [smem:$0x3EED];
	_ =	swait.ge [sflag:s4], $0x0  }
0x19: {  	s7 =	sld [smem:$0x3EEE]  }
0x1a: {  	s8 =	sadd.s32 $0xFFFFE003, lr  }
0x1b: {  	s9 =	sadd.s32 $0xFFFFFEF7, lr;
	s5 =	simm.s32 $0xFFFFFFFF;
	p2 =	slt.u32 s8, $0xFFFFF086  }
0x1c: {  	p1 =	slt.u32 s9, $0xF7A;
	s5 =	simm.s32 @!p2 $0x0  }
0x1d: {  	s5 =	simm.s32 @p1 $0x1;
	p0 =	seq.s32 s7, s2  }
0x1e: {  	s7 =	smul.u32 @!p0 $0xF7A, s2;
	p2 =	seq.s32 @!p0 s5, $0x0  }
0x1f: {  	s9 =	smul.u32 $0xF7A, s1;
	s8 =	simm.s32 @!p0 $0x1BF5;
	p2 =	por !p2, p0  }
0x20: {  	[sflag:s8] =	ssyncset.s32 @!p0 $0xFFFFF086;
	s6 =	sadd.s32 @!p0 s3, s7;
	s7 =	simm.s32 @!p0 $0x108  }
0x21: {  	s3 =	sadd.s32 s3, s9;
	s6 =	sadd.s32 @!p0 $0x88, s6;
	s7 =	simm.s32 @p2 $0x1082  }
0x22: {  	[simem:s7], [sflag:s8] =	dma.local @!p0 [hbm:s6], $0xF7A  }
0x23: {  	s9 =	sor.u32 $0xD0000000, s2;
	s6 =	simm.s32 $0x108;
	_ =	swait.ge @!p0 [sflag:s8], $0x0  }
0x24: {  	s3 =	sadd.s32 $0x88, s3;
	s6 =	simm.s32 @!p1 $0x1082;
	[sflag:s4] =	ssyncset.s32 $0xFFFFF086  }
0x25: {  	[simem:s6], [sflag:s4] =	dma.local [hbm:s3], $0xF7A  }
0x26: {  	[smem:$0x3EEE] =	sst s1;
	(tag) =	ssettag s2;
	_ =	strace s9  }
0x27: {  	s1 =	sld [smem:$0x3EFE]  }
0x28: {  	s2 =	sld [smem:$0x3EFF]  }
0x29: {  	s4 =	sld [smem:$0x3F01]  }
0x2a: {  	p0 =	seq.s32 s5, $0x0;
	s5 =	sld [smem:$0x3F02]  }
0x2b: {  	s6 =	sld [smem:$0x3F03]  }
0x2c: {  	s7 =	sld [smem:$0x3F04]  }
0x2d: {  	s3 =	simm.s32 $0x108;
	s8 =	sld [smem:$0x3F05]  }
0x2e: {  	s3 =	simm.s32 @!p0 $0x1082;
	s9 =	sld [smem:$0x3F06]  }
0x2f: {  	lr =	sadd.s32 s0, s3;
	s0 =	sld [smem:$0x3EFD]  }
0x30: {  	s3 =	sld [smem:$0x3F00]  }
0x31: {  	[smem:$0x3F09] =	sst s10  }
0x32: {  	s10 =	sld [smem:$0x3F07];
	_ =	sdelay $0x3  }
0x33: {  	p0 =	seq.s32 s10, $0x1;
	s10 =	sld [smem:$0x3F09];
	_ =	sdelay $0x3  }
0x34: {  	[smem:$0x3F09] =	sst s10  }
0x35: {  	s10 =	sld [smem:$0x3F08];
	_ =	sdelay $0x3  }
0x36: {  	p1 =	seq.s32 s10, $0x1;
	s10 =	sld [smem:$0x3F09];
	_ =	sdelay $0x3  }
0x37: {  	[smem:$0x3F09] =	sst s10  }
0x38: {  	s10 =	sld [smem:$0x3F0A]  }
0x39: {  	_ = 	snop;
	(pc) =	sbr.ind lr, $3  }
0x3a: {  	_ = 	snop  }
0x3b: {  	_ = 	snop  }
0x3c: {  	p2 =	seq.s32 s10, $0x1;
	s10 =	sld [smem:$0x3F09]  }
0x3d: {  	_ =	shalt  }
0x3e: {  	_ =	shalt  }
0x3f: {  	_ =	shalt  }
0x40: {  	_ =	shalt  }
0x41: {  	_ =	shalt  }
0x42: {  	_ =	shalt  }
0x43: {  	_ =	shalt  }
0x44: {  	_ =	shalt  }
0x45: {  	_ =	shalt  }
0x46: {  	_ =	shalt  }
0x47: {  	_ =	shalt  }
0x48: {  	_ =	shalt  }
0x49: {  	_ =	shalt  }
0x4a: {  	_ =	shalt  }
0x4b: {  	_ =	shalt  }
0x4c: {  	_ =	shalt  }
0x4d: {  	_ =	shalt  }
0x4e: {  	_ =	shalt  }
0x4f: {  	_ =	shalt  }
0x50: {  	_ =	shalt  }
0x51: {  	_ =	shalt  }
0x52: {  	_ =	shalt  }
0x53: {  	_ =	shalt  }
0x54: {  	_ =	shalt  }
0x55: {  	_ =	shalt  }
0x56: {  	_ =	shalt  }
0x57: {  	_ =	shalt  }
0x58: {  	_ =	shalt  }
0x59: {  	_ =	shalt  }
0x5a: {  	_ =	shalt  }
0x5b: {  	_ =	shalt  }
0x5c: {  	_ =	shalt  }
0x5d: {  	_ =	shalt  }
0x5e: {  	_ =	shalt  }
0x5f: {  	_ =	shalt  }
0x60: {  	_ =	shalt  }
0x61: {  	_ =	shalt  }
0x62: {  	_ =	shalt  }
0x63: {  	_ =	shalt  }
0x64: {  	_ =	shalt  }
0x65: {  	_ =	shalt  }
0x66: {  	_ =	shalt  }
0x67: {  	_ =	shalt  }
0x68: {  	_ =	shalt  }
0x69: {  	_ =	shalt  }
0x6a: {  	_ =	shalt  }
0x6b: {  	_ =	shalt  }
0x6c: {  	_ =	shalt  }
0x6d: {  	_ =	shalt  }
0x6e: {  	_ =	shalt  }
0x6f: {  	_ =	shalt  }
0x70: {  	_ =	shalt  }
0x71: {  	_ =	shalt  }
0x72: {  	_ =	shalt  }
0x73: {  	_ =	shalt  }
0x74: {  	_ =	shalt  }
0x75: {  	_ =	shalt  }
0x76: {  	_ =	shalt  }
0x77: {  	_ =	shalt  }
0x78: {  	_ =	shalt  }
0x79: {  	_ =	shalt  }
0x7a: {  	_ =	shalt  }
0x7b: {  	_ =	shalt  }
0x7c: {  	_ =	shalt  }
0x7d: {  	_ =	shalt  }
0x7e: {  	_ =	shalt  }
0x7f: {  	_ =	shalt  }
0x80: {  	_ =	shalt  }
0x81: {  	_ =	shalt  }
0x82: {  	_ =	shalt  }
0x83: {  	_ =	shalt  }
0x84: {  	_ =	shalt  }
0x85: {  	_ =	shalt  }
0x86: {  	_ =	shalt  }
0x87: {  	_ =	shalt  }
.Lfunc_end0:
.L_simem_size_0:
called_computation.4_lowered:
.L_overlay_start_0:
0x88: {  	s2 =	sld [smem:$0x3FD9]  }
0x89: {  	s3 =	sld [smem:$0x3FFE];
	_ =	sdelay $0x1  }
0x8a: {  	s1 =	srdreg.scid  }
0x8b: {  	s0 =	sand.u32 $0x1, s1  }
0x8c: {  	s16 =	sshll.u32 s0, $0xA;
	s2 =	sadd.s32 s3, s2  }
0x8d: {  	s2 =	sadd.s32 s2, s16  }
0x8e: {  	[smem:$0x3F15] =	sst s2  }
0x8f: {  	_ = 	snop  }
0x90: {  	(tm) =	ssettm $0x1  }
0x91: {  	s17 =	sld [smem:$0x3FFB];
	_ =	sdelay $0x3  }
0x92: {  	_ =	strace s17  }
0x93: {  	s2 =	sld [smem:$0x3FFC];
	_ =	sdelay $0x3  }
0x94: {  	_ =	strace s2  }
0x95: {  	s2 =	sld [smem:$0x3FFD];
	_ =	sdelay $0x3  }
0x96: {  	_ =	strace s2  }
0x97: {  	_ =	strace $0x8FFFFFFF  }
0x98: {  	s18 =	sld [smem:$0x3FDB];
	_ =	sdelay $0x1  }
0x99: {  	s19 =	simm.s32 $_scs_section_size  }
0x9a: {  	s4 =	simm.s32 $_size__tile_overlayer_lowered;
	s5 =	simm.s32 $_tile_overlayer_lowered  }
0x9b: {  	s22 =	simm.s32 $0x1BFF;
	s21 =	sshll.u32 s5, $0x1;
	s2 =	sadd.s32 s19, s18  }
0x9c: {  	s6 =	simm.s32 $0x0;
	s20 =	sshll.u32 s4, $0x1;
	s4 =	sadd.s32 s21, s2  }
0x9d: {  	[timem:s6], [sflag:s22] =	dma.local [hbm:s4], s20  }
0x9e: {  	_ =	swait.ge [sflag:s22], s20  }
0x9f: {  	s3 =	ssub.s32 $0x0, s20;
	[sflag:s22] =	ssyncset.done $0x0  }
0xa0: {  	[sflag:s22] =	ssyncadd.s32 s3;
	_ =	sdelay $0x1  }
0xa1: {  	s23 =	simm.s32 $0x1B8B  }
0xa2: {  	_ =	swait.ge [sflag:s23], $0x1  }
0xa3: {  	[sflag:s23] =	ssyncset.done $0x0  }
0xa4: {  	s25 =	simm.s32 $0x1B8E;
	s24 =	sld [smem:$0x3FFE];
	[sflag:s23] =	ssyncadd.s32 $0xFFFFFFFF  }
0xa5: {  	s26 =	simm.s32 $execute0_lowered;
	[smem:$0x3FD2] =	sst s25  }
0xa6: {  	s4 =	sshll.u32 s26, $0x1;
	_ =	strace $0x80000052;
	[dreg:$0x1] =	wrdreg $0xFFFFFFFF  }
0xa7: {  	s28 =	simm.s32 $_size_execute0_lowered;
	s2 =	sadd.s32 s2, s4;
	[dreg:$0x0] =	wrdreg $0x0  }
0xa8: {  	s4 =	sshll.u32 s28, $0x1;
	[dreg:$0x2] =	wrdreg s2  }
0xa9: {  	[dreg:$0x3] =	wrdreg s4  }
0xaa: {  	[dreg:$0x4] =	wrdreg $0xC0  }
0xab: {  	_ =	task [dreg:s6], $0x5FFFF  }
0xac: {  	[dreg:$0x1] =	wrdreg $0xFFFFFFFF  }
0xad: {  	[dreg:$0x0] =	wrdreg $0x60  }
0xae: {  	[dreg:$0x2] =	wrdreg s24  }
0xaf: {  	[dreg:$0x3] =	wrdreg $0x9  }
0xb0: {  	_ =	task.clear_ibuf [dreg:s6], $0x4FFFF;
	_ =	strace $0x90000052  }
0xb1: {  	s29 =	simm.s32 $0x9;
	_ =	strace $0x80000054  }
0xb2: {  	_ =	swait.ge [sflag:s29], $0x1  }
0xb3: {  	[sflag:s29] =	ssyncadd.s32 $0xFFFFFFFF  }
0xb4: {  	_ =	strace $0x90000054  }
0xb5: {  	_ =	sfence  }
0xb6: {  	s30 =	sld [smem:$0x0];
	_ =	sdelay $0x2  }
0xb7: {  	s31 =	sshll.u32 s1, $0xD;
	s1 =	sshrl.u32 s1, $0x2  }
0xb8: {  	s3 =	sand.u32 $0x4000, s31;
	s1 =	sadd.s32 s1, s30  }
0xb9: {  	s0 =	sor.u32 s3, s0;
	s1 =	sshll.u32 s1, $0x11  }
0xba: {  	s0 =	sor.u32 s1, s0  }
0xbb: {  	s0 =	sadd.s32 $0x8F2B, s0  }
0xbc: {  	[sflag:s0] =	ssyncadd.remote.s32 $0x1  }
0xbd: {  	_ =	sfence.sel $0xFFFF  }
0xbe: {  	[dreg:$0x0] =	wrdreg $0xFFFFFFFF;
	(pc) =	sbr.abs _section_cstart, $3  }
0xbf: {  	[dreg:$0x1] =	wrdreg $0xFFFFFFFF  }
0xc0: {  	_ =	task.clear_ibuf [dreg:s6], $0x2FFFF;
	_ =	strace $0x9FFFFFFF  }
0xc1: {  	(tm) =	ssettm $0x7FFFFFFF  }
tec
execute0_lowered:
.L_overlay_start_1:
0x0: {  	(tag) =	ssettag $0x1  }
0x1: {  	s0 =	srdreg.scid;
	s4 =	rddreg [dreg:$0x0]  }
0x2: {  	s1 =	stileid.u32;
	s2 =	simm.s32 $0x0;
	s10 =	simm.s32 $0x5600  }
0x3: {  	s11 =	simm.s32 $0x9600;
	s12 =	simm.s32 $0xD600;
	s13 =	simm.s32 $0x1  }
0x4: {  	s14 =	simm.s32 $0x2;
	s15 =	simm.s32 $0x3;
	s16 =	simm.s32 $0x4  }
0x5: {  	s17 =	simm.s32 $0x0;
	s3 =	sand.u32 $0x1, s0;
	s0 =	rddreg [dreg:$0x1]  }
0x6: {  	[smem:$0x7FF] =	sst s2;
	s9 =	smul.u32 $0x16000, s1;
	s5 =	sshll.u32 s3, $0x4  }
0x7: {  	s6 =	smul.u32 $0x160000, s3;
	s7 =	ssub.s32 $0x2, s3;
	s5 =	sor.u32 s1, s5  }
0x8: {  	_ =	strace $0x80000053;
	s8 =	sshrl.u32 s7, $0x1;
	s5 =	smul.u32 $0x1600, s5  }
0x9: {  	s3 =	sadd.s32 $0xF9C00, s4;
	s6 =	sadd.s32 s6, s4;
	s7 =	ssub.s32 s7, s8  }
0xa: {  	s8 =	simm.s32 $0x80;
	s6 =	sadd.s32 s9, s6;
	s5 =	sshrl.u32 s5, $0x3  }
0xb: {  	s9 =	simm.s32 $0x1600;
	s6 =	sadd.s32 $0x121C00, s6;
	s5 =	sadd.s32 s5, s4  }
0xc: {  	s4 =	sadd.s32 $0x54400, s5;
	s5 =	smax.u32 s7, $0x1;
	s7 =	simm.s32 $0x5  }
.LBB2_1:
0xd: {  	[tilespmem:s2], [sflag:$0x5] =	stream.linear.gather [hbm4b:s4+s2], $0x1600, $0x38;
	[tilespmem:$0x11600] =	vst v63  }
0xe: {  	_ =	swait.ge [sflag:s7], $0x1600  }
0xf: {  	[sflag:s7] =	ssyncset.done $0x0  }
0x10: {  	s18 =	simm.s32 $0x0;
	[sflag:s7] =	ssyncadd.s32 $0xFFFFEA00  }
0x11: {  	[tilespmem:s9], [sflag:$0x1] =	stream.indirect.gather [hbm4b:s3+s8], $0x80, s18, s8, $0xb8;
	[tilespmem:$0x11600] =	vst v63  }
0x12: {  	s28 =	simm.s32 $0x80  }
0x13: {  	[tilespmem:s10], [sflag:$0x2] =	stream.indirect.gather [hbm4b:s3+s8], $0x80, s28, s8, $0xb8;
	[tilespmem:$0x11600] =	vst v63  }
0x14: {  	s29 =	simm.s32 $0x100  }
0x15: {  	[tilespmem:s11], [sflag:$0x3] =	stream.indirect.gather [hbm4b:s3+s8], $0x80, s29, s8, $0xb8;
	[tilespmem:$0x11600] =	vst v63  }
0x16: {  	s30 =	simm.s32 $0x180  }
0x17: {  	[tilespmem:s12], [sflag:$0x4] =	stream.indirect.gather [hbm4b:s3+s8], $0x80, s30, s8, $0xb8;
	[tilespmem:$0x11600] =	vst v63  }
0x18: {  	_ =	swait.ge [sflag:s13], $0x4000  }
0x19: {  	[sflag:s13] =	ssyncset.done $0x0  }
0x1a: {  	[sflag:s13] =	ssyncadd.s32 $0xFFFFC000  }
0x1b: {  	_ =	swait.ge [sflag:s14], $0x4000  }
0x1c: {  	[sflag:s14] =	ssyncset.done $0x0  }
0x1d: {  	[sflag:s14] =	ssyncadd.s32 $0xFFFFC000  }
0x1e: {  	_ =	swait.ge [sflag:s15], $0x4000  }
0x1f: {  	[sflag:s15] =	ssyncset.done $0x0  }
0x20: {  	[sflag:s15] =	ssyncadd.s32 $0xFFFFC000  }
0x21: {  	_ =	swait.ge [sflag:s16], $0x4000  }
0x22: {  	[sflag:s16] =	ssyncset.done $0x0  }
0x23: {  	s31 =	sadd.s32 $0x0, s6;
	[sflag:s16] =	ssyncadd.s32 $0xFFFFC000  }
0x24: {  	[hbm4b:s31+s2] =	stream.linear.scatter [tilespmem:s9], [sflag:$0x5], $0x10000, $0x38;
	[tilespmem:$0x11600] =	vst v63  }
0x25: {  	s20 =	simm.s32 $0x4000;
	_ =	swait.ge [sflag:s7], $0x10000  }
0x26: {  	s19 =	simm.s32 $0x380;
	s18 =	simm.s32 $0x2000;
	[sflag:s7] =	ssyncset.done $0x0  }
.LBB2_2:
0x27: {  	p0 =	sne.s32 s20, $0x14000;
	s21 =	sadd.s32 $0xFFFFFE80, s19;
	[sflag:s7] =	ssyncadd.s32 $0xFFFF0000  }
0x28: {  	[tilespmem:s9], [sflag:$0x1] =	stream.indirect.gather [hbm4b:s3+s8], $0x80, s21, s8, $0xb8;
	[tilespmem:$0x11600] =	vst v63  }
0x29: {  	s22 =	smov.u32 s20;
	s20 =	sadd.s32 $0x2000, s20;
	s21 =	sadd.s32 $0xFFFFFF00, s19  }
0x2a: {  	[tilespmem:s10], [sflag:$0x2] =	stream.indirect.gather [hbm4b:s3+s8], $0x80, s21, s8, $0xb8;
	[tilespmem:$0x11600] =	vst v63  }
0x2b: {  	s21 =	sadd.s32 $0xFFFFFF80, s19  }
0x2c: {  	[tilespmem:s11], [sflag:$0x3] =	stream.indirect.gather [hbm4b:s3+s8], $0x80, s21, s8, $0xb8;
	[tilespmem:$0x11600] =	vst v63  }
0x2d: {  	_ = 	snop  }
0x2e: {  	[tilespmem:s12], [sflag:$0x4] =	stream.indirect.gather [hbm4b:s3+s8], $0x80, s19, s8, $0xb8;
	[tilespmem:$0x11600] =	vst v63  }
0x2f: {  	_ =	swait.ge [sflag:s13], $0x4000  }
0x30: {  	[sflag:s13] =	ssyncset.done $0x0  }
0x31: {  	[sflag:s13] =	ssyncadd.s32 $0xFFFFC000  }
0x32: {  	_ =	swait.ge [sflag:s14], $0x4000  }
0x33: {  	[sflag:s14] =	ssyncset.done $0x0  }
0x34: {  	[sflag:s14] =	ssyncadd.s32 $0xFFFFC000  }
0x35: {  	_ =	swait.ge [sflag:s15], $0x4000  }
0x36: {  	[sflag:s15] =	ssyncset.done $0x0  }
0x37: {  	[sflag:s15] =	ssyncadd.s32 $0xFFFFC000  }
0x38: {  	_ =	swait.ge [sflag:s16], $0x4000  }
.Ltmp0:
0x39: {  	[sflag:s16] =	ssyncset.done $0x0;
	(pc) =	sbr.rel @p0 .LBB2_2-.Ltmp0, $4  }
0x3a: {  	s21 =	sadd.s32 s18, s6;
	s18 =	smov.u32 s22;
	[sflag:s16] =	ssyncadd.s32 $0xFFFFC000  }
0x3b: {  	[hbm4b:s21+s2] =	stream.linear.scatter [tilespmem:s9], [sflag:$0x5], $0x10000, $0x38;
	[tilespmem:$0x11600] =	vst v63  }
0x3c: {  	_ =	swait.ge [sflag:s7], $0x10000  }
0x3d: {  	s19 =	sadd.s32 $0x200, s19;
	[sflag:s7] =	ssyncset.done $0x0  }
0x3e: {  	s20 =	sadd.s32 $0xFFFFFE80, s19;
	[sflag:s7] =	ssyncadd.s32 $0xFFFF0000  }
0x3f: {  	[tilespmem:s9], [sflag:$0x1] =	stream.indirect.gather [hbm4b:s3+s8], $0x80, s20, s8, $0xb8;
	[tilespmem:$0x11600] =	vst v63  }
0x40: {  	s30 =	sadd.s32 $0xFFFFFF00, s19  }
0x41: {  	[tilespmem:s10], [sflag:$0x2] =	stream.indirect.gather [hbm4b:s3+s8], $0x80, s30, s8, $0xb8;
	[tilespmem:$0x11600] =	vst v63  }
0x42: {  	s31 =	sadd.s32 $0xFFFFFF80, s19  }
0x43: {  	[tilespmem:s11], [sflag:$0x3] =	stream.indirect.gather [hbm4b:s3+s8], $0x80, s31, s8, $0xb8;
	[tilespmem:$0x11600] =	vst v63  }
0x44: {  	_ = 	snop  }
0x45: {  	[tilespmem:s12], [sflag:$0x4] =	stream.indirect.gather [hbm4b:s3+s8], $0x80, s19, s8, $0xb8;
	[tilespmem:$0x11600] =	vst v63  }
0x46: {  	_ =	swait.ge [sflag:s13], $0x4000  }
0x47: {  	[sflag:s13] =	ssyncset.done $0x0  }
0x48: {  	[sflag:s13] =	ssyncadd.s32 $0xFFFFC000  }
0x49: {  	_ =	swait.ge [sflag:s14], $0x4000  }
0x4a: {  	[sflag:s14] =	ssyncset.done $0x0  }
0x4b: {  	[sflag:s14] =	ssyncadd.s32 $0xFFFFC000  }
0x4c: {  	_ =	swait.ge [sflag:s15], $0x4000  }
0x4d: {  	[sflag:s15] =	ssyncset.done $0x0  }
0x4e: {  	[sflag:s15] =	ssyncadd.s32 $0xFFFFC000  }
0x4f: {  	s17 =	sadd.s32 $0x1, s17;
	_ =	swait.ge [sflag:s16], $0x4000  }
0x50: {  	p0 =	sne.s32 s17, s5;
	[sflag:s16] =	ssyncset.done $0x0  }
.Ltmp1:
0x51: {  	s18 =	sadd.s32 s18, s6;
	[sflag:s16] =	ssyncadd.s32 $0xFFFFC000;
	(pc) =	sbr.rel @p0 .LBB2_1-.Ltmp1, $4  }
0x52: {  	[hbm4b:s18+s2] =	stream.linear.scatter [tilespmem:s9], [sflag:$0x5], $0x10000, $0x38;
	[tilespmem:$0x11600] =	vst v63  }
0x53: {  	_ =	swait.ge [sflag:s7], $0x10000  }
0x54: {  	[sflag:s7] =	ssyncset.done $0x0  }
0x55: {  	[sflag:s7] =	ssyncadd.s32 $0xFFFF0000  }
0x56: {  	_ =	sfence.sel $0x180000  }
0x57: {  	[bflag:$0x0] =	sbarrier.arrive $0xFFFF  }
0x58: {  	p0 =	sne.s32 s1, $0x0;
	_ =	strace $0x90000053  }
0x59: {  	s0 =	sadd.s32 @!p0 $0x100000, s0;
	[bflag:$0x2] =	sbarrier.arrive $0xFFFF  }
0x5a: {  	[sflag:s0] =	ssyncadd.tile.s32 @!p0 $0x1;
	_ =	shalt  }
.Lfunc_end2:
_tile_overlayer_lowered:
.L_overlay_start_2:
0x5b: {  	(tag) =	ssettag $0x2  }
0x5c: {  	s0 =	rddreg [dreg:$0x0];
	s2 =	stileid.u32  }
0x5d: {  	s1 =	rddreg [dreg:$0x1];
	p0 =	sne.s32 s2, $0x0  }
0x5e: {  	s3 =	rddreg [dreg:$0x2];
	[bflag:$0x3] =	sbarrier.arrive $0xFFFF;
	s2 =	simm.s32 @!p0 $0x1C05  }
0x5f: {  	[timem:s3], [sflag:s2] =	dma.local @!p0 [hbm:s0], s1  }
0x60: {  	s0 =	simm.s32 @!p0 $0x5  }
0x61: {  	_ =	swait.ge @!p0 [sflag:s0], s1  }
0x62: {  	s1 =	ssub.s32 @!p0 $0x0, s1;
	[sflag:s0] =	ssyncset.done @!p0 $0x0  }
0x63: {  	[sflag:s0] =	ssyncadd.s32 @!p0 s1  }
0x64: {  	[bflag:$0x3] =	sbarrier.arrive $0xFFFF  }
0x65: {  	_ =	shalt  }

// kernel: kernel.39.cloned.1.call-start
scs
__scs_entry_jumppad:
0x0: {  	(pc) =	sbr.rel $0x88, $3  }
0x1: {  	(tag) =	ssettag $0x0;
	lr =	simm.s32 $0x1  }
0x2: {  	[smem:$0x3EEE] =	sst lr;
	_ =	strace $0xD0000000  }
0x3: {  	_ = 	snop  }
0x4: {  	_ = 	snop  }
0x5: {  	_ = 	snop  }
0x6: {  	_ = 	snop  }
0x7: {  	_ = 	snop  }
__scs_overlays_trampoline_lowered:
0x8: {  	[smem:$0x3EFD] =	sst s0  }
0x9: {  	[smem:$0x3EFE] =	sst s1  }
0xa: {  	[smem:$0x3EFF] =	sst s2  }
0xb: {  	[smem:$0x3F00] =	sst s3  }
0xc: {  	[smem:$0x3F01] =	sst s4  }
0xd: {  	[smem:$0x3F02] =	sst s5  }
0xe: {  	[smem:$0x3F03] =	sst s6  }
0xf: {  	[smem:$0x3F04] =	sst s7  }
0x10: {  	[smem:$0x3F05] =	sst s8  }
0x11: {  	[smem:$0x3F06] =	sst s9;
	s0 =	simm.s32 @!p0 $0x0  }
0x12: {  	s1 =	sld [smem:$0x3EEC];
	s0 =	simm.s32 @p0 $0x1  }
0x13: {  	[smem:$0x3F07] =	sst s0;
	s0 =	simm.s32 @!p1 $0x0  }
0x14: {  	s2 =	sld [smem:$0x3EEB];
	s0 =	simm.s32 @p1 $0x1  }
0x15: {  	[smem:$0x3F08] =	sst s0;
	s0 =	simm.s32 @!p2 $0x0  }
0x16: {  	s3 =	sld [smem:$0x3FDB];
	s0 =	simm.s32 @p2 $0x1  }
0x17: {  	s4 =	simm.s32 $0x1BF5;
	[smem:$0x3F0A] =	sst s0  }
0x18: {  	s0 =	sld [smem:$0x3EED];
	_ =	swait.ge [sflag:s4], $0x0  }
0x19: {  	s7 =	sld [smem:$0x3EEE]  }
0x1a: {  	s8 =	sadd.s32 $0xFFFFE003, lr  }
0x1b: {  	s9 =	sadd.s32 $0xFFFFFEF7, lr;
	s5 =	simm.s32 $0xFFFFFFFF;
	p2 =	slt.u32 s8, $0xFFFFF086  }
0x1c: {  	p1 =	slt.u32 s9, $0xF7A;
	s5 =	simm.s32 @!p2 $0x0  }
0x1d: {  	s5 =	simm.s32 @p1 $0x1;
	p0 =	seq.s32 s7, s2  }
0x1e: {  	s7 =	smul.u32 @!p0 $0xF7A, s2;
	p2 =	seq.s32 @!p0 s5, $0x0  }
0x1f: {  	s9 =	smul.u32 $0xF7A, s1;
	s8 =	simm.s32 @!p0 $0x1BF5;
	p2 =	por !p2, p0  }
0x20: {  	[sflag:s8] =	ssyncset.s32 @!p0 $0xFFFFF086;
	s6 =	sadd.s32 @!p0 s3, s7;
	s7 =	simm.s32 @!p0 $0x108  }
0x21: {  	s3 =	sadd.s32 s3, s9;
	s6 =	sadd.s32 @!p0 $0x88, s6;
	s7 =	simm.s32 @p2 $0x1082  }
0x22: {  	[simem:s7], [sflag:s8] =	dma.local @!p0 [hbm:s6], $0xF7A  }
0x23: {  	s9 =	sor.u32 $0xD0000000, s2;
	s6 =	simm.s32 $0x108;
	_ =	swait.ge @!p0 [sflag:s8], $0x0  }
0x24: {  	s3 =	sadd.s32 $0x88, s3;
	s6 =	simm.s32 @!p1 $0x1082;
	[sflag:s4] =	ssyncset.s32 $0xFFFFF086  }
0x25: {  	[simem:s6], [sflag:s4] =	dma.local [hbm:s3], $0xF7A  }
0x26: {  	[smem:$0x3EEE] =	sst s1;
	(tag) =	ssettag s2;
	_ =	strace s9  }
0x27: {  	s1 =	sld [smem:$0x3EFE]  }
0x28: {  	s2 =	sld [smem:$0x3EFF]  }
0x29: {  	s4 =	sld [smem:$0x3F01]  }
0x2a: {  	p0 =	seq.s32 s5, $0x0;
	s5 =	sld [smem:$0x3F02]  }
0x2b: {  	s6 =	sld [smem:$0x3F03]  }
0x2c: {  	s7 =	sld [smem:$0x3F04]  }
0x2d: {  	s3 =	simm.s32 $0x108;
	s8 =	sld [smem:$0x3F05]  }
0x2e: {  	s3 =	simm.s32 @!p0 $0x1082;
	s9 =	sld [smem:$0x3F06]  }
0x2f: {  	lr =	sadd.s32 s0, s3;
	s0 =	sld [smem:$0x3EFD]  }
0x30: {  	s3 =	sld [smem:$0x3F00]  }
0x31: {  	[smem:$0x3F09] =	sst s10  }
0x32: {  	s10 =	sld [smem:$0x3F07];
	_ =	sdelay $0x3  }
0x33: {  	p0 =	seq.s32 s10, $0x1;
	s10 =	sld [smem:$0x3F09];
	_ =	sdelay $0x3  }
0x34: {  	[smem:$0x3F09] =	sst s10  }
0x35: {  	s10 =	sld [smem:$0x3F08];
	_ =	sdelay $0x3  }
0x36: {  	p1 =	seq.s32 s10, $0x1;
	s10 =	sld [smem:$0x3F09];
	_ =	sdelay $0x3  }
0x37: {  	[smem:$0x3F09] =	sst s10  }
0x38: {  	s10 =	sld [smem:$0x3F0A]  }
0x39: {  	_ = 	snop;
	(pc) =	sbr.ind lr, $3  }
0x3a: {  	_ = 	snop  }
0x3b: {  	_ = 	snop  }
0x3c: {  	p2 =	seq.s32 s10, $0x1;
	s10 =	sld [smem:$0x3F09]  }
0x3d: {  	_ =	shalt  }
0x3e: {  	_ =	shalt  }
0x3f: {  	_ =	shalt  }
0x40: {  	_ =	shalt  }
0x41: {  	_ =	shalt  }
0x42: {  	_ =	shalt  }
0x43: {  	_ =	shalt  }
0x44: {  	_ =	shalt  }
0x45: {  	_ =	shalt  }
0x46: {  	_ =	shalt  }
0x47: {  	_ =	shalt  }
0x48: {  	_ =	shalt  }
0x49: {  	_ =	shalt  }
0x4a: {  	_ =	shalt  }
0x4b: {  	_ =	shalt  }
0x4c: {  	_ =	shalt  }
0x4d: {  	_ =	shalt  }
0x4e: {  	_ =	shalt  }
0x4f: {  	_ =	shalt  }
0x50: {  	_ =	shalt  }
0x51: {  	_ =	shalt  }
0x52: {  	_ =	shalt  }
0x53: {  	_ =	shalt  }
0x54: {  	_ =	shalt  }
0x55: {  	_ =	shalt  }
0x56: {  	_ =	shalt  }
0x57: {  	_ =	shalt  }
0x58: {  	_ =	shalt  }
0x59: {  	_ =	shalt  }
0x5a: {  	_ =	shalt  }
0x5b: {  	_ =	shalt  }
0x5c: {  	_ =	shalt  }
0x5d: {  	_ =	shalt  }
0x5e: {  	_ =	shalt  }
0x5f: {  	_ =	shalt  }
0x60: {  	_ =	shalt  }
0x61: {  	_ =	shalt  }
0x62: {  	_ =	shalt  }
0x63: {  	_ =	shalt  }
0x64: {  	_ =	shalt  }
0x65: {  	_ =	shalt  }
0x66: {  	_ =	shalt  }
0x67: {  	_ =	shalt  }
0x68: {  	_ =	shalt  }
0x69: {  	_ =	shalt  }
0x6a: {  	_ =	shalt  }
0x6b: {  	_ =	shalt  }
0x6c: {  	_ =	shalt  }
0x6d: {  	_ =	shalt  }
0x6e: {  	_ =	shalt  }
0x6f: {  	_ =	shalt  }
0x70: {  	_ =	shalt  }
0x71: {  	_ =	shalt  }
0x72: {  	_ =	shalt  }
0x73: {  	_ =	shalt  }
0x74: {  	_ =	shalt  }
0x75: {  	_ =	shalt  }
0x76: {  	_ =	shalt  }
0x77: {  	_ =	shalt  }
0x78: {  	_ =	shalt  }
0x79: {  	_ =	shalt  }
0x7a: {  	_ =	shalt  }
0x7b: {  	_ =	shalt  }
0x7c: {  	_ =	shalt  }
0x7d: {  	_ =	shalt  }
0x7e: {  	_ =	shalt  }
0x7f: {  	_ =	shalt  }
0x80: {  	_ =	shalt  }
0x81: {  	_ =	shalt  }
0x82: {  	_ =	shalt  }
0x83: {  	_ =	shalt  }
0x84: {  	_ =	shalt  }
0x85: {  	_ =	shalt  }
0x86: {  	_ =	shalt  }
0x87: {  	_ =	shalt  }
.Lfunc_end0:
.L_simem_size_0:
called_computation.5_lowered:
.L_overlay_start_0:
0x88: {  	s2 =	sld [smem:$0x3FD9]  }
0x89: {  	s3 =	sld [smem:$0x3FFE];
	_ =	sdelay $0x1  }
0x8a: {  	s1 =	srdreg.scid  }
0x8b: {  	s0 =	sand.u32 $0x1, s1  }
0x8c: {  	s16 =	sshll.u32 s0, $0xA;
	s2 =	sadd.s32 s3, s2  }
0x8d: {  	s2 =	sadd.s32 s2, s16  }
0x8e: {  	[smem:$0x3F15] =	sst s2  }
0x8f: {  	_ = 	snop  }
0x90: {  	(tm) =	ssettm $0x1  }
0x91: {  	s17 =	sld [smem:$0x3FFB];
	_ =	sdelay $0x3  }
0x92: {  	_ =	strace s17  }
0x93: {  	s2 =	sld [smem:$0x3FFC];
	_ =	sdelay $0x3  }
0x94: {  	_ =	strace s2  }
0x95: {  	s2 =	sld [smem:$0x3FFD];
	_ =	sdelay $0x3  }
0x96: {  	_ =	strace s2  }
0x97: {  	_ =	strace $0x8FFFFFFF  }
0x98: {  	s18 =	sld [smem:$0x3FDB];
	_ =	sdelay $0x1  }
0x99: {  	s19 =	simm.s32 $_scs_section_size  }
0x9a: {  	s4 =	simm.s32 $_size__tile_overlayer_lowered;
	s5 =	simm.s32 $_tile_overlayer_lowered  }
0x9b: {  	s22 =	simm.s32 $0x1BFF;
	s21 =	sshll.u32 s5, $0x1;
	s2 =	sadd.s32 s19, s18  }
0x9c: {  	s6 =	simm.s32 $0x0;
	s20 =	sshll.u32 s4, $0x1;
	s4 =	sadd.s32 s21, s2  }
0x9d: {  	[timem:s6], [sflag:s22] =	dma.local [hbm:s4], s20  }
0x9e: {  	_ =	swait.ge [sflag:s22], s20  }
0x9f: {  	s3 =	ssub.s32 $0x0, s20;
	[sflag:s22] =	ssyncset.done $0x0  }
0xa0: {  	[sflag:s22] =	ssyncadd.s32 s3;
	_ =	sdelay $0x1  }
0xa1: {  	s23 =	simm.s32 $0x1B8B  }
0xa2: {  	_ =	swait.ge [sflag:s23], $0x1  }
0xa3: {  	[sflag:s23] =	ssyncset.done $0x0  }
0xa4: {  	s25 =	simm.s32 $0x1B8E;
	s24 =	sld [smem:$0x3FFE];
	[sflag:s23] =	ssyncadd.s32 $0xFFFFFFFF  }
0xa5: {  	s26 =	simm.s32 $execute0_lowered;
	[smem:$0x3FD2] =	sst s25  }
0xa6: {  	s4 =	sshll.u32 s26, $0x1;
	_ =	strace $0x80000055;
	[dreg:$0x1] =	wrdreg $0xFFFFFFFF  }
0xa7: {  	s28 =	simm.s32 $_size_execute0_lowered;
	s2 =	sadd.s32 s2, s4;
	[dreg:$0x0] =	wrdreg $0x0  }
0xa8: {  	s4 =	sshll.u32 s28, $0x1;
	[dreg:$0x2] =	wrdreg s2  }
0xa9: {  	[dreg:$0x3] =	wrdreg s4  }
0xaa: {  	[dreg:$0x4] =	wrdreg $0xC0  }
0xab: {  	_ =	task [dreg:s6], $0x5FFFF  }
0xac: {  	[dreg:$0x1] =	wrdreg $0xFFFFFFFF  }
0xad: {  	[dreg:$0x0] =	wrdreg $0x60  }
0xae: {  	[dreg:$0x2] =	wrdreg s24  }
0xaf: {  	[dreg:$0x3] =	wrdreg $0x9  }
0xb0: {  	_ =	task.clear_ibuf [dreg:s6], $0x4FFFF;
	_ =	strace $0x90000055  }
0xb1: {  	s29 =	simm.s32 $0x9;
	_ =	strace $0x80000057  }
0xb2: {  	_ =	swait.ge [sflag:s29], $0x1  }
0xb3: {  	[sflag:s29] =	ssyncadd.s32 $0xFFFFFFFF  }
0xb4: {  	_ =	strace $0x90000057  }
0xb5: {  	_ =	sfence  }
0xb6: {  	s30 =	sld [smem:$0x0];
	_ =	sdelay $0x2  }
0xb7: {  	s31 =	sshll.u32 s1, $0xD;
	s1 =	sshrl.u32 s1, $0x2  }
0xb8: {  	s3 =	sand.u32 $0x4000, s31;
	s1 =	sadd.s32 s1, s30  }
0xb9: {  	s0 =	sor.u32 s3, s0;
	s1 =	sshll.u32 s1, $0x11  }
0xba: {  	s0 =	sor.u32 s1, s0  }
0xbb: {  	s0 =	sadd.s32 $0x8F2B, s0  }
0xbc: {  	[sflag:s0] =	ssyncadd.remote.s32 $0x1  }
0xbd: {  	_ =	sfence.sel $0xFFFF  }
0xbe: {  	[dreg:$0x0] =	wrdreg $0xFFFFFFFF;
	(pc) =	sbr.abs _section_cstart, $3  }
0xbf: {  	[dreg:$0x1] =	wrdreg $0xFFFFFFFF  }
0xc0: {  	_ =	task.clear_ibuf [dreg:s6], $0x2FFFF;
	_ =	strace $0x9FFFFFFF  }
0xc1: {  	(tm) =	ssettm $0x7FFFFFFF  }
tec
execute0_lowered:
.L_overlay_start_1:
0x0: {  	(tag) =	ssettag $0x1  }
0x1: {  	s0 =	srdreg.scid;
	s4 =	rddreg [dreg:$0x0]  }
0x2: {  	s1 =	stileid.u32;
	s2 =	simm.s32 $0x0;
	s10 =	simm.s32 $0x5600  }
0x3: {  	s11 =	simm.s32 $0x9600;
	s12 =	simm.s32 $0xD600;
	s13 =	simm.s32 $0x1  }
0x4: {  	s14 =	simm.s32 $0x2;
	s15 =	simm.s32 $0x3;
	s16 =	simm.s32 $0x4  }
0x5: {  	s17 =	simm.s32 $0x0;
	s3 =	sand.u32 $0x1, s0;
	s0 =	rddreg [dreg:$0x1]  }
0x6: {  	[smem:$0x7FF] =	sst s2;
	s9 =	smul.u32 $0x16000, s1;
	s5 =	sshll.u32 s3, $0x4  }
0x7: {  	s6 =	smul.u32 $0x160000, s3;
	s7 =	ssub.s32 $0x2, s3;
	s5 =	sor.u32 s1, s5  }
0x8: {  	_ =	strace $0x80000056;
	s8 =	sshrl.u32 s7, $0x1;
	s5 =	smul.u32 $0x1600, s5  }
0x9: {  	s3 =	sadd.s32 $0xA9C00, s4;
	s6 =	sadd.s32 s6, s4;
	s7 =	ssub.s32 s7, s8  }
0xa: {  	s8 =	simm.s32 $0x80;
	s6 =	sadd.s32 s9, s6;
	s5 =	sshrl.u32 s5, $0x3  }
0xb: {  	s9 =	simm.s32 $0x1600;
	s6 =	sadd.s32 $0x149C00, s6;
	s5 =	sadd.s32 s5, s4  }
0xc: {  	s4 =	sadd.s32 $0x54400, s5;
	s5 =	smax.u32 s7, $0x1;
	s7 =	simm.s32 $0x5  }
.LBB2_1:
0xd: {  	[tilespmem:s2], [sflag:$0x5] =	stream.linear.gather [hbm4b:s4+s2], $0x1600, $0x38;
	[tilespmem:$0x11600] =	vst v63  }
0xe: {  	_ =	swait.ge [sflag:s7], $0x1600  }
0xf: {  	[sflag:s7] =	ssyncset.done $0x0  }
0x10: {  	s18 =	simm.s32 $0x0;
	[sflag:s7] =	ssyncadd.s32 $0xFFFFEA00  }
0x11: {  	[tilespmem:s9], [sflag:$0x1] =	stream.indirect.gather [hbm4b:s3+s8], $0x80, s18, s8, $0xb8;
	[tilespmem:$0x11600] =	vst v63  }
0x12: {  	s28 =	simm.s32 $0x80  }
0x13: {  	[tilespmem:s10], [sflag:$0x2] =	stream.indirect.gather [hbm4b:s3+s8], $0x80, s28, s8, $0xb8;
	[tilespmem:$0x11600] =	vst v63  }
0x14: {  	s29 =	simm.s32 $0x100  }
0x15: {  	[tilespmem:s11], [sflag:$0x3] =	stream.indirect.gather [hbm4b:s3+s8], $0x80, s29, s8, $0xb8;
	[tilespmem:$0x11600] =	vst v63  }
0x16: {  	s30 =	simm.s32 $0x180  }
0x17: {  	[tilespmem:s12], [sflag:$0x4] =	stream.indirect.gather [hbm4b:s3+s8], $0x80, s30, s8, $0xb8;
	[tilespmem:$0x11600] =	vst v63  }
0x18: {  	_ =	swait.ge [sflag:s13], $0x4000  }
0x19: {  	[sflag:s13] =	ssyncset.done $0x0  }
0x1a: {  	[sflag:s13] =	ssyncadd.s32 $0xFFFFC000  }
0x1b: {  	_ =	swait.ge [sflag:s14], $0x4000  }
0x1c: {  	[sflag:s14] =	ssyncset.done $0x0  }
0x1d: {  	[sflag:s14] =	ssyncadd.s32 $0xFFFFC000  }
0x1e: {  	_ =	swait.ge [sflag:s15], $0x4000  }
0x1f: {  	[sflag:s15] =	ssyncset.done $0x0  }
0x20: {  	[sflag:s15] =	ssyncadd.s32 $0xFFFFC000  }
0x21: {  	_ =	swait.ge [sflag:s16], $0x4000  }
0x22: {  	[sflag:s16] =	ssyncset.done $0x0  }
0x23: {  	s31 =	sadd.s32 $0x0, s6;
	[sflag:s16] =	ssyncadd.s32 $0xFFFFC000  }
0x24: {  	[hbm4b:s31+s2] =	stream.linear.scatter [tilespmem:s9], [sflag:$0x5], $0x10000, $0x38;
	[tilespmem:$0x11600] =	vst v63  }
0x25: {  	s20 =	simm.s32 $0x4000;
	_ =	swait.ge [sflag:s7], $0x10000  }
0x26: {  	s19 =	simm.s32 $0x380;
	s18 =	simm.s32 $0x2000;
	[sflag:s7] =	ssyncset.done $0x0  }
.LBB2_2:
0x27: {  	p0 =	sne.s32 s20, $0x14000;
	s21 =	sadd.s32 $0xFFFFFE80, s19;
	[sflag:s7] =	ssyncadd.s32 $0xFFFF0000  }
0x28: {  	[tilespmem:s9], [sflag:$0x1] =	stream.indirect.gather [hbm4b:s3+s8], $0x80, s21, s8, $0xb8;
	[tilespmem:$0x11600] =	vst v63  }
0x29: {  	s22 =	smov.u32 s20;
	s20 =	sadd.s32 $0x2000, s20;
	s21 =	sadd.s32 $0xFFFFFF00, s19  }
0x2a: {  	[tilespmem:s10], [sflag:$0x2] =	stream.indirect.gather [hbm4b:s3+s8], $0x80, s21, s8, $0xb8;
	[tilespmem:$0x11600] =	vst v63  }
0x2b: {  	s21 =	sadd.s32 $0xFFFFFF80, s19  }
0x2c: {  	[tilespmem:s11], [sflag:$0x3] =	stream.indirect.gather [hbm4b:s3+s8], $0x80, s21, s8, $0xb8;
	[tilespmem:$0x11600] =	vst v63  }
0x2d: {  	_ = 	snop  }
0x2e: {  	[tilespmem:s12], [sflag:$0x4] =	stream.indirect.gather [hbm4b:s3+s8], $0x80, s19, s8, $0xb8;
	[tilespmem:$0x11600] =	vst v63  }
0x2f: {  	_ =	swait.ge [sflag:s13], $0x4000  }
0x30: {  	[sflag:s13] =	ssyncset.done $0x0  }
0x31: {  	[sflag:s13] =	ssyncadd.s32 $0xFFFFC000  }
0x32: {  	_ =	swait.ge [sflag:s14], $0x4000  }
0x33: {  	[sflag:s14] =	ssyncset.done $0x0  }
0x34: {  	[sflag:s14] =	ssyncadd.s32 $0xFFFFC000  }
0x35: {  	_ =	swait.ge [sflag:s15], $0x4000  }
0x36: {  	[sflag:s15] =	ssyncset.done $0x0  }
0x37: {  	[sflag:s15] =	ssyncadd.s32 $0xFFFFC000  }
0x38: {  	_ =	swait.ge [sflag:s16], $0x4000  }
.Ltmp0:
0x39: {  	[sflag:s16] =	ssyncset.done $0x0;
	(pc) =	sbr.rel @p0 .LBB2_2-.Ltmp0, $4  }
0x3a: {  	s21 =	sadd.s32 s18, s6;
	s18 =	smov.u32 s22;
	[sflag:s16] =	ssyncadd.s32 $0xFFFFC000  }
0x3b: {  	[hbm4b:s21+s2] =	stream.linear.scatter [tilespmem:s9], [sflag:$0x5], $0x10000, $0x38;
	[tilespmem:$0x11600] =	vst v63  }
0x3c: {  	_ =	swait.ge [sflag:s7], $0x10000  }
0x3d: {  	s19 =	sadd.s32 $0x200, s19;
	[sflag:s7] =	ssyncset.done $0x0  }
0x3e: {  	s20 =	sadd.s32 $0xFFFFFE80, s19;
	[sflag:s7] =	ssyncadd.s32 $0xFFFF0000  }
0x3f: {  	[tilespmem:s9], [sflag:$0x1] =	stream.indirect.gather [hbm4b:s3+s8], $0x80, s20, s8, $0xb8;
	[tilespmem:$0x11600] =	vst v63  }
0x40: {  	s30 =	sadd.s32 $0xFFFFFF00, s19  }
0x41: {  	[tilespmem:s10], [sflag:$0x2] =	stream.indirect.gather [hbm4b:s3+s8], $0x80, s30, s8, $0xb8;
	[tilespmem:$0x11600] =	vst v63  }
0x42: {  	s31 =	sadd.s32 $0xFFFFFF80, s19  }
0x43: {  	[tilespmem:s11], [sflag:$0x3] =	stream.indirect.gather [hbm4b:s3+s8], $0x80, s31, s8, $0xb8;
	[tilespmem:$0x11600] =	vst v63  }
0x44: {  	_ = 	snop  }
0x45: {  	[tilespmem:s12], [sflag:$0x4] =	stream.indirect.gather [hbm4b:s3+s8], $0x80, s19, s8, $0xb8;
	[tilespmem:$0x11600] =	vst v63  }
0x46: {  	_ =	swait.ge [sflag:s13], $0x4000  }
0x47: {  	[sflag:s13] =	ssyncset.done $0x0  }
0x48: {  	[sflag:s13] =	ssyncadd.s32 $0xFFFFC000  }
0x49: {  	_ =	swait.ge [sflag:s14], $0x4000  }
0x4a: {  	[sflag:s14] =	ssyncset.done $0x0  }
0x4b: {  	[sflag:s14] =	ssyncadd.s32 $0xFFFFC000  }
0x4c: {  	_ =	swait.ge [sflag:s15], $0x4000  }
0x4d: {  	[sflag:s15] =	ssyncset.done $0x0  }
0x4e: {  	[sflag:s15] =	ssyncadd.s32 $0xFFFFC000  }
0x4f: {  	s17 =	sadd.s32 $0x1, s17;
	_ =	swait.ge [sflag:s16], $0x4000  }
0x50: {  	p0 =	sne.s32 s17, s5;
	[sflag:s16] =	ssyncset.done $0x0  }
.Ltmp1:
0x51: {  	s18 =	sadd.s32 s18, s6;
	[sflag:s16] =	ssyncadd.s32 $0xFFFFC000;
	(pc) =	sbr.rel @p0 .LBB2_1-.Ltmp1, $4  }
0x52: {  	[hbm4b:s18+s2] =	stream.linear.scatter [tilespmem:s9], [sflag:$0x5], $0x10000, $0x38;
	[tilespmem:$0x11600] =	vst v63  }
0x53: {  	_ =	swait.ge [sflag:s7], $0x10000  }
0x54: {  	[sflag:s7] =	ssyncset.done $0x0  }
0x55: {  	[sflag:s7] =	ssyncadd.s32 $0xFFFF0000  }
0x56: {  	_ =	sfence.sel $0x180000  }
0x57: {  	[bflag:$0x0] =	sbarrier.arrive $0xFFFF  }
0x58: {  	p0 =	sne.s32 s1, $0x0;
	_ =	strace $0x90000056  }
0x59: {  	s0 =	sadd.s32 @!p0 $0x100000, s0;
	[bflag:$0x2] =	sbarrier.arrive $0xFFFF  }
0x5a: {  	[sflag:s0] =	ssyncadd.tile.s32 @!p0 $0x1;
	_ =	shalt  }
.Lfunc_end2:
_tile_overlayer_lowered:
.L_overlay_start_2:
0x5b: {  	(tag) =	ssettag $0x2  }
0x5c: {  	s0 =	rddreg [dreg:$0x0];
	s2 =	stileid.u32  }
0x5d: {  	s1 =	rddreg [dreg:$0x1];
	p0 =	sne.s32 s2, $0x0  }
0x5e: {  	s3 =	rddreg [dreg:$0x2];
	[bflag:$0x3] =	sbarrier.arrive $0xFFFF;
	s2 =	simm.s32 @!p0 $0x1C05  }
0x5f: {  	[timem:s3], [sflag:s2] =	dma.local @!p0 [hbm:s0], s1  }
0x60: {  	s0 =	simm.s32 @!p0 $0x5  }
0x61: {  	_ =	swait.ge @!p0 [sflag:s0], s1  }
0x62: {  	s1 =	ssub.s32 @!p0 $0x0, s1;
	[sflag:s0] =	ssyncset.done @!p0 $0x0  }
0x63: {  	[sflag:s0] =	ssyncadd.s32 @!p0 s1  }
0x64: {  	[bflag:$0x3] =	sbarrier.arrive $0xFFFF  }
0x65: {  	_ =	shalt  }

// kernel: kernel.42.cloned.1.call-start
scs
__scs_entry_jumppad:
0x0: {  	(pc) =	sbr.rel $0x88, $3  }
0x1: {  	(tag) =	ssettag $0x0;
	lr =	simm.s32 $0x1  }
0x2: {  	[smem:$0x3EEE] =	sst lr;
	_ =	strace $0xD0000000  }
0x3: {  	_ = 	snop  }
0x4: {  	_ = 	snop  }
0x5: {  	_ = 	snop  }
0x6: {  	_ = 	snop  }
0x7: {  	_ = 	snop  }
__scs_overlays_trampoline_lowered:
0x8: {  	[smem:$0x3EFD] =	sst s0  }
0x9: {  	[smem:$0x3EFE] =	sst s1  }
0xa: {  	[smem:$0x3EFF] =	sst s2  }
0xb: {  	[smem:$0x3F00] =	sst s3  }
0xc: {  	[smem:$0x3F01] =	sst s4  }
0xd: {  	[smem:$0x3F02] =	sst s5  }
0xe: {  	[smem:$0x3F03] =	sst s6  }
0xf: {  	[smem:$0x3F04] =	sst s7  }
0x10: {  	[smem:$0x3F05] =	sst s8  }
0x11: {  	[smem:$0x3F06] =	sst s9;
	s0 =	simm.s32 @!p0 $0x0  }
0x12: {  	s1 =	sld [smem:$0x3EEC];
	s0 =	simm.s32 @p0 $0x1  }
0x13: {  	[smem:$0x3F07] =	sst s0;
	s0 =	simm.s32 @!p1 $0x0  }
0x14: {  	s2 =	sld [smem:$0x3EEB];
	s0 =	simm.s32 @p1 $0x1  }
0x15: {  	[smem:$0x3F08] =	sst s0;
	s0 =	simm.s32 @!p2 $0x0  }
0x16: {  	s3 =	sld [smem:$0x3FDB];
	s0 =	simm.s32 @p2 $0x1  }
0x17: {  	s4 =	simm.s32 $0x1BF5;
	[smem:$0x3F0A] =	sst s0  }
0x18: {  	s0 =	sld [smem:$0x3EED];
	_ =	swait.ge [sflag:s4], $0x0  }
0x19: {  	s7 =	sld [smem:$0x3EEE]  }
0x1a: {  	s8 =	sadd.s32 $0xFFFFE003, lr  }
0x1b: {  	s9 =	sadd.s32 $0xFFFFFEF7, lr;
	s5 =	simm.s32 $0xFFFFFFFF;
	p2 =	slt.u32 s8, $0xFFFFF086  }
0x1c: {  	p1 =	slt.u32 s9, $0xF7A;
	s5 =	simm.s32 @!p2 $0x0  }
0x1d: {  	s5 =	simm.s32 @p1 $0x1;
	p0 =	seq.s32 s7, s2  }
0x1e: {  	s7 =	smul.u32 @!p0 $0xF7A, s2;
	p2 =	seq.s32 @!p0 s5, $0x0  }
0x1f: {  	s9 =	smul.u32 $0xF7A, s1;
	s8 =	simm.s32 @!p0 $0x1BF5;
	p2 =	por !p2, p0  }
0x20: {  	[sflag:s8] =	ssyncset.s32 @!p0 $0xFFFFF086;
	s6 =	sadd.s32 @!p0 s3, s7;
	s7 =	simm.s32 @!p0 $0x108  }
0x21: {  	s3 =	sadd.s32 s3, s9;
	s6 =	sadd.s32 @!p0 $0x88, s6;
	s7 =	simm.s32 @p2 $0x1082  }
0x22: {  	[simem:s7], [sflag:s8] =	dma.local @!p0 [hbm:s6], $0xF7A  }
0x23: {  	s9 =	sor.u32 $0xD0000000, s2;
	s6 =	simm.s32 $0x108;
	_ =	swait.ge @!p0 [sflag:s8], $0x0  }
0x24: {  	s3 =	sadd.s32 $0x88, s3;
	s6 =	simm.s32 @!p1 $0x1082;
	[sflag:s4] =	ssyncset.s32 $0xFFFFF086  }
0x25: {  	[simem:s6], [sflag:s4] =	dma.local [hbm:s3], $0xF7A  }
0x26: {  	[smem:$0x3EEE] =	sst s1;
	(tag) =	ssettag s2;
	_ =	strace s9  }
0x27: {  	s1 =	sld [smem:$0x3EFE]  }
0x28: {  	s2 =	sld [smem:$0x3EFF]  }
0x29: {  	s4 =	sld [smem:$0x3F01]  }
0x2a: {  	p0 =	seq.s32 s5, $0x0;
	s5 =	sld [smem:$0x3F02]  }
0x2b: {  	s6 =	sld [smem:$0x3F03]  }
0x2c: {  	s7 =	sld [smem:$0x3F04]  }
0x2d: {  	s3 =	simm.s32 $0x108;
	s8 =	sld [smem:$0x3F05]  }
0x2e: {  	s3 =	simm.s32 @!p0 $0x1082;
	s9 =	sld [smem:$0x3F06]  }
0x2f: {  	lr =	sadd.s32 s0, s3;
	s0 =	sld [smem:$0x3EFD]  }
0x30: {  	s3 =	sld [smem:$0x3F00]  }
0x31: {  	[smem:$0x3F09] =	sst s10  }
0x32: {  	s10 =	sld [smem:$0x3F07];
	_ =	sdelay $0x3  }
0x33: {  	p0 =	seq.s32 s10, $0x1;
	s10 =	sld [smem:$0x3F09];
	_ =	sdelay $0x3  }
0x34: {  	[smem:$0x3F09] =	sst s10  }
0x35: {  	s10 =	sld [smem:$0x3F08];
	_ =	sdelay $0x3  }
0x36: {  	p1 =	seq.s32 s10, $0x1;
	s10 =	sld [smem:$0x3F09];
	_ =	sdelay $0x3  }
0x37: {  	[smem:$0x3F09] =	sst s10  }
0x38: {  	s10 =	sld [smem:$0x3F0A]  }
0x39: {  	_ = 	snop;
	(pc) =	sbr.ind lr, $3  }
0x3a: {  	_ = 	snop  }
0x3b: {  	_ = 	snop  }
0x3c: {  	p2 =	seq.s32 s10, $0x1;
	s10 =	sld [smem:$0x3F09]  }
0x3d: {  	_ =	shalt  }
0x3e: {  	_ =	shalt  }
0x3f: {  	_ =	shalt  }
0x40: {  	_ =	shalt  }
0x41: {  	_ =	shalt  }
0x42: {  	_ =	shalt  }
0x43: {  	_ =	shalt  }
0x44: {  	_ =	shalt  }
0x45: {  	_ =	shalt  }
0x46: {  	_ =	shalt  }
0x47: {  	_ =	shalt  }
0x48: {  	_ =	shalt  }
0x49: {  	_ =	shalt  }
0x4a: {  	_ =	shalt  }
0x4b: {  	_ =	shalt  }
0x4c: {  	_ =	shalt  }
0x4d: {  	_ =	shalt  }
0x4e: {  	_ =	shalt  }
0x4f: {  	_ =	shalt  }
0x50: {  	_ =	shalt  }
0x51: {  	_ =	shalt  }
0x52: {  	_ =	shalt  }
0x53: {  	_ =	shalt  }
0x54: {  	_ =	shalt  }
0x55: {  	_ =	shalt  }
0x56: {  	_ =	shalt  }
0x57: {  	_ =	shalt  }
0x58: {  	_ =	shalt  }
0x59: {  	_ =	shalt  }
0x5a: {  	_ =	shalt  }
0x5b: {  	_ =	shalt  }
0x5c: {  	_ =	shalt  }
0x5d: {  	_ =	shalt  }
0x5e: {  	_ =	shalt  }
0x5f: {  	_ =	shalt  }
0x60: {  	_ =	shalt  }
0x61: {  	_ =	shalt  }
0x62: {  	_ =	shalt  }
0x63: {  	_ =	shalt  }
0x64: {  	_ =	shalt  }
0x65: {  	_ =	shalt  }
0x66: {  	_ =	shalt  }
0x67: {  	_ =	shalt  }
0x68: {  	_ =	shalt  }
0x69: {  	_ =	shalt  }
0x6a: {  	_ =	shalt  }
0x6b: {  	_ =	shalt  }
0x6c: {  	_ =	shalt  }
0x6d: {  	_ =	shalt  }
0x6e: {  	_ =	shalt  }
0x6f: {  	_ =	shalt  }
0x70: {  	_ =	shalt  }
0x71: {  	_ =	shalt  }
0x72: {  	_ =	shalt  }
0x73: {  	_ =	shalt  }
0x74: {  	_ =	shalt  }
0x75: {  	_ =	shalt  }
0x76: {  	_ =	shalt  }
0x77: {  	_ =	shalt  }
0x78: {  	_ =	shalt  }
0x79: {  	_ =	shalt  }
0x7a: {  	_ =	shalt  }
0x7b: {  	_ =	shalt  }
0x7c: {  	_ =	shalt  }
0x7d: {  	_ =	shalt  }
0x7e: {  	_ =	shalt  }
0x7f: {  	_ =	shalt  }
0x80: {  	_ =	shalt  }
0x81: {  	_ =	shalt  }
0x82: {  	_ =	shalt  }
0x83: {  	_ =	shalt  }
0x84: {  	_ =	shalt  }
0x85: {  	_ =	shalt  }
0x86: {  	_ =	shalt  }
0x87: {  	_ =	shalt  }
.Lfunc_end0:
.L_simem_size_0:
called_computation.6_lowered:
.L_overlay_start_0:
0x88: {  	s2 =	sld [smem:$0x3FD9]  }
0x89: {  	s3 =	sld [smem:$0x3FFE];
	_ =	sdelay $0x1  }
0x8a: {  	s1 =	srdreg.scid  }
0x8b: {  	s0 =	sand.u32 $0x1, s1  }
0x8c: {  	s16 =	sshll.u32 s0, $0xA;
	s2 =	sadd.s32 s3, s2  }
0x8d: {  	s2 =	sadd.s32 s2, s16  }
0x8e: {  	[smem:$0x3F15] =	sst s2  }
0x8f: {  	_ = 	snop  }
0x90: {  	(tm) =	ssettm $0x1  }
0x91: {  	s17 =	sld [smem:$0x3FFB];
	_ =	sdelay $0x3  }
0x92: {  	_ =	strace s17  }
0x93: {  	s2 =	sld [smem:$0x3FFC];
	_ =	sdelay $0x3  }
0x94: {  	_ =	strace s2  }
0x95: {  	s2 =	sld [smem:$0x3FFD];
	_ =	sdelay $0x3  }
0x96: {  	_ =	strace s2  }
0x97: {  	_ =	strace $0x8FFFFFFF  }
0x98: {  	s18 =	sld [smem:$0x3FDB];
	_ =	sdelay $0x1  }
0x99: {  	s19 =	simm.s32 $_scs_section_size  }
0x9a: {  	s4 =	simm.s32 $_size__tile_overlayer_lowered;
	s5 =	simm.s32 $_tile_overlayer_lowered  }
0x9b: {  	s22 =	simm.s32 $0x1BFF;
	s21 =	sshll.u32 s5, $0x1;
	s2 =	sadd.s32 s19, s18  }
0x9c: {  	s6 =	simm.s32 $0x0;
	s20 =	sshll.u32 s4, $0x1;
	s4 =	sadd.s32 s21, s2  }
0x9d: {  	[timem:s6], [sflag:s22] =	dma.local [hbm:s4], s20  }
0x9e: {  	_ =	swait.ge [sflag:s22], s20  }
0x9f: {  	s3 =	ssub.s32 $0x0, s20;
	[sflag:s22] =	ssyncset.done $0x0  }
0xa0: {  	[sflag:s22] =	ssyncadd.s32 s3;
	_ =	sdelay $0x1  }
0xa1: {  	s23 =	simm.s32 $0x1B8B  }
0xa2: {  	_ =	swait.ge [sflag:s23], $0x1  }
0xa3: {  	[sflag:s23] =	ssyncset.done $0x0  }
0xa4: {  	s25 =	simm.s32 $0x1B8E;
	s24 =	sld [smem:$0x3FFE];
	[sflag:s23] =	ssyncadd.s32 $0xFFFFFFFF  }
0xa5: {  	s26 =	simm.s32 $execute0_lowered;
	[smem:$0x3FD2] =	sst s25  }
0xa6: {  	s4 =	sshll.u32 s26, $0x1;
	_ =	strace $0x80000058;
	[dreg:$0x1] =	wrdreg $0xFFFFFFFF  }
0xa7: {  	s28 =	simm.s32 $_size_execute0_lowered;
	s2 =	sadd.s32 s2, s4;
	[dreg:$0x0] =	wrdreg $0x0  }
0xa8: {  	s4 =	sshll.u32 s28, $0x1;
	[dreg:$0x2] =	wrdreg s2  }
0xa9: {  	[dreg:$0x3] =	wrdreg s4  }
0xaa: {  	[dreg:$0x4] =	wrdreg $0xC0  }
0xab: {  	_ =	task [dreg:s6], $0x5FFFF  }
0xac: {  	[dreg:$0x1] =	wrdreg $0xFFFFFFFF  }
0xad: {  	[dreg:$0x0] =	wrdreg $0x60  }
0xae: {  	[dreg:$0x2] =	wrdreg s24  }
0xaf: {  	[dreg:$0x3] =	wrdreg $0x9  }
0xb0: {  	_ =	task.clear_ibuf [dreg:s6], $0x4FFFF;
	_ =	strace $0x90000058  }
0xb1: {  	s29 =	simm.s32 $0x9;
	_ =	strace $0x8000005A  }
0xb2: {  	_ =	swait.ge [sflag:s29], $0x1  }
0xb3: {  	[sflag:s29] =	ssyncadd.s32 $0xFFFFFFFF  }
0xb4: {  	_ =	strace $0x9000005A  }
0xb5: {  	_ =	sfence  }
0xb6: {  	s30 =	sld [smem:$0x0];
	_ =	sdelay $0x2  }
0xb7: {  	s31 =	sshll.u32 s1, $0xD;
	s1 =	sshrl.u32 s1, $0x2  }
0xb8: {  	s3 =	sand.u32 $0x4000, s31;
	s1 =	sadd.s32 s1, s30  }
0xb9: {  	s0 =	sor.u32 s3, s0;
	s1 =	sshll.u32 s1, $0x11  }
0xba: {  	s0 =	sor.u32 s1, s0  }
0xbb: {  	s0 =	sadd.s32 $0x8F2B, s0  }
0xbc: {  	[sflag:s0] =	ssyncadd.remote.s32 $0x1  }
0xbd: {  	_ =	sfence.sel $0xFFFF  }
0xbe: {  	[dreg:$0x0] =	wrdreg $0xFFFFFFFF;
	(pc) =	sbr.abs _section_cstart, $3  }
0xbf: {  	[dreg:$0x1] =	wrdreg $0xFFFFFFFF  }
0xc0: {  	_ =	task.clear_ibuf [dreg:s6], $0x2FFFF;
	_ =	strace $0x9FFFFFFF  }
0xc1: {  	(tm) =	ssettm $0x7FFFFFFF  }
tec
execute0_lowered:
.L_overlay_start_1:
0x0: {  	(tag) =	ssettag $0x1  }
0x1: {  	s0 =	srdreg.scid;
	s4 =	rddreg [dreg:$0x0]  }
0x2: {  	s1 =	stileid.u32;
	s2 =	simm.s32 $0x0;
	s10 =	simm.s32 $0x5600  }
0x3: {  	s11 =	simm.s32 $0x9600;
	s12 =	simm.s32 $0xD600;
	s13 =	simm.s32 $0x1  }
0x4: {  	s14 =	simm.s32 $0x2;
	s15 =	simm.s32 $0x3;
	s16 =	simm.s32 $0x4  }
0x5: {  	s17 =	simm.s32 $0x0;
	s3 =	sand.u32 $0x1, s0;
	s0 =	rddreg [dreg:$0x1]  }
0x6: {  	[smem:$0x7FF] =	sst s2;
	s9 =	smul.u32 $0x16000, s1;
	s5 =	sshll.u32 s3, $0x4  }
0x7: {  	s6 =	smul.u32 $0x160000, s3;
	s7 =	ssub.s32 $0x2, s3;
	s5 =	sor.u32 s1, s5  }
0x8: {  	_ =	strace $0x80000059;
	s8 =	sshrl.u32 s7, $0x1;
	s5 =	smul.u32 $0x1600, s5  }
0x9: {  	s3 =	sadd.s32 $0xF9C00, s4;
	s6 =	sadd.s32 s6, s4;
	s7 =	ssub.s32 s7, s8  }
0xa: {  	s8 =	simm.s32 $0x80;
	s6 =	sadd.s32 s9, s6;
	s5 =	sshrl.u32 s5, $0x3  }
0xb: {  	s9 =	simm.s32 $0x1600;
	s6 =	sadd.s32 $0x121C00, s6;
	s5 =	sadd.s32 s5, s4  }
0xc: {  	s4 =	sadd.s32 $0x54400, s5;
	s5 =	smax.u32 s7, $0x1;
	s7 =	simm.s32 $0x5  }
.LBB2_1:
0xd: {  	[tilespmem:s2], [sflag:$0x5] =	stream.linear.gather [hbm4b:s4+s2], $0x1600, $0x38;
	[tilespmem:$0x11600] =	vst v63  }
0xe: {  	_ =	swait.ge [sflag:s7], $0x1600  }
0xf: {  	[sflag:s7] =	ssyncset.done $0x0  }
0x10: {  	s18 =	simm.s32 $0x0;
	[sflag:s7] =	ssyncadd.s32 $0xFFFFEA00  }
0x11: {  	[tilespmem:s9], [sflag:$0x1] =	stream.indirect.gather [hbm4b:s3+s8], $0x80, s18, s8, $0xb8;
	[tilespmem:$0x11600] =	vst v63  }
0x12: {  	s28 =	simm.s32 $0x80  }
0x13: {  	[tilespmem:s10], [sflag:$0x2] =	stream.indirect.gather [hbm4b:s3+s8], $0x80, s28, s8, $0xb8;
	[tilespmem:$0x11600] =	vst v63  }
0x14: {  	s29 =	simm.s32 $0x100  }
0x15: {  	[tilespmem:s11], [sflag:$0x3] =	stream.indirect.gather [hbm4b:s3+s8], $0x80, s29, s8, $0xb8;
	[tilespmem:$0x11600] =	vst v63  }
0x16: {  	s30 =	simm.s32 $0x180  }
0x17: {  	[tilespmem:s12], [sflag:$0x4] =	stream.indirect.gather [hbm4b:s3+s8], $0x80, s30, s8, $0xb8;
	[tilespmem:$0x11600] =	vst v63  }
0x18: {  	_ =	swait.ge [sflag:s13], $0x4000  }
0x19: {  	[sflag:s13] =	ssyncset.done $0x0  }
0x1a: {  	[sflag:s13] =	ssyncadd.s32 $0xFFFFC000  }
0x1b: {  	_ =	swait.ge [sflag:s14], $0x4000  }
0x1c: {  	[sflag:s14] =	ssyncset.done $0x0  }
0x1d: {  	[sflag:s14] =	ssyncadd.s32 $0xFFFFC000  }
0x1e: {  	_ =	swait.ge [sflag:s15], $0x4000  }
0x1f: {  	[sflag:s15] =	ssyncset.done $0x0  }
0x20: {  	[sflag:s15] =	ssyncadd.s32 $0xFFFFC000  }
0x21: {  	_ =	swait.ge [sflag:s16], $0x4000  }
0x22: {  	[sflag:s16] =	ssyncset.done $0x0  }
0x23: {  	s31 =	sadd.s32 $0x0, s6;
	[sflag:s16] =	ssyncadd.s32 $0xFFFFC000  }
0x24: {  	[hbm4b:s31+s2] =	stream.linear.scatter [tilespmem:s9], [sflag:$0x5], $0x10000, $0x38;
	[tilespmem:$0x11600] =	vst v63  }
0x25: {  	s20 =	simm.s32 $0x4000;
	_ =	swait.ge [sflag:s7], $0x10000  }
0x26: {  	s19 =	simm.s32 $0x380;
	s18 =	simm.s32 $0x2000;
	[sflag:s7] =	ssyncset.done $0x0  }
.LBB2_2:
0x27: {  	p0 =	sne.s32 s20, $0x14000;
	s21 =	sadd.s32 $0xFFFFFE80, s19;
	[sflag:s7] =	ssyncadd.s32 $0xFFFF0000  }
0x28: {  	[tilespmem:s9], [sflag:$0x1] =	stream.indirect.gather [hbm4b:s3+s8], $0x80, s21, s8, $0xb8;
	[tilespmem:$0x11600] =	vst v63  }
0x29: {  	s22 =	smov.u32 s20;
	s20 =	sadd.s32 $0x2000, s20;
	s21 =	sadd.s32 $0xFFFFFF00, s19  }
0x2a: {  	[tilespmem:s10], [sflag:$0x2] =	stream.indirect.gather [hbm4b:s3+s8], $0x80, s21, s8, $0xb8;
	[tilespmem:$0x11600] =	vst v63  }
0x2b: {  	s21 =	sadd.s32 $0xFFFFFF80, s19  }
0x2c: {  	[tilespmem:s11], [sflag:$0x3] =	stream.indirect.gather [hbm4b:s3+s8], $0x80, s21, s8, $0xb8;
	[tilespmem:$0x11600] =	vst v63  }
0x2d: {  	_ = 	snop  }
0x2e: {  	[tilespmem:s12], [sflag:$0x4] =	stream.indirect.gather [hbm4b:s3+s8], $0x80, s19, s8, $0xb8;
	[tilespmem:$0x11600] =	vst v63  }
0x2f: {  	_ =	swait.ge [sflag:s13], $0x4000  }
0x30: {  	[sflag:s13] =	ssyncset.done $0x0  }
0x31: {  	[sflag:s13] =	ssyncadd.s32 $0xFFFFC000  }
0x32: {  	_ =	swait.ge [sflag:s14], $0x4000  }
0x33: {  	[sflag:s14] =	ssyncset.done $0x0  }
0x34: {  	[sflag:s14] =	ssyncadd.s32 $0xFFFFC000  }
0x35: {  	_ =	swait.ge [sflag:s15], $0x4000  }
0x36: {  	[sflag:s15] =	ssyncset.done $0x0  }
0x37: {  	[sflag:s15] =	ssyncadd.s32 $0xFFFFC000  }
0x38: {  	_ =	swait.ge [sflag:s16], $0x4000  }
.Ltmp0:
0x39: {  	[sflag:s16] =	ssyncset.done $0x0;
	(pc) =	sbr.rel @p0 .LBB2_2-.Ltmp0, $4  }
0x3a: {  	s21 =	sadd.s32 s18, s6;
	s18 =	smov.u32 s22;
	[sflag:s16] =	ssyncadd.s32 $0xFFFFC000  }
0x3b: {  	[hbm4b:s21+s2] =	stream.linear.scatter [tilespmem:s9], [sflag:$0x5], $0x10000, $0x38;
	[tilespmem:$0x11600] =	vst v63  }
0x3c: {  	_ =	swait.ge [sflag:s7], $0x10000  }
0x3d: {  	s19 =	sadd.s32 $0x200, s19;
	[sflag:s7] =	ssyncset.done $0x0  }
0x3e: {  	s20 =	sadd.s32 $0xFFFFFE80, s19;
	[sflag:s7] =	ssyncadd.s32 $0xFFFF0000  }
0x3f: {  	[tilespmem:s9], [sflag:$0x1] =	stream.indirect.gather [hbm4b:s3+s8], $0x80, s20, s8, $0xb8;
	[tilespmem:$0x11600] =	vst v63  }
0x40: {  	s30 =	sadd.s32 $0xFFFFFF00, s19  }
0x41: {  	[tilespmem:s10], [sflag:$0x2] =	stream.indirect.gather [hbm4b:s3+s8], $0x80, s30, s8, $0xb8;
	[tilespmem:$0x11600] =	vst v63  }
0x42: {  	s31 =	sadd.s32 $0xFFFFFF80, s19  }
0x43: {  	[tilespmem:s11], [sflag:$0x3] =	stream.indirect.gather [hbm4b:s3+s8], $0x80, s31, s8, $0xb8;
	[tilespmem:$0x11600] =	vst v63  }
0x44: {  	_ = 	snop  }
0x45: {  	[tilespmem:s12], [sflag:$0x4] =	stream.indirect.gather [hbm4b:s3+s8], $0x80, s19, s8, $0xb8;
	[tilespmem:$0x11600] =	vst v63  }
0x46: {  	_ =	swait.ge [sflag:s13], $0x4000  }
0x47: {  	[sflag:s13] =	ssyncset.done $0x0  }
0x48: {  	[sflag:s13] =	ssyncadd.s32 $0xFFFFC000  }
0x49: {  	_ =	swait.ge [sflag:s14], $0x4000  }
0x4a: {  	[sflag:s14] =	ssyncset.done $0x0  }
0x4b: {  	[sflag:s14] =	ssyncadd.s32 $0xFFFFC000  }
0x4c: {  	_ =	swait.ge [sflag:s15], $0x4000  }
0x4d: {  	[sflag:s15] =	ssyncset.done $0x0  }
0x4e: {  	[sflag:s15] =	ssyncadd.s32 $0xFFFFC000  }
0x4f: {  	s17 =	sadd.s32 $0x1, s17;
	_ =	swait.ge [sflag:s16], $0x4000  }
0x50: {  	p0 =	sne.s32 s17, s5;
	[sflag:s16] =	ssyncset.done $0x0  }
.Ltmp1:
0x51: {  	s18 =	sadd.s32 s18, s6;
	[sflag:s16] =	ssyncadd.s32 $0xFFFFC000;
	(pc) =	sbr.rel @p0 .LBB2_1-.Ltmp1, $4  }
0x52: {  	[hbm4b:s18+s2] =	stream.linear.scatter [tilespmem:s9], [sflag:$0x5], $0x10000, $0x38;
	[tilespmem:$0x11600] =	vst v63  }
0x53: {  	_ =	swait.ge [sflag:s7], $0x10000  }
0x54: {  	[sflag:s7] =	ssyncset.done $0x0  }
0x55: {  	[sflag:s7] =	ssyncadd.s32 $0xFFFF0000  }
0x56: {  	_ =	sfence.sel $0x180000  }
0x57: {  	[bflag:$0x0] =	sbarrier.arrive $0xFFFF  }
0x58: {  	p0 =	sne.s32 s1, $0x0;
	_ =	strace $0x90000059  }
0x59: {  	s0 =	sadd.s32 @!p0 $0x100000, s0;
	[bflag:$0x2] =	sbarrier.arrive $0xFFFF  }
0x5a: {  	[sflag:s0] =	ssyncadd.tile.s32 @!p0 $0x1;
	_ =	shalt  }
.Lfunc_end2:
_tile_overlayer_lowered:
.L_overlay_start_2:
0x5b: {  	(tag) =	ssettag $0x2  }
0x5c: {  	s0 =	rddreg [dreg:$0x0];
	s2 =	stileid.u32  }
0x5d: {  	s1 =	rddreg [dreg:$0x1];
	p0 =	sne.s32 s2, $0x0  }
0x5e: {  	s3 =	rddreg [dreg:$0x2];
	[bflag:$0x3] =	sbarrier.arrive $0xFFFF;
	s2 =	simm.s32 @!p0 $0x1C05  }
0x5f: {  	[timem:s3], [sflag:s2] =	dma.local @!p0 [hbm:s0], s1  }
0x60: {  	s0 =	simm.s32 @!p0 $0x5  }
0x61: {  	_ =	swait.ge @!p0 [sflag:s0], s1  }
0x62: {  	s1 =	ssub.s32 @!p0 $0x0, s1;
	[sflag:s0] =	ssyncset.done @!p0 $0x0  }
0x63: {  	[sflag:s0] =	ssyncadd.s32 @!p0 s1  }
0x64: {  	[bflag:$0x3] =	sbarrier.arrive $0xFFFF  }
0x65: {  	_ =	shalt  }

// kernel: kernel.45.cloned.1.call-start
scs
__scs_entry_jumppad:
0x0: {  	(pc) =	sbr.rel $0x88, $3  }
0x1: {  	(tag) =	ssettag $0x0;
	lr =	simm.s32 $0x1  }
0x2: {  	[smem:$0x3EEE] =	sst lr;
	_ =	strace $0xD0000000  }
0x3: {  	_ = 	snop  }
0x4: {  	_ = 	snop  }
0x5: {  	_ = 	snop  }
0x6: {  	_ = 	snop  }
0x7: {  	_ = 	snop  }
__scs_overlays_trampoline_lowered:
0x8: {  	[smem:$0x3EFD] =	sst s0  }
0x9: {  	[smem:$0x3EFE] =	sst s1  }
0xa: {  	[smem:$0x3EFF] =	sst s2  }
0xb: {  	[smem:$0x3F00] =	sst s3  }
0xc: {  	[smem:$0x3F01] =	sst s4  }
0xd: {  	[smem:$0x3F02] =	sst s5  }
0xe: {  	[smem:$0x3F03] =	sst s6  }
0xf: {  	[smem:$0x3F04] =	sst s7  }
0x10: {  	[smem:$0x3F05] =	sst s8  }
0x11: {  	[smem:$0x3F06] =	sst s9;
	s0 =	simm.s32 @!p0 $0x0  }
0x12: {  	s1 =	sld [smem:$0x3EEC];
	s0 =	simm.s32 @p0 $0x1  }
0x13: {  	[smem:$0x3F07] =	sst s0;
	s0 =	simm.s32 @!p1 $0x0  }
0x14: {  	s2 =	sld [smem:$0x3EEB];
	s0 =	simm.s32 @p1 $0x1  }
0x15: {  	[smem:$0x3F08] =	sst s0;
	s0 =	simm.s32 @!p2 $0x0  }
0x16: {  	s3 =	sld [smem:$0x3FDB];
	s0 =	simm.s32 @p2 $0x1  }
0x17: {  	s4 =	simm.s32 $0x1BF5;
	[smem:$0x3F0A] =	sst s0  }
0x18: {  	s0 =	sld [smem:$0x3EED];
	_ =	swait.ge [sflag:s4], $0x0  }
0x19: {  	s7 =	sld [smem:$0x3EEE]  }
0x1a: {  	s8 =	sadd.s32 $0xFFFFE003, lr  }
0x1b: {  	s9 =	sadd.s32 $0xFFFFFEF7, lr;
	s5 =	simm.s32 $0xFFFFFFFF;
	p2 =	slt.u32 s8, $0xFFFFF086  }
0x1c: {  	p1 =	slt.u32 s9, $0xF7A;
	s5 =	simm.s32 @!p2 $0x0  }
0x1d: {  	s5 =	simm.s32 @p1 $0x1;
	p0 =	seq.s32 s7, s2  }
0x1e: {  	s7 =	smul.u32 @!p0 $0xF7A, s2;
	p2 =	seq.s32 @!p0 s5, $0x0  }
0x1f: {  	s9 =	smul.u32 $0xF7A, s1;
	s8 =	simm.s32 @!p0 $0x1BF5;
	p2 =	por !p2, p0  }
0x20: {  	[sflag:s8] =	ssyncset.s32 @!p0 $0xFFFFF086;
	s6 =	sadd.s32 @!p0 s3, s7;
	s7 =	simm.s32 @!p0 $0x108  }
0x21: {  	s3 =	sadd.s32 s3, s9;
	s6 =	sadd.s32 @!p0 $0x88, s6;
	s7 =	simm.s32 @p2 $0x1082  }
0x22: {  	[simem:s7], [sflag:s8] =	dma.local @!p0 [hbm:s6], $0xF7A  }
0x23: {  	s9 =	sor.u32 $0xD0000000, s2;
	s6 =	simm.s32 $0x108;
	_ =	swait.ge @!p0 [sflag:s8], $0x0  }
0x24: {  	s3 =	sadd.s32 $0x88, s3;
	s6 =	simm.s32 @!p1 $0x1082;
	[sflag:s4] =	ssyncset.s32 $0xFFFFF086  }
0x25: {  	[simem:s6], [sflag:s4] =	dma.local [hbm:s3], $0xF7A  }
0x26: {  	[smem:$0x3EEE] =	sst s1;
	(tag) =	ssettag s2;
	_ =	strace s9  }
0x27: {  	s1 =	sld [smem:$0x3EFE]  }
0x28: {  	s2 =	sld [smem:$0x3EFF]  }
0x29: {  	s4 =	sld [smem:$0x3F01]  }
0x2a: {  	p0 =	seq.s32 s5, $0x0;
	s5 =	sld [smem:$0x3F02]  }
0x2b: {  	s6 =	sld [smem:$0x3F03]  }
0x2c: {  	s7 =	sld [smem:$0x3F04]  }
0x2d: {  	s3 =	simm.s32 $0x108;
	s8 =	sld [smem:$0x3F05]  }
0x2e: {  	s3 =	simm.s32 @!p0 $0x1082;
	s9 =	sld [smem:$0x3F06]  }
0x2f: {  	lr =	sadd.s32 s0, s3;
	s0 =	sld [smem:$0x3EFD]  }
0x30: {  	s3 =	sld [smem:$0x3F00]  }
0x31: {  	[smem:$0x3F09] =	sst s10  }
0x32: {  	s10 =	sld [smem:$0x3F07];
	_ =	sdelay $0x3  }
0x33: {  	p0 =	seq.s32 s10, $0x1;
	s10 =	sld [smem:$0x3F09];
	_ =	sdelay $0x3  }
0x34: {  	[smem:$0x3F09] =	sst s10  }
0x35: {  	s10 =	sld [smem:$0x3F08];
	_ =	sdelay $0x3  }
0x36: {  	p1 =	seq.s32 s10, $0x1;
	s10 =	sld [smem:$0x3F09];
	_ =	sdelay $0x3  }
0x37: {  	[smem:$0x3F09] =	sst s10  }
0x38: {  	s10 =	sld [smem:$0x3F0A]  }
0x39: {  	_ = 	snop;
	(pc) =	sbr.ind lr, $3  }
0x3a: {  	_ = 	snop  }
0x3b: {  	_ = 	snop  }
0x3c: {  	p2 =	seq.s32 s10, $0x1;
	s10 =	sld [smem:$0x3F09]  }
0x3d: {  	_ =	shalt  }
0x3e: {  	_ =	shalt  }
0x3f: {  	_ =	shalt  }
0x40: {  	_ =	shalt  }
0x41: {  	_ =	shalt  }
0x42: {  	_ =	shalt  }
0x43: {  	_ =	shalt  }
0x44: {  	_ =	shalt  }
0x45: {  	_ =	shalt  }
0x46: {  	_ =	shalt  }
0x47: {  	_ =	shalt  }
0x48: {  	_ =	shalt  }
0x49: {  	_ =	shalt  }
0x4a: {  	_ =	shalt  }
0x4b: {  	_ =	shalt  }
0x4c: {  	_ =	shalt  }
0x4d: {  	_ =	shalt  }
0x4e: {  	_ =	shalt  }
0x4f: {  	_ =	shalt  }
0x50: {  	_ =	shalt  }
0x51: {  	_ =	shalt  }
0x52: {  	_ =	shalt  }
0x53: {  	_ =	shalt  }
0x54: {  	_ =	shalt  }
0x55: {  	_ =	shalt  }
0x56: {  	_ =	shalt  }
0x57: {  	_ =	shalt  }
0x58: {  	_ =	shalt  }
0x59: {  	_ =	shalt  }
0x5a: {  	_ =	shalt  }
0x5b: {  	_ =	shalt  }
0x5c: {  	_ =	shalt  }
0x5d: {  	_ =	shalt  }
0x5e: {  	_ =	shalt  }
0x5f: {  	_ =	shalt  }
0x60: {  	_ =	shalt  }
0x61: {  	_ =	shalt  }
0x62: {  	_ =	shalt  }
0x63: {  	_ =	shalt  }
0x64: {  	_ =	shalt  }
0x65: {  	_ =	shalt  }
0x66: {  	_ =	shalt  }
0x67: {  	_ =	shalt  }
0x68: {  	_ =	shalt  }
0x69: {  	_ =	shalt  }
0x6a: {  	_ =	shalt  }
0x6b: {  	_ =	shalt  }
0x6c: {  	_ =	shalt  }
0x6d: {  	_ =	shalt  }
0x6e: {  	_ =	shalt  }
0x6f: {  	_ =	shalt  }
0x70: {  	_ =	shalt  }
0x71: {  	_ =	shalt  }
0x72: {  	_ =	shalt  }
0x73: {  	_ =	shalt  }
0x74: {  	_ =	shalt  }
0x75: {  	_ =	shalt  }
0x76: {  	_ =	shalt  }
0x77: {  	_ =	shalt  }
0x78: {  	_ =	shalt  }
0x79: {  	_ =	shalt  }
0x7a: {  	_ =	shalt  }
0x7b: {  	_ =	shalt  }
0x7c: {  	_ =	shalt  }
0x7d: {  	_ =	shalt  }
0x7e: {  	_ =	shalt  }
0x7f: {  	_ =	shalt  }
0x80: {  	_ =	shalt  }
0x81: {  	_ =	shalt  }
0x82: {  	_ =	shalt  }
0x83: {  	_ =	shalt  }
0x84: {  	_ =	shalt  }
0x85: {  	_ =	shalt  }
0x86: {  	_ =	shalt  }
0x87: {  	_ =	shalt  }
.Lfunc_end0:
.L_simem_size_0:
called_computation.7_lowered:
.L_overlay_start_0:
0x88: {  	s2 =	sld [smem:$0x3FD9]  }
0x89: {  	s3 =	sld [smem:$0x3FFE];
	_ =	sdelay $0x1  }
0x8a: {  	s1 =	srdreg.scid  }
0x8b: {  	s0 =	sand.u32 $0x1, s1  }
0x8c: {  	s16 =	sshll.u32 s0, $0xA;
	s2 =	sadd.s32 s3, s2  }
0x8d: {  	s2 =	sadd.s32 s2, s16  }
0x8e: {  	[smem:$0x3F15] =	sst s2  }
0x8f: {  	_ = 	snop  }
0x90: {  	(tm) =	ssettm $0x1  }
0x91: {  	s17 =	sld [smem:$0x3FFB];
	_ =	sdelay $0x3  }
0x92: {  	_ =	strace s17  }
0x93: {  	s2 =	sld [smem:$0x3FFC];
	_ =	sdelay $0x3  }
0x94: {  	_ =	strace s2  }
0x95: {  	s2 =	sld [smem:$0x3FFD];
	_ =	sdelay $0x3  }
0x96: {  	_ =	strace s2  }
0x97: {  	_ =	strace $0x8FFFFFFF  }
0x98: {  	s18 =	sld [smem:$0x3FDB];
	_ =	sdelay $0x1  }
0x99: {  	s19 =	simm.s32 $_scs_section_size  }
0x9a: {  	s4 =	simm.s32 $_size__tile_overlayer_lowered;
	s5 =	simm.s32 $_tile_overlayer_lowered  }
0x9b: {  	s22 =	simm.s32 $0x1BFF;
	s21 =	sshll.u32 s5, $0x1;
	s2 =	sadd.s32 s19, s18  }
0x9c: {  	s6 =	simm.s32 $0x0;
	s20 =	sshll.u32 s4, $0x1;
	s4 =	sadd.s32 s21, s2  }
0x9d: {  	[timem:s6], [sflag:s22] =	dma.local [hbm:s4], s20  }
0x9e: {  	_ =	swait.ge [sflag:s22], s20  }
0x9f: {  	s3 =	ssub.s32 $0x0, s20;
	[sflag:s22] =	ssyncset.done $0x0  }
0xa0: {  	[sflag:s22] =	ssyncadd.s32 s3;
	_ =	sdelay $0x1  }
0xa1: {  	s23 =	simm.s32 $0x1B8B  }
0xa2: {  	_ =	swait.ge [sflag:s23], $0x1  }
0xa3: {  	[sflag:s23] =	ssyncset.done $0x0  }
0xa4: {  	s25 =	simm.s32 $0x1B8E;
	s24 =	sld [smem:$0x3FFE];
	[sflag:s23] =	ssyncadd.s32 $0xFFFFFFFF  }
0xa5: {  	s26 =	simm.s32 $execute0_lowered;
	[smem:$0x3FD2] =	sst s25  }
0xa6: {  	s4 =	sshll.u32 s26, $0x1;
	_ =	strace $0x8000005B;
	[dreg:$0x1] =	wrdreg $0xFFFFFFFF  }
0xa7: {  	s28 =	simm.s32 $_size_execute0_lowered;
	s2 =	sadd.s32 s2, s4;
	[dreg:$0x0] =	wrdreg $0x0  }
0xa8: {  	s4 =	sshll.u32 s28, $0x1;
	[dreg:$0x2] =	wrdreg s2  }
0xa9: {  	[dreg:$0x3] =	wrdreg s4  }
0xaa: {  	[dreg:$0x4] =	wrdreg $0xC0  }
0xab: {  	_ =	task [dreg:s6], $0x5FFFF  }
0xac: {  	[dreg:$0x1] =	wrdreg $0xFFFFFFFF  }
0xad: {  	[dreg:$0x0] =	wrdreg $0x60  }
0xae: {  	[dreg:$0x2] =	wrdreg s24  }
0xaf: {  	[dreg:$0x3] =	wrdreg $0x9  }
0xb0: {  	_ =	task.clear_ibuf [dreg:s6], $0x4FFFF;
	_ =	strace $0x9000005B  }
0xb1: {  	s29 =	simm.s32 $0x9;
	_ =	strace $0x8000005D  }
0xb2: {  	_ =	swait.ge [sflag:s29], $0x1  }
0xb3: {  	[sflag:s29] =	ssyncadd.s32 $0xFFFFFFFF  }
0xb4: {  	_ =	strace $0x9000005D  }
0xb5: {  	_ =	sfence  }
0xb6: {  	s30 =	sld [smem:$0x0];
	_ =	sdelay $0x2  }
0xb7: {  	s31 =	sshll.u32 s1, $0xD;
	s1 =	sshrl.u32 s1, $0x2  }
0xb8: {  	s3 =	sand.u32 $0x4000, s31;
	s1 =	sadd.s32 s1, s30  }
0xb9: {  	s0 =	sor.u32 s3, s0;
	s1 =	sshll.u32 s1, $0x11  }
0xba: {  	s0 =	sor.u32 s1, s0  }
0xbb: {  	s0 =	sadd.s32 $0x8F2B, s0  }
0xbc: {  	[sflag:s0] =	ssyncadd.remote.s32 $0x1  }
0xbd: {  	_ =	sfence.sel $0xFFFF  }
0xbe: {  	[dreg:$0x0] =	wrdreg $0xFFFFFFFF;
	(pc) =	sbr.abs _section_cstart, $3  }
0xbf: {  	[dreg:$0x1] =	wrdreg $0xFFFFFFFF  }
0xc0: {  	_ =	task.clear_ibuf [dreg:s6], $0x2FFFF;
	_ =	strace $0x9FFFFFFF  }
0xc1: {  	(tm) =	ssettm $0x7FFFFFFF  }
tec
execute0_lowered:
.L_overlay_start_1:
0x0: {  	(tag) =	ssettag $0x1  }
0x1: {  	s0 =	srdreg.scid;
	s4 =	rddreg [dreg:$0x0]  }
0x2: {  	s1 =	stileid.u32;
	s2 =	simm.s32 $0x0;
	s10 =	simm.s32 $0x5600  }
0x3: {  	s11 =	simm.s32 $0x9600;
	s12 =	simm.s32 $0xD600;
	s13 =	simm.s32 $0x1  }
0x4: {  	s14 =	simm.s32 $0x2;
	s15 =	simm.s32 $0x3;
	s16 =	simm.s32 $0x4  }
0x5: {  	s17 =	simm.s32 $0x0;
	s3 =	sand.u32 $0x1, s0;
	s0 =	rddreg [dreg:$0x1]  }
0x6: {  	[smem:$0x7FF] =	sst s2;
	s9 =	smul.u32 $0x16000, s1;
	s5 =	sshll.u32 s3, $0x4  }
0x7: {  	s6 =	smul.u32 $0x160000, s3;
	s7 =	ssub.s32 $0x2, s3;
	s5 =	sor.u32 s1, s5  }
0x8: {  	_ =	strace $0x8000005C;
	s8 =	sshrl.u32 s7, $0x1;
	s5 =	smul.u32 $0x1600, s5  }
0x9: {  	s3 =	sadd.s32 $0xA9C00, s4;
	s6 =	sadd.s32 s6, s4;
	s7 =	ssub.s32 s7, s8  }
0xa: {  	s8 =	simm.s32 $0x80;
	s6 =	sadd.s32 s9, s6;
	s5 =	sshrl.u32 s5, $0x3  }
0xb: {  	s9 =	simm.s32 $0x1600;
	s6 =	sadd.s32 $0x149C00, s6;
	s5 =	sadd.s32 s5, s4  }
0xc: {  	s4 =	sadd.s32 $0x54400, s5;
	s5 =	smax.u32 s7, $0x1;
	s7 =	simm.s32 $0x5  }
.LBB2_1:
0xd: {  	[tilespmem:s2], [sflag:$0x5] =	stream.linear.gather [hbm4b:s4+s2], $0x1600, $0x38;
	[tilespmem:$0x11600] =	vst v63  }
0xe: {  	_ =	swait.ge [sflag:s7], $0x1600  }
0xf: {  	[sflag:s7] =	ssyncset.done $0x0  }
0x10: {  	s18 =	simm.s32 $0x0;
	[sflag:s7] =	ssyncadd.s32 $0xFFFFEA00  }
0x11: {  	[tilespmem:s9], [sflag:$0x1] =	stream.indirect.gather [hbm4b:s3+s8], $0x80, s18, s8, $0xb8;
	[tilespmem:$0x11600] =	vst v63  }
0x12: {  	s28 =	simm.s32 $0x80  }
0x13: {  	[tilespmem:s10], [sflag:$0x2] =	stream.indirect.gather [hbm4b:s3+s8], $0x80, s28, s8, $0xb8;
	[tilespmem:$0x11600] =	vst v63  }
0x14: {  	s29 =	simm.s32 $0x100  }
0x15: {  	[tilespmem:s11], [sflag:$0x3] =	stream.indirect.gather [hbm4b:s3+s8], $0x80, s29, s8, $0xb8;
	[tilespmem:$0x11600] =	vst v63  }
0x16: {  	s30 =	simm.s32 $0x180  }
0x17: {  	[tilespmem:s12], [sflag:$0x4] =	stream.indirect.gather [hbm4b:s3+s8], $0x80, s30, s8, $0xb8;
	[tilespmem:$0x11600] =	vst v63  }
0x18: {  	_ =	swait.ge [sflag:s13], $0x4000  }
0x19: {  	[sflag:s13] =	ssyncset.done $0x0  }
0x1a: {  	[sflag:s13] =	ssyncadd.s32 $0xFFFFC000  }
0x1b: {  	_ =	swait.ge [sflag:s14], $0x4000  }
0x1c: {  	[sflag:s14] =	ssyncset.done $0x0  }
0x1d: {  	[sflag:s14] =	ssyncadd.s32 $0xFFFFC000  }
0x1e: {  	_ =	swait.ge [sflag:s15], $0x4000  }
0x1f: {  	[sflag:s15] =	ssyncset.done $0x0  }
0x20: {  	[sflag:s15] =	ssyncadd.s32 $0xFFFFC000  }
0x21: {  	_ =	swait.ge [sflag:s16], $0x4000  }
0x22: {  	[sflag:s16] =	ssyncset.done $0x0  }
0x23: {  	s31 =	sadd.s32 $0x0, s6;
	[sflag:s16] =	ssyncadd.s32 $0xFFFFC000  }
0x24: {  	[hbm4b:s31+s2] =	stream.linear.scatter [tilespmem:s9], [sflag:$0x5], $0x10000, $0x38;
	[tilespmem:$0x11600] =	vst v63  }
0x25: {  	s20 =	simm.s32 $0x4000;
	_ =	swait.ge [sflag:s7], $0x10000  }
0x26: {  	s19 =	simm.s32 $0x380;
	s18 =	simm.s32 $0x2000;
	[sflag:s7] =	ssyncset.done $0x0  }
.LBB2_2:
0x27: {  	p0 =	sne.s32 s20, $0x14000;
	s21 =	sadd.s32 $0xFFFFFE80, s19;
	[sflag:s7] =	ssyncadd.s32 $0xFFFF0000  }
0x28: {  	[tilespmem:s9], [sflag:$0x1] =	stream.indirect.gather [hbm4b:s3+s8], $0x80, s21, s8, $0xb8;
	[tilespmem:$0x11600] =	vst v63  }
0x29: {  	s22 =	smov.u32 s20;
	s20 =	sadd.s32 $0x2000, s20;
	s21 =	sadd.s32 $0xFFFFFF00, s19  }
0x2a: {  	[tilespmem:s10], [sflag:$0x2] =	stream.indirect.gather [hbm4b:s3+s8], $0x80, s21, s8, $0xb8;
	[tilespmem:$0x11600] =	vst v63  }
0x2b: {  	s21 =	sadd.s32 $0xFFFFFF80, s19  }
0x2c: {  	[tilespmem:s11], [sflag:$0x3] =	stream.indirect.gather [hbm4b:s3+s8], $0x80, s21, s8, $0xb8;
	[tilespmem:$0x11600] =	vst v63  }
0x2d: {  	_ = 	snop  }
0x2e: {  	[tilespmem:s12], [sflag:$0x4] =	stream.indirect.gather [hbm4b:s3+s8], $0x80, s19, s8, $0xb8;
	[tilespmem:$0x11600] =	vst v63  }
0x2f: {  	_ =	swait.ge [sflag:s13], $0x4000  }
0x30: {  	[sflag:s13] =	ssyncset.done $0x0  }
0x31: {  	[sflag:s13] =	ssyncadd.s32 $0xFFFFC000  }
0x32: {  	_ =	swait.ge [sflag:s14], $0x4000  }
0x33: {  	[sflag:s14] =	ssyncset.done $0x0  }
0x34: {  	[sflag:s14] =	ssyncadd.s32 $0xFFFFC000  }
0x35: {  	_ =	swait.ge [sflag:s15], $0x4000  }
0x36: {  	[sflag:s15] =	ssyncset.done $0x0  }
0x37: {  	[sflag:s15] =	ssyncadd.s32 $0xFFFFC000  }
0x38: {  	_ =	swait.ge [sflag:s16], $0x4000  }
.Ltmp0:
0x39: {  	[sflag:s16] =	ssyncset.done $0x0;
	(pc) =	sbr.rel @p0 .LBB2_2-.Ltmp0, $4  }
0x3a: {  	s21 =	sadd.s32 s18, s6;
	s18 =	smov.u32 s22;
	[sflag:s16] =	ssyncadd.s32 $0xFFFFC000  }
0x3b: {  	[hbm4b:s21+s2] =	stream.linear.scatter [tilespmem:s9], [sflag:$0x5], $0x10000, $0x38;
	[tilespmem:$0x11600] =	vst v63  }
0x3c: {  	_ =	swait.ge [sflag:s7], $0x10000  }
0x3d: {  	s19 =	sadd.s32 $0x200, s19;
	[sflag:s7] =	ssyncset.done $0x0  }
0x3e: {  	s20 =	sadd.s32 $0xFFFFFE80, s19;
	[sflag:s7] =	ssyncadd.s32 $0xFFFF0000  }
0x3f: {  	[tilespmem:s9], [sflag:$0x1] =	stream.indirect.gather [hbm4b:s3+s8], $0x80, s20, s8, $0xb8;
	[tilespmem:$0x11600] =	vst v63  }
0x40: {  	s30 =	sadd.s32 $0xFFFFFF00, s19  }
0x41: {  	[tilespmem:s10], [sflag:$0x2] =	stream.indirect.gather [hbm4b:s3+s8], $0x80, s30, s8, $0xb8;
	[tilespmem:$0x11600] =	vst v63  }
0x42: {  	s31 =	sadd.s32 $0xFFFFFF80, s19  }
0x43: {  	[tilespmem:s11], [sflag:$0x3] =	stream.indirect.gather [hbm4b:s3+s8], $0x80, s31, s8, $0xb8;
	[tilespmem:$0x11600] =	vst v63  }
0x44: {  	_ = 	snop  }
0x45: {  	[tilespmem:s12], [sflag:$0x4] =	stream.indirect.gather [hbm4b:s3+s8], $0x80, s19, s8, $0xb8;
	[tilespmem:$0x11600] =	vst v63  }
0x46: {  	_ =	swait.ge [sflag:s13], $0x4000  }
0x47: {  	[sflag:s13] =	ssyncset.done $0x0  }
0x48: {  	[sflag:s13] =	ssyncadd.s32 $0xFFFFC000  }
0x49: {  	_ =	swait.ge [sflag:s14], $0x4000  }
0x4a: {  	[sflag:s14] =	ssyncset.done $0x0  }
0x4b: {  	[sflag:s14] =	ssyncadd.s32 $0xFFFFC000  }
0x4c: {  	_ =	swait.ge [sflag:s15], $0x4000  }
0x4d: {  	[sflag:s15] =	ssyncset.done $0x0  }
0x4e: {  	[sflag:s15] =	ssyncadd.s32 $0xFFFFC000  }
0x4f: {  	s17 =	sadd.s32 $0x1, s17;
	_ =	swait.ge [sflag:s16], $0x4000  }
0x50: {  	p0 =	sne.s32 s17, s5;
	[sflag:s16] =	ssyncset.done $0x0  }
.Ltmp1:
0x51: {  	s18 =	sadd.s32 s18, s6;
	[sflag:s16] =	ssyncadd.s32 $0xFFFFC000;
	(pc) =	sbr.rel @p0 .LBB2_1-.Ltmp1, $4  }
0x52: {  	[hbm4b:s18+s2] =	stream.linear.scatter [tilespmem:s9], [sflag:$0x5], $0x10000, $0x38;
	[tilespmem:$0x11600] =	vst v63  }
0x53: {  	_ =	swait.ge [sflag:s7], $0x10000  }
0x54: {  	[sflag:s7] =	ssyncset.done $0x0  }
0x55: {  	[sflag:s7] =	ssyncadd.s32 $0xFFFF0000  }
0x56: {  	_ =	sfence.sel $0x180000  }
0x57: {  	[bflag:$0x0] =	sbarrier.arrive $0xFFFF  }
0x58: {  	p0 =	sne.s32 s1, $0x0;
	_ =	strace $0x9000005C  }
0x59: {  	s0 =	sadd.s32 @!p0 $0x100000, s0;
	[bflag:$0x2] =	sbarrier.arrive $0xFFFF  }
0x5a: {  	[sflag:s0] =	ssyncadd.tile.s32 @!p0 $0x1;
	_ =	shalt  }
.Lfunc_end2:
_tile_overlayer_lowered:
.L_overlay_start_2:
0x5b: {  	(tag) =	ssettag $0x2  }
0x5c: {  	s0 =	rddreg [dreg:$0x0];
	s2 =	stileid.u32  }
0x5d: {  	s1 =	rddreg [dreg:$0x1];
	p0 =	sne.s32 s2, $0x0  }
0x5e: {  	s3 =	rddreg [dreg:$0x2];
	[bflag:$0x3] =	sbarrier.arrive $0xFFFF;
	s2 =	simm.s32 @!p0 $0x1C05  }
0x5f: {  	[timem:s3], [sflag:s2] =	dma.local @!p0 [hbm:s0], s1  }
0x60: {  	s0 =	simm.s32 @!p0 $0x5  }
0x61: {  	_ =	swait.ge @!p0 [sflag:s0], s1  }
0x62: {  	s1 =	ssub.s32 @!p0 $0x0, s1;
	[sflag:s0] =	ssyncset.done @!p0 $0x0  }
0x63: {  	[sflag:s0] =	ssyncadd.s32 @!p0 s1  }
0x64: {  	[bflag:$0x3] =	sbarrier.arrive $0xFFFF  }
0x65: {  	_ =	shalt  }

// kernel: kernel.48.cloned.1.call-start
scs
__scs_entry_jumppad:
0x0: {  	(pc) =	sbr.rel $0x88, $3  }
0x1: {  	(tag) =	ssettag $0x0;
	lr =	simm.s32 $0x1  }
0x2: {  	[smem:$0x3EEE] =	sst lr;
	_ =	strace $0xD0000000  }
0x3: {  	_ = 	snop  }
0x4: {  	_ = 	snop  }
0x5: {  	_ = 	snop  }
0x6: {  	_ = 	snop  }
0x7: {  	_ = 	snop  }
__scs_overlays_trampoline_lowered:
0x8: {  	[smem:$0x3EFD] =	sst s0  }
0x9: {  	[smem:$0x3EFE] =	sst s1  }
0xa: {  	[smem:$0x3EFF] =	sst s2  }
0xb: {  	[smem:$0x3F00] =	sst s3  }
0xc: {  	[smem:$0x3F01] =	sst s4  }
0xd: {  	[smem:$0x3F02] =	sst s5  }
0xe: {  	[smem:$0x3F03] =	sst s6  }
0xf: {  	[smem:$0x3F04] =	sst s7  }
0x10: {  	[smem:$0x3F05] =	sst s8  }
0x11: {  	[smem:$0x3F06] =	sst s9;
	s0 =	simm.s32 @!p0 $0x0  }
0x12: {  	s1 =	sld [smem:$0x3EEC];
	s0 =	simm.s32 @p0 $0x1  }
0x13: {  	[smem:$0x3F07] =	sst s0;
	s0 =	simm.s32 @!p1 $0x0  }
0x14: {  	s2 =	sld [smem:$0x3EEB];
	s0 =	simm.s32 @p1 $0x1  }
0x15: {  	[smem:$0x3F08] =	sst s0;
	s0 =	simm.s32 @!p2 $0x0  }
0x16: {  	s3 =	sld [smem:$0x3FDB];
	s0 =	simm.s32 @p2 $0x1  }
0x17: {  	s4 =	simm.s32 $0x1BF5;
	[smem:$0x3F0A] =	sst s0  }
0x18: {  	s0 =	sld [smem:$0x3EED];
	_ =	swait.ge [sflag:s4], $0x0  }
0x19: {  	s7 =	sld [smem:$0x3EEE]  }
0x1a: {  	s8 =	sadd.s32 $0xFFFFE003, lr  }
0x1b: {  	s9 =	sadd.s32 $0xFFFFFEF7, lr;
	s5 =	simm.s32 $0xFFFFFFFF;
	p2 =	slt.u32 s8, $0xFFFFF086  }
0x1c: {  	p1 =	slt.u32 s9, $0xF7A;
	s5 =	simm.s32 @!p2 $0x0  }
0x1d: {  	s5 =	simm.s32 @p1 $0x1;
	p0 =	seq.s32 s7, s2  }
0x1e: {  	s7 =	smul.u32 @!p0 $0xF7A, s2;
	p2 =	seq.s32 @!p0 s5, $0x0  }
0x1f: {  	s9 =	smul.u32 $0xF7A, s1;
	s8 =	simm.s32 @!p0 $0x1BF5;
	p2 =	por !p2, p0  }
0x20: {  	[sflag:s8] =	ssyncset.s32 @!p0 $0xFFFFF086;
	s6 =	sadd.s32 @!p0 s3, s7;
	s7 =	simm.s32 @!p0 $0x108  }
0x21: {  	s3 =	sadd.s32 s3, s9;
	s6 =	sadd.s32 @!p0 $0x88, s6;
	s7 =	simm.s32 @p2 $0x1082  }
0x22: {  	[simem:s7], [sflag:s8] =	dma.local @!p0 [hbm:s6], $0xF7A  }
0x23: {  	s9 =	sor.u32 $0xD0000000, s2;
	s6 =	simm.s32 $0x108;
	_ =	swait.ge @!p0 [sflag:s8], $0x0  }
0x24: {  	s3 =	sadd.s32 $0x88, s3;
	s6 =	simm.s32 @!p1 $0x1082;
	[sflag:s4] =	ssyncset.s32 $0xFFFFF086  }
0x25: {  	[simem:s6], [sflag:s4] =	dma.local [hbm:s3], $0xF7A  }
0x26: {  	[smem:$0x3EEE] =	sst s1;
	(tag) =	ssettag s2;
	_ =	strace s9  }
0x27: {  	s1 =	sld [smem:$0x3EFE]  }
0x28: {  	s2 =	sld [smem:$0x3EFF]  }
0x29: {  	s4 =	sld [smem:$0x3F01]  }
0x2a: {  	p0 =	seq.s32 s5, $0x0;
	s5 =	sld [smem:$0x3F02]  }
0x2b: {  	s6 =	sld [smem:$0x3F03]  }
0x2c: {  	s7 =	sld [smem:$0x3F04]  }
0x2d: {  	s3 =	simm.s32 $0x108;
	s8 =	sld [smem:$0x3F05]  }
0x2e: {  	s3 =	simm.s32 @!p0 $0x1082;
	s9 =	sld [smem:$0x3F06]  }
0x2f: {  	lr =	sadd.s32 s0, s3;
	s0 =	sld [smem:$0x3EFD]  }
0x30: {  	s3 =	sld [smem:$0x3F00]  }
0x31: {  	[smem:$0x3F09] =	sst s10  }
0x32: {  	s10 =	sld [smem:$0x3F07];
	_ =	sdelay $0x3  }
0x33: {  	p0 =	seq.s32 s10, $0x1;
	s10 =	sld [smem:$0x3F09];
	_ =	sdelay $0x3  }
0x34: {  	[smem:$0x3F09] =	sst s10  }
0x35: {  	s10 =	sld [smem:$0x3F08];
	_ =	sdelay $0x3  }
0x36: {  	p1 =	seq.s32 s10, $0x1;
	s10 =	sld [smem:$0x3F09];
	_ =	sdelay $0x3  }
0x37: {  	[smem:$0x3F09] =	sst s10  }
0x38: {  	s10 =	sld [smem:$0x3F0A]  }
0x39: {  	_ = 	snop;
	(pc) =	sbr.ind lr, $3  }
0x3a: {  	_ = 	snop  }
0x3b: {  	_ = 	snop  }
0x3c: {  	p2 =	seq.s32 s10, $0x1;
	s10 =	sld [smem:$0x3F09]  }
0x3d: {  	_ =	shalt  }
0x3e: {  	_ =	shalt  }
0x3f: {  	_ =	shalt  }
0x40: {  	_ =	shalt  }
0x41: {  	_ =	shalt  }
0x42: {  	_ =	shalt  }
0x43: {  	_ =	shalt  }
0x44: {  	_ =	shalt  }
0x45: {  	_ =	shalt  }
0x46: {  	_ =	shalt  }
0x47: {  	_ =	shalt  }
0x48: {  	_ =	shalt  }
0x49: {  	_ =	shalt  }
0x4a: {  	_ =	shalt  }
0x4b: {  	_ =	shalt  }
0x4c: {  	_ =	shalt  }
0x4d: {  	_ =	shalt  }
0x4e: {  	_ =	shalt  }
0x4f: {  	_ =	shalt  }
0x50: {  	_ =	shalt  }
0x51: {  	_ =	shalt  }
0x52: {  	_ =	shalt  }
0x53: {  	_ =	shalt  }
0x54: {  	_ =	shalt  }
0x55: {  	_ =	shalt  }
0x56: {  	_ =	shalt  }
0x57: {  	_ =	shalt  }
0x58: {  	_ =	shalt  }
0x59: {  	_ =	shalt  }
0x5a: {  	_ =	shalt  }
0x5b: {  	_ =	shalt  }
0x5c: {  	_ =	shalt  }
0x5d: {  	_ =	shalt  }
0x5e: {  	_ =	shalt  }
0x5f: {  	_ =	shalt  }
0x60: {  	_ =	shalt  }
0x61: {  	_ =	shalt  }
0x62: {  	_ =	shalt  }
0x63: {  	_ =	shalt  }
0x64: {  	_ =	shalt  }
0x65: {  	_ =	shalt  }
0x66: {  	_ =	shalt  }
0x67: {  	_ =	shalt  }
0x68: {  	_ =	shalt  }
0x69: {  	_ =	shalt  }
0x6a: {  	_ =	shalt  }
0x6b: {  	_ =	shalt  }
0x6c: {  	_ =	shalt  }
0x6d: {  	_ =	shalt  }
0x6e: {  	_ =	shalt  }
0x6f: {  	_ =	shalt  }
0x70: {  	_ =	shalt  }
0x71: {  	_ =	shalt  }
0x72: {  	_ =	shalt  }
0x73: {  	_ =	shalt  }
0x74: {  	_ =	shalt  }
0x75: {  	_ =	shalt  }
0x76: {  	_ =	shalt  }
0x77: {  	_ =	shalt  }
0x78: {  	_ =	shalt  }
0x79: {  	_ =	shalt  }
0x7a: {  	_ =	shalt  }
0x7b: {  	_ =	shalt  }
0x7c: {  	_ =	shalt  }
0x7d: {  	_ =	shalt  }
0x7e: {  	_ =	shalt  }
0x7f: {  	_ =	shalt  }
0x80: {  	_ =	shalt  }
0x81: {  	_ =	shalt  }
0x82: {  	_ =	shalt  }
0x83: {  	_ =	shalt  }
0x84: {  	_ =	shalt  }
0x85: {  	_ =	shalt  }
0x86: {  	_ =	shalt  }
0x87: {  	_ =	shalt  }
.Lfunc_end0:
.L_simem_size_0:
called_computation.8_lowered:
.L_overlay_start_0:
0x88: {  	s2 =	sld [smem:$0x3FD9]  }
0x89: {  	s3 =	sld [smem:$0x3FFE];
	_ =	sdelay $0x1  }
0x8a: {  	s1 =	srdreg.scid  }
0x8b: {  	s0 =	sand.u32 $0x1, s1  }
0x8c: {  	s16 =	sshll.u32 s0, $0xA;
	s2 =	sadd.s32 s3, s2  }
0x8d: {  	s2 =	sadd.s32 s2, s16  }
0x8e: {  	[smem:$0x3F15] =	sst s2  }
0x8f: {  	_ = 	snop  }
0x90: {  	(tm) =	ssettm $0x1  }
0x91: {  	s17 =	sld [smem:$0x3FFB];
	_ =	sdelay $0x3  }
0x92: {  	_ =	strace s17  }
0x93: {  	s2 =	sld [smem:$0x3FFC];
	_ =	sdelay $0x3  }
0x94: {  	_ =	strace s2  }
0x95: {  	s2 =	sld [smem:$0x3FFD];
	_ =	sdelay $0x3  }
0x96: {  	_ =	strace s2  }
0x97: {  	_ =	strace $0x8FFFFFFF  }
0x98: {  	s18 =	sld [smem:$0x3FDB];
	_ =	sdelay $0x1  }
0x99: {  	s19 =	simm.s32 $_scs_section_size  }
0x9a: {  	s4 =	simm.s32 $_size__tile_overlayer_lowered;
	s5 =	simm.s32 $_tile_overlayer_lowered  }
0x9b: {  	s22 =	simm.s32 $0x1BFF;
	s21 =	sshll.u32 s5, $0x1;
	s2 =	sadd.s32 s19, s18  }
0x9c: {  	s6 =	simm.s32 $0x0;
	s20 =	sshll.u32 s4, $0x1;
	s4 =	sadd.s32 s21, s2  }
0x9d: {  	[timem:s6], [sflag:s22] =	dma.local [hbm:s4], s20  }
0x9e: {  	_ =	swait.ge [sflag:s22], s20  }
0x9f: {  	s3 =	ssub.s32 $0x0, s20;
	[sflag:s22] =	ssyncset.done $0x0  }
0xa0: {  	[sflag:s22] =	ssyncadd.s32 s3;
	_ =	sdelay $0x1  }
0xa1: {  	s23 =	simm.s32 $0x1B8B  }
0xa2: {  	_ =	swait.ge [sflag:s23], $0x1  }
0xa3: {  	[sflag:s23] =	ssyncset.done $0x0  }
0xa4: {  	s25 =	simm.s32 $0x1B8E;
	s24 =	sld [smem:$0x3FFE];
	[sflag:s23] =	ssyncadd.s32 $0xFFFFFFFF  }
0xa5: {  	s26 =	simm.s32 $execute0_lowered;
	[smem:$0x3FD2] =	sst s25  }
0xa6: {  	s4 =	sshll.u32 s26, $0x1;
	_ =	strace $0x8000005E;
	[dreg:$0x1] =	wrdreg $0xFFFFFFFF  }
0xa7: {  	s28 =	simm.s32 $_size_execute0_lowered;
	s2 =	sadd.s32 s2, s4;
	[dreg:$0x0] =	wrdreg $0x0  }
0xa8: {  	s4 =	sshll.u32 s28, $0x1;
	[dreg:$0x2] =	wrdreg s2  }
0xa9: {  	[dreg:$0x3] =	wrdreg s4  }
0xaa: {  	[dreg:$0x4] =	wrdreg $0xC0  }
0xab: {  	_ =	task [dreg:s6], $0x5FFFF  }
0xac: {  	[dreg:$0x1] =	wrdreg $0xFFFFFFFF  }
0xad: {  	[dreg:$0x0] =	wrdreg $0x60  }
0xae: {  	[dreg:$0x2] =	wrdreg s24  }
0xaf: {  	[dreg:$0x3] =	wrdreg $0x9  }
0xb0: {  	_ =	task.clear_ibuf [dreg:s6], $0x4FFFF;
	_ =	strace $0x9000005E  }
0xb1: {  	s29 =	simm.s32 $0x9;
	_ =	strace $0x80000060  }
0xb2: {  	_ =	swait.ge [sflag:s29], $0x1  }
0xb3: {  	[sflag:s29] =	ssyncadd.s32 $0xFFFFFFFF  }
0xb4: {  	_ =	strace $0x90000060  }
0xb5: {  	_ =	sfence  }
0xb6: {  	s30 =	sld [smem:$0x0];
	_ =	sdelay $0x2  }
0xb7: {  	s31 =	sshll.u32 s1, $0xD;
	s1 =	sshrl.u32 s1, $0x2  }
0xb8: {  	s3 =	sand.u32 $0x4000, s31;
	s1 =	sadd.s32 s1, s30  }
0xb9: {  	s0 =	sor.u32 s3, s0;
	s1 =	sshll.u32 s1, $0x11  }
0xba: {  	s0 =	sor.u32 s1, s0  }
0xbb: {  	s0 =	sadd.s32 $0x8F2B, s0  }
0xbc: {  	[sflag:s0] =	ssyncadd.remote.s32 $0x1  }
0xbd: {  	_ =	sfence.sel $0xFFFF  }
0xbe: {  	[dreg:$0x0] =	wrdreg $0xFFFFFFFF;
	(pc) =	sbr.abs _section_cstart, $3  }
0xbf: {  	[dreg:$0x1] =	wrdreg $0xFFFFFFFF  }
0xc0: {  	_ =	task.clear_ibuf [dreg:s6], $0x2FFFF;
	_ =	strace $0x9FFFFFFF  }
0xc1: {  	(tm) =	ssettm $0x7FFFFFFF  }
tec
execute0_lowered:
.L_overlay_start_1:
0x0: {  	(tag) =	ssettag $0x1  }
0x1: {  	s0 =	srdreg.scid;
	s4 =	rddreg [dreg:$0x0]  }
0x2: {  	s1 =	stileid.u32;
	s2 =	simm.s32 $0x0;
	s10 =	simm.s32 $0x5600  }
0x3: {  	s11 =	simm.s32 $0x9600;
	s12 =	simm.s32 $0xD600;
	s13 =	simm.s32 $0x1  }
0x4: {  	s14 =	simm.s32 $0x2;
	s15 =	simm.s32 $0x3;
	s16 =	simm.s32 $0x4  }
0x5: {  	s17 =	simm.s32 $0x0;
	s3 =	sand.u32 $0x1, s0;
	s0 =	rddreg [dreg:$0x1]  }
0x6: {  	[smem:$0x7FF] =	sst s2;
	s9 =	smul.u32 $0x16000, s1;
	s5 =	sshll.u32 s3, $0x4  }
0x7: {  	s6 =	smul.u32 $0x160000, s3;
	s7 =	ssub.s32 $0x2, s3;
	s5 =	sor.u32 s1, s5  }
0x8: {  	_ =	strace $0x8000005F;
	s8 =	sshrl.u32 s7, $0x1;
	s5 =	smul.u32 $0x1600, s5  }
0x9: {  	s3 =	sadd.s32 $0xF9C00, s4;
	s6 =	sadd.s32 s6, s4;
	s7 =	ssub.s32 s7, s8  }
0xa: {  	s8 =	simm.s32 $0x80;
	s6 =	sadd.s32 s9, s6;
	s5 =	sshrl.u32 s5, $0x3  }
0xb: {  	s9 =	simm.s32 $0x1600;
	s6 =	sadd.s32 $0x121C00, s6;
	s5 =	sadd.s32 s5, s4  }
0xc: {  	s4 =	sadd.s32 $0x54400, s5;
	s5 =	smax.u32 s7, $0x1;
	s7 =	simm.s32 $0x5  }
.LBB2_1:
0xd: {  	[tilespmem:s2], [sflag:$0x5] =	stream.linear.gather [hbm4b:s4+s2], $0x1600, $0x38;
	[tilespmem:$0x11600] =	vst v63  }
0xe: {  	_ =	swait.ge [sflag:s7], $0x1600  }
0xf: {  	[sflag:s7] =	ssyncset.done $0x0  }
0x10: {  	s18 =	simm.s32 $0x0;
	[sflag:s7] =	ssyncadd.s32 $0xFFFFEA00  }
0x11: {  	[tilespmem:s9], [sflag:$0x1] =	stream.indirect.gather [hbm4b:s3+s8], $0x80, s18, s8, $0xb8;
	[tilespmem:$0x11600] =	vst v63  }
0x12: {  	s28 =	simm.s32 $0x80  }
0x13: {  	[tilespmem:s10], [sflag:$0x2] =	stream.indirect.gather [hbm4b:s3+s8], $0x80, s28, s8, $0xb8;
	[tilespmem:$0x11600] =	vst v63  }
0x14: {  	s29 =	simm.s32 $0x100  }
0x15: {  	[tilespmem:s11], [sflag:$0x3] =	stream.indirect.gather [hbm4b:s3+s8], $0x80, s29, s8, $0xb8;
	[tilespmem:$0x11600] =	vst v63  }
0x16: {  	s30 =	simm.s32 $0x180  }
0x17: {  	[tilespmem:s12], [sflag:$0x4] =	stream.indirect.gather [hbm4b:s3+s8], $0x80, s30, s8, $0xb8;
	[tilespmem:$0x11600] =	vst v63  }
0x18: {  	_ =	swait.ge [sflag:s13], $0x4000  }
0x19: {  	[sflag:s13] =	ssyncset.done $0x0  }
0x1a: {  	[sflag:s13] =	ssyncadd.s32 $0xFFFFC000  }
0x1b: {  	_ =	swait.ge [sflag:s14], $0x4000  }
0x1c: {  	[sflag:s14] =	ssyncset.done $0x0  }
0x1d: {  	[sflag:s14] =	ssyncadd.s32 $0xFFFFC000  }
0x1e: {  	_ =	swait.ge [sflag:s15], $0x4000  }
0x1f: {  	[sflag:s15] =	ssyncset.done $0x0  }
0x20: {  	[sflag:s15] =	ssyncadd.s32 $0xFFFFC000  }
0x21: {  	_ =	swait.ge [sflag:s16], $0x4000  }
0x22: {  	[sflag:s16] =	ssyncset.done $0x0  }
0x23: {  	s31 =	sadd.s32 $0x0, s6;
	[sflag:s16] =	ssyncadd.s32 $0xFFFFC000  }
0x24: {  	[hbm4b:s31+s2] =	stream.linear.scatter [tilespmem:s9], [sflag:$0x5], $0x10000, $0x38;
	[tilespmem:$0x11600] =	vst v63  }
0x25: {  	s20 =	simm.s32 $0x4000;
	_ =	swait.ge [sflag:s7], $0x10000  }
0x26: {  	s19 =	simm.s32 $0x380;
	s18 =	simm.s32 $0x2000;
	[sflag:s7] =	ssyncset.done $0x0  }
.LBB2_2:
0x27: {  	p0 =	sne.s32 s20, $0x14000;
	s21 =	sadd.s32 $0xFFFFFE80, s19;
	[sflag:s7] =	ssyncadd.s32 $0xFFFF0000  }
0x28: {  	[tilespmem:s9], [sflag:$0x1] =	stream.indirect.gather [hbm4b:s3+s8], $0x80, s21, s8, $0xb8;
	[tilespmem:$0x11600] =	vst v63  }
0x29: {  	s22 =	smov.u32 s20;
	s20 =	sadd.s32 $0x2000, s20;
	s21 =	sadd.s32 $0xFFFFFF00, s19  }
0x2a: {  	[tilespmem:s10], [sflag:$0x2] =	stream.indirect.gather [hbm4b:s3+s8], $0x80, s21, s8, $0xb8;
	[tilespmem:$0x11600] =	vst v63  }
0x2b: {  	s21 =	sadd.s32 $0xFFFFFF80, s19  }
0x2c: {  	[tilespmem:s11], [sflag:$0x3] =	stream.indirect.gather [hbm4b:s3+s8], $0x80, s21, s8, $0xb8;
	[tilespmem:$0x11600] =	vst v63  }
0x2d: {  	_ = 	snop  }
0x2e: {  	[tilespmem:s12], [sflag:$0x4] =	stream.indirect.gather [hbm4b:s3+s8], $0x80, s19, s8, $0xb8;
	[tilespmem:$0x11600] =	vst v63  }
0x2f: {  	_ =	swait.ge [sflag:s13], $0x4000  }
0x30: {  	[sflag:s13] =	ssyncset.done $0x0  }
0x31: {  	[sflag:s13] =	ssyncadd.s32 $0xFFFFC000  }
0x32: {  	_ =	swait.ge [sflag:s14], $0x4000  }
0x33: {  	[sflag:s14] =	ssyncset.done $0x0  }
0x34: {  	[sflag:s14] =	ssyncadd.s32 $0xFFFFC000  }
0x35: {  	_ =	swait.ge [sflag:s15], $0x4000  }
0x36: {  	[sflag:s15] =	ssyncset.done $0x0  }
0x37: {  	[sflag:s15] =	ssyncadd.s32 $0xFFFFC000  }
0x38: {  	_ =	swait.ge [sflag:s16], $0x4000  }
.Ltmp0:
0x39: {  	[sflag:s16] =	ssyncset.done $0x0;
	(pc) =	sbr.rel @p0 .LBB2_2-.Ltmp0, $4  }
0x3a: {  	s21 =	sadd.s32 s18, s6;
	s18 =	smov.u32 s22;
	[sflag:s16] =	ssyncadd.s32 $0xFFFFC000  }
0x3b: {  	[hbm4b:s21+s2] =	stream.linear.scatter [tilespmem:s9], [sflag:$0x5], $0x10000, $0x38;
	[tilespmem:$0x11600] =	vst v63  }
0x3c: {  	_ =	swait.ge [sflag:s7], $0x10000  }
0x3d: {  	s19 =	sadd.s32 $0x200, s19;
	[sflag:s7] =	ssyncset.done $0x0  }
0x3e: {  	s20 =	sadd.s32 $0xFFFFFE80, s19;
	[sflag:s7] =	ssyncadd.s32 $0xFFFF0000  }
0x3f: {  	[tilespmem:s9], [sflag:$0x1] =	stream.indirect.gather [hbm4b:s3+s8], $0x80, s20, s8, $0xb8;
	[tilespmem:$0x11600] =	vst v63  }
0x40: {  	s30 =	sadd.s32 $0xFFFFFF00, s19  }
0x41: {  	[tilespmem:s10], [sflag:$0x2] =	stream.indirect.gather [hbm4b:s3+s8], $0x80, s30, s8, $0xb8;
	[tilespmem:$0x11600] =	vst v63  }
0x42: {  	s31 =	sadd.s32 $0xFFFFFF80, s19  }
0x43: {  	[tilespmem:s11], [sflag:$0x3] =	stream.indirect.gather [hbm4b:s3+s8], $0x80, s31, s8, $0xb8;
	[tilespmem:$0x11600] =	vst v63  }
0x44: {  	_ = 	snop  }
0x45: {  	[tilespmem:s12], [sflag:$0x4] =	stream.indirect.gather [hbm4b:s3+s8], $0x80, s19, s8, $0xb8;
	[tilespmem:$0x11600] =	vst v63  }
0x46: {  	_ =	swait.ge [sflag:s13], $0x4000  }
0x47: {  	[sflag:s13] =	ssyncset.done $0x0  }
0x48: {  	[sflag:s13] =	ssyncadd.s32 $0xFFFFC000  }
0x49: {  	_ =	swait.ge [sflag:s14], $0x4000  }
0x4a: {  	[sflag:s14] =	ssyncset.done $0x0  }
0x4b: {  	[sflag:s14] =	ssyncadd.s32 $0xFFFFC000  }
0x4c: {  	_ =	swait.ge [sflag:s15], $0x4000  }
0x4d: {  	[sflag:s15] =	ssyncset.done $0x0  }
0x4e: {  	[sflag:s15] =	ssyncadd.s32 $0xFFFFC000  }
0x4f: {  	s17 =	sadd.s32 $0x1, s17;
	_ =	swait.ge [sflag:s16], $0x4000  }
0x50: {  	p0 =	sne.s32 s17, s5;
	[sflag:s16] =	ssyncset.done $0x0  }
.Ltmp1:
0x51: {  	s18 =	sadd.s32 s18, s6;
	[sflag:s16] =	ssyncadd.s32 $0xFFFFC000;
	(pc) =	sbr.rel @p0 .LBB2_1-.Ltmp1, $4  }
0x52: {  	[hbm4b:s18+s2] =	stream.linear.scatter [tilespmem:s9], [sflag:$0x5], $0x10000, $0x38;
	[tilespmem:$0x11600] =	vst v63  }
0x53: {  	_ =	swait.ge [sflag:s7], $0x10000  }
0x54: {  	[sflag:s7] =	ssyncset.done $0x0  }
0x55: {  	[sflag:s7] =	ssyncadd.s32 $0xFFFF0000  }
0x56: {  	_ =	sfence.sel $0x180000  }
0x57: {  	[bflag:$0x0] =	sbarrier.arrive $0xFFFF  }
0x58: {  	p0 =	sne.s32 s1, $0x0;
	_ =	strace $0x9000005F  }
0x59: {  	s0 =	sadd.s32 @!p0 $0x100000, s0;
	[bflag:$0x2] =	sbarrier.arrive $0xFFFF  }
0x5a: {  	[sflag:s0] =	ssyncadd.tile.s32 @!p0 $0x1;
	_ =	shalt  }
.Lfunc_end2:
_tile_overlayer_lowered:
.L_overlay_start_2:
0x5b: {  	(tag) =	ssettag $0x2  }
0x5c: {  	s0 =	rddreg [dreg:$0x0];
	s2 =	stileid.u32  }
0x5d: {  	s1 =	rddreg [dreg:$0x1];
	p0 =	sne.s32 s2, $0x0  }
0x5e: {  	s3 =	rddreg [dreg:$0x2];
	[bflag:$0x3] =	sbarrier.arrive $0xFFFF;
	s2 =	simm.s32 @!p0 $0x1C05  }
0x5f: {  	[timem:s3], [sflag:s2] =	dma.local @!p0 [hbm:s0], s1  }
0x60: {  	s0 =	simm.s32 @!p0 $0x5  }
0x61: {  	_ =	swait.ge @!p0 [sflag:s0], s1  }
0x62: {  	s1 =	ssub.s32 @!p0 $0x0, s1;
	[sflag:s0] =	ssyncset.done @!p0 $0x0  }
0x63: {  	[sflag:s0] =	ssyncadd.s32 @!p0 s1  }
0x64: {  	[bflag:$0x3] =	sbarrier.arrive $0xFFFF  }
0x65: {  	_ =	shalt  }

// kernel: kernel.51.cloned.1.call-start
scs
__scs_entry_jumppad:
0x0: {  	(pc) =	sbr.rel $0x88, $3  }
0x1: {  	(tag) =	ssettag $0x0;
	lr =	simm.s32 $0x1  }
0x2: {  	[smem:$0x3EEE] =	sst lr;
	_ =	strace $0xD0000000  }
0x3: {  	_ = 	snop  }
0x4: {  	_ = 	snop  }
0x5: {  	_ = 	snop  }
0x6: {  	_ = 	snop  }
0x7: {  	_ = 	snop  }
__scs_overlays_trampoline_lowered:
0x8: {  	[smem:$0x3EFD] =	sst s0  }
0x9: {  	[smem:$0x3EFE] =	sst s1  }
0xa: {  	[smem:$0x3EFF] =	sst s2  }
0xb: {  	[smem:$0x3F00] =	sst s3  }
0xc: {  	[smem:$0x3F01] =	sst s4  }
0xd: {  	[smem:$0x3F02] =	sst s5  }
0xe: {  	[smem:$0x3F03] =	sst s6  }
0xf: {  	[smem:$0x3F04] =	sst s7  }
0x10: {  	[smem:$0x3F05] =	sst s8  }
0x11: {  	[smem:$0x3F06] =	sst s9;
	s0 =	simm.s32 @!p0 $0x0  }
0x12: {  	s1 =	sld [smem:$0x3EEC];
	s0 =	simm.s32 @p0 $0x1  }
0x13: {  	[smem:$0x3F07] =	sst s0;
	s0 =	simm.s32 @!p1 $0x0  }
0x14: {  	s2 =	sld [smem:$0x3EEB];
	s0 =	simm.s32 @p1 $0x1  }
0x15: {  	[smem:$0x3F08] =	sst s0;
	s0 =	simm.s32 @!p2 $0x0  }
0x16: {  	s3 =	sld [smem:$0x3FDB];
	s0 =	simm.s32 @p2 $0x1  }
0x17: {  	s4 =	simm.s32 $0x1BF5;
	[smem:$0x3F0A] =	sst s0  }
0x18: {  	s0 =	sld [smem:$0x3EED];
	_ =	swait.ge [sflag:s4], $0x0  }
0x19: {  	s7 =	sld [smem:$0x3EEE]  }
0x1a: {  	s8 =	sadd.s32 $0xFFFFE003, lr  }
0x1b: {  	s9 =	sadd.s32 $0xFFFFFEF7, lr;
	s5 =	simm.s32 $0xFFFFFFFF;
	p2 =	slt.u32 s8, $0xFFFFF086  }
0x1c: {  	p1 =	slt.u32 s9, $0xF7A;
	s5 =	simm.s32 @!p2 $0x0  }
0x1d: {  	s5 =	simm.s32 @p1 $0x1;
	p0 =	seq.s32 s7, s2  }
0x1e: {  	s7 =	smul.u32 @!p0 $0xF7A, s2;
	p2 =	seq.s32 @!p0 s5, $0x0  }
0x1f: {  	s9 =	smul.u32 $0xF7A, s1;
	s8 =	simm.s32 @!p0 $0x1BF5;
	p2 =	por !p2, p0  }
0x20: {  	[sflag:s8] =	ssyncset.s32 @!p0 $0xFFFFF086;
	s6 =	sadd.s32 @!p0 s3, s7;
	s7 =	simm.s32 @!p0 $0x108  }
0x21: {  	s3 =	sadd.s32 s3, s9;
	s6 =	sadd.s32 @!p0 $0x88, s6;
	s7 =	simm.s32 @p2 $0x1082  }
0x22: {  	[simem:s7], [sflag:s8] =	dma.local @!p0 [hbm:s6], $0xF7A  }
0x23: {  	s9 =	sor.u32 $0xD0000000, s2;
	s6 =	simm.s32 $0x108;
	_ =	swait.ge @!p0 [sflag:s8], $0x0  }
0x24: {  	s3 =	sadd.s32 $0x88, s3;
	s6 =	simm.s32 @!p1 $0x1082;
	[sflag:s4] =	ssyncset.s32 $0xFFFFF086  }
0x25: {  	[simem:s6], [sflag:s4] =	dma.local [hbm:s3], $0xF7A  }
0x26: {  	[smem:$0x3EEE] =	sst s1;
	(tag) =	ssettag s2;
	_ =	strace s9  }
0x27: {  	s1 =	sld [smem:$0x3EFE]  }
0x28: {  	s2 =	sld [smem:$0x3EFF]  }
0x29: {  	s4 =	sld [smem:$0x3F01]  }
0x2a: {  	p0 =	seq.s32 s5, $0x0;
	s5 =	sld [smem:$0x3F02]  }
0x2b: {  	s6 =	sld [smem:$0x3F03]  }
0x2c: {  	s7 =	sld [smem:$0x3F04]  }
0x2d: {  	s3 =	simm.s32 $0x108;
	s8 =	sld [smem:$0x3F05]  }
0x2e: {  	s3 =	simm.s32 @!p0 $0x1082;
	s9 =	sld [smem:$0x3F06]  }
0x2f: {  	lr =	sadd.s32 s0, s3;
	s0 =	sld [smem:$0x3EFD]  }
0x30: {  	s3 =	sld [smem:$0x3F00]  }
0x31: {  	[smem:$0x3F09] =	sst s10  }
0x32: {  	s10 =	sld [smem:$0x3F07];
	_ =	sdelay $0x3  }
0x33: {  	p0 =	seq.s32 s10, $0x1;
	s10 =	sld [smem:$0x3F09];
	_ =	sdelay $0x3  }
0x34: {  	[smem:$0x3F09] =	sst s10  }
0x35: {  	s10 =	sld [smem:$0x3F08];
	_ =	sdelay $0x3  }
0x36: {  	p1 =	seq.s32 s10, $0x1;
	s10 =	sld [smem:$0x3F09];
	_ =	sdelay $0x3  }
0x37: {  	[smem:$0x3F09] =	sst s10  }
0x38: {  	s10 =	sld [smem:$0x3F0A]  }
0x39: {  	_ = 	snop;
	(pc) =	sbr.ind lr, $3  }
0x3a: {  	_ = 	snop  }
0x3b: {  	_ = 	snop  }
0x3c: {  	p2 =	seq.s32 s10, $0x1;
	s10 =	sld [smem:$0x3F09]  }
0x3d: {  	_ =	shalt  }
0x3e: {  	_ =	shalt  }
0x3f: {  	_ =	shalt  }
0x40: {  	_ =	shalt  }
0x41: {  	_ =	shalt  }
0x42: {  	_ =	shalt  }
0x43: {  	_ =	shalt  }
0x44: {  	_ =	shalt  }
0x45: {  	_ =	shalt  }
0x46: {  	_ =	shalt  }
0x47: {  	_ =	shalt  }
0x48: {  	_ =	shalt  }
0x49: {  	_ =	shalt  }
0x4a: {  	_ =	shalt  }
0x4b: {  	_ =	shalt  }
0x4c: {  	_ =	shalt  }
0x4d: {  	_ =	shalt  }
0x4e: {  	_ =	shalt  }
0x4f: {  	_ =	shalt  }
0x50: {  	_ =	shalt  }
0x51: {  	_ =	shalt  }
0x52: {  	_ =	shalt  }
0x53: {  	_ =	shalt  }
0x54: {  	_ =	shalt  }
0x55: {  	_ =	shalt  }
0x56: {  	_ =	shalt  }
0x57: {  	_ =	shalt  }
0x58: {  	_ =	shalt  }
0x59: {  	_ =	shalt  }
0x5a: {  	_ =	shalt  }
0x5b: {  	_ =	shalt  }
0x5c: {  	_ =	shalt  }
0x5d: {  	_ =	shalt  }
0x5e: {  	_ =	shalt  }
0x5f: {  	_ =	shalt  }
0x60: {  	_ =	shalt  }
0x61: {  	_ =	shalt  }
0x62: {  	_ =	shalt  }
0x63: {  	_ =	shalt  }
0x64: {  	_ =	shalt  }
0x65: {  	_ =	shalt  }
0x66: {  	_ =	shalt  }
0x67: {  	_ =	shalt  }
0x68: {  	_ =	shalt  }
0x69: {  	_ =	shalt  }
0x6a: {  	_ =	shalt  }
0x6b: {  	_ =	shalt  }
0x6c: {  	_ =	shalt  }
0x6d: {  	_ =	shalt  }
0x6e: {  	_ =	shalt  }
0x6f: {  	_ =	shalt  }
0x70: {  	_ =	shalt  }
0x71: {  	_ =	shalt  }
0x72: {  	_ =	shalt  }
0x73: {  	_ =	shalt  }
0x74: {  	_ =	shalt  }
0x75: {  	_ =	shalt  }
0x76: {  	_ =	shalt  }
0x77: {  	_ =	shalt  }
0x78: {  	_ =	shalt  }
0x79: {  	_ =	shalt  }
0x7a: {  	_ =	shalt  }
0x7b: {  	_ =	shalt  }
0x7c: {  	_ =	shalt  }
0x7d: {  	_ =	shalt  }
0x7e: {  	_ =	shalt  }
0x7f: {  	_ =	shalt  }
0x80: {  	_ =	shalt  }
0x81: {  	_ =	shalt  }
0x82: {  	_ =	shalt  }
0x83: {  	_ =	shalt  }
0x84: {  	_ =	shalt  }
0x85: {  	_ =	shalt  }
0x86: {  	_ =	shalt  }
0x87: {  	_ =	shalt  }
.Lfunc_end0:
.L_simem_size_0:
called_computation.9_lowered:
.L_overlay_start_0:
0x88: {  	s2 =	sld [smem:$0x3FD9]  }
0x89: {  	s3 =	sld [smem:$0x3FFE];
	_ =	sdelay $0x1  }
0x8a: {  	s1 =	srdreg.scid  }
0x8b: {  	s0 =	sand.u32 $0x1, s1  }
0x8c: {  	s16 =	sshll.u32 s0, $0xA;
	s2 =	sadd.s32 s3, s2  }
0x8d: {  	s2 =	sadd.s32 s2, s16  }
0x8e: {  	[smem:$0x3F15] =	sst s2  }
0x8f: {  	_ = 	snop  }
0x90: {  	(tm) =	ssettm $0x1  }
0x91: {  	s17 =	sld [smem:$0x3FFB];
	_ =	sdelay $0x3  }
0x92: {  	_ =	strace s17  }
0x93: {  	s2 =	sld [smem:$0x3FFC];
	_ =	sdelay $0x3  }
0x94: {  	_ =	strace s2  }
0x95: {  	s2 =	sld [smem:$0x3FFD];
	_ =	sdelay $0x3  }
0x96: {  	_ =	strace s2  }
0x97: {  	_ =	strace $0x8FFFFFFF  }
0x98: {  	s18 =	sld [smem:$0x3FDB];
	_ =	sdelay $0x1  }
0x99: {  	s19 =	simm.s32 $_scs_section_size  }
0x9a: {  	s4 =	simm.s32 $_size__tile_overlayer_lowered;
	s5 =	simm.s32 $_tile_overlayer_lowered  }
0x9b: {  	s22 =	simm.s32 $0x1BFF;
	s21 =	sshll.u32 s5, $0x1;
	s2 =	sadd.s32 s19, s18  }
0x9c: {  	s6 =	simm.s32 $0x0;
	s20 =	sshll.u32 s4, $0x1;
	s4 =	sadd.s32 s21, s2  }
0x9d: {  	[timem:s6], [sflag:s22] =	dma.local [hbm:s4], s20  }
0x9e: {  	_ =	swait.ge [sflag:s22], s20  }
0x9f: {  	s3 =	ssub.s32 $0x0, s20;
	[sflag:s22] =	ssyncset.done $0x0  }
0xa0: {  	[sflag:s22] =	ssyncadd.s32 s3;
	_ =	sdelay $0x1  }
0xa1: {  	s23 =	simm.s32 $0x1B8B  }
0xa2: {  	_ =	swait.ge [sflag:s23], $0x1  }
0xa3: {  	[sflag:s23] =	ssyncset.done $0x0  }
0xa4: {  	s25 =	simm.s32 $0x1B8E;
	s24 =	sld [smem:$0x3FFE];
	[sflag:s23] =	ssyncadd.s32 $0xFFFFFFFF  }
0xa5: {  	s26 =	simm.s32 $execute0_lowered;
	[smem:$0x3FD2] =	sst s25  }
0xa6: {  	s4 =	sshll.u32 s26, $0x1;
	_ =	strace $0x80000061;
	[dreg:$0x1] =	wrdreg $0xFFFFFFFF  }
0xa7: {  	s28 =	simm.s32 $_size_execute0_lowered;
	s2 =	sadd.s32 s2, s4;
	[dreg:$0x0] =	wrdreg $0x0  }
0xa8: {  	s4 =	sshll.u32 s28, $0x1;
	[dreg:$0x2] =	wrdreg s2  }
0xa9: {  	[dreg:$0x3] =	wrdreg s4  }
0xaa: {  	[dreg:$0x4] =	wrdreg $0xC0  }
0xab: {  	_ =	task [dreg:s6], $0x5FFFF  }
0xac: {  	[dreg:$0x1] =	wrdreg $0xFFFFFFFF  }
0xad: {  	[dreg:$0x0] =	wrdreg $0x60  }
0xae: {  	[dreg:$0x2] =	wrdreg s24  }
0xaf: {  	[dreg:$0x3] =	wrdreg $0x9  }
0xb0: {  	_ =	task.clear_ibuf [dreg:s6], $0x4FFFF;
	_ =	strace $0x90000061  }
0xb1: {  	s29 =	simm.s32 $0x9;
	_ =	strace $0x80000063  }
0xb2: {  	_ =	swait.ge [sflag:s29], $0x1  }
0xb3: {  	[sflag:s29] =	ssyncadd.s32 $0xFFFFFFFF  }
0xb4: {  	_ =	strace $0x90000063  }
0xb5: {  	_ =	sfence  }
0xb6: {  	s30 =	sld [smem:$0x0];
	_ =	sdelay $0x2  }
0xb7: {  	s31 =	sshll.u32 s1, $0xD;
	s1 =	sshrl.u32 s1, $0x2  }
0xb8: {  	s3 =	sand.u32 $0x4000, s31;
	s1 =	sadd.s32 s1, s30  }
0xb9: {  	s0 =	sor.u32 s3, s0;
	s1 =	sshll.u32 s1, $0x11  }
0xba: {  	s0 =	sor.u32 s1, s0  }
0xbb: {  	s0 =	sadd.s32 $0x8F2B, s0  }
0xbc: {  	[sflag:s0] =	ssyncadd.remote.s32 $0x1  }
0xbd: {  	_ =	sfence.sel $0xFFFF  }
0xbe: {  	[dreg:$0x0] =	wrdreg $0xFFFFFFFF;
	(pc) =	sbr.abs _section_cstart, $3  }
0xbf: {  	[dreg:$0x1] =	wrdreg $0xFFFFFFFF  }
0xc0: {  	_ =	task.clear_ibuf [dreg:s6], $0x2FFFF;
	_ =	strace $0x9FFFFFFF  }
0xc1: {  	(tm) =	ssettm $0x7FFFFFFF  }
tec
execute0_lowered:
.L_overlay_start_1:
0x0: {  	(tag) =	ssettag $0x1  }
0x1: {  	s0 =	srdreg.scid;
	s4 =	rddreg [dreg:$0x0]  }
0x2: {  	s1 =	stileid.u32;
	s2 =	simm.s32 $0x0;
	s10 =	simm.s32 $0x5600  }
0x3: {  	s11 =	simm.s32 $0x9600;
	s12 =	simm.s32 $0xD600;
	s13 =	simm.s32 $0x1  }
0x4: {  	s14 =	simm.s32 $0x2;
	s15 =	simm.s32 $0x3;
	s16 =	simm.s32 $0x4  }
0x5: {  	s17 =	simm.s32 $0x0;
	s3 =	sand.u32 $0x1, s0;
	s0 =	rddreg [dreg:$0x1]  }
0x6: {  	[smem:$0x7FF] =	sst s2;
	s9 =	smul.u32 $0x16000, s1;
	s5 =	sshll.u32 s3, $0x4  }
0x7: {  	s6 =	smul.u32 $0x160000, s3;
	s7 =	ssub.s32 $0x2, s3;
	s5 =	sor.u32 s1, s5  }
0x8: {  	_ =	strace $0x80000062;
	s8 =	sshrl.u32 s7, $0x1;
	s5 =	smul.u32 $0x1600, s5  }
0x9: {  	s3 =	sadd.s32 $0xA9C00, s4;
	s6 =	sadd.s32 s6, s4;
	s7 =	ssub.s32 s7, s8  }
0xa: {  	s8 =	simm.s32 $0x80;
	s6 =	sadd.s32 s9, s6;
	s5 =	sshrl.u32 s5, $0x3  }
0xb: {  	s9 =	simm.s32 $0x1600;
	s6 =	sadd.s32 $0x149C00, s6;
	s5 =	sadd.s32 s5, s4  }
0xc: {  	s4 =	sadd.s32 $0x54400, s5;
	s5 =	smax.u32 s7, $0x1;
	s7 =	simm.s32 $0x5  }
.LBB2_1:
0xd: {  	[tilespmem:s2], [sflag:$0x5] =	stream.linear.gather [hbm4b:s4+s2], $0x1600, $0x38;
	[tilespmem:$0x11600] =	vst v63  }
0xe: {  	_ =	swait.ge [sflag:s7], $0x1600  }
0xf: {  	[sflag:s7] =	ssyncset.done $0x0  }
0x10: {  	s18 =	simm.s32 $0x0;
	[sflag:s7] =	ssyncadd.s32 $0xFFFFEA00  }
0x11: {  	[tilespmem:s9], [sflag:$0x1] =	stream.indirect.gather [hbm4b:s3+s8], $0x80, s18, s8, $0xb8;
	[tilespmem:$0x11600] =	vst v63  }
0x12: {  	s28 =	simm.s32 $0x80  }
0x13: {  	[tilespmem:s10], [sflag:$0x2] =	stream.indirect.gather [hbm4b:s3+s8], $0x80, s28, s8, $0xb8;
	[tilespmem:$0x11600] =	vst v63  }
0x14: {  	s29 =	simm.s32 $0x100  }
0x15: {  	[tilespmem:s11], [sflag:$0x3] =	stream.indirect.gather [hbm4b:s3+s8], $0x80, s29, s8, $0xb8;
	[tilespmem:$0x11600] =	vst v63  }
0x16: {  	s30 =	simm.s32 $0x180  }
0x17: {  	[tilespmem:s12], [sflag:$0x4] =	stream.indirect.gather [hbm4b:s3+s8], $0x80, s30, s8, $0xb8;
	[tilespmem:$0x11600] =	vst v63  }
0x18: {  	_ =	swait.ge [sflag:s13], $0x4000  }
0x19: {  	[sflag:s13] =	ssyncset.done $0x0  }
0x1a: {  	[sflag:s13] =	ssyncadd.s32 $0xFFFFC000  }
0x1b: {  	_ =	swait.ge [sflag:s14], $0x4000  }
0x1c: {  	[sflag:s14] =	ssyncset.done $0x0  }
0x1d: {  	[sflag:s14] =	ssyncadd.s32 $0xFFFFC000  }
0x1e: {  	_ =	swait.ge [sflag:s15], $0x4000  }
0x1f: {  	[sflag:s15] =	ssyncset.done $0x0  }
0x20: {  	[sflag:s15] =	ssyncadd.s32 $0xFFFFC000  }
0x21: {  	_ =	swait.ge [sflag:s16], $0x4000  }
0x22: {  	[sflag:s16] =	ssyncset.done $0x0  }
0x23: {  	s31 =	sadd.s32 $0x0, s6;
	[sflag:s16] =	ssyncadd.s32 $0xFFFFC000  }
0x24: {  	[hbm4b:s31+s2] =	stream.linear.scatter [tilespmem:s9], [sflag:$0x5], $0x10000, $0x38;
	[tilespmem:$0x11600] =	vst v63  }
0x25: {  	s20 =	simm.s32 $0x4000;
	_ =	swait.ge [sflag:s7], $0x10000  }
0x26: {  	s19 =	simm.s32 $0x380;
	s18 =	simm.s32 $0x2000;
	[sflag:s7] =	ssyncset.done $0x0  }
.LBB2_2:
0x27: {  	p0 =	sne.s32 s20, $0x14000;
	s21 =	sadd.s32 $0xFFFFFE80, s19;
	[sflag:s7] =	ssyncadd.s32 $0xFFFF0000  }
0x28: {  	[tilespmem:s9], [sflag:$0x1] =	stream.indirect.gather [hbm4b:s3+s8], $0x80, s21, s8, $0xb8;
	[tilespmem:$0x11600] =	vst v63  }
0x29: {  	s22 =	smov.u32 s20;
	s20 =	sadd.s32 $0x2000, s20;
	s21 =	sadd.s32 $0xFFFFFF00, s19  }
0x2a: {  	[tilespmem:s10], [sflag:$0x2] =	stream.indirect.gather [hbm4b:s3+s8], $0x80, s21, s8, $0xb8;
	[tilespmem:$0x11600] =	vst v63  }
0x2b: {  	s21 =	sadd.s32 $0xFFFFFF80, s19  }
0x2c: {  	[tilespmem:s11], [sflag:$0x3] =	stream.indirect.gather [hbm4b:s3+s8], $0x80, s21, s8, $0xb8;
	[tilespmem:$0x11600] =	vst v63  }
0x2d: {  	_ = 	snop  }
0x2e: {  	[tilespmem:s12], [sflag:$0x4] =	stream.indirect.gather [hbm4b:s3+s8], $0x80, s19, s8, $0xb8;
	[tilespmem:$0x11600] =	vst v63  }
0x2f: {  	_ =	swait.ge [sflag:s13], $0x4000  }
0x30: {  	[sflag:s13] =	ssyncset.done $0x0  }
0x31: {  	[sflag:s13] =	ssyncadd.s32 $0xFFFFC000  }
0x32: {  	_ =	swait.ge [sflag:s14], $0x4000  }
0x33: {  	[sflag:s14] =	ssyncset.done $0x0  }
0x34: {  	[sflag:s14] =	ssyncadd.s32 $0xFFFFC000  }
0x35: {  	_ =	swait.ge [sflag:s15], $0x4000  }
0x36: {  	[sflag:s15] =	ssyncset.done $0x0  }
0x37: {  	[sflag:s15] =	ssyncadd.s32 $0xFFFFC000  }
0x38: {  	_ =	swait.ge [sflag:s16], $0x4000  }
.Ltmp0:
0x39: {  	[sflag:s16] =	ssyncset.done $0x0;
	(pc) =	sbr.rel @p0 .LBB2_2-.Ltmp0, $4  }
0x3a: {  	s21 =	sadd.s32 s18, s6;
	s18 =	smov.u32 s22;
	[sflag:s16] =	ssyncadd.s32 $0xFFFFC000  }
0x3b: {  	[hbm4b:s21+s2] =	stream.linear.scatter [tilespmem:s9], [sflag:$0x5], $0x10000, $0x38;
	[tilespmem:$0x11600] =	vst v63  }
0x3c: {  	_ =	swait.ge [sflag:s7], $0x10000  }
0x3d: {  	s19 =	sadd.s32 $0x200, s19;
	[sflag:s7] =	ssyncset.done $0x0  }
0x3e: {  	s20 =	sadd.s32 $0xFFFFFE80, s19;
	[sflag:s7] =	ssyncadd.s32 $0xFFFF0000  }
0x3f: {  	[tilespmem:s9], [sflag:$0x1] =	stream.indirect.gather [hbm4b:s3+s8], $0x80, s20, s8, $0xb8;
	[tilespmem:$0x11600] =	vst v63  }
0x40: {  	s30 =	sadd.s32 $0xFFFFFF00, s19  }
0x41: {  	[tilespmem:s10], [sflag:$0x2] =	stream.indirect.gather [hbm4b:s3+s8], $0x80, s30, s8, $0xb8;
	[tilespmem:$0x11600] =	vst v63  }
0x42: {  	s31 =	sadd.s32 $0xFFFFFF80, s19  }
0x43: {  	[tilespmem:s11], [sflag:$0x3] =	stream.indirect.gather [hbm4b:s3+s8], $0x80, s31, s8, $0xb8;
	[tilespmem:$0x11600] =	vst v63  }
0x44: {  	_ = 	snop  }
0x45: {  	[tilespmem:s12], [sflag:$0x4] =	stream.indirect.gather [hbm4b:s3+s8], $0x80, s19, s8, $0xb8;
	[tilespmem:$0x11600] =	vst v63  }
0x46: {  	_ =	swait.ge [sflag:s13], $0x4000  }
0x47: {  	[sflag:s13] =	ssyncset.done $0x0  }
0x48: {  	[sflag:s13] =	ssyncadd.s32 $0xFFFFC000  }
0x49: {  	_ =	swait.ge [sflag:s14], $0x4000  }
0x4a: {  	[sflag:s14] =	ssyncset.done $0x0  }
0x4b: {  	[sflag:s14] =	ssyncadd.s32 $0xFFFFC000  }
0x4c: {  	_ =	swait.ge [sflag:s15], $0x4000  }
0x4d: {  	[sflag:s15] =	ssyncset.done $0x0  }
0x4e: {  	[sflag:s15] =	ssyncadd.s32 $0xFFFFC000  }
0x4f: {  	s17 =	sadd.s32 $0x1, s17;
	_ =	swait.ge [sflag:s16], $0x4000  }
0x50: {  	p0 =	sne.s32 s17, s5;
	[sflag:s16] =	ssyncset.done $0x0  }
.Ltmp1:
0x51: {  	s18 =	sadd.s32 s18, s6;
	[sflag:s16] =	ssyncadd.s32 $0xFFFFC000;
	(pc) =	sbr.rel @p0 .LBB2_1-.Ltmp1, $4  }
0x52: {  	[hbm4b:s18+s2] =	stream.linear.scatter [tilespmem:s9], [sflag:$0x5], $0x10000, $0x38;
	[tilespmem:$0x11600] =	vst v63  }
0x53: {  	_ =	swait.ge [sflag:s7], $0x10000  }
0x54: {  	[sflag:s7] =	ssyncset.done $0x0  }
0x55: {  	[sflag:s7] =	ssyncadd.s32 $0xFFFF0000  }
0x56: {  	_ =	sfence.sel $0x180000  }
0x57: {  	[bflag:$0x0] =	sbarrier.arrive $0xFFFF  }
0x58: {  	p0 =	sne.s32 s1, $0x0;
	_ =	strace $0x90000062  }
0x59: {  	s0 =	sadd.s32 @!p0 $0x100000, s0;
	[bflag:$0x2] =	sbarrier.arrive $0xFFFF  }
0x5a: {  	[sflag:s0] =	ssyncadd.tile.s32 @!p0 $0x1;
	_ =	shalt  }
.Lfunc_end2:
_tile_overlayer_lowered:
.L_overlay_start_2:
0x5b: {  	(tag) =	ssettag $0x2  }
0x5c: {  	s0 =	rddreg [dreg:$0x0];
	s2 =	stileid.u32  }
0x5d: {  	s1 =	rddreg [dreg:$0x1];
	p0 =	sne.s32 s2, $0x0  }
0x5e: {  	s3 =	rddreg [dreg:$0x2];
	[bflag:$0x3] =	sbarrier.arrive $0xFFFF;
	s2 =	simm.s32 @!p0 $0x1C05  }
0x5f: {  	[timem:s3], [sflag:s2] =	dma.local @!p0 [hbm:s0], s1  }
0x60: {  	s0 =	simm.s32 @!p0 $0x5  }
0x61: {  	_ =	swait.ge @!p0 [sflag:s0], s1  }
0x62: {  	s1 =	ssub.s32 @!p0 $0x0, s1;
	[sflag:s0] =	ssyncset.done @!p0 $0x0  }
0x63: {  	[sflag:s0] =	ssyncadd.s32 @!p0 s1  }
0x64: {  	[bflag:$0x3] =	sbarrier.arrive $0xFFFF  }
0x65: {  	_ =	shalt  }

</sc_bundles>
